<compile_context>
chip_gen: v7x
topology: tpu7x:2x2x1
jax: 0.10.2.dev20260603
libtpu: 0.0.44.dev20260713+nightly
codegen_flags: <defaults>
</compile_context>

<pallas_src>
import functools

import jax
import jax.numpy as jnp
from jax import lax
from jax.experimental import pallas as pl
from jax.experimental.pallas import tpu as pltpu
from jax.experimental.pallas import tpu_sc as plsc

N = 10000
M = 320000
D = 128
MH = M // 2

NC = 2
NS = 16
NW = NC * NS
CHUNK = 128
NCH = MH // CHUNK
CH_BASE = NCH // NW
CH_REM = NCH % NW
NCH2 = 2 * NCH
CH2_BASE = NCH2 // NW
CH2_REM = NCH2 % NW
NP = 10240
ROWS_PER_TILE = NP // NS

BLK = 3200
NBLK = MH // BLK
GROWS = BLK // CHUNK

_mesh = functools.partial(
    plsc.VectorSubcoreMesh, core_axis_name="c", subcore_axis_name="s",
    num_cores=NC, num_subcores=NS)


def _wid():
    return lax.axis_index("s") * NC + lax.axis_index("c")


def _worker_chunks(wid):
    return CH_BASE + jnp.where(wid < CH_REM, 1, 0)


def _gather_body(table, selfi, nbri, self_out, nbr_out,
                 idx_s, idx_n, rows_s, rows_n, sem_s, sem_n):
    wid = _wid()

    def body(t, carry):
        cid = wid + NW * t
        pltpu.sync_copy(selfi.at[cid], idx_s)
        pltpu.sync_copy(nbri.at[cid], idx_n)
        cp_s = pltpu.async_copy(table.at[idx_s], rows_s, sem_s)
        cp_n = pltpu.async_copy(table.at[idx_n], rows_n, sem_n)
        cp_s.wait()
        cp_n.wait()
        pltpu.sync_copy(rows_s, self_out.at[pl.ds(cid * CHUNK, CHUNK)])
        pltpu.sync_copy(rows_n, nbr_out.at[pl.ds(cid * CHUNK, CHUNK)])
        return carry

    lax.fori_loop(0, _worker_chunks(wid), body, 0)


def _gather(table, self2d_h, nbr2d_h):
    return pl.kernel(
        _gather_body,
        out_type=(jax.ShapeDtypeStruct((MH, D), jnp.float32),
                  jax.ShapeDtypeStruct((MH, D), jnp.float32)),
        mesh=_mesh(),
        scratch_types=[
            pltpu.VMEM((CHUNK,), jnp.int32),
            pltpu.VMEM((CHUNK,), jnp.int32),
            pltpu.VMEM((CHUNK, D), jnp.float32),
            pltpu.VMEM((CHUNK, D), jnp.float32),
            pltpu.SemaphoreType.DMA,
            pltpu.SemaphoreType.DMA,
        ],
    )(table, self2d_h, nbr2d_h)


def _nbrw_body(nbr2d, wtab, out, nv, wbuf, wtab_v):
    wid = _wid()
    pltpu.sync_copy(wtab, wtab_v)

    def body(t, carry):
        cid = wid + NW * t
        pltpu.sync_copy(nbr2d.at[cid], nv)
        for k in range(CHUNK // 16):
            sl = pl.ds(k * 16, 16)
            wbuf[sl] = plsc.load_gather(wtab_v, [nv[sl]])
        pltpu.sync_copy(wbuf, out.at[pl.ds(cid * CHUNK, CHUNK)])
        return carry

    nch = CH2_BASE + jnp.where(wid < CH2_REM, 1, 0)
    lax.fori_loop(0, nch, body, 0)


def _nbrw_gather(nbr2d, wtab):
    return pl.kernel(
        _nbrw_body,
        out_type=jax.ShapeDtypeStruct((M,), jnp.float32),
        mesh=_mesh(),
        compiler_params=pltpu.CompilerParams(needs_layout_passes=False),
        scratch_types=[
            pltpu.VMEM((CHUNK,), jnp.int32),
            pltpu.VMEM((CHUNK,), jnp.float32),
            pltpu.VMEM((N,), jnp.float32),
        ],
    )(nbr2d, wtab)


def _mlp_body(selff, nbrf, w0s, w0n, b0,
              gw1, gb1, gw2, gb2, gwo, gbo,
              mw1, mb1, mw2, mb2, mwo, mbo,
              g_out, gcol_out, msg_out):
    f32 = jnp.float32
    bf = jnp.bfloat16
    xs = selff[...].astype(bf)
    xn = nbrf[...].astype(bf)
    h0 = jnp.dot(xs, w0s[...], preferred_element_type=f32)
    h0 = h0 + jnp.dot(xn, w0n[...], preferred_element_type=f32)
    h0 = jnp.maximum(h0 + b0[...], 0.0).astype(bf)

    hg = h0[:, : 6 * D]
    hg = jnp.maximum(jnp.dot(hg, gw1[...], preferred_element_type=f32)
                     + gb1[...], 0.0).astype(bf)
    hg = jnp.maximum(jnp.dot(hg, gw2[...], preferred_element_type=f32)
                     + gb2[...], 0.0).astype(bf)
    gl = jnp.dot(hg, gwo[...], preferred_element_type=f32) + gbo[...]
    g_out[...] = gl.reshape(1, GROWS, CHUNK)
    gcol_out[...] = gl

    hm = h0[:, 6 * D:]
    hm = jnp.maximum(jnp.dot(hm, mw1[...], preferred_element_type=f32)
                     + mb1[...], 0.0).astype(bf)
    hm = jnp.maximum(jnp.dot(hm, mw2[...], preferred_element_type=f32)
                     + mb2[...], 0.0).astype(bf)
    msg_out[...] = (jnp.dot(hm, mwo[...], preferred_element_type=f32)
                    + mbo[...]).astype(bf)


def _mlp(self_h, nbr_h, W):
    full = lambda a: pl.BlockSpec(a.shape, lambda i: (0,) * a.ndim)
    in_specs = [
        pl.BlockSpec((BLK, D), lambda i: (i, 0)),
        pl.BlockSpec((BLK, D), lambda i: (i, 0)),
    ] + [full(w) for w in W]
    out_specs = [
        pl.BlockSpec((1, GROWS, CHUNK), lambda i: (i, 0, 0)),
        pl.BlockSpec((BLK, 1), lambda i: (i, 0)),
        pl.BlockSpec((BLK, D), lambda i: (i, 0)),
    ]
    g3d, gcol, msg = pl.pallas_call(
        _mlp_body,
        grid=(NBLK,),
        in_specs=in_specs,
        out_specs=out_specs,
        out_shape=(jax.ShapeDtypeStruct((NBLK, GROWS, CHUNK), jnp.float32),
                   jax.ShapeDtypeStruct((MH, 1), jnp.float32),
                   jax.ShapeDtypeStruct((MH, D), jnp.bfloat16)),
    )(self_h, nbr_h, *W)
    return g3d, gcol, msg


def _seg_body(g2d, self2d, nbr2d, wtab,
              sp_out,
              gv, sv, nv, wtab_v, acc, zero16):
    wid = _wid()
    pltpu.sync_copy(wtab, wtab_v)

    def zero_body(i, carry):
        acc[pl.ds(i * 16, 16)] = zero16[...]
        return carry

    zero16[...] = jnp.zeros((16,), jnp.float32)
    lax.fori_loop(0, N // 16, zero_body, 0)

    def body(t, carry):
        cid = wid + NW * t
        pltpu.sync_copy(g2d.at[cid], gv)
        pltpu.sync_copy(self2d.at[cid], sv)
        pltpu.sync_copy(nbr2d.at[cid], nv)
        for k in range(CHUNK // 16):
            sl = pl.ds(k * 16, 16)
            nb = nv[sl]
            nw_v = plsc.load_gather(wtab_v, [nb])
            wv = nw_v * jnp.exp(gv[sl])
            plsc.addupdate_scatter(acc, [sv[sl]], wv)
        return carry

    lax.fori_loop(0, _worker_chunks(wid), body, 0)
    pltpu.sync_copy(acc, sp_out.at[wid])


def _segsum(g2d_h, self2d_h, nbr2d_h, wtab):
    return pl.kernel(
        _seg_body,
        out_type=jax.ShapeDtypeStruct((NW, N), jnp.float32),
        mesh=_mesh(),
        compiler_params=pltpu.CompilerParams(needs_layout_passes=False),
        scratch_types=[
            pltpu.VMEM((CHUNK,), jnp.float32),
            pltpu.VMEM((CHUNK,), jnp.int32),
            pltpu.VMEM((CHUNK,), jnp.int32),
            pltpu.VMEM((N,), jnp.float32),
            pltpu.VMEM((N,), jnp.float32),
            pltpu.VMEM((16,), jnp.float32),
        ],
    )(g2d_h, self2d_h, nbr2d_h, wtab)


def _scale_body(gcol, nbrw3, msg, out):
    wcol = nbrw3[...].reshape(BLK, 1) * jnp.exp(gcol[...])
    out[...] = wcol * msg[...].astype(jnp.float32)


def _scale(gcol, nbrw3d, msg):
    return pl.pallas_call(
        _scale_body,
        grid=(NBLK,),
        in_specs=[pl.BlockSpec((BLK, 1), lambda i: (i, 0)),
                  pl.BlockSpec((1, 1, BLK), lambda i: (i, 0, 0)),
                  pl.BlockSpec((BLK, D), lambda i: (i, 0))],
        out_specs=pl.BlockSpec((BLK, D), lambda i: (i, 0)),
        out_shape=jax.ShapeDtypeStruct((MH, D), jnp.float32),
    )(gcol, nbrw3d, msg)


def _scatter_body(scaled0, scaled1, self2d, zrows, part,
                  rows_a, rows_b, idx_a, idx_b, sem_a, sem_b, shared):
    c = lax.axis_index("c")
    s = lax.axis_index("s")
    wid = s * NC + c
    pltpu.sync_copy(zrows, shared.at[pl.ds(s * ROWS_PER_TILE, ROWS_PER_TILE)])
    plsc.subcore_barrier()

    nh = _worker_chunks(wid)

    def do_half(scaled, base):
        def pair_body(p, carry):
            cid_a = wid + NW * (2 * p)
            cid_b = wid + NW * (2 * p + 1)
            pltpu.sync_copy(self2d.at[base + cid_a], idx_a)
            cp_a = pltpu.async_copy(
                scaled.at[pl.ds(cid_a * CHUNK, CHUNK)], rows_a, sem_a)
            pltpu.sync_copy(self2d.at[base + cid_b], idx_b)
            cp_b = pltpu.async_copy(
                scaled.at[pl.ds(cid_b * CHUNK, CHUNK)], rows_b, sem_b)
            cp_a.wait()
            pltpu.sync_copy(rows_a, shared.at[idx_a], add=True)
            cp_b.wait()
            pltpu.sync_copy(rows_b, shared.at[idx_b], add=True)
            return carry

        lax.fori_loop(0, nh // 2, pair_body, 0)

        @pl.when(nh % 2 == 1)
        def _():
            cid = wid + NW * (nh - 1)
            pltpu.sync_copy(self2d.at[base + cid], idx_a)
            pltpu.sync_copy(scaled.at[pl.ds(cid * CHUNK, CHUNK)], rows_a)
            pltpu.sync_copy(rows_a, shared.at[idx_a], add=True)

    do_half(scaled0, 0)
    do_half(scaled1, NCH)
    plsc.subcore_barrier()
    sl = pl.ds(s * ROWS_PER_TILE, ROWS_PER_TILE)
    pltpu.sync_copy(shared.at[sl], part.at[c, sl])


def _scatter(scaled0, scaled1, self2d, zrows):
    return pl.kernel(
        _scatter_body,
        out_type=jax.ShapeDtypeStruct((NC, NP, D), jnp.float32),
        mesh=_mesh(),
        scratch_types=[
            pltpu.VMEM((CHUNK, D), jnp.float32),
            pltpu.VMEM((CHUNK, D), jnp.float32),
            pltpu.VMEM((CHUNK,), jnp.int32),
            pltpu.VMEM((CHUNK,), jnp.int32),
            pltpu.SemaphoreType.DMA,
            pltpu.SemaphoreType.DMA,
            pltpu.VMEM_SHARED((NP, D), jnp.float32),
        ],
    )(scaled0, scaled1, self2d, zrows)


def _final_body(part, sp0, sp1, atom, out):
    ones = jnp.ones((NW, 1), jnp.float32)
    dims = (((0,), (0,)), ((), ()))
    s = lax.dot_general(sp0[...] + sp1[...], ones, dims,
                        preferred_element_type=jnp.float32)
    out[...] = (part[0, :N] + part[1, :N]) / (s + 1e-13) + atom[...]


def _final(part, sp0, sp1, atom):
    full = lambda shape: pl.BlockSpec(shape, lambda: (0,) * len(shape))
    return pl.pallas_call(
        _final_body,
        in_specs=[full((NC, NP, D)), full((NW, N)), full((NW, N)),
                  full((N, D))],
        out_specs=full((N, D)),
        out_shape=jax.ShapeDtypeStruct((N, D), jnp.float32),
    )(part, sp0, sp1, atom)


def kernel(atom_weights, atom_in_fea, self_fea_idx, nbr_fea_idx,
           g_w0, g_b0, g_w1, g_b1, g_w2, g_b2, g_wo, g_bo,
           m_w0, m_b0, m_w1, m_b1, m_w2, m_b2, m_wo, m_bo):
    bf16 = jnp.bfloat16
    f32 = jnp.float32

    self2d = self_fea_idx.reshape(2 * NCH, CHUNK)
    nbr2d = nbr_fea_idx.reshape(2 * NCH, CHUNK)
    s2d = (self2d[:NCH], self2d[NCH:])
    n2d = (nbr2d[:NCH], nbr2d[NCH:])

    w0cat = jnp.concatenate([g_w0, m_w0], axis=1)
    b0cat = jnp.concatenate([g_b0, m_b0]).reshape(1, -1)
    W = [w0cat[:D].astype(bf16), w0cat[D:].astype(bf16), b0cat,
         g_w1.astype(bf16), g_b1.reshape(1, -1),
         g_w2.astype(bf16), g_b2.reshape(1, -1),
         g_wo.astype(bf16), g_bo.reshape(1, -1),
         m_w1.astype(bf16), m_b1.reshape(1, -1),
         m_w2.astype(bf16), m_b2.reshape(1, -1),
         m_wo.astype(bf16), m_bo.reshape(1, -1)]
    wtab = atom_weights.reshape(N)

    fea0 = _gather(atom_in_fea, s2d[0], n2d[0])
    fea1 = _gather(atom_in_fea, s2d[1], n2d[1])
    nbrw = _nbrw_gather(nbr2d, wtab)
    nbrw3d = nbrw.reshape(2, NBLK, 1, BLK)

    g0, gc0, msg0 = _mlp(fea0[0], fea0[1], W)
    sp0 = _segsum(g0.reshape(NCH, CHUNK), s2d[0], n2d[0], wtab)
    g1, gc1, msg1 = _mlp(fea1[0], fea1[1], W)

    scaled0 = _scale(gc0, nbrw3d[0], msg0)
    sp1 = _segsum(g1.reshape(NCH, CHUNK), s2d[1], n2d[1], wtab)
    scaled1 = _scale(gc1, nbrw3d[1], msg1)

    zrows = jnp.zeros((ROWS_PER_TILE, D), f32)
    part = _scatter(scaled0, scaled1, self2d, zrows)

    return _final(part, sp0, sp1, atom_in_fea)

# --- scband reference (transcript-rebuilt; emitter-appended) ---
"""Pipeline reference for scband-message-layer-35948876267548 (READ-ONLY COPY).

The authoritative reference and input builder live on the scoring server;
editing this copy changes nothing except your own understanding.
"""

import jax, jax.numpy as jnp
import numpy as np

N = 10000
M = 320000
D = 128


def _w(key, fan_in, fan_out):
    return jax.random.normal(key, (fan_in, fan_out), dtype=jnp.float32) / np.sqrt(fan_in)


def setup_inputs(seed: int = 0) -> dict:
    key = jax.random.key(seed)
    ks = jax.random.split(key, 24)
    inp = {}
    inp['atom_weights'] = jax.random.uniform(ks[0], (N, 1), dtype=jnp.float32)
    inp['atom_in_fea'] = jax.random.normal(ks[1], (N, D), dtype=jnp.float32)
    inp['self_fea_idx'] = jax.random.randint(ks[2], (M,), 0, N, dtype=jnp.int32)
    inp['nbr_fea_idx'] = jax.random.randint(ks[3], (M,), 0, N, dtype=jnp.int32)
    # gate_nn: SimpleNetwork(2*D, 1, [6D, 4D, 1D]) -> dims [256,768,512,128], out 1
    inp['g_w0'] = _w(ks[4], 2 * D, 6 * D); inp['g_b0'] = jnp.zeros((6 * D,), jnp.float32)
    inp['g_w1'] = _w(ks[5], 6 * D, 4 * D); inp['g_b1'] = jnp.zeros((4 * D,), jnp.float32)
    inp['g_w2'] = _w(ks[6], 4 * D, 1 * D); inp['g_b2'] = jnp.zeros((1 * D,), jnp.float32)
    inp['g_wo'] = _w(ks[7], 1 * D, 1);     inp['g_bo'] = jnp.zeros((1,), jnp.float32)
    # message_nn: SimpleNetwork(2*D, D, [6D, 4D, 2D]) -> dims [256,768,512,256], out 128
    inp['m_w0'] = _w(ks[8], 2 * D, 6 * D); inp['m_b0'] = jnp.zeros((6 * D,), jnp.float32)
    inp['m_w1'] = _w(ks[9], 6 * D, 4 * D); inp['m_b1'] = jnp.zeros((4 * D,), jnp.float32)
    inp['m_w2'] = _w(ks[10], 4 * D, 2 * D); inp['m_b2'] = jnp.zeros((2 * D,), jnp.float32)
    inp['m_wo'] = _w(ks[11], 2 * D, D);    inp['m_bo'] = jnp.zeros((D,), jnp.float32)
    return inp


def _simple_net(x, w0, b0, w1, b1, w2, b2, wo, bo):
    x = jax.nn.relu(x @ w0 + b0)
    x = jax.nn.relu(x @ w1 + b1)
    x = jax.nn.relu(x @ w2 + b2)
    return x @ wo + bo


def reference(atom_weights, atom_in_fea, self_fea_idx, nbr_fea_idx,
              g_w0, g_b0, g_w1, g_b1, g_w2, g_b2, g_wo, g_bo,
              m_w0, m_b0, m_w1, m_b1, m_w2, m_b2, m_wo, m_bo):
    n = atom_in_fea.shape[0]
    atom_nbr_weights = atom_weights[nbr_fea_idx, :]          # (M, 1) gather
    atom_nbr_fea = atom_in_fea[nbr_fea_idx, :]               # (M, D) gather
    atom_self_fea = atom_in_fea[self_fea_idx, :]             # (M, D) gather
    fea = jnp.concatenate([atom_self_fea, atom_nbr_fea], axis=1)  # (M, 2D)
    # single attention head (num_heads=1)
    gate = _simple_net(fea, g_w0, g_b0, g_w1, g_b1, g_w2, g_b2, g_wo, g_bo)  # (M, 1)
    seg_max = jax.ops.segment_max(gate, self_fea_idx, num_segments=n)
    gate = gate - seg_max[self_fea_idx]
    gate = atom_nbr_weights * jnp.exp(gate)
    seg_sum = jax.ops.segment_sum(gate, self_fea_idx, num_segments=n)
    gate = gate / (seg_sum[self_fea_idx] + 1e-13)
    msg = _simple_net(fea, m_w0, m_b0, m_w1, m_b1, m_w2, m_b2, m_wo, m_bo)  # (M, D)
    head_out = jax.ops.segment_sum(gate * msg, self_fea_idx, num_segments=n)  # (N, D)
    # torch.mean over stack of 1 head == head_out
    return head_out + atom_in_fea

if __name__ == "__main__":
    import jax
    _d = setup_inputs()
    print(jax.jit(kernel)(*tuple(_d.values())))

</pallas_src>

<mosaic_0001>
#map = affine_map<(d0, d1) -> (0, 0)>
module attributes {stable_mosaic.version = 14 : i64} {
  func.func @_gather_body(%arg0: i32, %arg1: i32, %arg2: memref<10000x128xf32, #tpu.memory_space<hbm>>, %arg3: memref<1250x128xi32, #tpu.memory_space<hbm>>, %arg4: memref<1250x128xi32, #tpu.memory_space<hbm>>, %arg5: memref<160000x128xf32, #tpu.memory_space<hbm>>, %arg6: memref<160000x128xf32, #tpu.memory_space<hbm>>, %arg7: memref<128xi32, #tpu.memory_space<vmem>>, %arg8: memref<128xi32, #tpu.memory_space<vmem>>, %arg9: memref<128x128xf32, #tpu.memory_space<vmem>>, %arg10: memref<128x128xf32, #tpu.memory_space<vmem>>, %arg11: memref<!tpu.dma_semaphore, #tpu.memory_space<semaphore_mem>>, %arg12: memref<!tpu.dma_semaphore, #tpu.memory_space<semaphore_mem>>) attributes {dimension_semantics = [#tpu.dimension_semantics<core_parallel>, #tpu.dimension_semantics<subcore_parallel>], iteration_bounds = array<i64: 2, 16>, scalar_prefetch = 0 : i64, scratch_operands = 6 : i64, tpu.core_type = #tpu.core_type<sc_vector_subcore>, window_params = [{transform_indices = #map}, {transform_indices = #map}, {transform_indices = #map}, {transform_indices = #map}, {transform_indices = #map}]} {
    %mul3A = arith.constant 2 : i32
    %mul3A_0 = arith.muli %arg1, %mul3A : i32
    %add3A = arith.addi %mul3A_0, %arg0 : i32
    %lt3A = arith.constant 2 : i32
    %lt3A_1 = arith.cmpi slt, %add3A, %lt3A : i32
    %jit3A = arith.constant 1 : i32
    %jit3A_2 = arith.constant 0 : i32
    %select_n3A = arith.select %lt3A_1, %jit3A, %jit3A_2 : i32
    %add3A_3 = arith.constant 39 : i32
    %add3A_4 = arith.addi %add3A_3, %select_n3A : i32
    %while3A = arith.constant 0 : i32
    %while3A_5 = arith.constant 0 : i32
    %while3A_6 = arith.subi %add3A_4, %while3A_5 : i32
    %while3A_7 = arith.addi %while3A_5, %while3A_6 : i32
    %while3A_8 = arith.constant 1 : i32
    %while3A_9 = arith.divsi %while3A_6, %while3A_8 : i32
    %while3A_10 = arith.muli %while3A_9, %while3A_8 : i32
    %while3A_11 = arith.addi %while3A_5, %while3A_10 : i32
    %while3A_12 = arith.constant 1 : i32
    scf.for %while3A_14 = %while3A_5 to %while3A_11 step %while3A_12  : i32 {
      %mul3A_15 = arith.constant 32 : i32
      %mul3A_16 = arith.muli %mul3A_15, %while3A_14 : i32
      %add3A_17 = arith.addi %add3A, %mul3A_16 : i32
      "tpu.region"() ({
        %run_scoped3A = tpu.sem_alloc : memref<!tpu.dma_semaphore, #tpu.memory_space<semaphore_mem>>
        %dma_start3A_32 = arith.constant 0 : i32
        %dma_start3A_33 = tpu.memref_slice %arg3[%add3A_17, %dma_start3A_32] : memref<1250x128xi32, #tpu.memory_space<hbm>> -> memref<1x128xi32, #tpu.memory_space<hbm>>
        %dma_start3A_34 = tpu.memref_squeeze %dma_start3A_33 : memref<1x128xi32, #tpu.memory_space<hbm>> -> memref<128xi32, #tpu.memory_space<hbm>>
        %dma_start3A_35 = arith.constant 0 : i32
        %dma_start3A_36 = tpu.memref_slice %arg3[%add3A_17, %dma_start3A_35] : memref<1250x128xi32, #tpu.memory_space<hbm>> -> memref<1x128xi32, #tpu.memory_space<hbm>>
        %dma_start3A_37 = tpu.memref_squeeze %dma_start3A_36 : memref<1x128xi32, #tpu.memory_space<hbm>> -> memref<128xi32, #tpu.memory_space<hbm>>
        tpu.enqueue_dma source(%dma_start3A_37 : memref<128xi32, #tpu.memory_space<hbm>>) target(%arg7 : memref<128xi32, #tpu.memory_space<vmem>>) target_semaphore(%run_scoped3A : memref<!tpu.dma_semaphore, #tpu.memory_space<semaphore_mem>>)
        %dma_wait3A_38 = arith.constant 0 : i32
        %dma_wait3A_39 = tpu.memref_slice %arg3[%add3A_17, %dma_wait3A_38] : memref<1250x128xi32, #tpu.memory_space<hbm>> -> memref<1x128xi32, #tpu.memory_space<hbm>>
        %dma_wait3A_40 = tpu.memref_squeeze %dma_wait3A_39 : memref<1x128xi32, #tpu.memory_space<hbm>> -> memref<128xi32, #tpu.memory_space<hbm>>
        %dma_wait3A_41 = arith.constant 0 : i32
        %dma_wait3A_42 = tpu.memref_slice %arg3[%add3A_17, %dma_wait3A_41] : memref<1250x128xi32, #tpu.memory_space<hbm>> -> memref<1x128xi32, #tpu.memory_space<hbm>>
        %dma_wait3A_43 = tpu.memref_squeeze %dma_wait3A_42 : memref<1x128xi32, #tpu.memory_space<hbm>> -> memref<128xi32, #tpu.memory_space<hbm>>
        tpu.wait_dma2 semaphore(%run_scoped3A : memref<!tpu.dma_semaphore, #tpu.memory_space<semaphore_mem>>) src(%dma_wait3A_43 : memref<128xi32, #tpu.memory_space<hbm>>) dst(%arg7 : memref<128xi32, #tpu.memory_space<vmem>>)
        tpu.yield
      }) : () -> ()
      "tpu.region"() ({
        %run_scoped3A = tpu.sem_alloc : memref<!tpu.dma_semaphore, #tpu.memory_space<semaphore_mem>>
        %dma_start3A_32 = arith.constant 0 : i32
        %dma_start3A_33 = tpu.memref_slice %arg4[%add3A_17, %dma_start3A_32] : memref<1250x128xi32, #tpu.memory_space<hbm>> -> memref<1x128xi32, #tpu.memory_space<hbm>>
        %dma_start3A_34 = tpu.memref_squeeze %dma_start3A_33 : memref<1x128xi32, #tpu.memory_space<hbm>> -> memref<128xi32, #tpu.memory_space<hbm>>
        %dma_start3A_35 = arith.constant 0 : i32
        %dma_start3A_36 = tpu.memref_slice %arg4[%add3A_17, %dma_start3A_35] : memref<1250x128xi32, #tpu.memory_space<hbm>> -> memref<1x128xi32, #tpu.memory_space<hbm>>
        %dma_start3A_37 = tpu.memref_squeeze %dma_start3A_36 : memref<1x128xi32, #tpu.memory_space<hbm>> -> memref<128xi32, #tpu.memory_space<hbm>>
        tpu.enqueue_dma source(%dma_start3A_37 : memref<128xi32, #tpu.memory_space<hbm>>) target(%arg8 : memref<128xi32, #tpu.memory_space<vmem>>) target_semaphore(%run_scoped3A : memref<!tpu.dma_semaphore, #tpu.memory_space<semaphore_mem>>)
        %dma_wait3A_38 = arith.constant 0 : i32
        %dma_wait3A_39 = tpu.memref_slice %arg4[%add3A_17, %dma_wait3A_38] : memref<1250x128xi32, #tpu.memory_space<hbm>> -> memref<1x128xi32, #tpu.memory_space<hbm>>
        %dma_wait3A_40 = tpu.memref_squeeze %dma_wait3A_39 : memref<1x128xi32, #tpu.memory_space<hbm>> -> memref<128xi32, #tpu.memory_space<hbm>>
        %dma_wait3A_41 = arith.constant 0 : i32
        %dma_wait3A_42 = tpu.memref_slice %arg4[%add3A_17, %dma_wait3A_41] : memref<1250x128xi32, #tpu.memory_space<hbm>> -> memref<1x128xi32, #tpu.memory_space<hbm>>
        %dma_wait3A_43 = tpu.memref_squeeze %dma_wait3A_42 : memref<1x128xi32, #tpu.memory_space<hbm>> -> memref<128xi32, #tpu.memory_space<hbm>>
        tpu.wait_dma2 semaphore(%run_scoped3A : memref<!tpu.dma_semaphore, #tpu.memory_space<semaphore_mem>>) src(%dma_wait3A_43 : memref<128xi32, #tpu.memory_space<hbm>>) dst(%arg8 : memref<128xi32, #tpu.memory_space<vmem>>)
        tpu.yield
      }) : () -> ()
      %dma_start3A = arith.constant 0 : i32
      %dma_start3A_18 = arith.constant 0 : i32
      %dma_start3A_19 = tpu.memref_slice %arg2[%dma_start3A, %dma_start3A_18] : memref<10000x128xf32, #tpu.memory_space<hbm>> -> memref<10000x128xf32, #tpu.memory_space<hbm>>
      tpu.enqueue_indirect_dma source(%dma_start3A_19 : memref<10000x128xf32, #tpu.memory_space<hbm>>) target(%arg9 : memref<128x128xf32, #tpu.memory_space<vmem>>) offsets(%arg7 : memref<128xi32, #tpu.memory_space<vmem>>) semaphore(%arg11 : memref<!tpu.dma_semaphore, #tpu.memory_space<semaphore_mem>>)
      %dma_start3A_20 = arith.constant 0 : i32
      %dma_start3A_21 = arith.constant 0 : i32
      %dma_start3A_22 = tpu.memref_slice %arg2[%dma_start3A_20, %dma_start3A_21] : memref<10000x128xf32, #tpu.memory_space<hbm>> -> memref<10000x128xf32, #tpu.memory_space<hbm>>
      tpu.enqueue_indirect_dma source(%dma_start3A_22 : memref<10000x128xf32, #tpu.memory_space<hbm>>) target(%arg10 : memref<128x128xf32, #tpu.memory_space<vmem>>) offsets(%arg8 : memref<128xi32, #tpu.memory_space<vmem>>) semaphore(%arg12 : memref<!tpu.dma_semaphore, #tpu.memory_space<semaphore_mem>>)
      %dma_wait3A = arith.constant 0 : i32
      %dma_wait3A_23 = arith.constant 0 : i32
      %dma_wait3A_24 = tpu.memref_slice %arg2[%dma_wait3A, %dma_wait3A_23] : memref<10000x128xf32, #tpu.memory_space<hbm>> -> memref<10000x128xf32, #tpu.memory_space<hbm>>
      tpu.wait_indirect_dma semaphore(%arg11 : memref<!tpu.dma_semaphore, #tpu.memory_space<semaphore_mem>>) src(%dma_wait3A_24 : memref<10000x128xf32, #tpu.memory_space<hbm>>) dst(%arg9 : memref<128x128xf32, #tpu.memory_space<vmem>>)
      %dma_wait3A_25 = arith.constant 0 : i32
      %dma_wait3A_26 = arith.constant 0 : i32
      %dma_wait3A_27 = tpu.memref_slice %arg2[%dma_wait3A_25, %dma_wait3A_26] : memref<10000x128xf32, #tpu.memory_space<hbm>> -> memref<10000x128xf32, #tpu.memory_space<hbm>>
      tpu.wait_indirect_dma semaphore(%arg12 : memref<!tpu.dma_semaphore, #tpu.memory_space<semaphore_mem>>) src(%dma_wait3A_27 : memref<10000x128xf32, #tpu.memory_space<hbm>>) dst(%arg10 : memref<128x128xf32, #tpu.memory_space<vmem>>)
      %mul3A_28 = arith.constant 128 : i32
      %mul3A_29 = arith.muli %add3A_17, %mul3A_28 : i32
      "tpu.region"() ({
        %run_scoped3A = tpu.sem_alloc : memref<!tpu.dma_semaphore, #tpu.memory_space<semaphore_mem>>
        %dma_start3A_32 = arith.constant 0 : i32
        %dma_start3A_33 = tpu.memref_slice %arg5[%mul3A_29, %dma_start3A_32] : memref<160000x128xf32, #tpu.memory_space<hbm>> -> memref<128x128xf32, #tpu.memory_space<hbm>>
        %dma_start3A_34 = arith.constant 0 : i32
        %dma_start3A_35 = tpu.memref_slice %arg5[%mul3A_29, %dma_start3A_34] : memref<160000x128xf32, #tpu.memory_space<hbm>> -> memref<128x128xf32, #tpu.memory_space<hbm>>
        tpu.enqueue_dma source(%arg9 : memref<128x128xf32, #tpu.memory_space<vmem>>) target(%dma_start3A_35 : memref<128x128xf32, #tpu.memory_space<hbm>>) target_semaphore(%run_scoped3A : memref<!tpu.dma_semaphore, #tpu.memory_space<semaphore_mem>>)
        %dma_wait3A_36 = arith.constant 0 : i32
        %dma_wait3A_37 = tpu.memref_slice %arg5[%mul3A_29, %dma_wait3A_36] : memref<160000x128xf32, #tpu.memory_space<hbm>> -> memref<128x128xf32, #tpu.memory_space<hbm>>
        %dma_wait3A_38 = arith.constant 0 : i32
        %dma_wait3A_39 = tpu.memref_slice %arg5[%mul3A_29, %dma_wait3A_38] : memref<160000x128xf32, #tpu.memory_space<hbm>> -> memref<128x128xf32, #tpu.memory_space<hbm>>
        tpu.wait_dma2 semaphore(%run_scoped3A : memref<!tpu.dma_semaphore, #tpu.memory_space<semaphore_mem>>) src(%arg9 : memref<128x128xf32, #tpu.memory_space<vmem>>) dst(%dma_wait3A_39 : memref<128x128xf32, #tpu.memory_space<hbm>>)
        tpu.yield
      }) : () -> ()
      %mul3A_30 = arith.constant 128 : i32
      %mul3A_31 = arith.muli %add3A_17, %mul3A_30 : i32
      "tpu.region"() ({
        %run_scoped3A = tpu.sem_alloc : memref<!tpu.dma_semaphore, #tpu.memory_space<semaphore_mem>>
        %dma_start3A_32 = arith.constant 0 : i32
        %dma_start3A_33 = tpu.memref_slice %arg6[%mul3A_31, %dma_start3A_32] : memref<160000x128xf32, #tpu.memory_space<hbm>> -> memref<128x128xf32, #tpu.memory_space<hbm>>
        %dma_start3A_34 = arith.constant 0 : i32
        %dma_start3A_35 = tpu.memref_slice %arg6[%mul3A_31, %dma_start3A_34] : memref<160000x128xf32, #tpu.memory_space<hbm>> -> memref<128x128xf32, #tpu.memory_space<hbm>>
        tpu.enqueue_dma source(%arg10 : memref<128x128xf32, #tpu.memory_space<vmem>>) target(%dma_start3A_35 : memref<128x128xf32, #tpu.memory_space<hbm>>) target_semaphore(%run_scoped3A : memref<!tpu.dma_semaphore, #tpu.memory_space<semaphore_mem>>)
        %dma_wait3A_36 = arith.constant 0 : i32
        %dma_wait3A_37 = tpu.memref_slice %arg6[%mul3A_31, %dma_wait3A_36] : memref<160000x128xf32, #tpu.memory_space<hbm>> -> memref<128x128xf32, #tpu.memory_space<hbm>>
        %dma_wait3A_38 = arith.constant 0 : i32
        %dma_wait3A_39 = tpu.memref_slice %arg6[%mul3A_31, %dma_wait3A_38] : memref<160000x128xf32, #tpu.memory_space<hbm>> -> memref<128x128xf32, #tpu.memory_space<hbm>>
        tpu.wait_dma2 semaphore(%run_scoped3A : memref<!tpu.dma_semaphore, #tpu.memory_space<semaphore_mem>>) src(%arg10 : memref<128x128xf32, #tpu.memory_space<vmem>>) dst(%dma_wait3A_39 : memref<128x128xf32, #tpu.memory_space<hbm>>)
        tpu.yield
      }) : () -> ()
    }
    %while3A_13 = arith.constant 1 : i32
    scf.for %while3A_14 = %while3A_11 to %while3A_7 step %while3A_13  : i32 {
      %mul3A_15 = arith.constant 32 : i32
      %mul3A_16 = arith.muli %mul3A_15, %while3A_14 : i32
      %add3A_17 = arith.addi %add3A, %mul3A_16 : i32
      "tpu.region"() ({
        %run_scoped3A = tpu.sem_alloc : memref<!tpu.dma_semaphore, #tpu.memory_space<semaphore_mem>>
        %dma_start3A_32 = arith.constant 0 : i32
        %dma_start3A_33 = tpu.memref_slice %arg3[%add3A_17, %dma_start3A_32] : memref<1250x128xi32, #tpu.memory_space<hbm>> -> memref<1x128xi32, #tpu.memory_space<hbm>>
        %dma_start3A_34 = tpu.memref_squeeze %dma_start3A_33 : memref<1x128xi32, #tpu.memory_space<hbm>> -> memref<128xi32, #tpu.memory_space<hbm>>
        %dma_start3A_35 = arith.constant 0 : i32
        %dma_start3A_36 = tpu.memref_slice %arg3[%add3A_17, %dma_start3A_35] : memref<1250x128xi32, #tpu.memory_space<hbm>> -> memref<1x128xi32, #tpu.memory_space<hbm>>
        %dma_start3A_37 = tpu.memref_squeeze %dma_start3A_36 : memref<1x128xi32, #tpu.memory_space<hbm>> -> memref<128xi32, #tpu.memory_space<hbm>>
        tpu.enqueue_dma source(%dma_start3A_37 : memref<128xi32, #tpu.memory_space<hbm>>) target(%arg7 : memref<128xi32, #tpu.memory_space<vmem>>) target_semaphore(%run_scoped3A : memref<!tpu.dma_semaphore, #tpu.memory_space<semaphore_mem>>)
        %dma_wait3A_38 = arith.constant 0 : i32
        %dma_wait3A_39 = tpu.memref_slice %arg3[%add3A_17, %dma_wait3A_38] : memref<1250x128xi32, #tpu.memory_space<hbm>> -> memref<1x128xi32, #tpu.memory_space<hbm>>
        %dma_wait3A_40 = tpu.memref_squeeze %dma_wait3A_39 : memref<1x128xi32, #tpu.memory_space<hbm>> -> memref<128xi32, #tpu.memory_space<hbm>>
        %dma_wait3A_41 = arith.constant 0 : i32
        %dma_wait3A_42 = tpu.memref_slice %arg3[%add3A_17, %dma_wait3A_41] : memref<1250x128xi32, #tpu.memory_space<hbm>> -> memref<1x128xi32, #tpu.memory_space<hbm>>
        %dma_wait3A_43 = tpu.memref_squeeze %dma_wait3A_42 : memref<1x128xi32, #tpu.memory_space<hbm>> -> memref<128xi32, #tpu.memory_space<hbm>>
        tpu.wait_dma2 semaphore(%run_scoped3A : memref<!tpu.dma_semaphore, #tpu.memory_space<semaphore_mem>>) src(%dma_wait3A_43 : memref<128xi32, #tpu.memory_space<hbm>>) dst(%arg7 : memref<128xi32, #tpu.memory_space<vmem>>)
        tpu.yield
      }) : () -> ()
      "tpu.region"() ({
        %run_scoped3A = tpu.sem_alloc : memref<!tpu.dma_semaphore, #tpu.memory_space<semaphore_mem>>
        %dma_start3A_32 = arith.constant 0 : i32
        %dma_start3A_33 = tpu.memref_slice %arg4[%add3A_17, %dma_start3A_32] : memref<1250x128xi32, #tpu.memory_space<hbm>> -> memref<1x128xi32, #tpu.memory_space<hbm>>
        %dma_start3A_34 = tpu.memref_squeeze %dma_start3A_33 : memref<1x128xi32, #tpu.memory_space<hbm>> -> memref<128xi32, #tpu.memory_space<hbm>>
        %dma_start3A_35 = arith.constant 0 : i32
        %dma_start3A_36 = tpu.memref_slice %arg4[%add3A_17, %dma_start3A_35] : memref<1250x128xi32, #tpu.memory_space<hbm>> -> memref<1x128xi32, #tpu.memory_space<hbm>>
        %dma_start3A_37 = tpu.memref_squeeze %dma_start3A_36 : memref<1x128xi32, #tpu.memory_space<hbm>> -> memref<128xi32, #tpu.memory_space<hbm>>
        tpu.enqueue_dma source(%dma_start3A_37 : memref<128xi32, #tpu.memory_space<hbm>>) target(%arg8 : memref<128xi32, #tpu.memory_space<vmem>>) target_semaphore(%run_scoped3A : memref<!tpu.dma_semaphore, #tpu.memory_space<semaphore_mem>>)
        %dma_wait3A_38 = arith.constant 0 : i32
        %dma_wait3A_39 = tpu.memref_slice %arg4[%add3A_17, %dma_wait3A_38] : memref<1250x128xi32, #tpu.memory_space<hbm>> -> memref<1x128xi32, #tpu.memory_space<hbm>>
        %dma_wait3A_40 = tpu.memref_squeeze %dma_wait3A_39 : memref<1x128xi32, #tpu.memory_space<hbm>> -> memref<128xi32, #tpu.memory_space<hbm>>
        %dma_wait3A_41 = arith.constant 0 : i32
        %dma_wait3A_42 = tpu.memref_slice %arg4[%add3A_17, %dma_wait3A_41] : memref<1250x128xi32, #tpu.memory_space<hbm>> -> memref<1x128xi32, #tpu.memory_space<hbm>>
        %dma_wait3A_43 = tpu.memref_squeeze %dma_wait3A_42 : memref<1x128xi32, #tpu.memory_space<hbm>> -> memref<128xi32, #tpu.memory_space<hbm>>
        tpu.wait_dma2 semaphore(%run_scoped3A : memref<!tpu.dma_semaphore, #tpu.memory_space<semaphore_mem>>) src(%dma_wait3A_43 : memref<128xi32, #tpu.memory_space<hbm>>) dst(%arg8 : memref<128xi32, #tpu.memory_space<vmem>>)
        tpu.yield
      }) : () -> ()
      %dma_start3A = arith.constant 0 : i32
      %dma_start3A_18 = arith.constant 0 : i32
      %dma_start3A_19 = tpu.memref_slice %arg2[%dma_start3A, %dma_start3A_18] : memref<10000x128xf32, #tpu.memory_space<hbm>> -> memref<10000x128xf32, #tpu.memory_space<hbm>>
      tpu.enqueue_indirect_dma source(%dma_start3A_19 : memref<10000x128xf32, #tpu.memory_space<hbm>>) target(%arg9 : memref<128x128xf32, #tpu.memory_space<vmem>>) offsets(%arg7 : memref<128xi32, #tpu.memory_space<vmem>>) semaphore(%arg11 : memref<!tpu.dma_semaphore, #tpu.memory_space<semaphore_mem>>)
      %dma_start3A_20 = arith.constant 0 : i32
      %dma_start3A_21 = arith.constant 0 : i32
      %dma_start3A_22 = tpu.memref_slice %arg2[%dma_start3A_20, %dma_start3A_21] : memref<10000x128xf32, #tpu.memory_space<hbm>> -> memref<10000x128xf32, #tpu.memory_space<hbm>>
      tpu.enqueue_indirect_dma source(%dma_start3A_22 : memref<10000x128xf32, #tpu.memory_space<hbm>>) target(%arg10 : memref<128x128xf32, #tpu.memory_space<vmem>>) offsets(%arg8 : memref<128xi32, #tpu.memory_space<vmem>>) semaphore(%arg12 : memref<!tpu.dma_semaphore, #tpu.memory_space<semaphore_mem>>)
      %dma_wait3A = arith.constant 0 : i32
      %dma_wait3A_23 = arith.constant 0 : i32
      %dma_wait3A_24 = tpu.memref_slice %arg2[%dma_wait3A, %dma_wait3A_23] : memref<10000x128xf32, #tpu.memory_space<hbm>> -> memref<10000x128xf32, #tpu.memory_space<hbm>>
      tpu.wait_indirect_dma semaphore(%arg11 : memref<!tpu.dma_semaphore, #tpu.memory_space<semaphore_mem>>) src(%dma_wait3A_24 : memref<10000x128xf32, #tpu.memory_space<hbm>>) dst(%arg9 : memref<128x128xf32, #tpu.memory_space<vmem>>)
      %dma_wait3A_25 = arith.constant 0 : i32
      %dma_wait3A_26 = arith.constant 0 : i32
      %dma_wait3A_27 = tpu.memref_slice %arg2[%dma_wait3A_25, %dma_wait3A_26] : memref<10000x128xf32, #tpu.memory_space<hbm>> -> memref<10000x128xf32, #tpu.memory_space<hbm>>
      tpu.wait_indirect_dma semaphore(%arg12 : memref<!tpu.dma_semaphore, #tpu.memory_space<semaphore_mem>>) src(%dma_wait3A_27 : memref<10000x128xf32, #tpu.memory_space<hbm>>) dst(%arg10 : memref<128x128xf32, #tpu.memory_space<vmem>>)
      %mul3A_28 = arith.constant 128 : i32
      %mul3A_29 = arith.muli %add3A_17, %mul3A_28 : i32
      "tpu.region"() ({
        %run_scoped3A = tpu.sem_alloc : memref<!tpu.dma_semaphore, #tpu.memory_space<semaphore_mem>>
        %dma_start3A_32 = arith.constant 0 : i32
        %dma_start3A_33 = tpu.memref_slice %arg5[%mul3A_29, %dma_start3A_32] : memref<160000x128xf32, #tpu.memory_space<hbm>> -> memref<128x128xf32, #tpu.memory_space<hbm>>
        %dma_start3A_34 = arith.constant 0 : i32
        %dma_start3A_35 = tpu.memref_slice %arg5[%mul3A_29, %dma_start3A_34] : memref<160000x128xf32, #tpu.memory_space<hbm>> -> memref<128x128xf32, #tpu.memory_space<hbm>>
        tpu.enqueue_dma source(%arg9 : memref<128x128xf32, #tpu.memory_space<vmem>>) target(%dma_start3A_35 : memref<128x128xf32, #tpu.memory_space<hbm>>) target_semaphore(%run_scoped3A : memref<!tpu.dma_semaphore, #tpu.memory_space<semaphore_mem>>)
        %dma_wait3A_36 = arith.constant 0 : i32
        %dma_wait3A_37 = tpu.memref_slice %arg5[%mul3A_29, %dma_wait3A_36] : memref<160000x128xf32, #tpu.memory_space<hbm>> -> memref<128x128xf32, #tpu.memory_space<hbm>>
        %dma_wait3A_38 = arith.constant 0 : i32
        %dma_wait3A_39 = tpu.memref_slice %arg5[%mul3A_29, %dma_wait3A_38] : memref<160000x128xf32, #tpu.memory_space<hbm>> -> memref<128x128xf32, #tpu.memory_space<hbm>>
        tpu.wait_dma2 semaphore(%run_scoped3A : memref<!tpu.dma_semaphore, #tpu.memory_space<semaphore_mem>>) src(%arg9 : memref<128x128xf32, #tpu.memory_space<vmem>>) dst(%dma_wait3A_39 : memref<128x128xf32, #tpu.memory_space<hbm>>)
        tpu.yield
      }) : () -> ()
      %mul3A_30 = arith.constant 128 : i32
      %mul3A_31 = arith.muli %add3A_17, %mul3A_30 : i32
      "tpu.region"() ({
        %run_scoped3A = tpu.sem_alloc : memref<!tpu.dma_semaphore, #tpu.memory_space<semaphore_mem>>
        %dma_start3A_32 = arith.constant 0 : i32
        %dma_start3A_33 = tpu.memref_slice %arg6[%mul3A_31, %dma_start3A_32] : memref<160000x128xf32, #tpu.memory_space<hbm>> -> memref<128x128xf32, #tpu.memory_space<hbm>>
        %dma_start3A_34 = arith.constant 0 : i32
        %dma_start3A_35 = tpu.memref_slice %arg6[%mul3A_31, %dma_start3A_34] : memref<160000x128xf32, #tpu.memory_space<hbm>> -> memref<128x128xf32, #tpu.memory_space<hbm>>
        tpu.enqueue_dma source(%arg10 : memref<128x128xf32, #tpu.memory_space<vmem>>) target(%dma_start3A_35 : memref<128x128xf32, #tpu.memory_space<hbm>>) target_semaphore(%run_scoped3A : memref<!tpu.dma_semaphore, #tpu.memory_space<semaphore_mem>>)
        %dma_wait3A_36 = arith.constant 0 : i32
        %dma_wait3A_37 = tpu.memref_slice %arg6[%mul3A_31, %dma_wait3A_36] : memref<160000x128xf32, #tpu.memory_space<hbm>> -> memref<128x128xf32, #tpu.memory_space<hbm>>
        %dma_wait3A_38 = arith.constant 0 : i32
        %dma_wait3A_39 = tpu.memref_slice %arg6[%mul3A_31, %dma_wait3A_38] : memref<160000x128xf32, #tpu.memory_space<hbm>> -> memref<128x128xf32, #tpu.memory_space<hbm>>
        tpu.wait_dma2 semaphore(%run_scoped3A : memref<!tpu.dma_semaphore, #tpu.memory_space<semaphore_mem>>) src(%arg10 : memref<128x128xf32, #tpu.memory_space<vmem>>) dst(%dma_wait3A_39 : memref<128x128xf32, #tpu.memory_space<hbm>>)
        tpu.yield
      }) : () -> ()
    }
    return
  }
}

#map = affine_map<(d0, d1) -> (0, 0)>
module attributes {stable_mosaic.version = 14 : i64} {
  func.func @_gather_body(%arg0: i32, %arg1: i32, %arg2: memref<10000x128xf32, #tpu.memory_space<hbm>>, %arg3: memref<1250x128xi32, #tpu.memory_space<hbm>>, %arg4: memref<1250x128xi32, #tpu.memory_space<hbm>>, %arg5: memref<160000x128xf32, #tpu.memory_space<hbm>>, %arg6: memref<160000x128xf32, #tpu.memory_space<hbm>>, %arg7: memref<128xi32, #tpu.memory_space<vmem>>, %arg8: memref<128xi32, #tpu.memory_space<vmem>>, %arg9: memref<128x128xf32, #tpu.memory_space<vmem>>, %arg10: memref<128x128xf32, #tpu.memory_space<vmem>>, %arg11: memref<!tpu.dma_semaphore, #tpu.memory_space<semaphore_mem>>, %arg12: memref<!tpu.dma_semaphore, #tpu.memory_space<semaphore_mem>>) attributes {dimension_semantics = [#tpu.dimension_semantics<core_parallel>, #tpu.dimension_semantics<subcore_parallel>], iteration_bounds = array<i64: 2, 16>, scalar_prefetch = 0 : i64, scratch_operands = 6 : i64, tpu.core_type = #tpu.core_type<sc_vector_subcore>, window_params = [{transform_indices = #map}, {transform_indices = #map}, {transform_indices = #map}, {transform_indices = #map}, {transform_indices = #map}]} {
    %mul3A = arith.constant 2 : i32
    %mul3A_0 = arith.muli %arg1, %mul3A : i32
    %add3A = arith.addi %mul3A_0, %arg0 : i32
    %lt3A = arith.constant 2 : i32
    %lt3A_1 = arith.cmpi slt, %add3A, %lt3A : i32
    %jit3A = arith.constant 1 : i32
    %jit3A_2 = arith.constant 0 : i32
    %select_n3A = arith.select %lt3A_1, %jit3A, %jit3A_2 : i32
    %add3A_3 = arith.constant 39 : i32
    %add3A_4 = arith.addi %add3A_3, %select_n3A : i32
    %while3A = arith.constant 0 : i32
    %while3A_5 = arith.constant 0 : i32
    %while3A_6 = arith.subi %add3A_4, %while3A_5 : i32
    %while3A_7 = arith.addi %while3A_5, %while3A_6 : i32
    %while3A_8 = arith.constant 1 : i32
    %while3A_9 = arith.divsi %while3A_6, %while3A_8 : i32
    %while3A_10 = arith.muli %while3A_9, %while3A_8 : i32
    %while3A_11 = arith.addi %while3A_5, %while3A_10 : i32
    %while3A_12 = arith.constant 1 : i32
    scf.for %while3A_14 = %while3A_5 to %while3A_11 step %while3A_12  : i32 {
      %mul3A_15 = arith.constant 32 : i32
      %mul3A_16 = arith.muli %mul3A_15, %while3A_14 : i32
      %add3A_17 = arith.addi %add3A, %mul3A_16 : i32
      "tpu.region"() ({
        %run_scoped3A = tpu.sem_alloc : memref<!tpu.dma_semaphore, #tpu.memory_space<semaphore_mem>>
        %dma_start3A_32 = arith.constant 0 : i32
        %dma_start3A_33 = tpu.memref_slice %arg3[%add3A_17, %dma_start3A_32] : memref<1250x128xi32, #tpu.memory_space<hbm>> -> memref<1x128xi32, #tpu.memory_space<hbm>>
        %dma_start3A_34 = tpu.memref_squeeze %dma_start3A_33 : memref<1x128xi32, #tpu.memory_space<hbm>> -> memref<128xi32, #tpu.memory_space<hbm>>
        %dma_start3A_35 = arith.constant 0 : i32
        %dma_start3A_36 = tpu.memref_slice %arg3[%add3A_17, %dma_start3A_35] : memref<1250x128xi32, #tpu.memory_space<hbm>> -> memref<1x128xi32, #tpu.memory_space<hbm>>
        %dma_start3A_37 = tpu.memref_squeeze %dma_start3A_36 : memref<1x128xi32, #tpu.memory_space<hbm>> -> memref<128xi32, #tpu.memory_space<hbm>>
        tpu.enqueue_dma source(%dma_start3A_37 : memref<128xi32, #tpu.memory_space<hbm>>) target(%arg7 : memref<128xi32, #tpu.memory_space<vmem>>) target_semaphore(%run_scoped3A : memref<!tpu.dma_semaphore, #tpu.memory_space<semaphore_mem>>)
        %dma_wait3A_38 = arith.constant 0 : i32
        %dma_wait3A_39 = tpu.memref_slice %arg3[%add3A_17, %dma_wait3A_38] : memref<1250x128xi32, #tpu.memory_space<hbm>> -> memref<1x128xi32, #tpu.memory_space<hbm>>
        %dma_wait3A_40 = tpu.memref_squeeze %dma_wait3A_39 : memref<1x128xi32, #tpu.memory_space<hbm>> -> memref<128xi32, #tpu.memory_space<hbm>>
        %dma_wait3A_41 = arith.constant 0 : i32
        %dma_wait3A_42 = tpu.memref_slice %arg3[%add3A_17, %dma_wait3A_41] : memref<1250x128xi32, #tpu.memory_space<hbm>> -> memref<1x128xi32, #tpu.memory_space<hbm>>
        %dma_wait3A_43 = tpu.memref_squeeze %dma_wait3A_42 : memref<1x128xi32, #tpu.memory_space<hbm>> -> memref<128xi32, #tpu.memory_space<hbm>>
        tpu.wait_dma2 semaphore(%run_scoped3A : memref<!tpu.dma_semaphore, #tpu.memory_space<semaphore_mem>>) src(%dma_wait3A_43 : memref<128xi32, #tpu.memory_space<hbm>>) dst(%arg7 : memref<128xi32, #tpu.memory_space<vmem>>)
        tpu.yield
      }) : () -> ()
      "tpu.region"() ({
        %run_scoped3A = tpu.sem_alloc : memref<!tpu.dma_semaphore, #tpu.memory_space<semaphore_mem>>
        %dma_start3A_32 = arith.constant 0 : i32
        %dma_start3A_33 = tpu.memref_slice %arg4[%add3A_17, %dma_start3A_32] : memref<1250x128xi32, #tpu.memory_space<hbm>> -> memref<1x128xi32, #tpu.memory_space<hbm>>
        %dma_start3A_34 = tpu.memref_squeeze %dma_start3A_33 : memref<1x128xi32, #tpu.memory_space<hbm>> -> memref<128xi32, #tpu.memory_space<hbm>>
        %dma_start3A_35 = arith.constant 0 : i32
        %dma_start3A_36 = tpu.memref_slice %arg4[%add3A_17, %dma_start3A_35] : memref<1250x128xi32, #tpu.memory_space<hbm>> -> memref<1x128xi32, #tpu.memory_space<hbm>>
        %dma_start3A_37 = tpu.memref_squeeze %dma_start3A_36 : memref<1x128xi32, #tpu.memory_space<hbm>> -> memref<128xi32, #tpu.memory_space<hbm>>
        tpu.enqueue_dma source(%dma_start3A_37 : memref<128xi32, #tpu.memory_space<hbm>>) target(%arg8 : memref<128xi32, #tpu.memory_space<vmem>>) target_semaphore(%run_scoped3A : memref<!tpu.dma_semaphore, #tpu.memory_space<semaphore_mem>>)
        %dma_wait3A_38 = arith.constant 0 : i32
        %dma_wait3A_39 = tpu.memref_slice %arg4[%add3A_17, %dma_wait3A_38] : memref<1250x128xi32, #tpu.memory_space<hbm>> -> memref<1x128xi32, #tpu.memory_space<hbm>>
        %dma_wait3A_40 = tpu.memref_squeeze %dma_wait3A_39 : memref<1x128xi32, #tpu.memory_space<hbm>> -> memref<128xi32, #tpu.memory_space<hbm>>
        %dma_wait3A_41 = arith.constant 0 : i32
        %dma_wait3A_42 = tpu.memref_slice %arg4[%add3A_17, %dma_wait3A_41] : memref<1250x128xi32, #tpu.memory_space<hbm>> -> memref<1x128xi32, #tpu.memory_space<hbm>>
        %dma_wait3A_43 = tpu.memref_squeeze %dma_wait3A_42 : memref<1x128xi32, #tpu.memory_space<hbm>> -> memref<128xi32, #tpu.memory_space<hbm>>
        tpu.wait_dma2 semaphore(%run_scoped3A : memref<!tpu.dma_semaphore, #tpu.memory_space<semaphore_mem>>) src(%dma_wait3A_43 : memref<128xi32, #tpu.memory_space<hbm>>) dst(%arg8 : memref<128xi32, #tpu.memory_space<vmem>>)
        tpu.yield
      }) : () -> ()
      %dma_start3A = arith.constant 0 : i32
      %dma_start3A_18 = arith.constant 0 : i32
      %dma_start3A_19 = tpu.memref_slice %arg2[%dma_start3A, %dma_start3A_18] : memref<10000x128xf32, #tpu.memory_space<hbm>> -> memref<10000x128xf32, #tpu.memory_space<hbm>>
      tpu.enqueue_indirect_dma source(%dma_start3A_19 : memref<10000x128xf32, #tpu.memory_space<hbm>>) target(%arg9 : memref<128x128xf32, #tpu.memory_space<vmem>>) offsets(%arg7 : memref<128xi32, #tpu.memory_space<vmem>>) semaphore(%arg11 : memref<!tpu.dma_semaphore, #tpu.memory_space<semaphore_mem>>)
      %dma_start3A_20 = arith.constant 0 : i32
      %dma_start3A_21 = arith.constant 0 : i32
      %dma_start3A_22 = tpu.memref_slice %arg2[%dma_start3A_20, %dma_start3A_21] : memref<10000x128xf32, #tpu.memory_space<hbm>> -> memref<10000x128xf32, #tpu.memory_space<hbm>>
      tpu.enqueue_indirect_dma source(%dma_start3A_22 : memref<10000x128xf32, #tpu.memory_space<hbm>>) target(%arg10 : memref<128x128xf32, #tpu.memory_space<vmem>>) offsets(%arg8 : memref<128xi32, #tpu.memory_space<vmem>>) semaphore(%arg12 : memref<!tpu.dma_semaphore, #tpu.memory_space<semaphore_mem>>)
      %dma_wait3A = arith.constant 0 : i32
      %dma_wait3A_23 = arith.constant 0 : i32
      %dma_wait3A_24 = tpu.memref_slice %arg2[%dma_wait3A, %dma_wait3A_23] : memref<10000x128xf32, #tpu.memory_space<hbm>> -> memref<10000x128xf32, #tpu.memory_space<hbm>>
      tpu.wait_indirect_dma semaphore(%arg11 : memref<!tpu.dma_semaphore, #tpu.memory_space<semaphore_mem>>) src(%dma_wait3A_24 : memref<10000x128xf32, #tpu.memory_space<hbm>>) dst(%arg9 : memref<128x128xf32, #tpu.memory_space<vmem>>)
      %dma_wait3A_25 = arith.constant 0 : i32
      %dma_wait3A_26 = arith.constant 0 : i32
      %dma_wait3A_27 = tpu.memref_slice %arg2[%dma_wait3A_25, %dma_wait3A_26] : memref<10000x128xf32, #tpu.memory_space<hbm>> -> memref<10000x128xf32, #tpu.memory_space<hbm>>
      tpu.wait_indirect_dma semaphore(%arg12 : memref<!tpu.dma_semaphore, #tpu.memory_space<semaphore_mem>>) src(%dma_wait3A_27 : memref<10000x128xf32, #tpu.memory_space<hbm>>) dst(%arg10 : memref<128x128xf32, #tpu.memory_space<vmem>>)
      %mul3A_28 = arith.constant 128 : i32
      %mul3A_29 = arith.muli %add3A_17, %mul3A_28 : i32
      "tpu.region"() ({
        %run_scoped3A = tpu.sem_alloc : memref<!tpu.dma_semaphore, #tpu.memory_space<semaphore_mem>>
        %dma_start3A_32 = arith.constant 0 : i32
        %dma_start3A_33 = tpu.memref_slice %arg5[%mul3A_29, %dma_start3A_32] : memref<160000x128xf32, #tpu.memory_space<hbm>> -> memref<128x128xf32, #tpu.memory_space<hbm>>
        %dma_start3A_34 = arith.constant 0 : i32
        %dma_start3A_35 = tpu.memref_slice %arg5[%mul3A_29, %dma_start3A_34] : memref<160000x128xf32, #tpu.memory_space<hbm>> -> memref<128x128xf32, #tpu.memory_space<hbm>>
        tpu.enqueue_dma source(%arg9 : memref<128x128xf32, #tpu.memory_space<vmem>>) target(%dma_start3A_35 : memref<128x128xf32, #tpu.memory_space<hbm>>) target_semaphore(%run_scoped3A : memref<!tpu.dma_semaphore, #tpu.memory_space<semaphore_mem>>)
        %dma_wait3A_36 = arith.constant 0 : i32
        %dma_wait3A_37 = tpu.memref_slice %arg5[%mul3A_29, %dma_wait3A_36] : memref<160000x128xf32, #tpu.memory_space<hbm>> -> memref<128x128xf32, #tpu.memory_space<hbm>>
        %dma_wait3A_38 = arith.constant 0 : i32
        %dma_wait3A_39 = tpu.memref_slice %arg5[%mul3A_29, %dma_wait3A_38] : memref<160000x128xf32, #tpu.memory_space<hbm>> -> memref<128x128xf32, #tpu.memory_space<hbm>>
        tpu.wait_dma2 semaphore(%run_scoped3A : memref<!tpu.dma_semaphore, #tpu.memory_space<semaphore_mem>>) src(%arg9 : memref<128x128xf32, #tpu.memory_space<vmem>>) dst(%dma_wait3A_39 : memref<128x128xf32, #tpu.memory_space<hbm>>)
        tpu.yield
      }) : () -> ()
      %mul3A_30 = arith.constant 128 : i32
      %mul3A_31 = arith.muli %add3A_17, %mul3A_30 : i32
      "tpu.region"() ({
        %run_scoped3A = tpu.sem_alloc : memref<!tpu.dma_semaphore, #tpu.memory_space<semaphore_mem>>
        %dma_start3A_32 = arith.constant 0 : i32
        %dma_start3A_33 = tpu.memref_slice %arg6[%mul3A_31, %dma_start3A_32] : memref<160000x128xf32, #tpu.memory_space<hbm>> -> memref<128x128xf32, #tpu.memory_space<hbm>>
        %dma_start3A_34 = arith.constant 0 : i32
        %dma_start3A_35 = tpu.memref_slice %arg6[%mul3A_31, %dma_start3A_34] : memref<160000x128xf32, #tpu.memory_space<hbm>> -> memref<128x128xf32, #tpu.memory_space<hbm>>
        tpu.enqueue_dma source(%arg10 : memref<128x128xf32, #tpu.memory_space<vmem>>) target(%dma_start3A_35 : memref<128x128xf32, #tpu.memory_space<hbm>>) target_semaphore(%run_scoped3A : memref<!tpu.dma_semaphore, #tpu.memory_space<semaphore_mem>>)
        %dma_wait3A_36 = arith.constant 0 : i32
        %dma_wait3A_37 = tpu.memref_slice %arg6[%mul3A_31, %dma_wait3A_36] : memref<160000x128xf32, #tpu.memory_space<hbm>> -> memref<128x128xf32, #tpu.memory_space<hbm>>
        %dma_wait3A_38 = arith.constant 0 : i32
        %dma_wait3A_39 = tpu.memref_slice %arg6[%mul3A_31, %dma_wait3A_38] : memref<160000x128xf32, #tpu.memory_space<hbm>> -> memref<128x128xf32, #tpu.memory_space<hbm>>
        tpu.wait_dma2 semaphore(%run_scoped3A : memref<!tpu.dma_semaphore, #tpu.memory_space<semaphore_mem>>) src(%arg10 : memref<128x128xf32, #tpu.memory_space<vmem>>) dst(%dma_wait3A_39 : memref<128x128xf32, #tpu.memory_space<hbm>>)
        tpu.yield
      }) : () -> ()
    }
    %while3A_13 = arith.constant 1 : i32
    scf.for %while3A_14 = %while3A_11 to %while3A_7 step %while3A_13  : i32 {
      %mul3A_15 = arith.constant 32 : i32
      %mul3A_16 = arith.muli %mul3A_15, %while3A_14 : i32
      %add3A_17 = arith.addi %add3A, %mul3A_16 : i32
      "tpu.region"() ({
        %run_scoped3A = tpu.sem_alloc : memref<!tpu.dma_semaphore, #tpu.memory_space<semaphore_mem>>
        %dma_start3A_32 = arith.constant 0 : i32
        %dma_start3A_33 = tpu.memref_slice %arg3[%add3A_17, %dma_start3A_32] : memref<1250x128xi32, #tpu.memory_space<hbm>> -> memref<1x128xi32, #tpu.memory_space<hbm>>
        %dma_start3A_34 = tpu.memref_squeeze %dma_start3A_33 : memref<1x128xi32, #tpu.memory_space<hbm>> -> memref<128xi32, #tpu.memory_space<hbm>>
        %dma_start3A_35 = arith.constant 0 : i32
        %dma_start3A_36 = tpu.memref_slice %arg3[%add3A_17, %dma_start3A_35] : memref<1250x128xi32, #tpu.memory_space<hbm>> -> memref<1x128xi32, #tpu.memory_space<hbm>>
        %dma_start3A_37 = tpu.memref_squeeze %dma_start3A_36 : memref<1x128xi32, #tpu.memory_space<hbm>> -> memref<128xi32, #tpu.memory_space<hbm>>
        tpu.enqueue_dma source(%dma_start3A_37 : memref<128xi32, #tpu.memory_space<hbm>>) target(%arg7 : memref<128xi32, #tpu.memory_space<vmem>>) target_semaphore(%run_scoped3A : memref<!tpu.dma_semaphore, #tpu.memory_space<semaphore_mem>>)
        %dma_wait3A_38 = arith.constant 0 : i32
        %dma_wait3A_39 = tpu.memref_slice %arg3[%add3A_17, %dma_wait3A_38] : memref<1250x128xi32, #tpu.memory_space<hbm>> -> memref<1x128xi32, #tpu.memory_space<hbm>>
        %dma_wait3A_40 = tpu.memref_squeeze %dma_wait3A_39 : memref<1x128xi32, #tpu.memory_space<hbm>> -> memref<128xi32, #tpu.memory_space<hbm>>
        %dma_wait3A_41 = arith.constant 0 : i32
        %dma_wait3A_42 = tpu.memref_slice %arg3[%add3A_17, %dma_wait3A_41] : memref<1250x128xi32, #tpu.memory_space<hbm>> -> memref<1x128xi32, #tpu.memory_space<hbm>>
        %dma_wait3A_43 = tpu.memref_squeeze %dma_wait3A_42 : memref<1x128xi32, #tpu.memory_space<hbm>> -> memref<128xi32, #tpu.memory_space<hbm>>
        tpu.wait_dma2 semaphore(%run_scoped3A : memref<!tpu.dma_semaphore, #tpu.memory_space<semaphore_mem>>) src(%dma_wait3A_43 : memref<128xi32, #tpu.memory_space<hbm>>) dst(%arg7 : memref<128xi32, #tpu.memory_space<vmem>>)
        tpu.yield
      }) : () -> ()
      "tpu.region"() ({
        %run_scoped3A = tpu.sem_alloc : memref<!tpu.dma_semaphore, #tpu.memory_space<semaphore_mem>>
        %dma_start3A_32 = arith.constant 0 : i32
        %dma_start3A_33 = tpu.memref_slice %arg4[%add3A_17, %dma_start3A_32] : memref<1250x128xi32, #tpu.memory_space<hbm>> -> memref<1x128xi32, #tpu.memory_space<hbm>>
        %dma_start3A_34 = tpu.memref_squeeze %dma_start3A_33 : memref<1x128xi32, #tpu.memory_space<hbm>> -> memref<128xi32, #tpu.memory_space<hbm>>
        %dma_start3A_35 = arith.constant 0 : i32
        %dma_start3A_36 = tpu.memref_slice %arg4[%add3A_17, %dma_start3A_35] : memref<1250x128xi32, #tpu.memory_space<hbm>> -> memref<1x128xi32, #tpu.memory_space<hbm>>
        %dma_start3A_37 = tpu.memref_squeeze %dma_start3A_36 : memref<1x128xi32, #tpu.memory_space<hbm>> -> memref<128xi32, #tpu.memory_space<hbm>>
        tpu.enqueue_dma source(%dma_start3A_37 : memref<128xi32, #tpu.memory_space<hbm>>) target(%arg8 : memref<128xi32, #tpu.memory_space<vmem>>) target_semaphore(%run_scoped3A : memref<!tpu.dma_semaphore, #tpu.memory_space<semaphore_mem>>)
        %dma_wait3A_38 = arith.constant 0 : i32
        %dma_wait3A_39 = tpu.memref_slice %arg4[%add3A_17, %dma_wait3A_38] : memref<1250x128xi32, #tpu.memory_space<hbm>> -> memref<1x128xi32, #tpu.memory_space<hbm>>
        %dma_wait3A_40 = tpu.memref_squeeze %dma_wait3A_39 : memref<1x128xi32, #tpu.memory_space<hbm>> -> memref<128xi32, #tpu.memory_space<hbm>>
        %dma_wait3A_41 = arith.constant 0 : i32
        %dma_wait3A_42 = tpu.memref_slice %arg4[%add3A_17, %dma_wait3A_41] : memref<1250x128xi32, #tpu.memory_space<hbm>> -> memref<1x128xi32, #tpu.memory_space<hbm>>
        %dma_wait3A_43 = tpu.memref_squeeze %dma_wait3A_42 : memref<1x128xi32, #tpu.memory_space<hbm>> -> memref<128xi32, #tpu.memory_space<hbm>>
        tpu.wait_dma2 semaphore(%run_scoped3A : memref<!tpu.dma_semaphore, #tpu.memory_space<semaphore_mem>>) src(%dma_wait3A_43 : memref<128xi32, #tpu.memory_space<hbm>>) dst(%arg8 : memref<128xi32, #tpu.memory_space<vmem>>)
        tpu.yield
      }) : () -> ()
      %dma_start3A = arith.constant 0 : i32
      %dma_start3A_18 = arith.constant 0 : i32
      %dma_start3A_19 = tpu.memref_slice %arg2[%dma_start3A, %dma_start3A_18] : memref<10000x128xf32, #tpu.memory_space<hbm>> -> memref<10000x128xf32, #tpu.memory_space<hbm>>
      tpu.enqueue_indirect_dma source(%dma_start3A_19 : memref<10000x128xf32, #tpu.memory_space<hbm>>) target(%arg9 : memref<128x128xf32, #tpu.memory_space<vmem>>) offsets(%arg7 : memref<128xi32, #tpu.memory_space<vmem>>) semaphore(%arg11 : memref<!tpu.dma_semaphore, #tpu.memory_space<semaphore_mem>>)
      %dma_start3A_20 = arith.constant 0 : i32
      %dma_start3A_21 = arith.constant 0 : i32
      %dma_start3A_22 = tpu.memref_slice %arg2[%dma_start3A_20, %dma_start3A_21] : memref<10000x128xf32, #tpu.memory_space<hbm>> -> memref<10000x128xf32, #tpu.memory_space<hbm>>
      tpu.enqueue_indirect_dma source(%dma_start3A_22 : memref<10000x128xf32, #tpu.memory_space<hbm>>) target(%arg10 : memref<128x128xf32, #tpu.memory_space<vmem>>) offsets(%arg8 : memref<128xi32, #tpu.memory_space<vmem>>) semaphore(%arg12 : memref<!tpu.dma_semaphore, #tpu.memory_space<semaphore_mem>>)
      %dma_wait3A = arith.constant 0 : i32
      %dma_wait3A_23 = arith.constant 0 : i32
      %dma_wait3A_24 = tpu.memref_slice %arg2[%dma_wait3A, %dma_wait3A_23] : memref<10000x128xf32, #tpu.memory_space<hbm>> -> memref<10000x128xf32, #tpu.memory_space<hbm>>
      tpu.wait_indirect_dma semaphore(%arg11 : memref<!tpu.dma_semaphore, #tpu.memory_space<semaphore_mem>>) src(%dma_wait3A_24 : memref<10000x128xf32, #tpu.memory_space<hbm>>) dst(%arg9 : memref<128x128xf32, #tpu.memory_space<vmem>>)
      %dma_wait3A_25 = arith.constant 0 : i32
      %dma_wait3A_26 = arith.constant 0 : i32
      %dma_wait3A_27 = tpu.memref_slice %arg2[%dma_wait3A_25, %dma_wait3A_26] : memref<10000x128xf32, #tpu.memory_space<hbm>> -> memref<10000x128xf32, #tpu.memory_space<hbm>>
      tpu.wait_indirect_dma semaphore(%arg12 : memref<!tpu.dma_semaphore, #tpu.memory_space<semaphore_mem>>) src(%dma_wait3A_27 : memref<10000x128xf32, #tpu.memory_space<hbm>>) dst(%arg10 : memref<128x128xf32, #tpu.memory_space<vmem>>)
      %mul3A_28 = arith.constant 128 : i32
      %mul3A_29 = arith.muli %add3A_17, %mul3A_28 : i32
      "tpu.region"() ({
        %run_scoped3A = tpu.sem_alloc : memref<!tpu.dma_semaphore, #tpu.memory_space<semaphore_mem>>
        %dma_start3A_32 = arith.constant 0 : i32
        %dma_start3A_33 = tpu.memref_slice %arg5[%mul3A_29, %dma_start3A_32] : memref<160000x128xf32, #tpu.memory_space<hbm>> -> memref<128x128xf32, #tpu.memory_space<hbm>>
        %dma_start3A_34 = arith.constant 0 : i32
        %dma_start3A_35 = tpu.memref_slice %arg5[%mul3A_29, %dma_start3A_34] : memref<160000x128xf32, #tpu.memory_space<hbm>> -> memref<128x128xf32, #tpu.memory_space<hbm>>
        tpu.enqueue_dma source(%arg9 : memref<128x128xf32, #tpu.memory_space<vmem>>) target(%dma_start3A_35 : memref<128x128xf32, #tpu.memory_space<hbm>>) target_semaphore(%run_scoped3A : memref<!tpu.dma_semaphore, #tpu.memory_space<semaphore_mem>>)
        %dma_wait3A_36 = arith.constant 0 : i32
        %dma_wait3A_37 = tpu.memref_slice %arg5[%mul3A_29, %dma_wait3A_36] : memref<160000x128xf32, #tpu.memory_space<hbm>> -> memref<128x128xf32, #tpu.memory_space<hbm>>
        %dma_wait3A_38 = arith.constant 0 : i32
        %dma_wait3A_39 = tpu.memref_slice %arg5[%mul3A_29, %dma_wait3A_38] : memref<160000x128xf32, #tpu.memory_space<hbm>> -> memref<128x128xf32, #tpu.memory_space<hbm>>
        tpu.wait_dma2 semaphore(%run_scoped3A : memref<!tpu.dma_semaphore, #tpu.memory_space<semaphore_mem>>) src(%arg9 : memref<128x128xf32, #tpu.memory_space<vmem>>) dst(%dma_wait3A_39 : memref<128x128xf32, #tpu.memory_space<hbm>>)
        tpu.yield
      }) : () -> ()
      %mul3A_30 = arith.constant 128 : i32
      %mul3A_31 = arith.muli %add3A_17, %mul3A_30 : i32
      "tpu.region"() ({
        %run_scoped3A = tpu.sem_alloc : memref<!tpu.dma_semaphore, #tpu.memory_space<semaphore_mem>>
        %dma_start3A_32 = arith.constant 0 : i32
        %dma_start3A_33 = tpu.memref_slice %arg6[%mul3A_31, %dma_start3A_32] : memref<160000x128xf32, #tpu.memory_space<hbm>> -> memref<128x128xf32, #tpu.memory_space<hbm>>
        %dma_start3A_34 = arith.constant 0 : i32
        %dma_start3A_35 = tpu.memref_slice %arg6[%mul3A_31, %dma_start3A_34] : memref<160000x128xf32, #tpu.memory_space<hbm>> -> memref<128x128xf32, #tpu.memory_space<hbm>>
        tpu.enqueue_dma source(%arg10 : memref<128x128xf32, #tpu.memory_space<vmem>>) target(%dma_start3A_35 : memref<128x128xf32, #tpu.memory_space<hbm>>) target_semaphore(%run_scoped3A : memref<!tpu.dma_semaphore, #tpu.memory_space<semaphore_mem>>)
        %dma_wait3A_36 = arith.constant 0 : i32
        %dma_wait3A_37 = tpu.memref_slice %arg6[%mul3A_31, %dma_wait3A_36] : memref<160000x128xf32, #tpu.memory_space<hbm>> -> memref<128x128xf32, #tpu.memory_space<hbm>>
        %dma_wait3A_38 = arith.constant 0 : i32
        %dma_wait3A_39 = tpu.memref_slice %arg6[%mul3A_31, %dma_wait3A_38] : memref<160000x128xf32, #tpu.memory_space<hbm>> -> memref<128x128xf32, #tpu.memory_space<hbm>>
        tpu.wait_dma2 semaphore(%run_scoped3A : memref<!tpu.dma_semaphore, #tpu.memory_space<semaphore_mem>>) src(%arg10 : memref<128x128xf32, #tpu.memory_space<vmem>>) dst(%dma_wait3A_39 : memref<128x128xf32, #tpu.memory_space<hbm>>)
        tpu.yield
      }) : () -> ()
    }
    return
  }
}

#map = affine_map<(d0, d1) -> (0, 0)>
#map1 = affine_map<(d0, d1) -> (0)>
module attributes {stable_mosaic.version = 14 : i64} {
  func.func @_nbrw_body(%arg0: i32, %arg1: i32, %arg2: memref<2500x128xi32, #tpu.memory_space<hbm>>, %arg3: memref<10000xf32, #tpu.memory_space<hbm>>, %arg4: memref<320000xf32, #tpu.memory_space<hbm>>, %arg5: memref<128xi32, #tpu.memory_space<vmem>>, %arg6: memref<128xf32, #tpu.memory_space<vmem>>, %arg7: memref<10000xf32, #tpu.memory_space<vmem>>) attributes {dimension_semantics = [#tpu.dimension_semantics<core_parallel>, #tpu.dimension_semantics<subcore_parallel>], iteration_bounds = array<i64: 2, 16>, scalar_prefetch = 0 : i64, scratch_operands = 3 : i64, tpu.core_type = #tpu.core_type<sc_vector_subcore>, window_params = [{transform_indices = #map}, {transform_indices = #map1}, {transform_indices = #map1}]} {
    %mul3A = arith.constant 2 : i32
    %mul3A_0 = arith.muli %arg1, %mul3A : i32
    %add3A = arith.addi %mul3A_0, %arg0 : i32
    "tpu.region"() ({
      %run_scoped3A = tpu.sem_alloc : memref<!tpu.dma_semaphore, #tpu.memory_space<semaphore_mem>>
      tpu.enqueue_dma source(%arg3 : memref<10000xf32, #tpu.memory_space<hbm>>) target(%arg7 : memref<10000xf32, #tpu.memory_space<vmem>>) target_semaphore(%run_scoped3A : memref<!tpu.dma_semaphore, #tpu.memory_space<semaphore_mem>>)
      tpu.wait_dma2 semaphore(%run_scoped3A : memref<!tpu.dma_semaphore, #tpu.memory_space<semaphore_mem>>) src(%arg3 : memref<10000xf32, #tpu.memory_space<hbm>>) dst(%arg7 : memref<10000xf32, #tpu.memory_space<vmem>>)
      tpu.yield
    }) : () -> ()
    %lt3A = arith.constant 4 : i32
    %lt3A_1 = arith.cmpi slt, %add3A, %lt3A : i32
    %jit3A = arith.constant 1 : i32
    %jit3A_2 = arith.constant 0 : i32
    %select_n3A = arith.select %lt3A_1, %jit3A, %jit3A_2 : i32
    %add3A_3 = arith.constant 78 : i32
    %add3A_4 = arith.addi %add3A_3, %select_n3A : i32
    %while3A = arith.constant 0 : i32
    %while3A_5 = arith.constant 0 : i32
    %while3A_6 = arith.subi %add3A_4, %while3A_5 : i32
    %while3A_7 = arith.addi %while3A_5, %while3A_6 : i32
    %while3A_8 = arith.constant 1 : i32
    %while3A_9 = arith.divsi %while3A_6, %while3A_8 : i32
    %while3A_10 = arith.muli %while3A_9, %while3A_8 : i32
    %while3A_11 = arith.addi %while3A_5, %while3A_10 : i32
    %while3A_12 = arith.constant 1 : i32
    scf.for %while3A_14 = %while3A_5 to %while3A_11 step %while3A_12  : i32 {
      %mul3A_15 = arith.constant 32 : i32
      %mul3A_16 = arith.muli %mul3A_15, %while3A_14 : i32
      %add3A_17 = arith.addi %add3A, %mul3A_16 : i32
      "tpu.region"() ({
        %run_scoped3A = tpu.sem_alloc : memref<!tpu.dma_semaphore, #tpu.memory_space<semaphore_mem>>
        %dma_start3A = arith.constant 0 : i32
        %dma_start3A_57 = tpu.memref_slice %arg2[%add3A_17, %dma_start3A] : memref<2500x128xi32, #tpu.memory_space<hbm>> -> memref<1x128xi32, #tpu.memory_space<hbm>>
        %dma_start3A_58 = tpu.memref_squeeze %dma_start3A_57 : memref<1x128xi32, #tpu.memory_space<hbm>> -> memref<128xi32, #tpu.memory_space<hbm>>
        %dma_start3A_59 = arith.constant 0 : i32
        %dma_start3A_60 = tpu.memref_slice %arg2[%add3A_17, %dma_start3A_59] : memref<2500x128xi32, #tpu.memory_space<hbm>> -> memref<1x128xi32, #tpu.memory_space<hbm>>
        %dma_start3A_61 = tpu.memref_squeeze %dma_start3A_60 : memref<1x128xi32, #tpu.memory_space<hbm>> -> memref<128xi32, #tpu.memory_space<hbm>>
        tpu.enqueue_dma source(%dma_start3A_61 : memref<128xi32, #tpu.memory_space<hbm>>) target(%arg5 : memref<128xi32, #tpu.memory_space<vmem>>) target_semaphore(%run_scoped3A : memref<!tpu.dma_semaphore, #tpu.memory_space<semaphore_mem>>)
        %dma_wait3A = arith.constant 0 : i32
        %dma_wait3A_62 = tpu.memref_slice %arg2[%add3A_17, %dma_wait3A] : memref<2500x128xi32, #tpu.memory_space<hbm>> -> memref<1x128xi32, #tpu.memory_space<hbm>>
        %dma_wait3A_63 = tpu.memref_squeeze %dma_wait3A_62 : memref<1x128xi32, #tpu.memory_space<hbm>> -> memref<128xi32, #tpu.memory_space<hbm>>
        %dma_wait3A_64 = arith.constant 0 : i32
        %dma_wait3A_65 = tpu.memref_slice %arg2[%add3A_17, %dma_wait3A_64] : memref<2500x128xi32, #tpu.memory_space<hbm>> -> memref<1x128xi32, #tpu.memory_space<hbm>>
        %dma_wait3A_66 = tpu.memref_squeeze %dma_wait3A_65 : memref<1x128xi32, #tpu.memory_space<hbm>> -> memref<128xi32, #tpu.memory_space<hbm>>
        tpu.wait_dma2 semaphore(%run_scoped3A : memref<!tpu.dma_semaphore, #tpu.memory_space<semaphore_mem>>) src(%dma_wait3A_66 : memref<128xi32, #tpu.memory_space<hbm>>) dst(%arg5 : memref<128xi32, #tpu.memory_space<vmem>>)
        tpu.yield
      }) : () -> ()
      %get3A = arith.constant 0 : index
      %get3A_18 = tpu.vector_load %arg5[%get3A] {strides = array<i32>} : memref<128xi32, #tpu.memory_space<vmem>>, vector<16xi32>,
      %gather3A = tpu.vector_load_idx %arg7[%get3A_18] : memref<10000xf32, #tpu.memory_space<vmem>>[vector<16xi32>], vector<16xf32>,
      %swap3A = arith.constant 0 : index
      %swap3A_19 = tpu.vector_load %arg6[%swap3A] {strides = array<i32>} : memref<128xf32, #tpu.memory_space<vmem>>, vector<16xf32>,
      tpu.vector_store %arg6[%swap3A], %gather3A {strides = array<i32>} : memref<128xf32, #tpu.memory_space<vmem>>, vector<16xf32>,
      %get3A_20 = arith.constant 16 : index
      %get3A_21 = tpu.vector_load %arg5[%get3A_20] {strides = array<i32>} : memref<128xi32, #tpu.memory_space<vmem>>, vector<16xi32>,
      %gather3A_22 = tpu.vector_load_idx %arg7[%get3A_21] : memref<10000xf32, #tpu.memory_space<vmem>>[vector<16xi32>], vector<16xf32>,
      %swap3A_23 = arith.constant 16 : index
      %swap3A_24 = tpu.vector_load %arg6[%swap3A_23] {strides = array<i32>} : memref<128xf32, #tpu.memory_space<vmem>>, vector<16xf32>,
      tpu.vector_store %arg6[%swap3A_23], %gather3A_22 {strides = array<i32>} : memref<128xf32, #tpu.memory_space<vmem>>, vector<16xf32>,
      %get3A_25 = arith.constant 32 : index
      %get3A_26 = tpu.vector_load %arg5[%get3A_25] {strides = array<i32>} : memref<128xi32, #tpu.memory_space<vmem>>, vector<16xi32>,
      %gather3A_27 = tpu.vector_load_idx %arg7[%get3A_26] : memref<10000xf32, #tpu.memory_space<vmem>>[vector<16xi32>], vector<16xf32>,
      %swap3A_28 = arith.constant 32 : index
      %swap3A_29 = tpu.vector_load %arg6[%swap3A_28] {strides = array<i32>} : memref<128xf32, #tpu.memory_space<vmem>>, vector<16xf32>,
      tpu.vector_store %arg6[%swap3A_28], %gather3A_27 {strides = array<i32>} : memref<128xf32, #tpu.memory_space<vmem>>, vector<16xf32>,
      %get3A_30 = arith.constant 48 : index
      %get3A_31 = tpu.vector_load %arg5[%get3A_30] {strides = array<i32>} : memref<128xi32, #tpu.memory_space<vmem>>, vector<16xi32>,
      %gather3A_32 = tpu.vector_load_idx %arg7[%get3A_31] : memref<10000xf32, #tpu.memory_space<vmem>>[vector<16xi32>], vector<16xf32>,
      %swap3A_33 = arith.constant 48 : index
      %swap3A_34 = tpu.vector_load %arg6[%swap3A_33] {strides = array<i32>} : memref<128xf32, #tpu.memory_space<vmem>>, vector<16xf32>,
      tpu.vector_store %arg6[%swap3A_33], %gather3A_32 {strides = array<i32>} : memref<128xf32, #tpu.memory_space<vmem>>, vector<16xf32>,
      %get3A_35 = arith.constant 64 : index
      %get3A_36 = tpu.vector_load %arg5[%get3A_35] {strides = array<i32>} : memref<128xi32, #tpu.memory_space<vmem>>, vector<16xi32>,
      %gather3A_37 = tpu.vector_load_idx %arg7[%get3A_36] : memref<10000xf32, #tpu.memory_space<vmem>>[vector<16xi32>], vector<16xf32>,
      %swap3A_38 = arith.constant 64 : index
      %swap3A_39 = tpu.vector_load %arg6[%swap3A_38] {strides = array<i32>} : memref<128xf32, #tpu.memory_space<vmem>>, vector<16xf32>,
      tpu.vector_store %arg6[%swap3A_38], %gather3A_37 {strides = array<i32>} : memref<128xf32, #tpu.memory_space<vmem>>, vector<16xf32>,
      %get3A_40 = arith.constant 80 : index
      %get3A_41 = tpu.vector_load %arg5[%get3A_40] {strides = array<i32>} : memref<128xi32, #tpu.memory_space<vmem>>, vector<16xi32>,
      %gather3A_42 = tpu.vector_load_idx %arg7[%get3A_41] : memref<10000xf32, #tpu.memory_space<vmem>>[vector<16xi32>], vector<16xf32>,
      %swap3A_43 = arith.constant 80 : index
      %swap3A_44 = tpu.vector_load %arg6[%swap3A_43] {strides = array<i32>} : memref<128xf32, #tpu.memory_space<vmem>>, vector<16xf32>,
      tpu.vector_store %arg6[%swap3A_43], %gather3A_42 {strides = array<i32>} : memref<128xf32, #tpu.memory_space<vmem>>, vector<16xf32>,
      %get3A_45 = arith.constant 96 : index
      %get3A_46 = tpu.vector_load %arg5[%get3A_45] {strides = array<i32>} : memref<128xi32, #tpu.memory_space<vmem>>, vector<16xi32>,
      %gather3A_47 = tpu.vector_load_idx %arg7[%get3A_46] : memref<10000xf32, #tpu.memory_space<vmem>>[vector<16xi32>], vector<16xf32>,
      %swap3A_48 = arith.constant 96 : index
      %swap3A_49 = tpu.vector_load %arg6[%swap3A_48] {strides = array<i32>} : memref<128xf32, #tpu.memory_space<vmem>>, vector<16xf32>,
      tpu.vector_store %arg6[%swap3A_48], %gather3A_47 {strides = array<i32>} : memref<128xf32, #tpu.memory_space<vmem>>, vector<16xf32>,
      %get3A_50 = arith.constant 112 : index
      %get3A_51 = tpu.vector_load %arg5[%get3A_50] {strides = array<i32>} : memref<128xi32, #tpu.memory_space<vmem>>, vector<16xi32>,
      %gather3A_52 = tpu.vector_load_idx %arg7[%get3A_51] : memref<10000xf32, #tpu.memory_space<vmem>>[vector<16xi32>], vector<16xf32>,
      %swap3A_53 = arith.constant 112 : index
      %swap3A_54 = tpu.vector_load %arg6[%swap3A_53] {strides = array<i32>} : memref<128xf32, #tpu.memory_space<vmem>>, vector<16xf32>,
      tpu.vector_store %arg6[%swap3A_53], %gather3A_52 {strides = array<i32>} : memref<128xf32, #tpu.memory_space<vmem>>, vector<16xf32>,
      %mul3A_55 = arith.constant 128 : i32
      %mul3A_56 = arith.muli %add3A_17, %mul3A_55 : i32
      "tpu.region"() ({
        %run_scoped3A = tpu.sem_alloc : memref<!tpu.dma_semaphore, #tpu.memory_space<semaphore_mem>>
        %dma_start3A = tpu.memref_slice %arg4[%mul3A_56] : memref<320000xf32, #tpu.memory_space<hbm>> -> memref<128xf32, #tpu.memory_space<hbm>>
        %dma_start3A_57 = tpu.memref_slice %arg4[%mul3A_56] : memref<320000xf32, #tpu.memory_space<hbm>> -> memref<128xf32, #tpu.memory_space<hbm>>
        tpu.enqueue_dma source(%arg6 : memref<128xf32, #tpu.memory_space<vmem>>) target(%dma_start3A_57 : memref<128xf32, #tpu.memory_space<hbm>>) target_semaphore(%run_scoped3A : memref<!tpu.dma_semaphore, #tpu.memory_space<semaphore_mem>>)
        %dma_wait3A = tpu.memref_slice %arg4[%mul3A_56] : memref<320000xf32, #tpu.memory_space<hbm>> -> memref<128xf32, #tpu.memory_space<hbm>>
        %dma_wait3A_58 = tpu.memref_slice %arg4[%mul3A_56] : memref<320000xf32, #tpu.memory_space<hbm>> -> memref<128xf32, #tpu.memory_space<hbm>>
        tpu.wait_dma2 semaphore(%run_scoped3A : memref<!tpu.dma_semaphore, #tpu.memory_space<semaphore_mem>>) src(%arg6 : memref<128xf32, #tpu.memory_space<vmem>>) dst(%dma_wait3A_58 : memref<128xf32, #tpu.memory_space<hbm>>)
        tpu.yield
      }) : () -> ()
    }
    %while3A_13 = arith.constant 1 : i32
    scf.for %while3A_14 = %while3A_11 to %while3A_7 step %while3A_13  : i32 {
      %mul3A_15 = arith.constant 32 : i32
      %mul3A_16 = arith.muli %mul3A_15, %while3A_14 : i32
      %add3A_17 = arith.addi %add3A, %mul3A_16 : i32
      "tpu.region"() ({
        %run_scoped3A = tpu.sem_alloc : memref<!tpu.dma_semaphore, #tpu.memory_space<semaphore_mem>>
        %dma_start3A = arith.constant 0 : i32
        %dma_start3A_57 = tpu.memref_slice %arg2[%add3A_17, %dma_start3A] : memref<2500x128xi32, #tpu.memory_space<hbm>> -> memref<1x128xi32, #tpu.memory_space<hbm>>
        %dma_start3A_58 = tpu.memref_squeeze %dma_start3A_57 : memref<1x128xi32, #tpu.memory_space<hbm>> -> memref<128xi32, #tpu.memory_space<hbm>>
        %dma_start3A_59 = arith.constant 0 : i32
        %dma_start3A_60 = tpu.memref_slice %arg2[%add3A_17, %dma_start3A_59] : memref<2500x128xi32, #tpu.memory_space<hbm>> -> memref<1x128xi32, #tpu.memory_space<hbm>>
        %dma_start3A_61 = tpu.memref_squeeze %dma_start3A_60 : memref<1x128xi32, #tpu.memory_space<hbm>> -> memref<128xi32, #tpu.memory_space<hbm>>
        tpu.enqueue_dma source(%dma_start3A_61 : memref<128xi32, #tpu.memory_space<hbm>>) target(%arg5 : memref<128xi32, #tpu.memory_space<vmem>>) target_semaphore(%run_scoped3A : memref<!tpu.dma_semaphore, #tpu.memory_space<semaphore_mem>>)
        %dma_wait3A = arith.constant 0 : i32
        %dma_wait3A_62 = tpu.memref_slice %arg2[%add3A_17, %dma_wait3A] : memref<2500x128xi32, #tpu.memory_space<hbm>> -> memref<1x128xi32, #tpu.memory_space<hbm>>
        %dma_wait3A_63 = tpu.memref_squeeze %dma_wait3A_62 : memref<1x128xi32, #tpu.memory_space<hbm>> -> memref<128xi32, #tpu.memory_space<hbm>>
        %dma_wait3A_64 = arith.constant 0 : i32
        %dma_wait3A_65 = tpu.memref_slice %arg2[%add3A_17, %dma_wait3A_64] : memref<2500x128xi32, #tpu.memory_space<hbm>> -> memref<1x128xi32, #tpu.memory_space<hbm>>
        %dma_wait3A_66 = tpu.memref_squeeze %dma_wait3A_65 : memref<1x128xi32, #tpu.memory_space<hbm>> -> memref<128xi32, #tpu.memory_space<hbm>>
        tpu.wait_dma2 semaphore(%run_scoped3A : memref<!tpu.dma_semaphore, #tpu.memory_space<semaphore_mem>>) src(%dma_wait3A_66 : memref<128xi32, #tpu.memory_space<hbm>>) dst(%arg5 : memref<128xi32, #tpu.memory_space<vmem>>)
        tpu.yield
      }) : () -> ()
      %get3A = arith.constant 0 : index
      %get3A_18 = tpu.vector_load %arg5[%get3A] {strides = array<i32>} : memref<128xi32, #tpu.memory_space<vmem>>, vector<16xi32>,
      %gather3A = tpu.vector_load_idx %arg7[%get3A_18] : memref<10000xf32, #tpu.memory_space<vmem>>[vector<16xi32>], vector<16xf32>,
      %swap3A = arith.constant 0 : index
      %swap3A_19 = tpu.vector_load %arg6[%swap3A] {strides = array<i32>} : memref<128xf32, #tpu.memory_space<vmem>>, vector<16xf32>,
      tpu.vector_store %arg6[%swap3A], %gather3A {strides = array<i32>} : memref<128xf32, #tpu.memory_space<vmem>>, vector<16xf32>,
      %get3A_20 = arith.constant 16 : index
      %get3A_21 = tpu.vector_load %arg5[%get3A_20] {strides = array<i32>} : memref<128xi32, #tpu.memory_space<vmem>>, vector<16xi32>,
      %gather3A_22 = tpu.vector_load_idx %arg7[%get3A_21] : memref<10000xf32, #tpu.memory_space<vmem>>[vector<16xi32>], vector<16xf32>,
      %swap3A_23 = arith.constant 16 : index
      %swap3A_24 = tpu.vector_load %arg6[%swap3A_23] {strides = array<i32>} : memref<128xf32, #tpu.memory_space<vmem>>, vector<16xf32>,
      tpu.vector_store %arg6[%swap3A_23], %gather3A_22 {strides = array<i32>} : memref<128xf32, #tpu.memory_space<vmem>>, vector<16xf32>,
      %get3A_25 = arith.constant 32 : index
      %get3A_26 = tpu.vector_load %arg5[%get3A_25] {strides = array<i32>} : memref<128xi32, #tpu.memory_space<vmem>>, vector<16xi32>,
      %gather3A_27 = tpu.vector_load_idx %arg7[%get3A_26] : memref<10000xf32, #tpu.memory_space<vmem>>[vector<16xi32>], vector<16xf32>,
      %swap3A_28 = arith.constant 32 : index
      %swap3A_29 = tpu.vector_load %arg6[%swap3A_28] {strides = array<i32>} : memref<128xf32, #tpu.memory_space<vmem>>, vector<16xf32>,
      tpu.vector_store %arg6[%swap3A_28], %gather3A_27 {strides = array<i32>} : memref<128xf32, #tpu.memory_space<vmem>>, vector<16xf32>,
      %get3A_30 = arith.constant 48 : index
      %get3A_31 = tpu.vector_load %arg5[%get3A_30] {strides = array<i32>} : memref<128xi32, #tpu.memory_space<vmem>>, vector<16xi32>,
      %gather3A_32 = tpu.vector_load_idx %arg7[%get3A_31] : memref<10000xf32, #tpu.memory_space<vmem>>[vector<16xi32>], vector<16xf32>,
      %swap3A_33 = arith.constant 48 : index
      %swap3A_34 = tpu.vector_load %arg6[%swap3A_33] {strides = array<i32>} : memref<128xf32, #tpu.memory_space<vmem>>, vector<16xf32>,
      tpu.vector_store %arg6[%swap3A_33], %gather3A_32 {strides = array<i32>} : memref<128xf32, #tpu.memory_space<vmem>>, vector<16xf32>,
      %get3A_35 = arith.constant 64 : index
      %get3A_36 = tpu.vector_load %arg5[%get3A_35] {strides = array<i32>} : memref<128xi32, #tpu.memory_space<vmem>>, vector<16xi32>,
      %gather3A_37 = tpu.vector_load_idx %arg7[%get3A_36] : memref<10000xf32, #tpu.memory_space<vmem>>[vector<16xi32>], vector<16xf32>,
      %swap3A_38 = arith.constant 64 : index
      %swap3A_39 = tpu.vector_load %arg6[%swap3A_38] {strides = array<i32>} : memref<128xf32, #tpu.memory_space<vmem>>, vector<16xf32>,
      tpu.vector_store %arg6[%swap3A_38], %gather3A_37 {strides = array<i32>} : memref<128xf32, #tpu.memory_space<vmem>>, vector<16xf32>,
      %get3A_40 = arith.constant 80 : index
      %get3A_41 = tpu.vector_load %arg5[%get3A_40] {strides = array<i32>} : memref<128xi32, #tpu.memory_space<vmem>>, vector<16xi32>,
      %gather3A_42 = tpu.vector_load_idx %arg7[%get3A_41] : memref<10000xf32, #tpu.memory_space<vmem>>[vector<16xi32>], vector<16xf32>,
      %swap3A_43 = arith.constant 80 : index
      %swap3A_44 = tpu.vector_load %arg6[%swap3A_43] {strides = array<i32>} : memref<128xf32, #tpu.memory_space<vmem>>, vector<16xf32>,
      tpu.vector_store %arg6[%swap3A_43], %gather3A_42 {strides = array<i32>} : memref<128xf32, #tpu.memory_space<vmem>>, vector<16xf32>,
      %get3A_45 = arith.constant 96 : index
      %get3A_46 = tpu.vector_load %arg5[%get3A_45] {strides = array<i32>} : memref<128xi32, #tpu.memory_space<vmem>>, vector<16xi32>,
      %gather3A_47 = tpu.vector_load_idx %arg7[%get3A_46] : memref<10000xf32, #tpu.memory_space<vmem>>[vector<16xi32>], vector<16xf32>,
      %swap3A_48 = arith.constant 96 : index
      %swap3A_49 = tpu.vector_load %arg6[%swap3A_48] {strides = array<i32>} : memref<128xf32, #tpu.memory_space<vmem>>, vector<16xf32>,
      tpu.vector_store %arg6[%swap3A_48], %gather3A_47 {strides = array<i32>} : memref<128xf32, #tpu.memory_space<vmem>>, vector<16xf32>,
      %get3A_50 = arith.constant 112 : index
      %get3A_51 = tpu.vector_load %arg5[%get3A_50] {strides = array<i32>} : memref<128xi32, #tpu.memory_space<vmem>>, vector<16xi32>,
      %gather3A_52 = tpu.vector_load_idx %arg7[%get3A_51] : memref<10000xf32, #tpu.memory_space<vmem>>[vector<16xi32>], vector<16xf32>,
      %swap3A_53 = arith.constant 112 : index
      %swap3A_54 = tpu.vector_load %arg6[%swap3A_53] {strides = array<i32>} : memref<128xf32, #tpu.memory_space<vmem>>, vector<16xf32>,
      tpu.vector_store %arg6[%swap3A_53], %gather3A_52 {strides = array<i32>} : memref<128xf32, #tpu.memory_space<vmem>>, vector<16xf32>,
      %mul3A_55 = arith.constant 128 : i32
      %mul3A_56 = arith.muli %add3A_17, %mul3A_55 : i32
      "tpu.region"() ({
        %run_scoped3A = tpu.sem_alloc : memref<!tpu.dma_semaphore, #tpu.memory_space<semaphore_mem>>
        %dma_start3A = tpu.memref_slice %arg4[%mul3A_56] : memref<320000xf32, #tpu.memory_space<hbm>> -> memref<128xf32, #tpu.memory_space<hbm>>
        %dma_start3A_57 = tpu.memref_slice %arg4[%mul3A_56] : memref<320000xf32, #tpu.memory_space<hbm>> -> memref<128xf32, #tpu.memory_space<hbm>>
        tpu.enqueue_dma source(%arg6 : memref<128xf32, #tpu.memory_space<vmem>>) target(%dma_start3A_57 : memref<128xf32, #tpu.memory_space<hbm>>) target_semaphore(%run_scoped3A : memref<!tpu.dma_semaphore, #tpu.memory_space<semaphore_mem>>)
        %dma_wait3A = tpu.memref_slice %arg4[%mul3A_56] : memref<320000xf32, #tpu.memory_space<hbm>> -> memref<128xf32, #tpu.memory_space<hbm>>
        %dma_wait3A_58 = tpu.memref_slice %arg4[%mul3A_56] : memref<320000xf32, #tpu.memory_space<hbm>> -> memref<128xf32, #tpu.memory_space<hbm>>
        tpu.wait_dma2 semaphore(%run_scoped3A : memref<!tpu.dma_semaphore, #tpu.memory_space<semaphore_mem>>) src(%arg6 : memref<128xf32, #tpu.memory_space<vmem>>) dst(%dma_wait3A_58 : memref<128xf32, #tpu.memory_space<hbm>>)
        tpu.yield
      }) : () -> ()
    }
    return
  }
}

#map = affine_map<(d0, d1) -> (0, 0)>
#map1 = affine_map<(d0, d1) -> (0)>
module attributes {stable_mosaic.version = 14 : i64} {
  func.func @_seg_body(%arg0: i32, %arg1: i32, %arg2: memref<1250x128xf32, #tpu.memory_space<hbm>>, %arg3: memref<1250x128xi32, #tpu.memory_space<hbm>>, %arg4: memref<1250x128xi32, #tpu.memory_space<hbm>>, %arg5: memref<10000xf32, #tpu.memory_space<hbm>>, %arg6: memref<32x10000xf32, #tpu.memory_space<hbm>>, %arg7: memref<128xf32, #tpu.memory_space<vmem>>, %arg8: memref<128xi32, #tpu.memory_space<vmem>>, %arg9: memref<128xi32, #tpu.memory_space<vmem>>, %arg10: memref<10000xf32, #tpu.memory_space<vmem>>, %arg11: memref<10000xf32, #tpu.memory_space<vmem>>, %arg12: memref<16xf32, #tpu.memory_space<vmem>>) attributes {dimension_semantics = [#tpu.dimension_semantics<core_parallel>, #tpu.dimension_semantics<subcore_parallel>], iteration_bounds = array<i64: 2, 16>, scalar_prefetch = 0 : i64, scratch_operands = 6 : i64, tpu.core_type = #tpu.core_type<sc_vector_subcore>, window_params = [{transform_indices = #map}, {transform_indices = #map}, {transform_indices = #map}, {transform_indices = #map1}, {transform_indices = #map}]} {
    %mul3A = arith.constant 2 : i32
    %mul3A_0 = arith.muli %arg1, %mul3A : i32
    %add3A = arith.addi %mul3A_0, %arg0 : i32
    "tpu.region"() ({
      %run_scoped3A = tpu.sem_alloc : memref<!tpu.dma_semaphore, #tpu.memory_space<semaphore_mem>>
      tpu.enqueue_dma source(%arg5 : memref<10000xf32, #tpu.memory_space<hbm>>) target(%arg10 : memref<10000xf32, #tpu.memory_space<vmem>>) target_semaphore(%run_scoped3A : memref<!tpu.dma_semaphore, #tpu.memory_space<semaphore_mem>>)
      tpu.wait_dma2 semaphore(%run_scoped3A : memref<!tpu.dma_semaphore, #tpu.memory_space<semaphore_mem>>) src(%arg5 : memref<10000xf32, #tpu.memory_space<hbm>>) dst(%arg10 : memref<10000xf32, #tpu.memory_space<vmem>>)
      tpu.yield
    }) : () -> ()
    %broadcast_in_dim3A = arith.constant 0.000000e+00 : f32
    %broadcast_in_dim3A_1 = vector.broadcast %broadcast_in_dim3A : f32 to vector<16xf32>
    %swap3A = arith.constant 0 : index
    %swap3A_2 = tpu.vector_load %arg12[%swap3A] {strides = array<i32>} : memref<16xf32, #tpu.memory_space<vmem>>, vector<16xf32>,
    tpu.vector_store %arg12[%swap3A], %broadcast_in_dim3A_1 {strides = array<i32>} : memref<16xf32, #tpu.memory_space<vmem>>, vector<16xf32>,
    %scan3A = arith.constant 0 : i32
    %scan3A_3 = arith.constant 0 : i32
    %scan3A_4 = arith.constant 625 : i32
    %scan3A_5 = arith.addi %scan3A_3, %scan3A_4 : i32
    %scan3A_6 = arith.constant 1 : i32
    scf.for %scan3A_21 = %scan3A_3 to %scan3A_5 step %scan3A_6  : i32 {
      %get3A = arith.constant 0 : index
      %get3A_22 = tpu.vector_load %arg12[%get3A] {strides = array<i32>} : memref<16xf32, #tpu.memory_space<vmem>>, vector<16xf32>,
      %mul3A_23 = arith.constant 16 : i32
      %mul3A_24 = arith.muli %scan3A_21, %mul3A_23 : i32
      %swap3A_25 = arith.index_cast %mul3A_24 : i32 to index
      %swap3A_26 = tpu.vector_load %arg11[%swap3A_25] {strides = array<i32>} : memref<10000xf32, #tpu.memory_space<vmem>>, vector<16xf32>,
      tpu.vector_store %arg11[%swap3A_25], %get3A_22 {strides = array<i32>} : memref<10000xf32, #tpu.memory_space<vmem>>, vector<16xf32>,
    }
    %scan3A_7 = arith.constant 625 : i32
    %lt3A = arith.constant 2 : i32
    %lt3A_8 = arith.cmpi slt, %add3A, %lt3A : i32
    %jit3A = arith.constant 1 : i32
    %jit3A_9 = arith.constant 0 : i32
    %select_n3A = arith.select %lt3A_8, %jit3A, %jit3A_9 : i32
    %add3A_10 = arith.constant 39 : i32
    %add3A_11 = arith.addi %add3A_10, %select_n3A : i32
    %while3A = arith.constant 0 : i32
    %while3A_12 = arith.constant 0 : i32
    %while3A_13 = arith.subi %add3A_11, %while3A_12 : i32
    %while3A_14 = arith.addi %while3A_12, %while3A_13 : i32
    %while3A_15 = arith.constant 1 : i32
    %while3A_16 = arith.divsi %while3A_13, %while3A_15 : i32
    %while3A_17 = arith.muli %while3A_16, %while3A_15 : i32
    %while3A_18 = arith.addi %while3A_12, %while3A_17 : i32
    %while3A_19 = arith.constant 1 : i32
    scf.for %while3A_21 = %while3A_12 to %while3A_18 step %while3A_19  : i32 {
      %mul3A_22 = arith.constant 32 : i32
      %mul3A_23 = arith.muli %mul3A_22, %while3A_21 : i32
      %add3A_24 = arith.addi %add3A, %mul3A_23 : i32
      "tpu.region"() ({
        %run_scoped3A = tpu.sem_alloc : memref<!tpu.dma_semaphore, #tpu.memory_space<semaphore_mem>>
        %dma_start3A = arith.constant 0 : i32
        %dma_start3A_94 = tpu.memref_slice %arg2[%add3A_24, %dma_start3A] : memref<1250x128xf32, #tpu.memory_space<hbm>> -> memref<1x128xf32, #tpu.memory_space<hbm>>
        %dma_start3A_95 = tpu.memref_squeeze %dma_start3A_94 : memref<1x128xf32, #tpu.memory_space<hbm>> -> memref<128xf32, #tpu.memory_space<hbm>>
        %dma_start3A_96 = arith.constant 0 : i32
        %dma_start3A_97 = tpu.memref_slice %arg2[%add3A_24, %dma_start3A_96] : memref<1250x128xf32, #tpu.memory_space<hbm>> -> memref<1x128xf32, #tpu.memory_space<hbm>>
        %dma_start3A_98 = tpu.memref_squeeze %dma_start3A_97 : memref<1x128xf32, #tpu.memory_space<hbm>> -> memref<128xf32, #tpu.memory_space<hbm>>
        tpu.enqueue_dma source(%dma_start3A_98 : memref<128xf32, #tpu.memory_space<hbm>>) target(%arg7 : memref<128xf32, #tpu.memory_space<vmem>>) target_semaphore(%run_scoped3A : memref<!tpu.dma_semaphore, #tpu.memory_space<semaphore_mem>>)
        %dma_wait3A = arith.constant 0 : i32
        %dma_wait3A_99 = tpu.memref_slice %arg2[%add3A_24, %dma_wait3A] : memref<1250x128xf32, #tpu.memory_space<hbm>> -> memref<1x128xf32, #tpu.memory_space<hbm>>
        %dma_wait3A_100 = tpu.memref_squeeze %dma_wait3A_99 : memref<1x128xf32, #tpu.memory_space<hbm>> -> memref<128xf32, #tpu.memory_space<hbm>>
        %dma_wait3A_101 = arith.constant 0 : i32
        %dma_wait3A_102 = tpu.memref_slice %arg2[%add3A_24, %dma_wait3A_101] : memref<1250x128xf32, #tpu.memory_space<hbm>> -> memref<1x128xf32, #tpu.memory_space<hbm>>
        %dma_wait3A_103 = tpu.memref_squeeze %dma_wait3A_102 : memref<1x128xf32, #tpu.memory_space<hbm>> -> memref<128xf32, #tpu.memory_space<hbm>>
        tpu.wait_dma2 semaphore(%run_scoped3A : memref<!tpu.dma_semaphore, #tpu.memory_space<semaphore_mem>>) src(%dma_wait3A_103 : memref<128xf32, #tpu.memory_space<hbm>>) dst(%arg7 : memref<128xf32, #tpu.memory_space<vmem>>)
        tpu.yield
      }) : () -> ()
      "tpu.region"() ({
        %run_scoped3A = tpu.sem_alloc : memref<!tpu.dma_semaphore, #tpu.memory_space<semaphore_mem>>
        %dma_start3A = arith.constant 0 : i32
        %dma_start3A_94 = tpu.memref_slice %arg3[%add3A_24, %dma_start3A] : memref<1250x128xi32, #tpu.memory_space<hbm>> -> memref<1x128xi32, #tpu.memory_space<hbm>>
        %dma_start3A_95 = tpu.memref_squeeze %dma_start3A_94 : memref<1x128xi32, #tpu.memory_space<hbm>> -> memref<128xi32, #tpu.memory_space<hbm>>
        %dma_start3A_96 = arith.constant 0 : i32
        %dma_start3A_97 = tpu.memref_slice %arg3[%add3A_24, %dma_start3A_96] : memref<1250x128xi32, #tpu.memory_space<hbm>> -> memref<1x128xi32, #tpu.memory_space<hbm>>
        %dma_start3A_98 = tpu.memref_squeeze %dma_start3A_97 : memref<1x128xi32, #tpu.memory_space<hbm>> -> memref<128xi32, #tpu.memory_space<hbm>>
        tpu.enqueue_dma source(%dma_start3A_98 : memref<128xi32, #tpu.memory_space<hbm>>) target(%arg8 : memref<128xi32, #tpu.memory_space<vmem>>) target_semaphore(%run_scoped3A : memref<!tpu.dma_semaphore, #tpu.memory_space<semaphore_mem>>)
        %dma_wait3A = arith.constant 0 : i32
        %dma_wait3A_99 = tpu.memref_slice %arg3[%add3A_24, %dma_wait3A] : memref<1250x128xi32, #tpu.memory_space<hbm>> -> memref<1x128xi32, #tpu.memory_space<hbm>>
        %dma_wait3A_100 = tpu.memref_squeeze %dma_wait3A_99 : memref<1x128xi32, #tpu.memory_space<hbm>> -> memref<128xi32, #tpu.memory_space<hbm>>
        %dma_wait3A_101 = arith.constant 0 : i32
        %dma_wait3A_102 = tpu.memref_slice %arg3[%add3A_24, %dma_wait3A_101] : memref<1250x128xi32, #tpu.memory_space<hbm>> -> memref<1x128xi32, #tpu.memory_space<hbm>>
        %dma_wait3A_103 = tpu.memref_squeeze %dma_wait3A_102 : memref<1x128xi32, #tpu.memory_space<hbm>> -> memref<128xi32, #tpu.memory_space<hbm>>
        tpu.wait_dma2 semaphore(%run_scoped3A : memref<!tpu.dma_semaphore, #tpu.memory_space<semaphore_mem>>) src(%dma_wait3A_103 : memref<128xi32, #tpu.memory_space<hbm>>) dst(%arg8 : memref<128xi32, #tpu.memory_space<vmem>>)
        tpu.yield
      }) : () -> ()
      "tpu.region"() ({
        %run_scoped3A = tpu.sem_alloc : memref<!tpu.dma_semaphore, #tpu.memory_space<semaphore_mem>>
        %dma_start3A = arith.constant 0 : i32
        %dma_start3A_94 = tpu.memref_slice %arg4[%add3A_24, %dma_start3A] : memref<1250x128xi32, #tpu.memory_space<hbm>> -> memref<1x128xi32, #tpu.memory_space<hbm>>
        %dma_start3A_95 = tpu.memref_squeeze %dma_start3A_94 : memref<1x128xi32, #tpu.memory_space<hbm>> -> memref<128xi32, #tpu.memory_space<hbm>>
        %dma_start3A_96 = arith.constant 0 : i32
        %dma_start3A_97 = tpu.memref_slice %arg4[%add3A_24, %dma_start3A_96] : memref<1250x128xi32, #tpu.memory_space<hbm>> -> memref<1x128xi32, #tpu.memory_space<hbm>>
        %dma_start3A_98 = tpu.memref_squeeze %dma_start3A_97 : memref<1x128xi32, #tpu.memory_space<hbm>> -> memref<128xi32, #tpu.memory_space<hbm>>
        tpu.enqueue_dma source(%dma_start3A_98 : memref<128xi32, #tpu.memory_space<hbm>>) target(%arg9 : memref<128xi32, #tpu.memory_space<vmem>>) target_semaphore(%run_scoped3A : memref<!tpu.dma_semaphore, #tpu.memory_space<semaphore_mem>>)
        %dma_wait3A = arith.constant 0 : i32
        %dma_wait3A_99 = tpu.memref_slice %arg4[%add3A_24, %dma_wait3A] : memref<1250x128xi32, #tpu.memory_space<hbm>> -> memref<1x128xi32, #tpu.memory_space<hbm>>
        %dma_wait3A_100 = tpu.memref_squeeze %dma_wait3A_99 : memref<1x128xi32, #tpu.memory_space<hbm>> -> memref<128xi32, #tpu.memory_space<hbm>>
        %dma_wait3A_101 = arith.constant 0 : i32
        %dma_wait3A_102 = tpu.memref_slice %arg4[%add3A_24, %dma_wait3A_101] : memref<1250x128xi32, #tpu.memory_space<hbm>> -> memref<1x128xi32, #tpu.memory_space<hbm>>
        %dma_wait3A_103 = tpu.memref_squeeze %dma_wait3A_102 : memref<1x128xi32, #tpu.memory_space<hbm>> -> memref<128xi32, #tpu.memory_space<hbm>>
        tpu.wait_dma2 semaphore(%run_scoped3A : memref<!tpu.dma_semaphore, #tpu.memory_space<semaphore_mem>>) src(%dma_wait3A_103 : memref<128xi32, #tpu.memory_space<hbm>>) dst(%arg9 : memref<128xi32, #tpu.memory_space<vmem>>)
        tpu.yield
      }) : () -> ()
      %get3A = arith.constant 0 : index
      %get3A_25 = tpu.vector_load %arg9[%get3A] {strides = array<i32>} : memref<128xi32, #tpu.memory_space<vmem>>, vector<16xi32>,
      %gather3A = tpu.vector_load_idx %arg10[%get3A_25] : memref<10000xf32, #tpu.memory_space<vmem>>[vector<16xi32>], vector<16xf32>,
      %get3A_26 = arith.constant 0 : index
      %get3A_27 = tpu.vector_load %arg7[%get3A_26] {strides = array<i32>} : memref<128xf32, #tpu.memory_space<vmem>>, vector<16xf32>,
      %exp3A = math.exp %get3A_27 : vector<16xf32>
      %mul3A_28 = arith.mulf %gather3A, %exp3A : vector<16xf32>
      %get3A_29 = arith.constant 0 : index
      %get3A_30 = tpu.vector_load %arg8[%get3A_29] {strides = array<i32>} : memref<128xi32, #tpu.memory_space<vmem>>, vector<16xi32>,
      tpu.vector_store_idx %arg11[%get3A_30], %mul3A_28 {add = true} : memref<10000xf32, #tpu.memory_space<vmem>>[vector<16xi32>], vector<16xf32>,
      %get3A_31 = arith.constant 16 : index
      %get3A_32 = tpu.vector_load %arg9[%get3A_31] {strides = array<i32>} : memref<128xi32, #tpu.memory_space<vmem>>, vector<16xi32>,
      %gather3A_33 = tpu.vector_load_idx %arg10[%get3A_32] : memref<10000xf32, #tpu.memory_space<vmem>>[vector<16xi32>], vector<16xf32>,
      %get3A_34 = arith.constant 16 : index
      %get3A_35 = tpu.vector_load %arg7[%get3A_34] {strides = array<i32>} : memref<128xf32, #tpu.memory_space<vmem>>, vector<16xf32>,
      %exp3A_36 = math.exp %get3A_35 : vector<16xf32>
      %mul3A_37 = arith.mulf %gather3A_33, %exp3A_36 : vector<16xf32>
      %get3A_38 = arith.constant 16 : index
      %get3A_39 = tpu.vector_load %arg8[%get3A_38] {strides = array<i32>} : memref<128xi32, #tpu.memory_space<vmem>>, vector<16xi32>,
      tpu.vector_store_idx %arg11[%get3A_39], %mul3A_37 {add = true} : memref<10000xf32, #tpu.memory_space<vmem>>[vector<16xi32>], vector<16xf32>,
      %get3A_40 = arith.constant 32 : index
      %get3A_41 = tpu.vector_load %arg9[%get3A_40] {strides = array<i32>} : memref<128xi32, #tpu.memory_space<vmem>>, vector<16xi32>,
      %gather3A_42 = tpu.vector_load_idx %arg10[%get3A_41] : memref<10000xf32, #tpu.memory_space<vmem>>[vector<16xi32>], vector<16xf32>,
      %get3A_43 = arith.constant 32 : index
      %get3A_44 = tpu.vector_load %arg7[%get3A_43] {strides = array<i32>} : memref<128xf32, #tpu.memory_space<vmem>>, vector<16xf32>,
      %exp3A_45 = math.exp %get3A_44 : vector<16xf32>
      %mul3A_46 = arith.mulf %gather3A_42, %exp3A_45 : vector<16xf32>
      %get3A_47 = arith.constant 32 : index
      %get3A_48 = tpu.vector_load %arg8[%get3A_47] {strides = array<i32>} : memref<128xi32, #tpu.memory_space<vmem>>, vector<16xi32>,
      tpu.vector_store_idx %arg11[%get3A_48], %mul3A_46 {add = true} : memref<10000xf32, #tpu.memory_space<vmem>>[vector<16xi32>], vector<16xf32>,
      %get3A_49 = arith.constant 48 : index
      %get3A_50 = tpu.vector_load %arg9[%get3A_49] {strides = array<i32>} : memref<128xi32, #tpu.memory_space<vmem>>, vector<16xi32>,
      %gather3A_51 = tpu.vector_load_idx %arg10[%get3A_50] : memref<10000xf32, #tpu.memory_space<vmem>>[vector<16xi32>], vector<16xf32>,
      %get3A_52 = arith.constant 48 : index
      %get3A_53 = tpu.vector_load %arg7[%get3A_52] {strides = array<i32>} : memref<128xf32, #tpu.memory_space<vmem>>, vector<16xf32>,
      %exp3A_54 = math.exp %get3A_53 : vector<16xf32>
      %mul3A_55 = arith.mulf %gather3A_51, %exp3A_54 : vector<16xf32>
      %get3A_56 = arith.constant 48 : index
      %get3A_57 = tpu.vector_load %arg8[%get3A_56] {strides = array<i32>} : memref<128xi32, #tpu.memory_space<vmem>>, vector<16xi32>,
      tpu.vector_store_idx %arg11[%get3A_57], %mul3A_55 {add = true} : memref<10000xf32, #tpu.memory_space<vmem>>[vector<16xi32>], vector<16xf32>,
      %get3A_58 = arith.constant 64 : index
      %get3A_59 = tpu.vector_load %arg9[%get3A_58] {strides = array<i32>} : memref<128xi32, #tpu.memory_space<vmem>>, vector<16xi32>,
      %gather3A_60 = tpu.vector_load_idx %arg10[%get3A_59] : memref<10000xf32, #tpu.memory_space<vmem>>[vector<16xi32>], vector<16xf32>,
      %get3A_61 = arith.constant 64 : index
      %get3A_62 = tpu.vector_load %arg7[%get3A_61] {strides = array<i32>} : memref<128xf32, #tpu.memory_space<vmem>>, vector<16xf32>,
      %exp3A_63 = math.exp %get3A_62 : vector<16xf32>
      %mul3A_64 = arith.mulf %gather3A_60, %exp3A_63 : vector<16xf32>
      %get3A_65 = arith.constant 64 : index
      %get3A_66 = tpu.vector_load %arg8[%get3A_65] {strides = array<i32>} : memref<128xi32, #tpu.memory_space<vmem>>, vector<16xi32>,
      tpu.vector_store_idx %arg11[%get3A_66], %mul3A_64 {add = true} : memref<10000xf32, #tpu.memory_space<vmem>>[vector<16xi32>], vector<16xf32>,
      %get3A_67 = arith.constant 80 : index
      %get3A_68 = tpu.vector_load %arg9[%get3A_67] {strides = array<i32>} : memref<128xi32, #tpu.memory_space<vmem>>, vector<16xi32>,
      %gather3A_69 = tpu.vector_load_idx %arg10[%get3A_68] : memref<10000xf32, #tpu.memory_space<vmem>>[vector<16xi32>], vector<16xf32>,
      %get3A_70 = arith.constant 80 : index
      %get3A_71 = tpu.vector_load %arg7[%get3A_70] {strides = array<i32>} : memref<128xf32, #tpu.memory_space<vmem>>, vector<16xf32>,
      %exp3A_72 = math.exp %get3A_71 : vector<16xf32>
      %mul3A_73 = arith.mulf %gather3A_69, %exp3A_72 : vector<16xf32>
      %get3A_74 = arith.constant 80 : index
      %get3A_75 = tpu.vector_load %arg8[%get3A_74] {strides = array<i32>} : memref<128xi32, #tpu.memory_space<vmem>>, vector<16xi32>,
      tpu.vector_store_idx %arg11[%get3A_75], %mul3A_73 {add = true} : memref<10000xf32, #tpu.memory_space<vmem>>[vector<16xi32>], vector<16xf32>,
      %get3A_76 = arith.constant 96 : index
      %get3A_77 = tpu.vector_load %arg9[%get3A_76] {strides = array<i32>} : memref<128xi32, #tpu.memory_space<vmem>>, vector<16xi32>,
      %gather3A_78 = tpu.vector_load_idx %arg10[%get3A_77] : memref<10000xf32, #tpu.memory_space<vmem>>[vector<16xi32>], vector<16xf32>,
      %get3A_79 = arith.constant 96 : index
      %get3A_80 = tpu.vector_load %arg7[%get3A_79] {strides = array<i32>} : memref<128xf32, #tpu.memory_space<vmem>>, vector<16xf32>,
      %exp3A_81 = math.exp %get3A_80 : vector<16xf32>
      %mul3A_82 = arith.mulf %gather3A_78, %exp3A_81 : vector<16xf32>
      %get3A_83 = arith.constant 96 : index
      %get3A_84 = tpu.vector_load %arg8[%get3A_83] {strides = array<i32>} : memref<128xi32, #tpu.memory_space<vmem>>, vector<16xi32>,
      tpu.vector_store_idx %arg11[%get3A_84], %mul3A_82 {add = true} : memref<10000xf32, #tpu.memory_space<vmem>>[vector<16xi32>], vector<16xf32>,
      %get3A_85 = arith.constant 112 : index
      %get3A_86 = tpu.vector_load %arg9[%get3A_85] {strides = array<i32>} : memref<128xi32, #tpu.memory_space<vmem>>, vector<16xi32>,
      %gather3A_87 = tpu.vector_load_idx %arg10[%get3A_86] : memref<10000xf32, #tpu.memory_space<vmem>>[vector<16xi32>], vector<16xf32>,
      %get3A_88 = arith.constant 112 : index
      %get3A_89 = tpu.vector_load %arg7[%get3A_88] {strides = array<i32>} : memref<128xf32, #tpu.memory_space<vmem>>, vector<16xf32>,
      %exp3A_90 = math.exp %get3A_89 : vector<16xf32>
      %mul3A_91 = arith.mulf %gather3A_87, %exp3A_90 : vector<16xf32>
      %get3A_92 = arith.constant 112 : index
      %get3A_93 = tpu.vector_load %arg8[%get3A_92] {strides = array<i32>} : memref<128xi32, #tpu.memory_space<vmem>>, vector<16xi32>,
      tpu.vector_store_idx %arg11[%get3A_93], %mul3A_91 {add = true} : memref<10000xf32, #tpu.memory_space<vmem>>[vector<16xi32>], vector<16xf32>,
    }
    %while3A_20 = arith.constant 1 : i32
    scf.for %while3A_21 = %while3A_18 to %while3A_14 step %while3A_20  : i32 {
      %mul3A_22 = arith.constant 32 : i32
      %mul3A_23 = arith.muli %mul3A_22, %while3A_21 : i32
      %add3A_24 = arith.addi %add3A, %mul3A_23 : i32
      "tpu.region"() ({
        %run_scoped3A = tpu.sem_alloc : memref<!tpu.dma_semaphore, #tpu.memory_space<semaphore_mem>>
        %dma_start3A = arith.constant 0 : i32
        %dma_start3A_94 = tpu.memref_slice %arg2[%add3A_24, %dma_start3A] : memref<1250x128xf32, #tpu.memory_space<hbm>> -> memref<1x128xf32, #tpu.memory_space<hbm>>
        %dma_start3A_95 = tpu.memref_squeeze %dma_start3A_94 : memref<1x128xf32, #tpu.memory_space<hbm>> -> memref<128xf32, #tpu.memory_space<hbm>>
        %dma_start3A_96 = arith.constant 0 : i32
        %dma_start3A_97 = tpu.memref_slice %arg2[%add3A_24, %dma_start3A_96] : memref<1250x128xf32, #tpu.memory_space<hbm>> -> memref<1x128xf32, #tpu.memory_space<hbm>>
        %dma_start3A_98 = tpu.memref_squeeze %dma_start3A_97 : memref<1x128xf32, #tpu.memory_space<hbm>> -> memref<128xf32, #tpu.memory_space<hbm>>
        tpu.enqueue_dma source(%dma_start3A_98 : memref<128xf32, #tpu.memory_space<hbm>>) target(%arg7 : memref<128xf32, #tpu.memory_space<vmem>>) target_semaphore(%run_scoped3A : memref<!tpu.dma_semaphore, #tpu.memory_space<semaphore_mem>>)
        %dma_wait3A = arith.constant 0 : i32
        %dma_wait3A_99 = tpu.memref_slice %arg2[%add3A_24, %dma_wait3A] : memref<1250x128xf32, #tpu.memory_space<hbm>> -> memref<1x128xf32, #tpu.memory_space<hbm>>
        %dma_wait3A_100 = tpu.memref_squeeze %dma_wait3A_99 : memref<1x128xf32, #tpu.memory_space<hbm>> -> memref<128xf32, #tpu.memory_space<hbm>>
        %dma_wait3A_101 = arith.constant 0 : i32
        %dma_wait3A_102 = tpu.memref_slice %arg2[%add3A_24, %dma_wait3A_101] : memref<1250x128xf32, #tpu.memory_space<hbm>> -> memref<1x128xf32, #tpu.memory_space<hbm>>
        %dma_wait3A_103 = tpu.memref_squeeze %dma_wait3A_102 : memref<1x128xf32, #tpu.memory_space<hbm>> -> memref<128xf32, #tpu.memory_space<hbm>>
        tpu.wait_dma2 semaphore(%run_scoped3A : memref<!tpu.dma_semaphore, #tpu.memory_space<semaphore_mem>>) src(%dma_wait3A_103 : memref<128xf32, #tpu.memory_space<hbm>>) dst(%arg7 : memref<128xf32, #tpu.memory_space<vmem>>)
        tpu.yield
      }) : () -> ()
      "tpu.region"() ({
        %run_scoped3A = tpu.sem_alloc : memref<!tpu.dma_semaphore, #tpu.memory_space<semaphore_mem>>
        %dma_start3A = arith.constant 0 : i32
        %dma_start3A_94 = tpu.memref_slice %arg3[%add3A_24, %dma_start3A] : memref<1250x128xi32, #tpu.memory_space<hbm>> -> memref<1x128xi32, #tpu.memory_space<hbm>>
        %dma_start3A_95 = tpu.memref_squeeze %dma_start3A_94 : memref<1x128xi32, #tpu.memory_space<hbm>> -> memref<128xi32, #tpu.memory_space<hbm>>
        %dma_start3A_96 = arith.constant 0 : i32
        %dma_start3A_97 = tpu.memref_slice %arg3[%add3A_24, %dma_start3A_96] : memref<1250x128xi32, #tpu.memory_space<hbm>> -> memref<1x128xi32, #tpu.memory_space<hbm>>
        %dma_start3A_98 = tpu.memref_squeeze %dma_start3A_97 : memref<1x128xi32, #tpu.memory_space<hbm>> -> memref<128xi32, #tpu.memory_space<hbm>>
        tpu.enqueue_dma source(%dma_start3A_98 : memref<128xi32, #tpu.memory_space<hbm>>) target(%arg8 : memref<128xi32, #tpu.memory_space<vmem>>) target_semaphore(%run_scoped3A : memref<!tpu.dma_semaphore, #tpu.memory_space<semaphore_mem>>)
        %dma_wait3A = arith.constant 0 : i32
        %dma_wait3A_99 = tpu.memref_slice %arg3[%add3A_24, %dma_wait3A] : memref<1250x128xi32, #tpu.memory_space<hbm>> -> memref<1x128xi32, #tpu.memory_space<hbm>>
        %dma_wait3A_100 = tpu.memref_squeeze %dma_wait3A_99 : memref<1x128xi32, #tpu.memory_space<hbm>> -> memref<128xi32, #tpu.memory_space<hbm>>
        %dma_wait3A_101 = arith.constant 0 : i32
        %dma_wait3A_102 = tpu.memref_slice %arg3[%add3A_24, %dma_wait3A_101] : memref<1250x128xi32, #tpu.memory_space<hbm>> -> memref<1x128xi32, #tpu.memory_space<hbm>>
        %dma_wait3A_103 = tpu.memref_squeeze %dma_wait3A_102 : memref<1x128xi32, #tpu.memory_space<hbm>> -> memref<128xi32, #tpu.memory_space<hbm>>
        tpu.wait_dma2 semaphore(%run_scoped3A : memref<!tpu.dma_semaphore, #tpu.memory_space<semaphore_mem>>) src(%dma_wait3A_103 : memref<128xi32, #tpu.memory_space<hbm>>) dst(%arg8 : memref<128xi32, #tpu.memory_space<vmem>>)
        tpu.yield
      }) : () -> ()
      "tpu.region"() ({
        %run_scoped3A = tpu.sem_alloc : memref<!tpu.dma_semaphore, #tpu.memory_space<semaphore_mem>>
        %dma_start3A = arith.constant 0 : i32
        %dma_start3A_94 = tpu.memref_slice %arg4[%add3A_24, %dma_start3A] : memref<1250x128xi32, #tpu.memory_space<hbm>> -> memref<1x128xi32, #tpu.memory_space<hbm>>
        %dma_start3A_95 = tpu.memref_squeeze %dma_start3A_94 : memref<1x128xi32, #tpu.memory_space<hbm>> -> memref<128xi32, #tpu.memory_space<hbm>>
        %dma_start3A_96 = arith.constant 0 : i32
        %dma_start3A_97 = tpu.memref_slice %arg4[%add3A_24, %dma_start3A_96] : memref<1250x128xi32, #tpu.memory_space<hbm>> -> memref<1x128xi32, #tpu.memory_space<hbm>>
        %dma_start3A_98 = tpu.memref_squeeze %dma_start3A_97 : memref<1x128xi32, #tpu.memory_space<hbm>> -> memref<128xi32, #tpu.memory_space<hbm>>
        tpu.enqueue_dma source(%dma_start3A_98 : memref<128xi32, #tpu.memory_space<hbm>>) target(%arg9 : memref<128xi32, #tpu.memory_space<vmem>>) target_semaphore(%run_scoped3A : memref<!tpu.dma_semaphore, #tpu.memory_space<semaphore_mem>>)
        %dma_wait3A = arith.constant 0 : i32
        %dma_wait3A_99 = tpu.memref_slice %arg4[%add3A_24, %dma_wait3A] : memref<1250x128xi32, #tpu.memory_space<hbm>> -> memref<1x128xi32, #tpu.memory_space<hbm>>
        %dma_wait3A_100 = tpu.memref_squeeze %dma_wait3A_99 : memref<1x128xi32, #tpu.memory_space<hbm>> -> memref<128xi32, #tpu.memory_space<hbm>>
        %dma_wait3A_101 = arith.constant 0 : i32
        %dma_wait3A_102 = tpu.memref_slice %arg4[%add3A_24, %dma_wait3A_101] : memref<1250x128xi32, #tpu.memory_space<hbm>> -> memref<1x128xi32, #tpu.memory_space<hbm>>
        %dma_wait3A_103 = tpu.memref_squeeze %dma_wait3A_102 : memref<1x128xi32, #tpu.memory_space<hbm>> -> memref<128xi32, #tpu.memory_space<hbm>>
        tpu.wait_dma2 semaphore(%run_scoped3A : memref<!tpu.dma_semaphore, #tpu.memory_space<semaphore_mem>>) src(%dma_wait3A_103 : memref<128xi32, #tpu.memory_space<hbm>>) dst(%arg9 : memref<128xi32, #tpu.memory_space<vmem>>)
        tpu.yield
      }) : () -> ()
      %get3A = arith.constant 0 : index
      %get3A_25 = tpu.vector_load %arg9[%get3A] {strides = array<i32>} : memref<128xi32, #tpu.memory_space<vmem>>, vector<16xi32>,
      %gather3A = tpu.vector_load_idx %arg10[%get3A_25] : memref<10000xf32, #tpu.memory_space<vmem>>[vector<16xi32>], vector<16xf32>,
      %get3A_26 = arith.constant 0 : index
      %get3A_27 = tpu.vector_load %arg7[%get3A_26] {strides = array<i32>} : memref<128xf32, #tpu.memory_space<vmem>>, vector<16xf32>,
      %exp3A = math.exp %get3A_27 : vector<16xf32>
      %mul3A_28 = arith.mulf %gather3A, %exp3A : vector<16xf32>
      %get3A_29 = arith.constant 0 : index
      %get3A_30 = tpu.vector_load %arg8[%get3A_29] {strides = array<i32>} : memref<128xi32, #tpu.memory_space<vmem>>, vector<16xi32>,
      tpu.vector_store_idx %arg11[%get3A_30], %mul3A_28 {add = true} : memref<10000xf32, #tpu.memory_space<vmem>>[vector<16xi32>], vector<16xf32>,
      %get3A_31 = arith.constant 16 : index
      %get3A_32 = tpu.vector_load %arg9[%get3A_31] {strides = array<i32>} : memref<128xi32, #tpu.memory_space<vmem>>, vector<16xi32>,
      %gather3A_33 = tpu.vector_load_idx %arg10[%get3A_32] : memref<10000xf32, #tpu.memory_space<vmem>>[vector<16xi32>], vector<16xf32>,
      %get3A_34 = arith.constant 16 : index
      %get3A_35 = tpu.vector_load %arg7[%get3A_34] {strides = array<i32>} : memref<128xf32, #tpu.memory_space<vmem>>, vector<16xf32>,
      %exp3A_36 = math.exp %get3A_35 : vector<16xf32>
      %mul3A_37 = arith.mulf %gather3A_33, %exp3A_36 : vector<16xf32>
      %get3A_38 = arith.constant 16 : index
      %get3A_39 = tpu.vector_load %arg8[%get3A_38] {strides = array<i32>} : memref<128xi32, #tpu.memory_space<vmem>>, vector<16xi32>,
      tpu.vector_store_idx %arg11[%get3A_39], %mul3A_37 {add = true} : memref<10000xf32, #tpu.memory_space<vmem>>[vector<16xi32>], vector<16xf32>,
      %get3A_40 = arith.constant 32 : index
      %get3A_41 = tpu.vector_load %arg9[%get3A_40] {strides = array<i32>} : memref<128xi32, #tpu.memory_space<vmem>>, vector<16xi32>,
      %gather3A_42 = tpu.vector_load_idx %arg10[%get3A_41] : memref<10000xf32, #tpu.memory_space<vmem>>[vector<16xi32>], vector<16xf32>,
      %get3A_43 = arith.constant 32 : index
      %get3A_44 = tpu.vector_load %arg7[%get3A_43] {strides = array<i32>} : memref<128xf32, #tpu.memory_space<vmem>>, vector<16xf32>,
      %exp3A_45 = math.exp %get3A_44 : vector<16xf32>
      %mul3A_46 = arith.mulf %gather3A_42, %exp3A_45 : vector<16xf32>
      %get3A_47 = arith.constant 32 : index
      %get3A_48 = tpu.vector_load %arg8[%get3A_47] {strides = array<i32>} : memref<128xi32, #tpu.memory_space<vmem>>, vector<16xi32>,
      tpu.vector_store_idx %arg11[%get3A_48], %mul3A_46 {add = true} : memref<10000xf32, #tpu.memory_space<vmem>>[vector<16xi32>], vector<16xf32>,
      %get3A_49 = arith.constant 48 : index
      %get3A_50 = tpu.vector_load %arg9[%get3A_49] {strides = array<i32>} : memref<128xi32, #tpu.memory_space<vmem>>, vector<16xi32>,
      %gather3A_51 = tpu.vector_load_idx %arg10[%get3A_50] : memref<10000xf32, #tpu.memory_space<vmem>>[vector<16xi32>], vector<16xf32>,
      %get3A_52 = arith.constant 48 : index
      %get3A_53 = tpu.vector_load %arg7[%get3A_52] {strides = array<i32>} : memref<128xf32, #tpu.memory_space<vmem>>, vector<16xf32>,
      %exp3A_54 = math.exp %get3A_53 : vector<16xf32>
      %mul3A_55 = arith.mulf %gather3A_51, %exp3A_54 : vector<16xf32>
      %get3A_56 = arith.constant 48 : index
      %get3A_57 = tpu.vector_load %arg8[%get3A_56] {strides = array<i32>} : memref<128xi32, #tpu.memory_space<vmem>>, vector<16xi32>,
      tpu.vector_store_idx %arg11[%get3A_57], %mul3A_55 {add = true} : memref<10000xf32, #tpu.memory_space<vmem>>[vector<16xi32>], vector<16xf32>,
      %get3A_58 = arith.constant 64 : index
      %get3A_59 = tpu.vector_load %arg9[%get3A_58] {strides = array<i32>} : memref<128xi32, #tpu.memory_space<vmem>>, vector<16xi32>,
      %gather3A_60 = tpu.vector_load_idx %arg10[%get3A_59] : memref<10000xf32, #tpu.memory_space<vmem>>[vector<16xi32>], vector<16xf32>,
      %get3A_61 = arith.constant 64 : index
      %get3A_62 = tpu.vector_load %arg7[%get3A_61] {strides = array<i32>} : memref<128xf32, #tpu.memory_space<vmem>>, vector<16xf32>,
      %exp3A_63 = math.exp %get3A_62 : vector<16xf32>
      %mul3A_64 = arith.mulf %gather3A_60, %exp3A_63 : vector<16xf32>
      %get3A_65 = arith.constant 64 : index
      %get3A_66 = tpu.vector_load %arg8[%get3A_65] {strides = array<i32>} : memref<128xi32, #tpu.memory_space<vmem>>, vector<16xi32>,
      tpu.vector_store_idx %arg11[%get3A_66], %mul3A_64 {add = true} : memref<10000xf32, #tpu.memory_space<vmem>>[vector<16xi32>], vector<16xf32>,
      %get3A_67 = arith.constant 80 : index
      %get3A_68 = tpu.vector_load %arg9[%get3A_67] {strides = array<i32>} : memref<128xi32, #tpu.memory_space<vmem>>, vector<16xi32>,
      %gather3A_69 = tpu.vector_load_idx %arg10[%get3A_68] : memref<10000xf32, #tpu.memory_space<vmem>>[vector<16xi32>], vector<16xf32>,
      %get3A_70 = arith.constant 80 : index
      %get3A_71 = tpu.vector_load %arg7[%get3A_70] {strides = array<i32>} : memref<128xf32, #tpu.memory_space<vmem>>, vector<16xf32>,
      %exp3A_72 = math.exp %get3A_71 : vector<16xf32>
      %mul3A_73 = arith.mulf %gather3A_69, %exp3A_72 : vector<16xf32>
      %get3A_74 = arith.constant 80 : index
      %get3A_75 = tpu.vector_load %arg8[%get3A_74] {strides = array<i32>} : memref<128xi32, #tpu.memory_space<vmem>>, vector<16xi32>,
      tpu.vector_store_idx %arg11[%get3A_75], %mul3A_73 {add = true} : memref<10000xf32, #tpu.memory_space<vmem>>[vector<16xi32>], vector<16xf32>,
      %get3A_76 = arith.constant 96 : index
      %get3A_77 = tpu.vector_load %arg9[%get3A_76] {strides = array<i32>} : memref<128xi32, #tpu.memory_space<vmem>>, vector<16xi32>,
      %gather3A_78 = tpu.vector_load_idx %arg10[%get3A_77] : memref<10000xf32, #tpu.memory_space<vmem>>[vector<16xi32>], vector<16xf32>,
      %get3A_79 = arith.constant 96 : index
      %get3A_80 = tpu.vector_load %arg7[%get3A_79] {strides = array<i32>} : memref<128xf32, #tpu.memory_space<vmem>>, vector<16xf32>,
      %exp3A_81 = math.exp %get3A_80 : vector<16xf32>
      %mul3A_82 = arith.mulf %gather3A_78, %exp3A_81 : vector<16xf32>
      %get3A_83 = arith.constant 96 : index
      %get3A_84 = tpu.vector_load %arg8[%get3A_83] {strides = array<i32>} : memref<128xi32, #tpu.memory_space<vmem>>, vector<16xi32>,
      tpu.vector_store_idx %arg11[%get3A_84], %mul3A_82 {add = true} : memref<10000xf32, #tpu.memory_space<vmem>>[vector<16xi32>], vector<16xf32>,
      %get3A_85 = arith.constant 112 : index
      %get3A_86 = tpu.vector_load %arg9[%get3A_85] {strides = array<i32>} : memref<128xi32, #tpu.memory_space<vmem>>, vector<16xi32>,
      %gather3A_87 = tpu.vector_load_idx %arg10[%get3A_86] : memref<10000xf32, #tpu.memory_space<vmem>>[vector<16xi32>], vector<16xf32>,
      %get3A_88 = arith.constant 112 : index
      %get3A_89 = tpu.vector_load %arg7[%get3A_88] {strides = array<i32>} : memref<128xf32, #tpu.memory_space<vmem>>, vector<16xf32>,
      %exp3A_90 = math.exp %get3A_89 : vector<16xf32>
      %mul3A_91 = arith.mulf %gather3A_87, %exp3A_90 : vector<16xf32>
      %get3A_92 = arith.constant 112 : index
      %get3A_93 = tpu.vector_load %arg8[%get3A_92] {strides = array<i32>} : memref<128xi32, #tpu.memory_space<vmem>>, vector<16xi32>,
      tpu.vector_store_idx %arg11[%get3A_93], %mul3A_91 {add = true} : memref<10000xf32, #tpu.memory_space<vmem>>[vector<16xi32>], vector<16xf32>,
    }
    "tpu.region"() ({
      %run_scoped3A = tpu.sem_alloc : memref<!tpu.dma_semaphore, #tpu.memory_space<semaphore_mem>>
      %dma_start3A = arith.constant 0 : i32
      %dma_start3A_21 = tpu.memref_slice %arg6[%add3A, %dma_start3A] : memref<32x10000xf32, #tpu.memory_space<hbm>> -> memref<1x10000xf32, #tpu.memory_space<hbm>>
      %dma_start3A_22 = tpu.memref_squeeze %dma_start3A_21 : memref<1x10000xf32, #tpu.memory_space<hbm>> -> memref<10000xf32, #tpu.memory_space<hbm>>
      %dma_start3A_23 = arith.constant 0 : i32
      %dma_start3A_24 = tpu.memref_slice %arg6[%add3A, %dma_start3A_23] : memref<32x10000xf32, #tpu.memory_space<hbm>> -> memref<1x10000xf32, #tpu.memory_space<hbm>>
      %dma_start3A_25 = tpu.memref_squeeze %dma_start3A_24 : memref<1x10000xf32, #tpu.memory_space<hbm>> -> memref<10000xf32, #tpu.memory_space<hbm>>
      tpu.enqueue_dma source(%arg11 : memref<10000xf32, #tpu.memory_space<vmem>>) target(%dma_start3A_25 : memref<10000xf32, #tpu.memory_space<hbm>>) target_semaphore(%run_scoped3A : memref<!tpu.dma_semaphore, #tpu.memory_space<semaphore_mem>>)
      %dma_wait3A = arith.constant 0 : i32
      %dma_wait3A_26 = tpu.memref_slice %arg6[%add3A, %dma_wait3A] : memref<32x10000xf32, #tpu.memory_space<hbm>> -> memref<1x10000xf32, #tpu.memory_space<hbm>>
      %dma_wait3A_27 = tpu.memref_squeeze %dma_wait3A_26 : memref<1x10000xf32, #tpu.memory_space<hbm>> -> memref<10000xf32, #tpu.memory_space<hbm>>
      %dma_wait3A_28 = arith.constant 0 : i32
      %dma_wait3A_29 = tpu.memref_slice %arg6[%add3A, %dma_wait3A_28] : memref<32x10000xf32, #tpu.memory_space<hbm>> -> memref<1x10000xf32, #tpu.memory_space<hbm>>
      %dma_wait3A_30 = tpu.memref_squeeze %dma_wait3A_29 : memref<1x10000xf32, #tpu.memory_space<hbm>> -> memref<10000xf32, #tpu.memory_space<hbm>>
      tpu.wait_dma2 semaphore(%run_scoped3A : memref<!tpu.dma_semaphore, #tpu.memory_space<semaphore_mem>>) src(%arg11 : memref<10000xf32, #tpu.memory_space<vmem>>) dst(%dma_wait3A_30 : memref<10000xf32, #tpu.memory_space<hbm>>)
      tpu.yield
    }) : () -> ()
    return
  }
}

#map = affine_map<(d0, d1) -> (0, 0)>
#map1 = affine_map<(d0, d1) -> (0)>
module attributes {stable_mosaic.version = 14 : i64} {
  func.func @_seg_body(%arg0: i32, %arg1: i32, %arg2: memref<1250x128xf32, #tpu.memory_space<hbm>>, %arg3: memref<1250x128xi32, #tpu.memory_space<hbm>>, %arg4: memref<1250x128xi32, #tpu.memory_space<hbm>>, %arg5: memref<10000xf32, #tpu.memory_space<hbm>>, %arg6: memref<32x10000xf32, #tpu.memory_space<hbm>>, %arg7: memref<128xf32, #tpu.memory_space<vmem>>, %arg8: memref<128xi32, #tpu.memory_space<vmem>>, %arg9: memref<128xi32, #tpu.memory_space<vmem>>, %arg10: memref<10000xf32, #tpu.memory_space<vmem>>, %arg11: memref<10000xf32, #tpu.memory_space<vmem>>, %arg12: memref<16xf32, #tpu.memory_space<vmem>>) attributes {dimension_semantics = [#tpu.dimension_semantics<core_parallel>, #tpu.dimension_semantics<subcore_parallel>], iteration_bounds = array<i64: 2, 16>, scalar_prefetch = 0 : i64, scratch_operands = 6 : i64, tpu.core_type = #tpu.core_type<sc_vector_subcore>, window_params = [{transform_indices = #map}, {transform_indices = #map}, {transform_indices = #map}, {transform_indices = #map1}, {transform_indices = #map}]} {
    %mul3A = arith.constant 2 : i32
    %mul3A_0 = arith.muli %arg1, %mul3A : i32
    %add3A = arith.addi %mul3A_0, %arg0 : i32
    "tpu.region"() ({
      %run_scoped3A = tpu.sem_alloc : memref<!tpu.dma_semaphore, #tpu.memory_space<semaphore_mem>>
      tpu.enqueue_dma source(%arg5 : memref<10000xf32, #tpu.memory_space<hbm>>) target(%arg10 : memref<10000xf32, #tpu.memory_space<vmem>>) target_semaphore(%run_scoped3A : memref<!tpu.dma_semaphore, #tpu.memory_space<semaphore_mem>>)
      tpu.wait_dma2 semaphore(%run_scoped3A : memref<!tpu.dma_semaphore, #tpu.memory_space<semaphore_mem>>) src(%arg5 : memref<10000xf32, #tpu.memory_space<hbm>>) dst(%arg10 : memref<10000xf32, #tpu.memory_space<vmem>>)
      tpu.yield
    }) : () -> ()
    %broadcast_in_dim3A = arith.constant 0.000000e+00 : f32
    %broadcast_in_dim3A_1 = vector.broadcast %broadcast_in_dim3A : f32 to vector<16xf32>
    %swap3A = arith.constant 0 : index
    %swap3A_2 = tpu.vector_load %arg12[%swap3A] {strides = array<i32>} : memref<16xf32, #tpu.memory_space<vmem>>, vector<16xf32>,
    tpu.vector_store %arg12[%swap3A], %broadcast_in_dim3A_1 {strides = array<i32>} : memref<16xf32, #tpu.memory_space<vmem>>, vector<16xf32>,
    %scan3A = arith.constant 0 : i32
    %scan3A_3 = arith.constant 0 : i32
    %scan3A_4 = arith.constant 625 : i32
    %scan3A_5 = arith.addi %scan3A_3, %scan3A_4 : i32
    %scan3A_6 = arith.constant 1 : i32
    scf.for %scan3A_21 = %scan3A_3 to %scan3A_5 step %scan3A_6  : i32 {
      %get3A = arith.constant 0 : index
      %get3A_22 = tpu.vector_load %arg12[%get3A] {strides = array<i32>} : memref<16xf32, #tpu.memory_space<vmem>>, vector<16xf32>,
      %mul3A_23 = arith.constant 16 : i32
      %mul3A_24 = arith.muli %scan3A_21, %mul3A_23 : i32
      %swap3A_25 = arith.index_cast %mul3A_24 : i32 to index
      %swap3A_26 = tpu.vector_load %arg11[%swap3A_25] {strides = array<i32>} : memref<10000xf32, #tpu.memory_space<vmem>>, vector<16xf32>,
      tpu.vector_store %arg11[%swap3A_25], %get3A_22 {strides = array<i32>} : memref<10000xf32, #tpu.memory_space<vmem>>, vector<16xf32>,
    }
    %scan3A_7 = arith.constant 625 : i32
    %lt3A = arith.constant 2 : i32
    %lt3A_8 = arith.cmpi slt, %add3A, %lt3A : i32
    %jit3A = arith.constant 1 : i32
    %jit3A_9 = arith.constant 0 : i32
    %select_n3A = arith.select %lt3A_8, %jit3A, %jit3A_9 : i32
    %add3A_10 = arith.constant 39 : i32
    %add3A_11 = arith.addi %add3A_10, %select_n3A : i32
    %while3A = arith.constant 0 : i32
    %while3A_12 = arith.constant 0 : i32
    %while3A_13 = arith.subi %add3A_11, %while3A_12 : i32
    %while3A_14 = arith.addi %while3A_12, %while3A_13 : i32
    %while3A_15 = arith.constant 1 : i32
    %while3A_16 = arith.divsi %while3A_13, %while3A_15 : i32
    %while3A_17 = arith.muli %while3A_16, %while3A_15 : i32
    %while3A_18 = arith.addi %while3A_12, %while3A_17 : i32
    %while3A_19 = arith.constant 1 : i32
    scf.for %while3A_21 = %while3A_12 to %while3A_18 step %while3A_19  : i32 {
      %mul3A_22 = arith.constant 32 : i32
      %mul3A_23 = arith.muli %mul3A_22, %while3A_21 : i32
      %add3A_24 = arith.addi %add3A, %mul3A_23 : i32
      "tpu.region"() ({
        %run_scoped3A = tpu.sem_alloc : memref<!tpu.dma_semaphore, #tpu.memory_space<semaphore_mem>>
        %dma_start3A = arith.constant 0 : i32
        %dma_start3A_94 = tpu.memref_slice %arg2[%add3A_24, %dma_start3A] : memref<1250x128xf32, #tpu.memory_space<hbm>> -> memref<1x128xf32, #tpu.memory_space<hbm>>
        %dma_start3A_95 = tpu.memref_squeeze %dma_start3A_94 : memref<1x128xf32, #tpu.memory_space<hbm>> -> memref<128xf32, #tpu.memory_space<hbm>>
        %dma_start3A_96 = arith.constant 0 : i32
        %dma_start3A_97 = tpu.memref_slice %arg2[%add3A_24, %dma_start3A_96] : memref<1250x128xf32, #tpu.memory_space<hbm>> -> memref<1x128xf32, #tpu.memory_space<hbm>>
        %dma_start3A_98 = tpu.memref_squeeze %dma_start3A_97 : memref<1x128xf32, #tpu.memory_space<hbm>> -> memref<128xf32, #tpu.memory_space<hbm>>
        tpu.enqueue_dma source(%dma_start3A_98 : memref<128xf32, #tpu.memory_space<hbm>>) target(%arg7 : memref<128xf32, #tpu.memory_space<vmem>>) target_semaphore(%run_scoped3A : memref<!tpu.dma_semaphore, #tpu.memory_space<semaphore_mem>>)
        %dma_wait3A = arith.constant 0 : i32
        %dma_wait3A_99 = tpu.memref_slice %arg2[%add3A_24, %dma_wait3A] : memref<1250x128xf32, #tpu.memory_space<hbm>> -> memref<1x128xf32, #tpu.memory_space<hbm>>
        %dma_wait3A_100 = tpu.memref_squeeze %dma_wait3A_99 : memref<1x128xf32, #tpu.memory_space<hbm>> -> memref<128xf32, #tpu.memory_space<hbm>>
        %dma_wait3A_101 = arith.constant 0 : i32
        %dma_wait3A_102 = tpu.memref_slice %arg2[%add3A_24, %dma_wait3A_101] : memref<1250x128xf32, #tpu.memory_space<hbm>> -> memref<1x128xf32, #tpu.memory_space<hbm>>
        %dma_wait3A_103 = tpu.memref_squeeze %dma_wait3A_102 : memref<1x128xf32, #tpu.memory_space<hbm>> -> memref<128xf32, #tpu.memory_space<hbm>>
        tpu.wait_dma2 semaphore(%run_scoped3A : memref<!tpu.dma_semaphore, #tpu.memory_space<semaphore_mem>>) src(%dma_wait3A_103 : memref<128xf32, #tpu.memory_space<hbm>>) dst(%arg7 : memref<128xf32, #tpu.memory_space<vmem>>)
        tpu.yield
      }) : () -> ()
      "tpu.region"() ({
        %run_scoped3A = tpu.sem_alloc : memref<!tpu.dma_semaphore, #tpu.memory_space<semaphore_mem>>
        %dma_start3A = arith.constant 0 : i32
        %dma_start3A_94 = tpu.memref_slice %arg3[%add3A_24, %dma_start3A] : memref<1250x128xi32, #tpu.memory_space<hbm>> -> memref<1x128xi32, #tpu.memory_space<hbm>>
        %dma_start3A_95 = tpu.memref_squeeze %dma_start3A_94 : memref<1x128xi32, #tpu.memory_space<hbm>> -> memref<128xi32, #tpu.memory_space<hbm>>
        %dma_start3A_96 = arith.constant 0 : i32
        %dma_start3A_97 = tpu.memref_slice %arg3[%add3A_24, %dma_start3A_96] : memref<1250x128xi32, #tpu.memory_space<hbm>> -> memref<1x128xi32, #tpu.memory_space<hbm>>
        %dma_start3A_98 = tpu.memref_squeeze %dma_start3A_97 : memref<1x128xi32, #tpu.memory_space<hbm>> -> memref<128xi32, #tpu.memory_space<hbm>>
        tpu.enqueue_dma source(%dma_start3A_98 : memref<128xi32, #tpu.memory_space<hbm>>) target(%arg8 : memref<128xi32, #tpu.memory_space<vmem>>) target_semaphore(%run_scoped3A : memref<!tpu.dma_semaphore, #tpu.memory_space<semaphore_mem>>)
        %dma_wait3A = arith.constant 0 : i32
        %dma_wait3A_99 = tpu.memref_slice %arg3[%add3A_24, %dma_wait3A] : memref<1250x128xi32, #tpu.memory_space<hbm>> -> memref<1x128xi32, #tpu.memory_space<hbm>>
        %dma_wait3A_100 = tpu.memref_squeeze %dma_wait3A_99 : memref<1x128xi32, #tpu.memory_space<hbm>> -> memref<128xi32, #tpu.memory_space<hbm>>
        %dma_wait3A_101 = arith.constant 0 : i32
        %dma_wait3A_102 = tpu.memref_slice %arg3[%add3A_24, %dma_wait3A_101] : memref<1250x128xi32, #tpu.memory_space<hbm>> -> memref<1x128xi32, #tpu.memory_space<hbm>>
        %dma_wait3A_103 = tpu.memref_squeeze %dma_wait3A_102 : memref<1x128xi32, #tpu.memory_space<hbm>> -> memref<128xi32, #tpu.memory_space<hbm>>
        tpu.wait_dma2 semaphore(%run_scoped3A : memref<!tpu.dma_semaphore, #tpu.memory_space<semaphore_mem>>) src(%dma_wait3A_103 : memref<128xi32, #tpu.memory_space<hbm>>) dst(%arg8 : memref<128xi32, #tpu.memory_space<vmem>>)
        tpu.yield
      }) : () -> ()
      "tpu.region"() ({
        %run_scoped3A = tpu.sem_alloc : memref<!tpu.dma_semaphore, #tpu.memory_space<semaphore_mem>>
        %dma_start3A = arith.constant 0 : i32
        %dma_start3A_94 = tpu.memref_slice %arg4[%add3A_24, %dma_start3A] : memref<1250x128xi32, #tpu.memory_space<hbm>> -> memref<1x128xi32, #tpu.memory_space<hbm>>
        %dma_start3A_95 = tpu.memref_squeeze %dma_start3A_94 : memref<1x128xi32, #tpu.memory_space<hbm>> -> memref<128xi32, #tpu.memory_space<hbm>>
        %dma_start3A_96 = arith.constant 0 : i32
        %dma_start3A_97 = tpu.memref_slice %arg4[%add3A_24, %dma_start3A_96] : memref<1250x128xi32, #tpu.memory_space<hbm>> -> memref<1x128xi32, #tpu.memory_space<hbm>>
        %dma_start3A_98 = tpu.memref_squeeze %dma_start3A_97 : memref<1x128xi32, #tpu.memory_space<hbm>> -> memref<128xi32, #tpu.memory_space<hbm>>
        tpu.enqueue_dma source(%dma_start3A_98 : memref<128xi32, #tpu.memory_space<hbm>>) target(%arg9 : memref<128xi32, #tpu.memory_space<vmem>>) target_semaphore(%run_scoped3A : memref<!tpu.dma_semaphore, #tpu.memory_space<semaphore_mem>>)
        %dma_wait3A = arith.constant 0 : i32
        %dma_wait3A_99 = tpu.memref_slice %arg4[%add3A_24, %dma_wait3A] : memref<1250x128xi32, #tpu.memory_space<hbm>> -> memref<1x128xi32, #tpu.memory_space<hbm>>
        %dma_wait3A_100 = tpu.memref_squeeze %dma_wait3A_99 : memref<1x128xi32, #tpu.memory_space<hbm>> -> memref<128xi32, #tpu.memory_space<hbm>>
        %dma_wait3A_101 = arith.constant 0 : i32
        %dma_wait3A_102 = tpu.memref_slice %arg4[%add3A_24, %dma_wait3A_101] : memref<1250x128xi32, #tpu.memory_space<hbm>> -> memref<1x128xi32, #tpu.memory_space<hbm>>
        %dma_wait3A_103 = tpu.memref_squeeze %dma_wait3A_102 : memref<1x128xi32, #tpu.memory_space<hbm>> -> memref<128xi32, #tpu.memory_space<hbm>>
        tpu.wait_dma2 semaphore(%run_scoped3A : memref<!tpu.dma_semaphore, #tpu.memory_space<semaphore_mem>>) src(%dma_wait3A_103 : memref<128xi32, #tpu.memory_space<hbm>>) dst(%arg9 : memref<128xi32, #tpu.memory_space<vmem>>)
        tpu.yield
      }) : () -> ()
      %get3A = arith.constant 0 : index
      %get3A_25 = tpu.vector_load %arg9[%get3A] {strides = array<i32>} : memref<128xi32, #tpu.memory_space<vmem>>, vector<16xi32>,
      %gather3A = tpu.vector_load_idx %arg10[%get3A_25] : memref<10000xf32, #tpu.memory_space<vmem>>[vector<16xi32>], vector<16xf32>,
      %get3A_26 = arith.constant 0 : index
      %get3A_27 = tpu.vector_load %arg7[%get3A_26] {strides = array<i32>} : memref<128xf32, #tpu.memory_space<vmem>>, vector<16xf32>,
      %exp3A = math.exp %get3A_27 : vector<16xf32>
      %mul3A_28 = arith.mulf %gather3A, %exp3A : vector<16xf32>
      %get3A_29 = arith.constant 0 : index
      %get3A_30 = tpu.vector_load %arg8[%get3A_29] {strides = array<i32>} : memref<128xi32, #tpu.memory_space<vmem>>, vector<16xi32>,
      tpu.vector_store_idx %arg11[%get3A_30], %mul3A_28 {add = true} : memref<10000xf32, #tpu.memory_space<vmem>>[vector<16xi32>], vector<16xf32>,
      %get3A_31 = arith.constant 16 : index
      %get3A_32 = tpu.vector_load %arg9[%get3A_31] {strides = array<i32>} : memref<128xi32, #tpu.memory_space<vmem>>, vector<16xi32>,
      %gather3A_33 = tpu.vector_load_idx %arg10[%get3A_32] : memref<10000xf32, #tpu.memory_space<vmem>>[vector<16xi32>], vector<16xf32>,
      %get3A_34 = arith.constant 16 : index
      %get3A_35 = tpu.vector_load %arg7[%get3A_34] {strides = array<i32>} : memref<128xf32, #tpu.memory_space<vmem>>, vector<16xf32>,
      %exp3A_36 = math.exp %get3A_35 : vector<16xf32>
      %mul3A_37 = arith.mulf %gather3A_33, %exp3A_36 : vector<16xf32>
      %get3A_38 = arith.constant 16 : index
      %get3A_39 = tpu.vector_load %arg8[%get3A_38] {strides = array<i32>} : memref<128xi32, #tpu.memory_space<vmem>>, vector<16xi32>,
      tpu.vector_store_idx %arg11[%get3A_39], %mul3A_37 {add = true} : memref<10000xf32, #tpu.memory_space<vmem>>[vector<16xi32>], vector<16xf32>,
      %get3A_40 = arith.constant 32 : index
      %get3A_41 = tpu.vector_load %arg9[%get3A_40] {strides = array<i32>} : memref<128xi32, #tpu.memory_space<vmem>>, vector<16xi32>,
      %gather3A_42 = tpu.vector_load_idx %arg10[%get3A_41] : memref<10000xf32, #tpu.memory_space<vmem>>[vector<16xi32>], vector<16xf32>,
      %get3A_43 = arith.constant 32 : index
      %get3A_44 = tpu.vector_load %arg7[%get3A_43] {strides = array<i32>} : memref<128xf32, #tpu.memory_space<vmem>>, vector<16xf32>,
      %exp3A_45 = math.exp %get3A_44 : vector<16xf32>
      %mul3A_46 = arith.mulf %gather3A_42, %exp3A_45 : vector<16xf32>
      %get3A_47 = arith.constant 32 : index
      %get3A_48 = tpu.vector_load %arg8[%get3A_47] {strides = array<i32>} : memref<128xi32, #tpu.memory_space<vmem>>, vector<16xi32>,
      tpu.vector_store_idx %arg11[%get3A_48], %mul3A_46 {add = true} : memref<10000xf32, #tpu.memory_space<vmem>>[vector<16xi32>], vector<16xf32>,
      %get3A_49 = arith.constant 48 : index
      %get3A_50 = tpu.vector_load %arg9[%get3A_49] {strides = array<i32>} : memref<128xi32, #tpu.memory_space<vmem>>, vector<16xi32>,
      %gather3A_51 = tpu.vector_load_idx %arg10[%get3A_50] : memref<10000xf32, #tpu.memory_space<vmem>>[vector<16xi32>], vector<16xf32>,
      %get3A_52 = arith.constant 48 : index
      %get3A_53 = tpu.vector_load %arg7[%get3A_52] {strides = array<i32>} : memref<128xf32, #tpu.memory_space<vmem>>, vector<16xf32>,
      %exp3A_54 = math.exp %get3A_53 : vector<16xf32>
      %mul3A_55 = arith.mulf %gather3A_51, %exp3A_54 : vector<16xf32>
      %get3A_56 = arith.constant 48 : index
      %get3A_57 = tpu.vector_load %arg8[%get3A_56] {strides = array<i32>} : memref<128xi32, #tpu.memory_space<vmem>>, vector<16xi32>,
      tpu.vector_store_idx %arg11[%get3A_57], %mul3A_55 {add = true} : memref<10000xf32, #tpu.memory_space<vmem>>[vector<16xi32>], vector<16xf32>,
      %get3A_58 = arith.constant 64 : index
      %get3A_59 = tpu.vector_load %arg9[%get3A_58] {strides = array<i32>} : memref<128xi32, #tpu.memory_space<vmem>>, vector<16xi32>,
      %gather3A_60 = tpu.vector_load_idx %arg10[%get3A_59] : memref<10000xf32, #tpu.memory_space<vmem>>[vector<16xi32>], vector<16xf32>,
      %get3A_61 = arith.constant 64 : index
      %get3A_62 = tpu.vector_load %arg7[%get3A_61] {strides = array<i32>} : memref<128xf32, #tpu.memory_space<vmem>>, vector<16xf32>,
      %exp3A_63 = math.exp %get3A_62 : vector<16xf32>
      %mul3A_64 = arith.mulf %gather3A_60, %exp3A_63 : vector<16xf32>
      %get3A_65 = arith.constant 64 : index
      %get3A_66 = tpu.vector_load %arg8[%get3A_65] {strides = array<i32>} : memref<128xi32, #tpu.memory_space<vmem>>, vector<16xi32>,
      tpu.vector_store_idx %arg11[%get3A_66], %mul3A_64 {add = true} : memref<10000xf32, #tpu.memory_space<vmem>>[vector<16xi32>], vector<16xf32>,
      %get3A_67 = arith.constant 80 : index
      %get3A_68 = tpu.vector_load %arg9[%get3A_67] {strides = array<i32>} : memref<128xi32, #tpu.memory_space<vmem>>, vector<16xi32>,
      %gather3A_69 = tpu.vector_load_idx %arg10[%get3A_68] : memref<10000xf32, #tpu.memory_space<vmem>>[vector<16xi32>], vector<16xf32>,
      %get3A_70 = arith.constant 80 : index
      %get3A_71 = tpu.vector_load %arg7[%get3A_70] {strides = array<i32>} : memref<128xf32, #tpu.memory_space<vmem>>, vector<16xf32>,
      %exp3A_72 = math.exp %get3A_71 : vector<16xf32>
      %mul3A_73 = arith.mulf %gather3A_69, %exp3A_72 : vector<16xf32>
      %get3A_74 = arith.constant 80 : index
      %get3A_75 = tpu.vector_load %arg8[%get3A_74] {strides = array<i32>} : memref<128xi32, #tpu.memory_space<vmem>>, vector<16xi32>,
      tpu.vector_store_idx %arg11[%get3A_75], %mul3A_73 {add = true} : memref<10000xf32, #tpu.memory_space<vmem>>[vector<16xi32>], vector<16xf32>,
      %get3A_76 = arith.constant 96 : index
      %get3A_77 = tpu.vector_load %arg9[%get3A_76] {strides = array<i32>} : memref<128xi32, #tpu.memory_space<vmem>>, vector<16xi32>,
      %gather3A_78 = tpu.vector_load_idx %arg10[%get3A_77] : memref<10000xf32, #tpu.memory_space<vmem>>[vector<16xi32>], vector<16xf32>,
      %get3A_79 = arith.constant 96 : index
      %get3A_80 = tpu.vector_load %arg7[%get3A_79] {strides = array<i32>} : memref<128xf32, #tpu.memory_space<vmem>>, vector<16xf32>,
      %exp3A_81 = math.exp %get3A_80 : vector<16xf32>
      %mul3A_82 = arith.mulf %gather3A_78, %exp3A_81 : vector<16xf32>
      %get3A_83 = arith.constant 96 : index
      %get3A_84 = tpu.vector_load %arg8[%get3A_83] {strides = array<i32>} : memref<128xi32, #tpu.memory_space<vmem>>, vector<16xi32>,
      tpu.vector_store_idx %arg11[%get3A_84], %mul3A_82 {add = true} : memref<10000xf32, #tpu.memory_space<vmem>>[vector<16xi32>], vector<16xf32>,
      %get3A_85 = arith.constant 112 : index
      %get3A_86 = tpu.vector_load %arg9[%get3A_85] {strides = array<i32>} : memref<128xi32, #tpu.memory_space<vmem>>, vector<16xi32>,
      %gather3A_87 = tpu.vector_load_idx %arg10[%get3A_86] : memref<10000xf32, #tpu.memory_space<vmem>>[vector<16xi32>], vector<16xf32>,
      %get3A_88 = arith.constant 112 : index
      %get3A_89 = tpu.vector_load %arg7[%get3A_88] {strides = array<i32>} : memref<128xf32, #tpu.memory_space<vmem>>, vector<16xf32>,
      %exp3A_90 = math.exp %get3A_89 : vector<16xf32>
      %mul3A_91 = arith.mulf %gather3A_87, %exp3A_90 : vector<16xf32>
      %get3A_92 = arith.constant 112 : index
      %get3A_93 = tpu.vector_load %arg8[%get3A_92] {strides = array<i32>} : memref<128xi32, #tpu.memory_space<vmem>>, vector<16xi32>,
      tpu.vector_store_idx %arg11[%get3A_93], %mul3A_91 {add = true} : memref<10000xf32, #tpu.memory_space<vmem>>[vector<16xi32>], vector<16xf32>,
    }
    %while3A_20 = arith.constant 1 : i32
    scf.for %while3A_21 = %while3A_18 to %while3A_14 step %while3A_20  : i32 {
      %mul3A_22 = arith.constant 32 : i32
      %mul3A_23 = arith.muli %mul3A_22, %while3A_21 : i32
      %add3A_24 = arith.addi %add3A, %mul3A_23 : i32
      "tpu.region"() ({
        %run_scoped3A = tpu.sem_alloc : memref<!tpu.dma_semaphore, #tpu.memory_space<semaphore_mem>>
        %dma_start3A = arith.constant 0 : i32
        %dma_start3A_94 = tpu.memref_slice %arg2[%add3A_24, %dma_start3A] : memref<1250x128xf32, #tpu.memory_space<hbm>> -> memref<1x128xf32, #tpu.memory_space<hbm>>
        %dma_start3A_95 = tpu.memref_squeeze %dma_start3A_94 : memref<1x128xf32, #tpu.memory_space<hbm>> -> memref<128xf32, #tpu.memory_space<hbm>>
        %dma_start3A_96 = arith.constant 0 : i32
        %dma_start3A_97 = tpu.memref_slice %arg2[%add3A_24, %dma_start3A_96] : memref<1250x128xf32, #tpu.memory_space<hbm>> -> memref<1x128xf32, #tpu.memory_space<hbm>>
        %dma_start3A_98 = tpu.memref_squeeze %dma_start3A_97 : memref<1x128xf32, #tpu.memory_space<hbm>> -> memref<128xf32, #tpu.memory_space<hbm>>
        tpu.enqueue_dma source(%dma_start3A_98 : memref<128xf32, #tpu.memory_space<hbm>>) target(%arg7 : memref<128xf32, #tpu.memory_space<vmem>>) target_semaphore(%run_scoped3A : memref<!tpu.dma_semaphore, #tpu.memory_space<semaphore_mem>>)
        %dma_wait3A = arith.constant 0 : i32
        %dma_wait3A_99 = tpu.memref_slice %arg2[%add3A_24, %dma_wait3A] : memref<1250x128xf32, #tpu.memory_space<hbm>> -> memref<1x128xf32, #tpu.memory_space<hbm>>
        %dma_wait3A_100 = tpu.memref_squeeze %dma_wait3A_99 : memref<1x128xf32, #tpu.memory_space<hbm>> -> memref<128xf32, #tpu.memory_space<hbm>>
        %dma_wait3A_101 = arith.constant 0 : i32
        %dma_wait3A_102 = tpu.memref_slice %arg2[%add3A_24, %dma_wait3A_101] : memref<1250x128xf32, #tpu.memory_space<hbm>> -> memref<1x128xf32, #tpu.memory_space<hbm>>
        %dma_wait3A_103 = tpu.memref_squeeze %dma_wait3A_102 : memref<1x128xf32, #tpu.memory_space<hbm>> -> memref<128xf32, #tpu.memory_space<hbm>>
        tpu.wait_dma2 semaphore(%run_scoped3A : memref<!tpu.dma_semaphore, #tpu.memory_space<semaphore_mem>>) src(%dma_wait3A_103 : memref<128xf32, #tpu.memory_space<hbm>>) dst(%arg7 : memref<128xf32, #tpu.memory_space<vmem>>)
        tpu.yield
      }) : () -> ()
      "tpu.region"() ({
        %run_scoped3A = tpu.sem_alloc : memref<!tpu.dma_semaphore, #tpu.memory_space<semaphore_mem>>
        %dma_start3A = arith.constant 0 : i32
        %dma_start3A_94 = tpu.memref_slice %arg3[%add3A_24, %dma_start3A] : memref<1250x128xi32, #tpu.memory_space<hbm>> -> memref<1x128xi32, #tpu.memory_space<hbm>>
        %dma_start3A_95 = tpu.memref_squeeze %dma_start3A_94 : memref<1x128xi32, #tpu.memory_space<hbm>> -> memref<128xi32, #tpu.memory_space<hbm>>
        %dma_start3A_96 = arith.constant 0 : i32
        %dma_start3A_97 = tpu.memref_slice %arg3[%add3A_24, %dma_start3A_96] : memref<1250x128xi32, #tpu.memory_space<hbm>> -> memref<1x128xi32, #tpu.memory_space<hbm>>
        %dma_start3A_98 = tpu.memref_squeeze %dma_start3A_97 : memref<1x128xi32, #tpu.memory_space<hbm>> -> memref<128xi32, #tpu.memory_space<hbm>>
        tpu.enqueue_dma source(%dma_start3A_98 : memref<128xi32, #tpu.memory_space<hbm>>) target(%arg8 : memref<128xi32, #tpu.memory_space<vmem>>) target_semaphore(%run_scoped3A : memref<!tpu.dma_semaphore, #tpu.memory_space<semaphore_mem>>)
        %dma_wait3A = arith.constant 0 : i32
        %dma_wait3A_99 = tpu.memref_slice %arg3[%add3A_24, %dma_wait3A] : memref<1250x128xi32, #tpu.memory_space<hbm>> -> memref<1x128xi32, #tpu.memory_space<hbm>>
        %dma_wait3A_100 = tpu.memref_squeeze %dma_wait3A_99 : memref<1x128xi32, #tpu.memory_space<hbm>> -> memref<128xi32, #tpu.memory_space<hbm>>
        %dma_wait3A_101 = arith.constant 0 : i32
        %dma_wait3A_102 = tpu.memref_slice %arg3[%add3A_24, %dma_wait3A_101] : memref<1250x128xi32, #tpu.memory_space<hbm>> -> memref<1x128xi32, #tpu.memory_space<hbm>>
        %dma_wait3A_103 = tpu.memref_squeeze %dma_wait3A_102 : memref<1x128xi32, #tpu.memory_space<hbm>> -> memref<128xi32, #tpu.memory_space<hbm>>
        tpu.wait_dma2 semaphore(%run_scoped3A : memref<!tpu.dma_semaphore, #tpu.memory_space<semaphore_mem>>) src(%dma_wait3A_103 : memref<128xi32, #tpu.memory_space<hbm>>) dst(%arg8 : memref<128xi32, #tpu.memory_space<vmem>>)
        tpu.yield
      }) : () -> ()
      "tpu.region"() ({
        %run_scoped3A = tpu.sem_alloc : memref<!tpu.dma_semaphore, #tpu.memory_space<semaphore_mem>>
        %dma_start3A = arith.constant 0 : i32
        %dma_start3A_94 = tpu.memref_slice %arg4[%add3A_24, %dma_start3A] : memref<1250x128xi32, #tpu.memory_space<hbm>> -> memref<1x128xi32, #tpu.memory_space<hbm>>
        %dma_start3A_95 = tpu.memref_squeeze %dma_start3A_94 : memref<1x128xi32, #tpu.memory_space<hbm>> -> memref<128xi32, #tpu.memory_space<hbm>>
        %dma_start3A_96 = arith.constant 0 : i32
        %dma_start3A_97 = tpu.memref_slice %arg4[%add3A_24, %dma_start3A_96] : memref<1250x128xi32, #tpu.memory_space<hbm>> -> memref<1x128xi32, #tpu.memory_space<hbm>>
        %dma_start3A_98 = tpu.memref_squeeze %dma_start3A_97 : memref<1x128xi32, #tpu.memory_space<hbm>> -> memref<128xi32, #tpu.memory_space<hbm>>
        tpu.enqueue_dma source(%dma_start3A_98 : memref<128xi32, #tpu.memory_space<hbm>>) target(%arg9 : memref<128xi32, #tpu.memory_space<vmem>>) target_semaphore(%run_scoped3A : memref<!tpu.dma_semaphore, #tpu.memory_space<semaphore_mem>>)
        %dma_wait3A = arith.constant 0 : i32
        %dma_wait3A_99 = tpu.memref_slice %arg4[%add3A_24, %dma_wait3A] : memref<1250x128xi32, #tpu.memory_space<hbm>> -> memref<1x128xi32, #tpu.memory_space<hbm>>
        %dma_wait3A_100 = tpu.memref_squeeze %dma_wait3A_99 : memref<1x128xi32, #tpu.memory_space<hbm>> -> memref<128xi32, #tpu.memory_space<hbm>>
        %dma_wait3A_101 = arith.constant 0 : i32
        %dma_wait3A_102 = tpu.memref_slice %arg4[%add3A_24, %dma_wait3A_101] : memref<1250x128xi32, #tpu.memory_space<hbm>> -> memref<1x128xi32, #tpu.memory_space<hbm>>
        %dma_wait3A_103 = tpu.memref_squeeze %dma_wait3A_102 : memref<1x128xi32, #tpu.memory_space<hbm>> -> memref<128xi32, #tpu.memory_space<hbm>>
        tpu.wait_dma2 semaphore(%run_scoped3A : memref<!tpu.dma_semaphore, #tpu.memory_space<semaphore_mem>>) src(%dma_wait3A_103 : memref<128xi32, #tpu.memory_space<hbm>>) dst(%arg9 : memref<128xi32, #tpu.memory_space<vmem>>)
        tpu.yield
      }) : () -> ()
      %get3A = arith.constant 0 : index
      %get3A_25 = tpu.vector_load %arg9[%get3A] {strides = array<i32>} : memref<128xi32, #tpu.memory_space<vmem>>, vector<16xi32>,
      %gather3A = tpu.vector_load_idx %arg10[%get3A_25] : memref<10000xf32, #tpu.memory_space<vmem>>[vector<16xi32>], vector<16xf32>,
      %get3A_26 = arith.constant 0 : index
      %get3A_27 = tpu.vector_load %arg7[%get3A_26] {strides = array<i32>} : memref<128xf32, #tpu.memory_space<vmem>>, vector<16xf32>,
      %exp3A = math.exp %get3A_27 : vector<16xf32>
      %mul3A_28 = arith.mulf %gather3A, %exp3A : vector<16xf32>
      %get3A_29 = arith.constant 0 : index
      %get3A_30 = tpu.vector_load %arg8[%get3A_29] {strides = array<i32>} : memref<128xi32, #tpu.memory_space<vmem>>, vector<16xi32>,
      tpu.vector_store_idx %arg11[%get3A_30], %mul3A_28 {add = true} : memref<10000xf32, #tpu.memory_space<vmem>>[vector<16xi32>], vector<16xf32>,
      %get3A_31 = arith.constant 16 : index
      %get3A_32 = tpu.vector_load %arg9[%get3A_31] {strides = array<i32>} : memref<128xi32, #tpu.memory_space<vmem>>, vector<16xi32>,
      %gather3A_33 = tpu.vector_load_idx %arg10[%get3A_32] : memref<10000xf32, #tpu.memory_space<vmem>>[vector<16xi32>], vector<16xf32>,
      %get3A_34 = arith.constant 16 : index
      %get3A_35 = tpu.vector_load %arg7[%get3A_34] {strides = array<i32>} : memref<128xf32, #tpu.memory_space<vmem>>, vector<16xf32>,
      %exp3A_36 = math.exp %get3A_35 : vector<16xf32>
      %mul3A_37 = arith.mulf %gather3A_33, %exp3A_36 : vector<16xf32>
      %get3A_38 = arith.constant 16 : index
      %get3A_39 = tpu.vector_load %arg8[%get3A_38] {strides = array<i32>} : memref<128xi32, #tpu.memory_space<vmem>>, vector<16xi32>,
      tpu.vector_store_idx %arg11[%get3A_39], %mul3A_37 {add = true} : memref<10000xf32, #tpu.memory_space<vmem>>[vector<16xi32>], vector<16xf32>,
      %get3A_40 = arith.constant 32 : index
      %get3A_41 = tpu.vector_load %arg9[%get3A_40] {strides = array<i32>} : memref<128xi32, #tpu.memory_space<vmem>>, vector<16xi32>,
      %gather3A_42 = tpu.vector_load_idx %arg10[%get3A_41] : memref<10000xf32, #tpu.memory_space<vmem>>[vector<16xi32>], vector<16xf32>,
      %get3A_43 = arith.constant 32 : index
      %get3A_44 = tpu.vector_load %arg7[%get3A_43] {strides = array<i32>} : memref<128xf32, #tpu.memory_space<vmem>>, vector<16xf32>,
      %exp3A_45 = math.exp %get3A_44 : vector<16xf32>
      %mul3A_46 = arith.mulf %gather3A_42, %exp3A_45 : vector<16xf32>
      %get3A_47 = arith.constant 32 : index
      %get3A_48 = tpu.vector_load %arg8[%get3A_47] {strides = array<i32>} : memref<128xi32, #tpu.memory_space<vmem>>, vector<16xi32>,
      tpu.vector_store_idx %arg11[%get3A_48], %mul3A_46 {add = true} : memref<10000xf32, #tpu.memory_space<vmem>>[vector<16xi32>], vector<16xf32>,
      %get3A_49 = arith.constant 48 : index
      %get3A_50 = tpu.vector_load %arg9[%get3A_49] {strides = array<i32>} : memref<128xi32, #tpu.memory_space<vmem>>, vector<16xi32>,
      %gather3A_51 = tpu.vector_load_idx %arg10[%get3A_50] : memref<10000xf32, #tpu.memory_space<vmem>>[vector<16xi32>], vector<16xf32>,
      %get3A_52 = arith.constant 48 : index
      %get3A_53 = tpu.vector_load %arg7[%get3A_52] {strides = array<i32>} : memref<128xf32, #tpu.memory_space<vmem>>, vector<16xf32>,
      %exp3A_54 = math.exp %get3A_53 : vector<16xf32>
      %mul3A_55 = arith.mulf %gather3A_51, %exp3A_54 : vector<16xf32>
      %get3A_56 = arith.constant 48 : index
      %get3A_57 = tpu.vector_load %arg8[%get3A_56] {strides = array<i32>} : memref<128xi32, #tpu.memory_space<vmem>>, vector<16xi32>,
      tpu.vector_store_idx %arg11[%get3A_57], %mul3A_55 {add = true} : memref<10000xf32, #tpu.memory_space<vmem>>[vector<16xi32>], vector<16xf32>,
      %get3A_58 = arith.constant 64 : index
      %get3A_59 = tpu.vector_load %arg9[%get3A_58] {strides = array<i32>} : memref<128xi32, #tpu.memory_space<vmem>>, vector<16xi32>,
      %gather3A_60 = tpu.vector_load_idx %arg10[%get3A_59] : memref<10000xf32, #tpu.memory_space<vmem>>[vector<16xi32>], vector<16xf32>,
      %get3A_61 = arith.constant 64 : index
      %get3A_62 = tpu.vector_load %arg7[%get3A_61] {strides = array<i32>} : memref<128xf32, #tpu.memory_space<vmem>>, vector<16xf32>,
      %exp3A_63 = math.exp %get3A_62 : vector<16xf32>
      %mul3A_64 = arith.mulf %gather3A_60, %exp3A_63 : vector<16xf32>
      %get3A_65 = arith.constant 64 : index
      %get3A_66 = tpu.vector_load %arg8[%get3A_65] {strides = array<i32>} : memref<128xi32, #tpu.memory_space<vmem>>, vector<16xi32>,
      tpu.vector_store_idx %arg11[%get3A_66], %mul3A_64 {add = true} : memref<10000xf32, #tpu.memory_space<vmem>>[vector<16xi32>], vector<16xf32>,
      %get3A_67 = arith.constant 80 : index
      %get3A_68 = tpu.vector_load %arg9[%get3A_67] {strides = array<i32>} : memref<128xi32, #tpu.memory_space<vmem>>, vector<16xi32>,
      %gather3A_69 = tpu.vector_load_idx %arg10[%get3A_68] : memref<10000xf32, #tpu.memory_space<vmem>>[vector<16xi32>], vector<16xf32>,
      %get3A_70 = arith.constant 80 : index
      %get3A_71 = tpu.vector_load %arg7[%get3A_70] {strides = array<i32>} : memref<128xf32, #tpu.memory_space<vmem>>, vector<16xf32>,
      %exp3A_72 = math.exp %get3A_71 : vector<16xf32>
      %mul3A_73 = arith.mulf %gather3A_69, %exp3A_72 : vector<16xf32>
      %get3A_74 = arith.constant 80 : index
      %get3A_75 = tpu.vector_load %arg8[%get3A_74] {strides = array<i32>} : memref<128xi32, #tpu.memory_space<vmem>>, vector<16xi32>,
      tpu.vector_store_idx %arg11[%get3A_75], %mul3A_73 {add = true} : memref<10000xf32, #tpu.memory_space<vmem>>[vector<16xi32>], vector<16xf32>,
      %get3A_76 = arith.constant 96 : index
      %get3A_77 = tpu.vector_load %arg9[%get3A_76] {strides = array<i32>} : memref<128xi32, #tpu.memory_space<vmem>>, vector<16xi32>,
      %gather3A_78 = tpu.vector_load_idx %arg10[%get3A_77] : memref<10000xf32, #tpu.memory_space<vmem>>[vector<16xi32>], vector<16xf32>,
      %get3A_79 = arith.constant 96 : index
      %get3A_80 = tpu.vector_load %arg7[%get3A_79] {strides = array<i32>} : memref<128xf32, #tpu.memory_space<vmem>>, vector<16xf32>,
      %exp3A_81 = math.exp %get3A_80 : vector<16xf32>
      %mul3A_82 = arith.mulf %gather3A_78, %exp3A_81 : vector<16xf32>
      %get3A_83 = arith.constant 96 : index
      %get3A_84 = tpu.vector_load %arg8[%get3A_83] {strides = array<i32>} : memref<128xi32, #tpu.memory_space<vmem>>, vector<16xi32>,
      tpu.vector_store_idx %arg11[%get3A_84], %mul3A_82 {add = true} : memref<10000xf32, #tpu.memory_space<vmem>>[vector<16xi32>], vector<16xf32>,
      %get3A_85 = arith.constant 112 : index
      %get3A_86 = tpu.vector_load %arg9[%get3A_85] {strides = array<i32>} : memref<128xi32, #tpu.memory_space<vmem>>, vector<16xi32>,
      %gather3A_87 = tpu.vector_load_idx %arg10[%get3A_86] : memref<10000xf32, #tpu.memory_space<vmem>>[vector<16xi32>], vector<16xf32>,
      %get3A_88 = arith.constant 112 : index
      %get3A_89 = tpu.vector_load %arg7[%get3A_88] {strides = array<i32>} : memref<128xf32, #tpu.memory_space<vmem>>, vector<16xf32>,
      %exp3A_90 = math.exp %get3A_89 : vector<16xf32>
      %mul3A_91 = arith.mulf %gather3A_87, %exp3A_90 : vector<16xf32>
      %get3A_92 = arith.constant 112 : index
      %get3A_93 = tpu.vector_load %arg8[%get3A_92] {strides = array<i32>} : memref<128xi32, #tpu.memory_space<vmem>>, vector<16xi32>,
      tpu.vector_store_idx %arg11[%get3A_93], %mul3A_91 {add = true} : memref<10000xf32, #tpu.memory_space<vmem>>[vector<16xi32>], vector<16xf32>,
    }
    "tpu.region"() ({
      %run_scoped3A = tpu.sem_alloc : memref<!tpu.dma_semaphore, #tpu.memory_space<semaphore_mem>>
      %dma_start3A = arith.constant 0 : i32
      %dma_start3A_21 = tpu.memref_slice %arg6[%add3A, %dma_start3A] : memref<32x10000xf32, #tpu.memory_space<hbm>> -> memref<1x10000xf32, #tpu.memory_space<hbm>>
      %dma_start3A_22 = tpu.memref_squeeze %dma_start3A_21 : memref<1x10000xf32, #tpu.memory_space<hbm>> -> memref<10000xf32, #tpu.memory_space<hbm>>
      %dma_start3A_23 = arith.constant 0 : i32
      %dma_start3A_24 = tpu.memref_slice %arg6[%add3A, %dma_start3A_23] : memref<32x10000xf32, #tpu.memory_space<hbm>> -> memref<1x10000xf32, #tpu.memory_space<hbm>>
      %dma_start3A_25 = tpu.memref_squeeze %dma_start3A_24 : memref<1x10000xf32, #tpu.memory_space<hbm>> -> memref<10000xf32, #tpu.memory_space<hbm>>
      tpu.enqueue_dma source(%arg11 : memref<10000xf32, #tpu.memory_space<vmem>>) target(%dma_start3A_25 : memref<10000xf32, #tpu.memory_space<hbm>>) target_semaphore(%run_scoped3A : memref<!tpu.dma_semaphore, #tpu.memory_space<semaphore_mem>>)
      %dma_wait3A = arith.constant 0 : i32
      %dma_wait3A_26 = tpu.memref_slice %arg6[%add3A, %dma_wait3A] : memref<32x10000xf32, #tpu.memory_space<hbm>> -> memref<1x10000xf32, #tpu.memory_space<hbm>>
      %dma_wait3A_27 = tpu.memref_squeeze %dma_wait3A_26 : memref<1x10000xf32, #tpu.memory_space<hbm>> -> memref<10000xf32, #tpu.memory_space<hbm>>
      %dma_wait3A_28 = arith.constant 0 : i32
      %dma_wait3A_29 = tpu.memref_slice %arg6[%add3A, %dma_wait3A_28] : memref<32x10000xf32, #tpu.memory_space<hbm>> -> memref<1x10000xf32, #tpu.memory_space<hbm>>
      %dma_wait3A_30 = tpu.memref_squeeze %dma_wait3A_29 : memref<1x10000xf32, #tpu.memory_space<hbm>> -> memref<10000xf32, #tpu.memory_space<hbm>>
      tpu.wait_dma2 semaphore(%run_scoped3A : memref<!tpu.dma_semaphore, #tpu.memory_space<semaphore_mem>>) src(%arg11 : memref<10000xf32, #tpu.memory_space<vmem>>) dst(%dma_wait3A_30 : memref<10000xf32, #tpu.memory_space<hbm>>)
      tpu.yield
    }) : () -> ()
    return
  }
}

#map = affine_map<(d0, d1) -> (0, 0)>
#map1 = affine_map<(d0, d1) -> (0, 0, 0)>
module attributes {stable_mosaic.version = 14 : i64} {
  func.func @_scatter_body(%arg0: i32, %arg1: i32, %arg2: memref<160000x128xf32, #tpu.memory_space<hbm>>, %arg3: memref<160000x128xf32, #tpu.memory_space<hbm>>, %arg4: memref<2500x128xi32, #tpu.memory_space<hbm>>, %arg5: memref<640x128xf32, #tpu.memory_space<hbm>>, %arg6: memref<2x10240x128xf32, #tpu.memory_space<hbm>>, %arg7: memref<128x128xf32, #tpu.memory_space<vmem>>, %arg8: memref<128x128xf32, #tpu.memory_space<vmem>>, %arg9: memref<128xi32, #tpu.memory_space<vmem>>, %arg10: memref<128xi32, #tpu.memory_space<vmem>>, %arg11: memref<!tpu.dma_semaphore, #tpu.memory_space<semaphore_mem>>, %arg12: memref<!tpu.dma_semaphore, #tpu.memory_space<semaphore_mem>>, %arg13: memref<10240x128xf32, #tpu.memory_space<vmem_shared>>) attributes {dimension_semantics = [#tpu.dimension_semantics<core_parallel>, #tpu.dimension_semantics<subcore_parallel>], iteration_bounds = array<i64: 2, 16>, scalar_prefetch = 0 : i64, scratch_operands = 7 : i64, tpu.core_type = #tpu.core_type<sc_vector_subcore>, window_params = [{transform_indices = #map}, {transform_indices = #map}, {transform_indices = #map}, {transform_indices = #map}, {transform_indices = #map1}]} {
    %mul3A = arith.constant 2 : i32
    %mul3A_0 = arith.muli %arg1, %mul3A : i32
    %add3A = arith.addi %mul3A_0, %arg0 : i32
    %mul3A_1 = arith.constant 640 : i32
    %mul3A_2 = arith.muli %arg1, %mul3A_1 : i32
    "tpu.region"() ({
      %run_scoped3A = tpu.sem_alloc : memref<!tpu.dma_semaphore, #tpu.memory_space<semaphore_mem>>
      %dma_start3A = arith.constant 0 : i32
      %dma_start3A_110 = tpu.memref_slice %arg13[%mul3A_2, %dma_start3A] : memref<10240x128xf32, #tpu.memory_space<vmem_shared>> -> memref<640x128xf32, #tpu.memory_space<vmem_shared>>
      tpu.enqueue_dma source(%arg5 : memref<640x128xf32, #tpu.memory_space<hbm>>) target(%dma_start3A_110 : memref<640x128xf32, #tpu.memory_space<vmem_shared>>) target_semaphore(%run_scoped3A : memref<!tpu.dma_semaphore, #tpu.memory_space<semaphore_mem>>)
      %dma_wait3A = arith.constant 0 : i32
      %dma_wait3A_111 = tpu.memref_slice %arg13[%mul3A_2, %dma_wait3A] : memref<10240x128xf32, #tpu.memory_space<vmem_shared>> -> memref<640x128xf32, #tpu.memory_space<vmem_shared>>
      tpu.wait_dma2 semaphore(%run_scoped3A : memref<!tpu.dma_semaphore, #tpu.memory_space<semaphore_mem>>) src(%arg5 : memref<640x128xf32, #tpu.memory_space<hbm>>) dst(%dma_wait3A_111 : memref<640x128xf32, #tpu.memory_space<vmem_shared>>)
      tpu.yield
    }) : () -> ()
    %barrier3A = arith.constant 0 : index
    tpu.barrier barrier_id(%barrier3A)
    %lt3A = arith.constant 2 : i32
    %lt3A_3 = arith.cmpi slt, %add3A, %lt3A : i32
    %jit3A = arith.constant 1 : i32
    %jit3A_4 = arith.constant 0 : i32
    %select_n3A = arith.select %lt3A_3, %jit3A, %jit3A_4 : i32
    %add3A_5 = arith.constant 39 : i32
    %add3A_6 = arith.addi %add3A_5, %select_n3A : i32
    %jit3A_7 = arith.constant 2 : i32
    %div3A = arith.divsi %add3A_6, %jit3A_7 : i32
    %sign3A = arith.constant 0 : i32
    %sign3A_8 = arith.cmpi sgt, %add3A_6, %sign3A : i32
    %sign3A_9 = arith.extui %sign3A_8 : i1 to i32
    %sign3A_10 = arith.constant 0 : i32
    %sign3A_11 = arith.cmpi slt, %add3A_6, %sign3A_10 : i32
    %sign3A_12 = arith.extui %sign3A_11 : i1 to i32
    %sign3A_13 = arith.subi %sign3A_9, %sign3A_12 : i32
    %sign3A_14 = arith.constant 0 : i32
    %sign3A_15 = arith.cmpi sgt, %jit3A_7, %sign3A_14 : i32
    %sign3A_16 = arith.extui %sign3A_15 : i1 to i32
    %sign3A_17 = arith.constant 0 : i32
    %sign3A_18 = arith.cmpi slt, %jit3A_7, %sign3A_17 : i32
    %sign3A_19 = arith.extui %sign3A_18 : i1 to i32
    %sign3A_20 = arith.subi %sign3A_16, %sign3A_19 : i32
    %ne3A = arith.cmpi ne, %sign3A_13, %sign3A_20 : i32
    %rem3A = arith.remsi %add3A_6, %jit3A_7 : i32
    %ne3A_21 = arith.constant 0 : i32
    %ne3A_22 = arith.cmpi ne, %rem3A, %ne3A_21 : i32
    %and3A = arith.andi %ne3A, %ne3A_22 : i1
    %sub3A = arith.constant 1 : i32
    %sub3A_23 = arith.subi %div3A, %sub3A : i32
    %select_n3A_24 = arith.select %and3A, %sub3A_23, %div3A : i32
    %while3A = arith.constant 0 : i32
    %while3A_25 = arith.constant 0 : i32
    %while3A_26 = arith.subi %select_n3A_24, %while3A_25 : i32
    %while3A_27 = arith.addi %while3A_25, %while3A_26 : i32
    %while3A_28 = arith.constant 1 : i32
    %while3A_29 = arith.divsi %while3A_26, %while3A_28 : i32
    %while3A_30 = arith.muli %while3A_29, %while3A_28 : i32
    %while3A_31 = arith.addi %while3A_25, %while3A_30 : i32
    %while3A_32 = arith.constant 1 : i32
    scf.for %while3A_110 = %while3A_25 to %while3A_31 step %while3A_32  : i32 {
      %mul3A_111 = arith.constant 2 : i32
      %mul3A_112 = arith.muli %mul3A_111, %while3A_110 : i32
      %mul3A_113 = arith.constant 32 : i32
      %mul3A_114 = arith.muli %mul3A_113, %mul3A_112 : i32
      %add3A_115 = arith.addi %add3A, %mul3A_114 : i32
      %mul3A_116 = arith.constant 2 : i32
      %mul3A_117 = arith.muli %mul3A_116, %while3A_110 : i32
      %add3A_118 = arith.constant 1 : i32
      %add3A_119 = arith.addi %mul3A_117, %add3A_118 : i32
      %mul3A_120 = arith.constant 32 : i32
      %mul3A_121 = arith.muli %mul3A_120, %add3A_119 : i32
      %add3A_122 = arith.addi %add3A, %mul3A_121 : i32
      %add3A_123 = arith.constant 0 : i32
      %add3A_124 = arith.addi %add3A_123, %add3A_115 : i32
      "tpu.region"() ({
        %run_scoped3A = tpu.sem_alloc : memref<!tpu.dma_semaphore, #tpu.memory_space<semaphore_mem>>
        %dma_start3A_145 = arith.constant 0 : i32
        %dma_start3A_146 = tpu.memref_slice %arg4[%add3A_124, %dma_start3A_145] : memref<2500x128xi32, #tpu.memory_space<hbm>> -> memref<1x128xi32, #tpu.memory_space<hbm>>
        %dma_start3A_147 = tpu.memref_squeeze %dma_start3A_146 : memref<1x128xi32, #tpu.memory_space<hbm>> -> memref<128xi32, #tpu.memory_space<hbm>>
        %dma_start3A_148 = arith.constant 0 : i32
        %dma_start3A_149 = tpu.memref_slice %arg4[%add3A_124, %dma_start3A_148] : memref<2500x128xi32, #tpu.memory_space<hbm>> -> memref<1x128xi32, #tpu.memory_space<hbm>>
        %dma_start3A_150 = tpu.memref_squeeze %dma_start3A_149 : memref<1x128xi32, #tpu.memory_space<hbm>> -> memref<128xi32, #tpu.memory_space<hbm>>
        tpu.enqueue_dma source(%dma_start3A_150 : memref<128xi32, #tpu.memory_space<hbm>>) target(%arg9 : memref<128xi32, #tpu.memory_space<vmem>>) target_semaphore(%run_scoped3A : memref<!tpu.dma_semaphore, #tpu.memory_space<semaphore_mem>>)
        %dma_wait3A_151 = arith.constant 0 : i32
        %dma_wait3A_152 = tpu.memref_slice %arg4[%add3A_124, %dma_wait3A_151] : memref<2500x128xi32, #tpu.memory_space<hbm>> -> memref<1x128xi32, #tpu.memory_space<hbm>>
        %dma_wait3A_153 = tpu.memref_squeeze %dma_wait3A_152 : memref<1x128xi32, #tpu.memory_space<hbm>> -> memref<128xi32, #tpu.memory_space<hbm>>
        %dma_wait3A_154 = arith.constant 0 : i32
        %dma_wait3A_155 = tpu.memref_slice %arg4[%add3A_124, %dma_wait3A_154] : memref<2500x128xi32, #tpu.memory_space<hbm>> -> memref<1x128xi32, #tpu.memory_space<hbm>>
        %dma_wait3A_156 = tpu.memref_squeeze %dma_wait3A_155 : memref<1x128xi32, #tpu.memory_space<hbm>> -> memref<128xi32, #tpu.memory_space<hbm>>
        tpu.wait_dma2 semaphore(%run_scoped3A : memref<!tpu.dma_semaphore, #tpu.memory_space<semaphore_mem>>) src(%dma_wait3A_156 : memref<128xi32, #tpu.memory_space<hbm>>) dst(%arg9 : memref<128xi32, #tpu.memory_space<vmem>>)
        tpu.yield
      }) : () -> ()
      %mul3A_125 = arith.constant 128 : i32
      %mul3A_126 = arith.muli %add3A_115, %mul3A_125 : i32
      %dma_start3A = arith.constant 0 : i32
      %dma_start3A_127 = tpu.memref_slice %arg2[%mul3A_126, %dma_start3A] : memref<160000x128xf32, #tpu.memory_space<hbm>> -> memref<128x128xf32, #tpu.memory_space<hbm>>
      %dma_start3A_128 = arith.constant 0 : i32
      %dma_start3A_129 = tpu.memref_slice %arg2[%mul3A_126, %dma_start3A_128] : memref<160000x128xf32, #tpu.memory_space<hbm>> -> memref<128x128xf32, #tpu.memory_space<hbm>>
      tpu.enqueue_dma source(%dma_start3A_129 : memref<128x128xf32, #tpu.memory_space<hbm>>) target(%arg7 : memref<128x128xf32, #tpu.memory_space<vmem>>) target_semaphore(%arg11 : memref<!tpu.dma_semaphore, #tpu.memory_space<semaphore_mem>>)
      %add3A_130 = arith.constant 0 : i32
      %add3A_131 = arith.addi %add3A_130, %add3A_122 : i32
      "tpu.region"() ({
        %run_scoped3A = tpu.sem_alloc : memref<!tpu.dma_semaphore, #tpu.memory_space<semaphore_mem>>
        %dma_start3A_145 = arith.constant 0 : i32
        %dma_start3A_146 = tpu.memref_slice %arg4[%add3A_131, %dma_start3A_145] : memref<2500x128xi32, #tpu.memory_space<hbm>> -> memref<1x128xi32, #tpu.memory_space<hbm>>
        %dma_start3A_147 = tpu.memref_squeeze %dma_start3A_146 : memref<1x128xi32, #tpu.memory_space<hbm>> -> memref<128xi32, #tpu.memory_space<hbm>>
        %dma_start3A_148 = arith.constant 0 : i32
        %dma_start3A_149 = tpu.memref_slice %arg4[%add3A_131, %dma_start3A_148] : memref<2500x128xi32, #tpu.memory_space<hbm>> -> memref<1x128xi32, #tpu.memory_space<hbm>>
        %dma_start3A_150 = tpu.memref_squeeze %dma_start3A_149 : memref<1x128xi32, #tpu.memory_space<hbm>> -> memref<128xi32, #tpu.memory_space<hbm>>
        tpu.enqueue_dma source(%dma_start3A_150 : memref<128xi32, #tpu.memory_space<hbm>>) target(%arg10 : memref<128xi32, #tpu.memory_space<vmem>>) target_semaphore(%run_scoped3A : memref<!tpu.dma_semaphore, #tpu.memory_space<semaphore_mem>>)
        %dma_wait3A_151 = arith.constant 0 : i32
        %dma_wait3A_152 = tpu.memref_slice %arg4[%add3A_131, %dma_wait3A_151] : memref<2500x128xi32, #tpu.memory_space<hbm>> -> memref<1x128xi32, #tpu.memory_space<hbm>>
        %dma_wait3A_153 = tpu.memref_squeeze %dma_wait3A_152 : memref<1x128xi32, #tpu.memory_space<hbm>> -> memref<128xi32, #tpu.memory_space<hbm>>
        %dma_wait3A_154 = arith.constant 0 : i32
        %dma_wait3A_155 = tpu.memref_slice %arg4[%add3A_131, %dma_wait3A_154] : memref<2500x128xi32, #tpu.memory_space<hbm>> -> memref<1x128xi32, #tpu.memory_space<hbm>>
        %dma_wait3A_156 = tpu.memref_squeeze %dma_wait3A_155 : memref<1x128xi32, #tpu.memory_space<hbm>> -> memref<128xi32, #tpu.memory_space<hbm>>
        tpu.wait_dma2 semaphore(%run_scoped3A : memref<!tpu.dma_semaphore, #tpu.memory_space<semaphore_mem>>) src(%dma_wait3A_156 : memref<128xi32, #tpu.memory_space<hbm>>) dst(%arg10 : memref<128xi32, #tpu.memory_space<vmem>>)
        tpu.yield
      }) : () -> ()
      %mul3A_132 = arith.constant 128 : i32
      %mul3A_133 = arith.muli %add3A_122, %mul3A_132 : i32
      %dma_start3A_134 = arith.constant 0 : i32
      %dma_start3A_135 = tpu.memref_slice %arg2[%mul3A_133, %dma_start3A_134] : memref<160000x128xf32, #tpu.memory_space<hbm>> -> memref<128x128xf32, #tpu.memory_space<hbm>>
      %dma_start3A_136 = arith.constant 0 : i32
      %dma_start3A_137 = tpu.memref_slice %arg2[%mul3A_133, %dma_start3A_136] : memref<160000x128xf32, #tpu.memory_space<hbm>> -> memref<128x128xf32, #tpu.memory_space<hbm>>
      tpu.enqueue_dma source(%dma_start3A_137 : memref<128x128xf32, #tpu.memory_space<hbm>>) target(%arg8 : memref<128x128xf32, #tpu.memory_space<vmem>>) target_semaphore(%arg12 : memref<!tpu.dma_semaphore, #tpu.memory_space<semaphore_mem>>)
      %dma_wait3A = arith.constant 0 : i32
      %dma_wait3A_138 = tpu.memref_slice %arg2[%mul3A_126, %dma_wait3A] : memref<160000x128xf32, #tpu.memory_space<hbm>> -> memref<128x128xf32, #tpu.memory_space<hbm>>
      %dma_wait3A_139 = arith.constant 0 : i32
      %dma_wait3A_140 = tpu.memref_slice %arg2[%mul3A_126, %dma_wait3A_139] : memref<160000x128xf32, #tpu.memory_space<hbm>> -> memref<128x128xf32, #tpu.memory_space<hbm>>
      tpu.wait_dma2 semaphore(%arg11 : memref<!tpu.dma_semaphore, #tpu.memory_space<semaphore_mem>>) src(%dma_wait3A_140 : memref<128x128xf32, #tpu.memory_space<hbm>>) dst(%arg7 : memref<128x128xf32, #tpu.memory_space<vmem>>)
      "tpu.region"() ({
        %run_scoped3A = tpu.sem_alloc : memref<!tpu.dma_semaphore, #tpu.memory_space<semaphore_mem>>
        %dma_start3A_145 = arith.constant 0 : i32
        %dma_start3A_146 = arith.constant 0 : i32
        %dma_start3A_147 = tpu.memref_slice %arg13[%dma_start3A_145, %dma_start3A_146] : memref<10240x128xf32, #tpu.memory_space<vmem_shared>> -> memref<10240x128xf32, #tpu.memory_space<vmem_shared>>
        tpu.enqueue_indirect_dma source(%arg7 : memref<128x128xf32, #tpu.memory_space<vmem>>) target(%dma_start3A_147 : memref<10240x128xf32, #tpu.memory_space<vmem_shared>>) offsets(%arg9 : memref<128xi32, #tpu.memory_space<vmem>>) semaphore(%run_scoped3A : memref<!tpu.dma_semaphore, #tpu.memory_space<semaphore_mem>>) {add = true}
        %dma_wait3A_148 = arith.constant 0 : i32
        %dma_wait3A_149 = arith.constant 0 : i32
        %dma_wait3A_150 = tpu.memref_slice %arg13[%dma_wait3A_148, %dma_wait3A_149] : memref<10240x128xf32, #tpu.memory_space<vmem_shared>> -> memref<10240x128xf32, #tpu.memory_space<vmem_shared>>
        tpu.wait_indirect_dma semaphore(%run_scoped3A : memref<!tpu.dma_semaphore, #tpu.memory_space<semaphore_mem>>) src(%arg7 : memref<128x128xf32, #tpu.memory_space<vmem>>) dst(%dma_wait3A_150 : memref<10240x128xf32, #tpu.memory_space<vmem_shared>>)
        tpu.yield
      }) : () -> ()
      %dma_wait3A_141 = arith.constant 0 : i32
      %dma_wait3A_142 = tpu.memref_slice %arg2[%mul3A_133, %dma_wait3A_141] : memref<160000x128xf32, #tpu.memory_space<hbm>> -> memref<128x128xf32, #tpu.memory_space<hbm>>
      %dma_wait3A_143 = arith.constant 0 : i32
      %dma_wait3A_144 = tpu.memref_slice %arg2[%mul3A_133, %dma_wait3A_143] : memref<160000x128xf32, #tpu.memory_space<hbm>> -> memref<128x128xf32, #tpu.memory_space<hbm>>
      tpu.wait_dma2 semaphore(%arg12 : memref<!tpu.dma_semaphore, #tpu.memory_space<semaphore_mem>>) src(%dma_wait3A_144 : memref<128x128xf32, #tpu.memory_space<hbm>>) dst(%arg8 : memref<128x128xf32, #tpu.memory_space<vmem>>)
      "tpu.region"() ({
        %run_scoped3A = tpu.sem_alloc : memref<!tpu.dma_semaphore, #tpu.memory_space<semaphore_mem>>
        %dma_start3A_145 = arith.constant 0 : i32
        %dma_start3A_146 = arith.constant 0 : i32
        %dma_start3A_147 = tpu.memref_slice %arg13[%dma_start3A_145, %dma_start3A_146] : memref<10240x128xf32, #tpu.memory_space<vmem_shared>> -> memref<10240x128xf32, #tpu.memory_space<vmem_shared>>
        tpu.enqueue_indirect_dma source(%arg8 : memref<128x128xf32, #tpu.memory_space<vmem>>) target(%dma_start3A_147 : memref<10240x128xf32, #tpu.memory_space<vmem_shared>>) offsets(%arg10 : memref<128xi32, #tpu.memory_space<vmem>>) semaphore(%run_scoped3A : memref<!tpu.dma_semaphore, #tpu.memory_space<semaphore_mem>>) {add = true}
        %dma_wait3A_148 = arith.constant 0 : i32
        %dma_wait3A_149 = arith.constant 0 : i32
        %dma_wait3A_150 = tpu.memref_slice %arg13[%dma_wait3A_148, %dma_wait3A_149] : memref<10240x128xf32, #tpu.memory_space<vmem_shared>> -> memref<10240x128xf32, #tpu.memory_space<vmem_shared>>
        tpu.wait_indirect_dma semaphore(%run_scoped3A : memref<!tpu.dma_semaphore, #tpu.memory_space<semaphore_mem>>) src(%arg8 : memref<128x128xf32, #tpu.memory_space<vmem>>) dst(%dma_wait3A_150 : memref<10240x128xf32, #tpu.memory_space<vmem_shared>>)
        tpu.yield
      }) : () -> ()
    }
    %while3A_33 = arith.constant 1 : i32
    scf.for %while3A_110 = %while3A_31 to %while3A_27 step %while3A_33  : i32 {
      %mul3A_111 = arith.constant 2 : i32
      %mul3A_112 = arith.muli %mul3A_111, %while3A_110 : i32
      %mul3A_113 = arith.constant 32 : i32
      %mul3A_114 = arith.muli %mul3A_113, %mul3A_112 : i32
      %add3A_115 = arith.addi %add3A, %mul3A_114 : i32
      %mul3A_116 = arith.constant 2 : i32
      %mul3A_117 = arith.muli %mul3A_116, %while3A_110 : i32
      %add3A_118 = arith.constant 1 : i32
      %add3A_119 = arith.addi %mul3A_117, %add3A_118 : i32
      %mul3A_120 = arith.constant 32 : i32
      %mul3A_121 = arith.muli %mul3A_120, %add3A_119 : i32
      %add3A_122 = arith.addi %add3A, %mul3A_121 : i32
      %add3A_123 = arith.constant 0 : i32
      %add3A_124 = arith.addi %add3A_123, %add3A_115 : i32
      "tpu.region"() ({
        %run_scoped3A = tpu.sem_alloc : memref<!tpu.dma_semaphore, #tpu.memory_space<semaphore_mem>>
        %dma_start3A_145 = arith.constant 0 : i32
        %dma_start3A_146 = tpu.memref_slice %arg4[%add3A_124, %dma_start3A_145] : memref<2500x128xi32, #tpu.memory_space<hbm>> -> memref<1x128xi32, #tpu.memory_space<hbm>>
        %dma_start3A_147 = tpu.memref_squeeze %dma_start3A_146 : memref<1x128xi32, #tpu.memory_space<hbm>> -> memref<128xi32, #tpu.memory_space<hbm>>
        %dma_start3A_148 = arith.constant 0 : i32
        %dma_start3A_149 = tpu.memref_slice %arg4[%add3A_124, %dma_start3A_148] : memref<2500x128xi32, #tpu.memory_space<hbm>> -> memref<1x128xi32, #tpu.memory_space<hbm>>
        %dma_start3A_150 = tpu.memref_squeeze %dma_start3A_149 : memref<1x128xi32, #tpu.memory_space<hbm>> -> memref<128xi32, #tpu.memory_space<hbm>>
        tpu.enqueue_dma source(%dma_start3A_150 : memref<128xi32, #tpu.memory_space<hbm>>) target(%arg9 : memref<128xi32, #tpu.memory_space<vmem>>) target_semaphore(%run_scoped3A : memref<!tpu.dma_semaphore, #tpu.memory_space<semaphore_mem>>)
        %dma_wait3A_151 = arith.constant 0 : i32
        %dma_wait3A_152 = tpu.memref_slice %arg4[%add3A_124, %dma_wait3A_151] : memref<2500x128xi32, #tpu.memory_space<hbm>> -> memref<1x128xi32, #tpu.memory_space<hbm>>
        %dma_wait3A_153 = tpu.memref_squeeze %dma_wait3A_152 : memref<1x128xi32, #tpu.memory_space<hbm>> -> memref<128xi32, #tpu.memory_space<hbm>>
        %dma_wait3A_154 = arith.constant 0 : i32
        %dma_wait3A_155 = tpu.memref_slice %arg4[%add3A_124, %dma_wait3A_154] : memref<2500x128xi32, #tpu.memory_space<hbm>> -> memref<1x128xi32, #tpu.memory_space<hbm>>
        %dma_wait3A_156 = tpu.memref_squeeze %dma_wait3A_155 : memref<1x128xi32, #tpu.memory_space<hbm>> -> memref<128xi32, #tpu.memory_space<hbm>>
        tpu.wait_dma2 semaphore(%run_scoped3A : memref<!tpu.dma_semaphore, #tpu.memory_space<semaphore_mem>>) src(%dma_wait3A_156 : memref<128xi32, #tpu.memory_space<hbm>>) dst(%arg9 : memref<128xi32, #tpu.memory_space<vmem>>)
        tpu.yield
      }) : () -> ()
      %mul3A_125 = arith.constant 128 : i32
      %mul3A_126 = arith.muli %add3A_115, %mul3A_125 : i32
      %dma_start3A = arith.constant 0 : i32
      %dma_start3A_127 = tpu.memref_slice %arg2[%mul3A_126, %dma_start3A] : memref<160000x128xf32, #tpu.memory_space<hbm>> -> memref<128x128xf32, #tpu.memory_space<hbm>>
      %dma_start3A_128 = arith.constant 0 : i32
      %dma_start3A_129 = tpu.memref_slice %arg2[%mul3A_126, %dma_start3A_128] : memref<160000x128xf32, #tpu.memory_space<hbm>> -> memref<128x128xf32, #tpu.memory_space<hbm>>
      tpu.enqueue_dma source(%dma_start3A_129 : memref<128x128xf32, #tpu.memory_space<hbm>>) target(%arg7 : memref<128x128xf32, #tpu.memory_space<vmem>>) target_semaphore(%arg11 : memref<!tpu.dma_semaphore, #tpu.memory_space<semaphore_mem>>)
      %add3A_130 = arith.constant 0 : i32
      %add3A_131 = arith.addi %add3A_130, %add3A_122 : i32
      "tpu.region"() ({
        %run_scoped3A = tpu.sem_alloc : memref<!tpu.dma_semaphore, #tpu.memory_space<semaphore_mem>>
        %dma_start3A_145 = arith.constant 0 : i32
        %dma_start3A_146 = tpu.memref_slice %arg4[%add3A_131, %dma_start3A_145] : memref<2500x128xi32, #tpu.memory_space<hbm>> -> memref<1x128xi32, #tpu.memory_space<hbm>>
        %dma_start3A_147 = tpu.memref_squeeze %dma_start3A_146 : memref<1x128xi32, #tpu.memory_space<hbm>> -> memref<128xi32, #tpu.memory_space<hbm>>
        %dma_start3A_148 = arith.constant 0 : i32
        %dma_start3A_149 = tpu.memref_slice %arg4[%add3A_131, %dma_start3A_148] : memref<2500x128xi32, #tpu.memory_space<hbm>> -> memref<1x128xi32, #tpu.memory_space<hbm>>
        %dma_start3A_150 = tpu.memref_squeeze %dma_start3A_149 : memref<1x128xi32, #tpu.memory_space<hbm>> -> memref<128xi32, #tpu.memory_space<hbm>>
        tpu.enqueue_dma source(%dma_start3A_150 : memref<128xi32, #tpu.memory_space<hbm>>) target(%arg10 : memref<128xi32, #tpu.memory_space<vmem>>) target_semaphore(%run_scoped3A : memref<!tpu.dma_semaphore, #tpu.memory_space<semaphore_mem>>)
        %dma_wait3A_151 = arith.constant 0 : i32
        %dma_wait3A_152 = tpu.memref_slice %arg4[%add3A_131, %dma_wait3A_151] : memref<2500x128xi32, #tpu.memory_space<hbm>> -> memref<1x128xi32, #tpu.memory_space<hbm>>
        %dma_wait3A_153 = tpu.memref_squeeze %dma_wait3A_152 : memref<1x128xi32, #tpu.memory_space<hbm>> -> memref<128xi32, #tpu.memory_space<hbm>>
        %dma_wait3A_154 = arith.constant 0 : i32
        %dma_wait3A_155 = tpu.memref_slice %arg4[%add3A_131, %dma_wait3A_154] : memref<2500x128xi32, #tpu.memory_space<hbm>> -> memref<1x128xi32, #tpu.memory_space<hbm>>
        %dma_wait3A_156 = tpu.memref_squeeze %dma_wait3A_155 : memref<1x128xi32, #tpu.memory_space<hbm>> -> memref<128xi32, #tpu.memory_space<hbm>>
        tpu.wait_dma2 semaphore(%run_scoped3A : memref<!tpu.dma_semaphore, #tpu.memory_space<semaphore_mem>>) src(%dma_wait3A_156 : memref<128xi32, #tpu.memory_space<hbm>>) dst(%arg10 : memref<128xi32, #tpu.memory_space<vmem>>)
        tpu.yield
      }) : () -> ()
      %mul3A_132 = arith.constant 128 : i32
      %mul3A_133 = arith.muli %add3A_122, %mul3A_132 : i32
      %dma_start3A_134 = arith.constant 0 : i32
      %dma_start3A_135 = tpu.memref_slice %arg2[%mul3A_133, %dma_start3A_134] : memref<160000x128xf32, #tpu.memory_space<hbm>> -> memref<128x128xf32, #tpu.memory_space<hbm>>
      %dma_start3A_136 = arith.constant 0 : i32
      %dma_start3A_137 = tpu.memref_slice %arg2[%mul3A_133, %dma_start3A_136] : memref<160000x128xf32, #tpu.memory_space<hbm>> -> memref<128x128xf32, #tpu.memory_space<hbm>>
      tpu.enqueue_dma source(%dma_start3A_137 : memref<128x128xf32, #tpu.memory_space<hbm>>) target(%arg8 : memref<128x128xf32, #tpu.memory_space<vmem>>) target_semaphore(%arg12 : memref<!tpu.dma_semaphore, #tpu.memory_space<semaphore_mem>>)
      %dma_wait3A = arith.constant 0 : i32
      %dma_wait3A_138 = tpu.memref_slice %arg2[%mul3A_126, %dma_wait3A] : memref<160000x128xf32, #tpu.memory_space<hbm>> -> memref<128x128xf32, #tpu.memory_space<hbm>>
      %dma_wait3A_139 = arith.constant 0 : i32
      %dma_wait3A_140 = tpu.memref_slice %arg2[%mul3A_126, %dma_wait3A_139] : memref<160000x128xf32, #tpu.memory_space<hbm>> -> memref<128x128xf32, #tpu.memory_space<hbm>>
      tpu.wait_dma2 semaphore(%arg11 : memref<!tpu.dma_semaphore, #tpu.memory_space<semaphore_mem>>) src(%dma_wait3A_140 : memref<128x128xf32, #tpu.memory_space<hbm>>) dst(%arg7 : memref<128x128xf32, #tpu.memory_space<vmem>>)
      "tpu.region"() ({
        %run_scoped3A = tpu.sem_alloc : memref<!tpu.dma_semaphore, #tpu.memory_space<semaphore_mem>>
        %dma_start3A_145 = arith.constant 0 : i32
        %dma_start3A_146 = arith.constant 0 : i32
        %dma_start3A_147 = tpu.memref_slice %arg13[%dma_start3A_145, %dma_start3A_146] : memref<10240x128xf32, #tpu.memory_space<vmem_shared>> -> memref<10240x128xf32, #tpu.memory_space<vmem_shared>>
        tpu.enqueue_indirect_dma source(%arg7 : memref<128x128xf32, #tpu.memory_space<vmem>>) target(%dma_start3A_147 : memref<10240x128xf32, #tpu.memory_space<vmem_shared>>) offsets(%arg9 : memref<128xi32, #tpu.memory_space<vmem>>) semaphore(%run_scoped3A : memref<!tpu.dma_semaphore, #tpu.memory_space<semaphore_mem>>) {add = true}
        %dma_wait3A_148 = arith.constant 0 : i32
        %dma_wait3A_149 = arith.constant 0 : i32
        %dma_wait3A_150 = tpu.memref_slice %arg13[%dma_wait3A_148, %dma_wait3A_149] : memref<10240x128xf32, #tpu.memory_space<vmem_shared>> -> memref<10240x128xf32, #tpu.memory_space<vmem_shared>>
        tpu.wait_indirect_dma semaphore(%run_scoped3A : memref<!tpu.dma_semaphore, #tpu.memory_space<semaphore_mem>>) src(%arg7 : memref<128x128xf32, #tpu.memory_space<vmem>>) dst(%dma_wait3A_150 : memref<10240x128xf32, #tpu.memory_space<vmem_shared>>)
        tpu.yield
      }) : () -> ()
      %dma_wait3A_141 = arith.constant 0 : i32
      %dma_wait3A_142 = tpu.memref_slice %arg2[%mul3A_133, %dma_wait3A_141] : memref<160000x128xf32, #tpu.memory_space<hbm>> -> memref<128x128xf32, #tpu.memory_space<hbm>>
      %dma_wait3A_143 = arith.constant 0 : i32
      %dma_wait3A_144 = tpu.memref_slice %arg2[%mul3A_133, %dma_wait3A_143] : memref<160000x128xf32, #tpu.memory_space<hbm>> -> memref<128x128xf32, #tpu.memory_space<hbm>>
      tpu.wait_dma2 semaphore(%arg12 : memref<!tpu.dma_semaphore, #tpu.memory_space<semaphore_mem>>) src(%dma_wait3A_144 : memref<128x128xf32, #tpu.memory_space<hbm>>) dst(%arg8 : memref<128x128xf32, #tpu.memory_space<vmem>>)
      "tpu.region"() ({
        %run_scoped3A = tpu.sem_alloc : memref<!tpu.dma_semaphore, #tpu.memory_space<semaphore_mem>>
        %dma_start3A_145 = arith.constant 0 : i32
        %dma_start3A_146 = arith.constant 0 : i32
        %dma_start3A_147 = tpu.memref_slice %arg13[%dma_start3A_145, %dma_start3A_146] : memref<10240x128xf32, #tpu.memory_space<vmem_shared>> -> memref<10240x128xf32, #tpu.memory_space<vmem_shared>>
        tpu.enqueue_indirect_dma source(%arg8 : memref<128x128xf32, #tpu.memory_space<vmem>>) target(%dma_start3A_147 : memref<10240x128xf32, #tpu.memory_space<vmem_shared>>) offsets(%arg10 : memref<128xi32, #tpu.memory_space<vmem>>) semaphore(%run_scoped3A : memref<!tpu.dma_semaphore, #tpu.memory_space<semaphore_mem>>) {add = true}
        %dma_wait3A_148 = arith.constant 0 : i32
        %dma_wait3A_149 = arith.constant 0 : i32
        %dma_wait3A_150 = tpu.memref_slice %arg13[%dma_wait3A_148, %dma_wait3A_149] : memref<10240x128xf32, #tpu.memory_space<vmem_shared>> -> memref<10240x128xf32, #tpu.memory_space<vmem_shared>>
        tpu.wait_indirect_dma semaphore(%run_scoped3A : memref<!tpu.dma_semaphore, #tpu.memory_space<semaphore_mem>>) src(%arg8 : memref<128x128xf32, #tpu.memory_space<vmem>>) dst(%dma_wait3A_150 : memref<10240x128xf32, #tpu.memory_space<vmem_shared>>)
        tpu.yield
      }) : () -> ()
    }
    %jit3A_34 = arith.constant 2 : i32
    %eq3A = arith.constant 0 : i32
    %eq3A_35 = arith.cmpi eq, %jit3A_34, %eq3A : i32
    %jit3A_36 = arith.constant 1 : i32
    %select_n3A_37 = arith.select %eq3A_35, %jit3A_36, %jit3A_34 : i32
    %rem3A_38 = arith.remsi %add3A_6, %select_n3A_37 : i32
    %ne3A_39 = arith.constant 0 : i32
    %ne3A_40 = arith.cmpi ne, %rem3A_38, %ne3A_39 : i32
    %lt3A_41 = arith.constant 0 : i32
    %lt3A_42 = arith.cmpi slt, %rem3A_38, %lt3A_41 : i32
    %lt3A_43 = arith.constant 0 : i32
    %lt3A_44 = arith.cmpi slt, %select_n3A_37, %lt3A_43 : i32
    %ne3A_45 = arith.xori %lt3A_42, %lt3A_44 : i1
    %and3A_46 = arith.andi %ne3A_45, %ne3A_40 : i1
    %add3A_47 = arith.addi %rem3A_38, %select_n3A_37 : i32
    %select_n3A_48 = arith.select %and3A_46, %add3A_47, %rem3A_38 : i32
    %eq3A_49 = arith.constant 1 : i32
    %eq3A_50 = arith.cmpi eq, %select_n3A_48, %eq3A_49 : i32
    %convert_element_type3A = arith.extui %eq3A_50 : i1 to i32
    %cond3A = arith.constant 0 : i32
    %cond3A_51 = arith.cmpi ne, %convert_element_type3A, %cond3A : i32
    scf.if %cond3A_51 {
      %sub3A_110 = arith.constant 1 : i32
      %sub3A_111 = arith.subi %add3A_6, %sub3A_110 : i32
      %mul3A_112 = arith.constant 32 : i32
      %mul3A_113 = arith.muli %mul3A_112, %sub3A_111 : i32
      %add3A_114 = arith.addi %add3A, %mul3A_113 : i32
      %add3A_115 = arith.constant 0 : i32
      %add3A_116 = arith.addi %add3A_115, %add3A_114 : i32
      "tpu.region"() ({
        %run_scoped3A = tpu.sem_alloc : memref<!tpu.dma_semaphore, #tpu.memory_space<semaphore_mem>>
        %dma_start3A = arith.constant 0 : i32
        %dma_start3A_119 = tpu.memref_slice %arg4[%add3A_116, %dma_start3A] : memref<2500x128xi32, #tpu.memory_space<hbm>> -> memref<1x128xi32, #tpu.memory_space<hbm>>
        %dma_start3A_120 = tpu.memref_squeeze %dma_start3A_119 : memref<1x128xi32, #tpu.memory_space<hbm>> -> memref<128xi32, #tpu.memory_space<hbm>>
        %dma_start3A_121 = arith.constant 0 : i32
        %dma_start3A_122 = tpu.memref_slice %arg4[%add3A_116, %dma_start3A_121] : memref<2500x128xi32, #tpu.memory_space<hbm>> -> memref<1x128xi32, #tpu.memory_space<hbm>>
        %dma_start3A_123 = tpu.memref_squeeze %dma_start3A_122 : memref<1x128xi32, #tpu.memory_space<hbm>> -> memref<128xi32, #tpu.memory_space<hbm>>
        tpu.enqueue_dma source(%dma_start3A_123 : memref<128xi32, #tpu.memory_space<hbm>>) target(%arg9 : memref<128xi32, #tpu.memory_space<vmem>>) target_semaphore(%run_scoped3A : memref<!tpu.dma_semaphore, #tpu.memory_space<semaphore_mem>>)
        %dma_wait3A = arith.constant 0 : i32
        %dma_wait3A_124 = tpu.memref_slice %arg4[%add3A_116, %dma_wait3A] : memref<2500x128xi32, #tpu.memory_space<hbm>> -> memref<1x128xi32, #tpu.memory_space<hbm>>
        %dma_wait3A_125 = tpu.memref_squeeze %dma_wait3A_124 : memref<1x128xi32, #tpu.memory_space<hbm>> -> memref<128xi32, #tpu.memory_space<hbm>>
        %dma_wait3A_126 = arith.constant 0 : i32
        %dma_wait3A_127 = tpu.memref_slice %arg4[%add3A_116, %dma_wait3A_126] : memref<2500x128xi32, #tpu.memory_space<hbm>> -> memref<1x128xi32, #tpu.memory_space<hbm>>
        %dma_wait3A_128 = tpu.memref_squeeze %dma_wait3A_127 : memref<1x128xi32, #tpu.memory_space<hbm>> -> memref<128xi32, #tpu.memory_space<hbm>>
        tpu.wait_dma2 semaphore(%run_scoped3A : memref<!tpu.dma_semaphore, #tpu.memory_space<semaphore_mem>>) src(%dma_wait3A_128 : memref<128xi32, #tpu.memory_space<hbm>>) dst(%arg9 : memref<128xi32, #tpu.memory_space<vmem>>)
        tpu.yield
      }) : () -> ()
      %mul3A_117 = arith.constant 128 : i32
      %mul3A_118 = arith.muli %add3A_114, %mul3A_117 : i32
      "tpu.region"() ({
        %run_scoped3A = tpu.sem_alloc : memref<!tpu.dma_semaphore, #tpu.memory_space<semaphore_mem>>
        %dma_start3A = arith.constant 0 : i32
        %dma_start3A_119 = tpu.memref_slice %arg2[%mul3A_118, %dma_start3A] : memref<160000x128xf32, #tpu.memory_space<hbm>> -> memref<128x128xf32, #tpu.memory_space<hbm>>
        %dma_start3A_120 = arith.constant 0 : i32
        %dma_start3A_121 = tpu.memref_slice %arg2[%mul3A_118, %dma_start3A_120] : memref<160000x128xf32, #tpu.memory_space<hbm>> -> memref<128x128xf32, #tpu.memory_space<hbm>>
        tpu.enqueue_dma source(%dma_start3A_121 : memref<128x128xf32, #tpu.memory_space<hbm>>) target(%arg7 : memref<128x128xf32, #tpu.memory_space<vmem>>) target_semaphore(%run_scoped3A : memref<!tpu.dma_semaphore, #tpu.memory_space<semaphore_mem>>)
        %dma_wait3A = arith.constant 0 : i32
        %dma_wait3A_122 = tpu.memref_slice %arg2[%mul3A_118, %dma_wait3A] : memref<160000x128xf32, #tpu.memory_space<hbm>> -> memref<128x128xf32, #tpu.memory_space<hbm>>
        %dma_wait3A_123 = arith.constant 0 : i32
        %dma_wait3A_124 = tpu.memref_slice %arg2[%mul3A_118, %dma_wait3A_123] : memref<160000x128xf32, #tpu.memory_space<hbm>> -> memref<128x128xf32, #tpu.memory_space<hbm>>
        tpu.wait_dma2 semaphore(%run_scoped3A : memref<!tpu.dma_semaphore, #tpu.memory_space<semaphore_mem>>) src(%dma_wait3A_124 : memref<128x128xf32, #tpu.memory_space<hbm>>) dst(%arg7 : memref<128x128xf32, #tpu.memory_space<vmem>>)
        tpu.yield
      }) : () -> ()
      "tpu.region"() ({
        %run_scoped3A = tpu.sem_alloc : memref<!tpu.dma_semaphore, #tpu.memory_space<semaphore_mem>>
        %dma_start3A = arith.constant 0 : i32
        %dma_start3A_119 = arith.constant 0 : i32
        %dma_start3A_120 = tpu.memref_slice %arg13[%dma_start3A, %dma_start3A_119] : memref<10240x128xf32, #tpu.memory_space<vmem_shared>> -> memref<10240x128xf32, #tpu.memory_space<vmem_shared>>
        tpu.enqueue_indirect_dma source(%arg7 : memref<128x128xf32, #tpu.memory_space<vmem>>) target(%dma_start3A_120 : memref<10240x128xf32, #tpu.memory_space<vmem_shared>>) offsets(%arg9 : memref<128xi32, #tpu.memory_space<vmem>>) semaphore(%run_scoped3A : memref<!tpu.dma_semaphore, #tpu.memory_space<semaphore_mem>>) {add = true}
        %dma_wait3A = arith.constant 0 : i32
        %dma_wait3A_121 = arith.constant 0 : i32
        %dma_wait3A_122 = tpu.memref_slice %arg13[%dma_wait3A, %dma_wait3A_121] : memref<10240x128xf32, #tpu.memory_space<vmem_shared>> -> memref<10240x128xf32, #tpu.memory_space<vmem_shared>>
        tpu.wait_indirect_dma semaphore(%run_scoped3A : memref<!tpu.dma_semaphore, #tpu.memory_space<semaphore_mem>>) src(%arg7 : memref<128x128xf32, #tpu.memory_space<vmem>>) dst(%dma_wait3A_122 : memref<10240x128xf32, #tpu.memory_space<vmem_shared>>)
        tpu.yield
      }) : () -> ()
    } else {
    }
    %jit3A_52 = arith.constant 2 : i32
    %div3A_53 = arith.divsi %add3A_6, %jit3A_52 : i32
    %sign3A_54 = arith.constant 0 : i32
    %sign3A_55 = arith.cmpi sgt, %add3A_6, %sign3A_54 : i32
    %sign3A_56 = arith.extui %sign3A_55 : i1 to i32
    %sign3A_57 = arith.constant 0 : i32
    %sign3A_58 = arith.cmpi slt, %add3A_6, %sign3A_57 : i32
    %sign3A_59 = arith.extui %sign3A_58 : i1 to i32
    %sign3A_60 = arith.subi %sign3A_56, %sign3A_59 : i32
    %sign3A_61 = arith.constant 0 : i32
    %sign3A_62 = arith.cmpi sgt, %jit3A_52, %sign3A_61 : i32
    %sign3A_63 = arith.extui %sign3A_62 : i1 to i32
    %sign3A_64 = arith.constant 0 : i32
    %sign3A_65 = arith.cmpi slt, %jit3A_52, %sign3A_64 : i32
    %sign3A_66 = arith.extui %sign3A_65 : i1 to i32
    %sign3A_67 = arith.subi %sign3A_63, %sign3A_66 : i32
    %ne3A_68 = arith.cmpi ne, %sign3A_60, %sign3A_67 : i32
    %rem3A_69 = arith.remsi %add3A_6, %jit3A_52 : i32
    %ne3A_70 = arith.constant 0 : i32
    %ne3A_71 = arith.cmpi ne, %rem3A_69, %ne3A_70 : i32
    %and3A_72 = arith.andi %ne3A_68, %ne3A_71 : i1
    %sub3A_73 = arith.constant 1 : i32
    %sub3A_74 = arith.subi %div3A_53, %sub3A_73 : i32
    %select_n3A_75 = arith.select %and3A_72, %sub3A_74, %div3A_53 : i32
    %while3A_76 = arith.constant 0 : i32
    %while3A_77 = arith.constant 0 : i32
    %while3A_78 = arith.subi %select_n3A_75, %while3A_77 : i32
    %while3A_79 = arith.addi %while3A_77, %while3A_78 : i32
    %while3A_80 = arith.constant 1 : i32
    %while3A_81 = arith.divsi %while3A_78, %while3A_80 : i32
    %while3A_82 = arith.muli %while3A_81, %while3A_80 : i32
    %while3A_83 = arith.addi %while3A_77, %while3A_82 : i32
    %while3A_84 = arith.constant 1 : i32
    scf.for %while3A_110 = %while3A_77 to %while3A_83 step %while3A_84  : i32 {
      %mul3A_111 = arith.constant 2 : i32
      %mul3A_112 = arith.muli %mul3A_111, %while3A_110 : i32
      %mul3A_113 = arith.constant 32 : i32
      %mul3A_114 = arith.muli %mul3A_113, %mul3A_112 : i32
      %add3A_115 = arith.addi %add3A, %mul3A_114 : i32
      %mul3A_116 = arith.constant 2 : i32
      %mul3A_117 = arith.muli %mul3A_116, %while3A_110 : i32
      %add3A_118 = arith.constant 1 : i32
      %add3A_119 = arith.addi %mul3A_117, %add3A_118 : i32
      %mul3A_120 = arith.constant 32 : i32
      %mul3A_121 = arith.muli %mul3A_120, %add3A_119 : i32
      %add3A_122 = arith.addi %add3A, %mul3A_121 : i32
      %add3A_123 = arith.constant 1250 : i32
      %add3A_124 = arith.addi %add3A_123, %add3A_115 : i32
      "tpu.region"() ({
        %run_scoped3A = tpu.sem_alloc : memref<!tpu.dma_semaphore, #tpu.memory_space<semaphore_mem>>
        %dma_start3A_145 = arith.constant 0 : i32
        %dma_start3A_146 = tpu.memref_slice %arg4[%add3A_124, %dma_start3A_145] : memref<2500x128xi32, #tpu.memory_space<hbm>> -> memref<1x128xi32, #tpu.memory_space<hbm>>
        %dma_start3A_147 = tpu.memref_squeeze %dma_start3A_146 : memref<1x128xi32, #tpu.memory_space<hbm>> -> memref<128xi32, #tpu.memory_space<hbm>>
        %dma_start3A_148 = arith.constant 0 : i32
        %dma_start3A_149 = tpu.memref_slice %arg4[%add3A_124, %dma_start3A_148] : memref<2500x128xi32, #tpu.memory_space<hbm>> -> memref<1x128xi32, #tpu.memory_space<hbm>>
        %dma_start3A_150 = tpu.memref_squeeze %dma_start3A_149 : memref<1x128xi32, #tpu.memory_space<hbm>> -> memref<128xi32, #tpu.memory_space<hbm>>
        tpu.enqueue_dma source(%dma_start3A_150 : memref<128xi32, #tpu.memory_space<hbm>>) target(%arg9 : memref<128xi32, #tpu.memory_space<vmem>>) target_semaphore(%run_scoped3A : memref<!tpu.dma_semaphore, #tpu.memory_space<semaphore_mem>>)
        %dma_wait3A_151 = arith.constant 0 : i32
        %dma_wait3A_152 = tpu.memref_slice %arg4[%add3A_124, %dma_wait3A_151] : memref<2500x128xi32, #tpu.memory_space<hbm>> -> memref<1x128xi32, #tpu.memory_space<hbm>>
        %dma_wait3A_153 = tpu.memref_squeeze %dma_wait3A_152 : memref<1x128xi32, #tpu.memory_space<hbm>> -> memref<128xi32, #tpu.memory_space<hbm>>
        %dma_wait3A_154 = arith.constant 0 : i32
        %dma_wait3A_155 = tpu.memref_slice %arg4[%add3A_124, %dma_wait3A_154] : memref<2500x128xi32, #tpu.memory_space<hbm>> -> memref<1x128xi32, #tpu.memory_space<hbm>>
        %dma_wait3A_156 = tpu.memref_squeeze %dma_wait3A_155 : memref<1x128xi32, #tpu.memory_space<hbm>> -> memref<128xi32, #tpu.memory_space<hbm>>
        tpu.wait_dma2 semaphore(%run_scoped3A : memref<!tpu.dma_semaphore, #tpu.memory_space<semaphore_mem>>) src(%dma_wait3A_156 : memref<128xi32, #tpu.memory_space<hbm>>) dst(%arg9 : memref<128xi32, #tpu.memory_space<vmem>>)
        tpu.yield
      }) : () -> ()
      %mul3A_125 = arith.constant 128 : i32
      %mul3A_126 = arith.muli %add3A_115, %mul3A_125 : i32
      %dma_start3A = arith.constant 0 : i32
      %dma_start3A_127 = tpu.memref_slice %arg3[%mul3A_126, %dma_start3A] : memref<160000x128xf32, #tpu.memory_space<hbm>> -> memref<128x128xf32, #tpu.memory_space<hbm>>
      %dma_start3A_128 = arith.constant 0 : i32
      %dma_start3A_129 = tpu.memref_slice %arg3[%mul3A_126, %dma_start3A_128] : memref<160000x128xf32, #tpu.memory_space<hbm>> -> memref<128x128xf32, #tpu.memory_space<hbm>>
      tpu.enqueue_dma source(%dma_start3A_129 : memref<128x128xf32, #tpu.memory_space<hbm>>) target(%arg7 : memref<128x128xf32, #tpu.memory_space<vmem>>) target_semaphore(%arg11 : memref<!tpu.dma_semaphore, #tpu.memory_space<semaphore_mem>>)
      %add3A_130 = arith.constant 1250 : i32
      %add3A_131 = arith.addi %add3A_130, %add3A_122 : i32
      "tpu.region"() ({
        %run_scoped3A = tpu.sem_alloc : memref<!tpu.dma_semaphore, #tpu.memory_space<semaphore_mem>>
        %dma_start3A_145 = arith.constant 0 : i32
        %dma_start3A_146 = tpu.memref_slice %arg4[%add3A_131, %dma_start3A_145] : memref<2500x128xi32, #tpu.memory_space<hbm>> -> memref<1x128xi32, #tpu.memory_space<hbm>>
        %dma_start3A_147 = tpu.memref_squeeze %dma_start3A_146 : memref<1x128xi32, #tpu.memory_space<hbm>> -> memref<128xi32, #tpu.memory_space<hbm>>
        %dma_start3A_148 = arith.constant 0 : i32
        %dma_start3A_149 = tpu.memref_slice %arg4[%add3A_131, %dma_start3A_148] : memref<2500x128xi32, #tpu.memory_space<hbm>> -> memref<1x128xi32, #tpu.memory_space<hbm>>
        %dma_start3A_150 = tpu.memref_squeeze %dma_start3A_149 : memref<1x128xi32, #tpu.memory_space<hbm>> -> memref<128xi32, #tpu.memory_space<hbm>>
        tpu.enqueue_dma source(%dma_start3A_150 : memref<128xi32, #tpu.memory_space<hbm>>) target(%arg10 : memref<128xi32, #tpu.memory_space<vmem>>) target_semaphore(%run_scoped3A : memref<!tpu.dma_semaphore, #tpu.memory_space<semaphore_mem>>)
        %dma_wait3A_151 = arith.constant 0 : i32
        %dma_wait3A_152 = tpu.memref_slice %arg4[%add3A_131, %dma_wait3A_151] : memref<2500x128xi32, #tpu.memory_space<hbm>> -> memref<1x128xi32, #tpu.memory_space<hbm>>
        %dma_wait3A_153 = tpu.memref_squeeze %dma_wait3A_152 : memref<1x128xi32, #tpu.memory_space<hbm>> -> memref<128xi32, #tpu.memory_space<hbm>>
        %dma_wait3A_154 = arith.constant 0 : i32
        %dma_wait3A_155 = tpu.memref_slice %arg4[%add3A_131, %dma_wait3A_154] : memref<2500x128xi32, #tpu.memory_space<hbm>> -> memref<1x128xi32, #tpu.memory_space<hbm>>
        %dma_wait3A_156 = tpu.memref_squeeze %dma_wait3A_155 : memref<1x128xi32, #tpu.memory_space<hbm>> -> memref<128xi32, #tpu.memory_space<hbm>>
        tpu.wait_dma2 semaphore(%run_scoped3A : memref<!tpu.dma_semaphore, #tpu.memory_space<semaphore_mem>>) src(%dma_wait3A_156 : memref<128xi32, #tpu.memory_space<hbm>>) dst(%arg10 : memref<128xi32, #tpu.memory_space<vmem>>)
        tpu.yield
      }) : () -> ()
      %mul3A_132 = arith.constant 128 : i32
      %mul3A_133 = arith.muli %add3A_122, %mul3A_132 : i32
      %dma_start3A_134 = arith.constant 0 : i32
      %dma_start3A_135 = tpu.memref_slice %arg3[%mul3A_133, %dma_start3A_134] : memref<160000x128xf32, #tpu.memory_space<hbm>> -> memref<128x128xf32, #tpu.memory_space<hbm>>
      %dma_start3A_136 = arith.constant 0 : i32
      %dma_start3A_137 = tpu.memref_slice %arg3[%mul3A_133, %dma_start3A_136] : memref<160000x128xf32, #tpu.memory_space<hbm>> -> memref<128x128xf32, #tpu.memory_space<hbm>>
      tpu.enqueue_dma source(%dma_start3A_137 : memref<128x128xf32, #tpu.memory_space<hbm>>) target(%arg8 : memref<128x128xf32, #tpu.memory_space<vmem>>) target_semaphore(%arg12 : memref<!tpu.dma_semaphore, #tpu.memory_space<semaphore_mem>>)
      %dma_wait3A = arith.constant 0 : i32
      %dma_wait3A_138 = tpu.memref_slice %arg3[%mul3A_126, %dma_wait3A] : memref<160000x128xf32, #tpu.memory_space<hbm>> -> memref<128x128xf32, #tpu.memory_space<hbm>>
      %dma_wait3A_139 = arith.constant 0 : i32
      %dma_wait3A_140 = tpu.memref_slice %arg3[%mul3A_126, %dma_wait3A_139] : memref<160000x128xf32, #tpu.memory_space<hbm>> -> memref<128x128xf32, #tpu.memory_space<hbm>>
      tpu.wait_dma2 semaphore(%arg11 : memref<!tpu.dma_semaphore, #tpu.memory_space<semaphore_mem>>) src(%dma_wait3A_140 : memref<128x128xf32, #tpu.memory_space<hbm>>) dst(%arg7 : memref<128x128xf32, #tpu.memory_space<vmem>>)
      "tpu.region"() ({
        %run_scoped3A = tpu.sem_alloc : memref<!tpu.dma_semaphore, #tpu.memory_space<semaphore_mem>>
        %dma_start3A_145 = arith.constant 0 : i32
        %dma_start3A_146 = arith.constant 0 : i32
        %dma_start3A_147 = tpu.memref_slice %arg13[%dma_start3A_145, %dma_start3A_146] : memref<10240x128xf32, #tpu.memory_space<vmem_shared>> -> memref<10240x128xf32, #tpu.memory_space<vmem_shared>>
        tpu.enqueue_indirect_dma source(%arg7 : memref<128x128xf32, #tpu.memory_space<vmem>>) target(%dma_start3A_147 : memref<10240x128xf32, #tpu.memory_space<vmem_shared>>) offsets(%arg9 : memref<128xi32, #tpu.memory_space<vmem>>) semaphore(%run_scoped3A : memref<!tpu.dma_semaphore, #tpu.memory_space<semaphore_mem>>) {add = true}
        %dma_wait3A_148 = arith.constant 0 : i32
        %dma_wait3A_149 = arith.constant 0 : i32
        %dma_wait3A_150 = tpu.memref_slice %arg13[%dma_wait3A_148, %dma_wait3A_149] : memref<10240x128xf32, #tpu.memory_space<vmem_shared>> -> memref<10240x128xf32, #tpu.memory_space<vmem_shared>>
        tpu.wait_indirect_dma semaphore(%run_scoped3A : memref<!tpu.dma_semaphore, #tpu.memory_space<semaphore_mem>>) src(%arg7 : memref<128x128xf32, #tpu.memory_space<vmem>>) dst(%dma_wait3A_150 : memref<10240x128xf32, #tpu.memory_space<vmem_shared>>)
        tpu.yield
      }) : () -> ()
      %dma_wait3A_141 = arith.constant 0 : i32
      %dma_wait3A_142 = tpu.memref_slice %arg3[%mul3A_133, %dma_wait3A_141] : memref<160000x128xf32, #tpu.memory_space<hbm>> -> memref<128x128xf32, #tpu.memory_space<hbm>>
      %dma_wait3A_143 = arith.constant 0 : i32
      %dma_wait3A_144 = tpu.memref_slice %arg3[%mul3A_133, %dma_wait3A_143] : memref<160000x128xf32, #tpu.memory_space<hbm>> -> memref<128x128xf32, #tpu.memory_space<hbm>>
      tpu.wait_dma2 semaphore(%arg12 : memref<!tpu.dma_semaphore, #tpu.memory_space<semaphore_mem>>) src(%dma_wait3A_144 : memref<128x128xf32, #tpu.memory_space<hbm>>) dst(%arg8 : memref<128x128xf32, #tpu.memory_space<vmem>>)
      "tpu.region"() ({
        %run_scoped3A = tpu.sem_alloc : memref<!tpu.dma_semaphore, #tpu.memory_space<semaphore_mem>>
        %dma_start3A_145 = arith.constant 0 : i32
        %dma_start3A_146 = arith.constant 0 : i32
        %dma_start3A_147 = tpu.memref_slice %arg13[%dma_start3A_145, %dma_start3A_146] : memref<10240x128xf32, #tpu.memory_space<vmem_shared>> -> memref<10240x128xf32, #tpu.memory_space<vmem_shared>>
        tpu.enqueue_indirect_dma source(%arg8 : memref<128x128xf32, #tpu.memory_space<vmem>>) target(%dma_start3A_147 : memref<10240x128xf32, #tpu.memory_space<vmem_shared>>) offsets(%arg10 : memref<128xi32, #tpu.memory_space<vmem>>) semaphore(%run_scoped3A : memref<!tpu.dma_semaphore, #tpu.memory_space<semaphore_mem>>) {add = true}
        %dma_wait3A_148 = arith.constant 0 : i32
        %dma_wait3A_149 = arith.constant 0 : i32
        %dma_wait3A_150 = tpu.memref_slice %arg13[%dma_wait3A_148, %dma_wait3A_149] : memref<10240x128xf32, #tpu.memory_space<vmem_shared>> -> memref<10240x128xf32, #tpu.memory_space<vmem_shared>>
        tpu.wait_indirect_dma semaphore(%run_scoped3A : memref<!tpu.dma_semaphore, #tpu.memory_space<semaphore_mem>>) src(%arg8 : memref<128x128xf32, #tpu.memory_space<vmem>>) dst(%dma_wait3A_150 : memref<10240x128xf32, #tpu.memory_space<vmem_shared>>)
        tpu.yield
      }) : () -> ()
    }
    %while3A_85 = arith.constant 1 : i32
    scf.for %while3A_110 = %while3A_83 to %while3A_79 step %while3A_85  : i32 {
      %mul3A_111 = arith.constant 2 : i32
      %mul3A_112 = arith.muli %mul3A_111, %while3A_110 : i32
      %mul3A_113 = arith.constant 32 : i32
      %mul3A_114 = arith.muli %mul3A_113, %mul3A_112 : i32
      %add3A_115 = arith.addi %add3A, %mul3A_114 : i32
      %mul3A_116 = arith.constant 2 : i32
      %mul3A_117 = arith.muli %mul3A_116, %while3A_110 : i32
      %add3A_118 = arith.constant 1 : i32
      %add3A_119 = arith.addi %mul3A_117, %add3A_118 : i32
      %mul3A_120 = arith.constant 32 : i32
      %mul3A_121 = arith.muli %mul3A_120, %add3A_119 : i32
      %add3A_122 = arith.addi %add3A, %mul3A_121 : i32
      %add3A_123 = arith.constant 1250 : i32
      %add3A_124 = arith.addi %add3A_123, %add3A_115 : i32
      "tpu.region"() ({
        %run_scoped3A = tpu.sem_alloc : memref<!tpu.dma_semaphore, #tpu.memory_space<semaphore_mem>>
        %dma_start3A_145 = arith.constant 0 : i32
        %dma_start3A_146 = tpu.memref_slice %arg4[%add3A_124, %dma_start3A_145] : memref<2500x128xi32, #tpu.memory_space<hbm>> -> memref<1x128xi32, #tpu.memory_space<hbm>>
        %dma_start3A_147 = tpu.memref_squeeze %dma_start3A_146 : memref<1x128xi32, #tpu.memory_space<hbm>> -> memref<128xi32, #tpu.memory_space<hbm>>
        %dma_start3A_148 = arith.constant 0 : i32
        %dma_start3A_149 = tpu.memref_slice %arg4[%add3A_124, %dma_start3A_148] : memref<2500x128xi32, #tpu.memory_space<hbm>> -> memref<1x128xi32, #tpu.memory_space<hbm>>
        %dma_start3A_150 = tpu.memref_squeeze %dma_start3A_149 : memref<1x128xi32, #tpu.memory_space<hbm>> -> memref<128xi32, #tpu.memory_space<hbm>>
        tpu.enqueue_dma source(%dma_start3A_150 : memref<128xi32, #tpu.memory_space<hbm>>) target(%arg9 : memref<128xi32, #tpu.memory_space<vmem>>) target_semaphore(%run_scoped3A : memref<!tpu.dma_semaphore, #tpu.memory_space<semaphore_mem>>)
        %dma_wait3A_151 = arith.constant 0 : i32
        %dma_wait3A_152 = tpu.memref_slice %arg4[%add3A_124, %dma_wait3A_151] : memref<2500x128xi32, #tpu.memory_space<hbm>> -> memref<1x128xi32, #tpu.memory_space<hbm>>
        %dma_wait3A_153 = tpu.memref_squeeze %dma_wait3A_152 : memref<1x128xi32, #tpu.memory_space<hbm>> -> memref<128xi32, #tpu.memory_space<hbm>>
        %dma_wait3A_154 = arith.constant 0 : i32
        %dma_wait3A_155 = tpu.memref_slice %arg4[%add3A_124, %dma_wait3A_154] : memref<2500x128xi32, #tpu.memory_space<hbm>> -> memref<1x128xi32, #tpu.memory_space<hbm>>
        %dma_wait3A_156 = tpu.memref_squeeze %dma_wait3A_155 : memref<1x128xi32, #tpu.memory_space<hbm>> -> memref<128xi32, #tpu.memory_space<hbm>>
        tpu.wait_dma2 semaphore(%run_scoped3A : memref<!tpu.dma_semaphore, #tpu.memory_space<semaphore_mem>>) src(%dma_wait3A_156 : memref<128xi32, #tpu.memory_space<hbm>>) dst(%arg9 : memref<128xi32, #tpu.memory_space<vmem>>)
        tpu.yield
      }) : () -> ()
      %mul3A_125 = arith.constant 128 : i32
      %mul3A_126 = arith.muli %add3A_115, %mul3A_125 : i32
      %dma_start3A = arith.constant 0 : i32
      %dma_start3A_127 = tpu.memref_slice %arg3[%mul3A_126, %dma_start3A] : memref<160000x128xf32, #tpu.memory_space<hbm>> -> memref<128x128xf32, #tpu.memory_space<hbm>>
      %dma_start3A_128 = arith.constant 0 : i32
      %dma_start3A_129 = tpu.memref_slice %arg3[%mul3A_126, %dma_start3A_128] : memref<160000x128xf32, #tpu.memory_space<hbm>> -> memref<128x128xf32, #tpu.memory_space<hbm>>
      tpu.enqueue_dma source(%dma_start3A_129 : memref<128x128xf32, #tpu.memory_space<hbm>>) target(%arg7 : memref<128x128xf32, #tpu.memory_space<vmem>>) target_semaphore(%arg11 : memref<!tpu.dma_semaphore, #tpu.memory_space<semaphore_mem>>)
      %add3A_130 = arith.constant 1250 : i32
      %add3A_131 = arith.addi %add3A_130, %add3A_122 : i32
      "tpu.region"() ({
        %run_scoped3A = tpu.sem_alloc : memref<!tpu.dma_semaphore, #tpu.memory_space<semaphore_mem>>
        %dma_start3A_145 = arith.constant 0 : i32
        %dma_start3A_146 = tpu.memref_slice %arg4[%add3A_131, %dma_start3A_145] : memref<2500x128xi32, #tpu.memory_space<hbm>> -> memref<1x128xi32, #tpu.memory_space<hbm>>
        %dma_start3A_147 = tpu.memref_squeeze %dma_start3A_146 : memref<1x128xi32, #tpu.memory_space<hbm>> -> memref<128xi32, #tpu.memory_space<hbm>>
        %dma_start3A_148 = arith.constant 0 : i32
        %dma_start3A_149 = tpu.memref_slice %arg4[%add3A_131, %dma_start3A_148] : memref<2500x128xi32, #tpu.memory_space<hbm>> -> memref<1x128xi32, #tpu.memory_space<hbm>>
        %dma_start3A_150 = tpu.memref_squeeze %dma_start3A_149 : memref<1x128xi32, #tpu.memory_space<hbm>> -> memref<128xi32, #tpu.memory_space<hbm>>
        tpu.enqueue_dma source(%dma_start3A_150 : memref<128xi32, #tpu.memory_space<hbm>>) target(%arg10 : memref<128xi32, #tpu.memory_space<vmem>>) target_semaphore(%run_scoped3A : memref<!tpu.dma_semaphore, #tpu.memory_space<semaphore_mem>>)
        %dma_wait3A_151 = arith.constant 0 : i32
        %dma_wait3A_152 = tpu.memref_slice %arg4[%add3A_131, %dma_wait3A_151] : memref<2500x128xi32, #tpu.memory_space<hbm>> -> memref<1x128xi32, #tpu.memory_space<hbm>>
        %dma_wait3A_153 = tpu.memref_squeeze %dma_wait3A_152 : memref<1x128xi32, #tpu.memory_space<hbm>> -> memref<128xi32, #tpu.memory_space<hbm>>
        %dma_wait3A_154 = arith.constant 0 : i32
        %dma_wait3A_155 = tpu.memref_slice %arg4[%add3A_131, %dma_wait3A_154] : memref<2500x128xi32, #tpu.memory_space<hbm>> -> memref<1x128xi32, #tpu.memory_space<hbm>>
        %dma_wait3A_156 = tpu.memref_squeeze %dma_wait3A_155 : memref<1x128xi32, #tpu.memory_space<hbm>> -> memref<128xi32, #tpu.memory_space<hbm>>
        tpu.wait_dma2 semaphore(%run_scoped3A : memref<!tpu.dma_semaphore, #tpu.memory_space<semaphore_mem>>) src(%dma_wait3A_156 : memref<128xi32, #tpu.memory_space<hbm>>) dst(%arg10 : memref<128xi32, #tpu.memory_space<vmem>>)
        tpu.yield
      }) : () -> ()
      %mul3A_132 = arith.constant 128 : i32
      %mul3A_133 = arith.muli %add3A_122, %mul3A_132 : i32
      %dma_start3A_134 = arith.constant 0 : i32
      %dma_start3A_135 = tpu.memref_slice %arg3[%mul3A_133, %dma_start3A_134] : memref<160000x128xf32, #tpu.memory_space<hbm>> -> memref<128x128xf32, #tpu.memory_space<hbm>>
      %dma_start3A_136 = arith.constant 0 : i32
      %dma_start3A_137 = tpu.memref_slice %arg3[%mul3A_133, %dma_start3A_136] : memref<160000x128xf32, #tpu.memory_space<hbm>> -> memref<128x128xf32, #tpu.memory_space<hbm>>
      tpu.enqueue_dma source(%dma_start3A_137 : memref<128x128xf32, #tpu.memory_space<hbm>>) target(%arg8 : memref<128x128xf32, #tpu.memory_space<vmem>>) target_semaphore(%arg12 : memref<!tpu.dma_semaphore, #tpu.memory_space<semaphore_mem>>)
      %dma_wait3A = arith.constant 0 : i32
      %dma_wait3A_138 = tpu.memref_slice %arg3[%mul3A_126, %dma_wait3A] : memref<160000x128xf32, #tpu.memory_space<hbm>> -> memref<128x128xf32, #tpu.memory_space<hbm>>
      %dma_wait3A_139 = arith.constant 0 : i32
      %dma_wait3A_140 = tpu.memref_slice %arg3[%mul3A_126, %dma_wait3A_139] : memref<160000x128xf32, #tpu.memory_space<hbm>> -> memref<128x128xf32, #tpu.memory_space<hbm>>
      tpu.wait_dma2 semaphore(%arg11 : memref<!tpu.dma_semaphore, #tpu.memory_space<semaphore_mem>>) src(%dma_wait3A_140 : memref<128x128xf32, #tpu.memory_space<hbm>>) dst(%arg7 : memref<128x128xf32, #tpu.memory_space<vmem>>)
      "tpu.region"() ({
        %run_scoped3A = tpu.sem_alloc : memref<!tpu.dma_semaphore, #tpu.memory_space<semaphore_mem>>
        %dma_start3A_145 = arith.constant 0 : i32
        %dma_start3A_146 = arith.constant 0 : i32
        %dma_start3A_147 = tpu.memref_slice %arg13[%dma_start3A_145, %dma_start3A_146] : memref<10240x128xf32, #tpu.memory_space<vmem_shared>> -> memref<10240x128xf32, #tpu.memory_space<vmem_shared>>
        tpu.enqueue_indirect_dma source(%arg7 : memref<128x128xf32, #tpu.memory_space<vmem>>) target(%dma_start3A_147 : memref<10240x128xf32, #tpu.memory_space<vmem_shared>>) offsets(%arg9 : memref<128xi32, #tpu.memory_space<vmem>>) semaphore(%run_scoped3A : memref<!tpu.dma_semaphore, #tpu.memory_space<semaphore_mem>>) {add = true}
        %dma_wait3A_148 = arith.constant 0 : i32
        %dma_wait3A_149 = arith.constant 0 : i32
        %dma_wait3A_150 = tpu.memref_slice %arg13[%dma_wait3A_148, %dma_wait3A_149] : memref<10240x128xf32, #tpu.memory_space<vmem_shared>> -> memref<10240x128xf32, #tpu.memory_space<vmem_shared>>
        tpu.wait_indirect_dma semaphore(%run_scoped3A : memref<!tpu.dma_semaphore, #tpu.memory_space<semaphore_mem>>) src(%arg7 : memref<128x128xf32, #tpu.memory_space<vmem>>) dst(%dma_wait3A_150 : memref<10240x128xf32, #tpu.memory_space<vmem_shared>>)
        tpu.yield
      }) : () -> ()
      %dma_wait3A_141 = arith.constant 0 : i32
      %dma_wait3A_142 = tpu.memref_slice %arg3[%mul3A_133, %dma_wait3A_141] : memref<160000x128xf32, #tpu.memory_space<hbm>> -> memref<128x128xf32, #tpu.memory_space<hbm>>
      %dma_wait3A_143 = arith.constant 0 : i32
      %dma_wait3A_144 = tpu.memref_slice %arg3[%mul3A_133, %dma_wait3A_143] : memref<160000x128xf32, #tpu.memory_space<hbm>> -> memref<128x128xf32, #tpu.memory_space<hbm>>
      tpu.wait_dma2 semaphore(%arg12 : memref<!tpu.dma_semaphore, #tpu.memory_space<semaphore_mem>>) src(%dma_wait3A_144 : memref<128x128xf32, #tpu.memory_space<hbm>>) dst(%arg8 : memref<128x128xf32, #tpu.memory_space<vmem>>)
      "tpu.region"() ({
        %run_scoped3A = tpu.sem_alloc : memref<!tpu.dma_semaphore, #tpu.memory_space<semaphore_mem>>
        %dma_start3A_145 = arith.constant 0 : i32
        %dma_start3A_146 = arith.constant 0 : i32
        %dma_start3A_147 = tpu.memref_slice %arg13[%dma_start3A_145, %dma_start3A_146] : memref<10240x128xf32, #tpu.memory_space<vmem_shared>> -> memref<10240x128xf32, #tpu.memory_space<vmem_shared>>
        tpu.enqueue_indirect_dma source(%arg8 : memref<128x128xf32, #tpu.memory_space<vmem>>) target(%dma_start3A_147 : memref<10240x128xf32, #tpu.memory_space<vmem_shared>>) offsets(%arg10 : memref<128xi32, #tpu.memory_space<vmem>>) semaphore(%run_scoped3A : memref<!tpu.dma_semaphore, #tpu.memory_space<semaphore_mem>>) {add = true}
        %dma_wait3A_148 = arith.constant 0 : i32
        %dma_wait3A_149 = arith.constant 0 : i32
        %dma_wait3A_150 = tpu.memref_slice %arg13[%dma_wait3A_148, %dma_wait3A_149] : memref<10240x128xf32, #tpu.memory_space<vmem_shared>> -> memref<10240x128xf32, #tpu.memory_space<vmem_shared>>
        tpu.wait_indirect_dma semaphore(%run_scoped3A : memref<!tpu.dma_semaphore, #tpu.memory_space<semaphore_mem>>) src(%arg8 : memref<128x128xf32, #tpu.memory_space<vmem>>) dst(%dma_wait3A_150 : memref<10240x128xf32, #tpu.memory_space<vmem_shared>>)
        tpu.yield
      }) : () -> ()
    }
    %jit3A_86 = arith.constant 2 : i32
    %eq3A_87 = arith.constant 0 : i32
    %eq3A_88 = arith.cmpi eq, %jit3A_86, %eq3A_87 : i32
    %jit3A_89 = arith.constant 1 : i32
    %select_n3A_90 = arith.select %eq3A_88, %jit3A_89, %jit3A_86 : i32
    %rem3A_91 = arith.remsi %add3A_6, %select_n3A_90 : i32
    %ne3A_92 = arith.constant 0 : i32
    %ne3A_93 = arith.cmpi ne, %rem3A_91, %ne3A_92 : i32
    %lt3A_94 = arith.constant 0 : i32
    %lt3A_95 = arith.cmpi slt, %rem3A_91, %lt3A_94 : i32
    %lt3A_96 = arith.constant 0 : i32
    %lt3A_97 = arith.cmpi slt, %select_n3A_90, %lt3A_96 : i32
    %ne3A_98 = arith.xori %lt3A_95, %lt3A_97 : i1
    %and3A_99 = arith.andi %ne3A_98, %ne3A_93 : i1
    %add3A_100 = arith.addi %rem3A_91, %select_n3A_90 : i32
    %select_n3A_101 = arith.select %and3A_99, %add3A_100, %rem3A_91 : i32
    %eq3A_102 = arith.constant 1 : i32
    %eq3A_103 = arith.cmpi eq, %select_n3A_101, %eq3A_102 : i32
    %convert_element_type3A_104 = arith.extui %eq3A_103 : i1 to i32
    %cond3A_105 = arith.constant 0 : i32
    %cond3A_106 = arith.cmpi ne, %convert_element_type3A_104, %cond3A_105 : i32
    scf.if %cond3A_106 {
      %sub3A_110 = arith.constant 1 : i32
      %sub3A_111 = arith.subi %add3A_6, %sub3A_110 : i32
      %mul3A_112 = arith.constant 32 : i32
      %mul3A_113 = arith.muli %mul3A_112, %sub3A_111 : i32
      %add3A_114 = arith.addi %add3A, %mul3A_113 : i32
      %add3A_115 = arith.constant 1250 : i32
      %add3A_116 = arith.addi %add3A_115, %add3A_114 : i32
      "tpu.region"() ({
        %run_scoped3A = tpu.sem_alloc : memref<!tpu.dma_semaphore, #tpu.memory_space<semaphore_mem>>
        %dma_start3A = arith.constant 0 : i32
        %dma_start3A_119 = tpu.memref_slice %arg4[%add3A_116, %dma_start3A] : memref<2500x128xi32, #tpu.memory_space<hbm>> -> memref<1x128xi32, #tpu.memory_space<hbm>>
        %dma_start3A_120 = tpu.memref_squeeze %dma_start3A_119 : memref<1x128xi32, #tpu.memory_space<hbm>> -> memref<128xi32, #tpu.memory_space<hbm>>
        %dma_start3A_121 = arith.constant 0 : i32
        %dma_start3A_122 = tpu.memref_slice %arg4[%add3A_116, %dma_start3A_121] : memref<2500x128xi32, #tpu.memory_space<hbm>> -> memref<1x128xi32, #tpu.memory_space<hbm>>
        %dma_start3A_123 = tpu.memref_squeeze %dma_start3A_122 : memref<1x128xi32, #tpu.memory_space<hbm>> -> memref<128xi32, #tpu.memory_space<hbm>>
        tpu.enqueue_dma source(%dma_start3A_123 : memref<128xi32, #tpu.memory_space<hbm>>) target(%arg9 : memref<128xi32, #tpu.memory_space<vmem>>) target_semaphore(%run_scoped3A : memref<!tpu.dma_semaphore, #tpu.memory_space<semaphore_mem>>)
        %dma_wait3A = arith.constant 0 : i32
        %dma_wait3A_124 = tpu.memref_slice %arg4[%add3A_116, %dma_wait3A] : memref<2500x128xi32, #tpu.memory_space<hbm>> -> memref<1x128xi32, #tpu.memory_space<hbm>>
        %dma_wait3A_125 = tpu.memref_squeeze %dma_wait3A_124 : memref<1x128xi32, #tpu.memory_space<hbm>> -> memref<128xi32, #tpu.memory_space<hbm>>
        %dma_wait3A_126 = arith.constant 0 : i32
        %dma_wait3A_127 = tpu.memref_slice %arg4[%add3A_116, %dma_wait3A_126] : memref<2500x128xi32, #tpu.memory_space<hbm>> -> memref<1x128xi32, #tpu.memory_space<hbm>>
        %dma_wait3A_128 = tpu.memref_squeeze %dma_wait3A_127 : memref<1x128xi32, #tpu.memory_space<hbm>> -> memref<128xi32, #tpu.memory_space<hbm>>
        tpu.wait_dma2 semaphore(%run_scoped3A : memref<!tpu.dma_semaphore, #tpu.memory_space<semaphore_mem>>) src(%dma_wait3A_128 : memref<128xi32, #tpu.memory_space<hbm>>) dst(%arg9 : memref<128xi32, #tpu.memory_space<vmem>>)
        tpu.yield
      }) : () -> ()
      %mul3A_117 = arith.constant 128 : i32
      %mul3A_118 = arith.muli %add3A_114, %mul3A_117 : i32
      "tpu.region"() ({
        %run_scoped3A = tpu.sem_alloc : memref<!tpu.dma_semaphore, #tpu.memory_space<semaphore_mem>>
        %dma_start3A = arith.constant 0 : i32
        %dma_start3A_119 = tpu.memref_slice %arg3[%mul3A_118, %dma_start3A] : memref<160000x128xf32, #tpu.memory_space<hbm>> -> memref<128x128xf32, #tpu.memory_space<hbm>>
        %dma_start3A_120 = arith.constant 0 : i32
        %dma_start3A_121 = tpu.memref_slice %arg3[%mul3A_118, %dma_start3A_120] : memref<160000x128xf32, #tpu.memory_space<hbm>> -> memref<128x128xf32, #tpu.memory_space<hbm>>
        tpu.enqueue_dma source(%dma_start3A_121 : memref<128x128xf32, #tpu.memory_space<hbm>>) target(%arg7 : memref<128x128xf32, #tpu.memory_space<vmem>>) target_semaphore(%run_scoped3A : memref<!tpu.dma_semaphore, #tpu.memory_space<semaphore_mem>>)
        %dma_wait3A = arith.constant 0 : i32
        %dma_wait3A_122 = tpu.memref_slice %arg3[%mul3A_118, %dma_wait3A] : memref<160000x128xf32, #tpu.memory_space<hbm>> -> memref<128x128xf32, #tpu.memory_space<hbm>>
        %dma_wait3A_123 = arith.constant 0 : i32
        %dma_wait3A_124 = tpu.memref_slice %arg3[%mul3A_118, %dma_wait3A_123] : memref<160000x128xf32, #tpu.memory_space<hbm>> -> memref<128x128xf32, #tpu.memory_space<hbm>>
        tpu.wait_dma2 semaphore(%run_scoped3A : memref<!tpu.dma_semaphore, #tpu.memory_space<semaphore_mem>>) src(%dma_wait3A_124 : memref<128x128xf32, #tpu.memory_space<hbm>>) dst(%arg7 : memref<128x128xf32, #tpu.memory_space<vmem>>)
        tpu.yield
      }) : () -> ()
      "tpu.region"() ({
        %run_scoped3A = tpu.sem_alloc : memref<!tpu.dma_semaphore, #tpu.memory_space<semaphore_mem>>
        %dma_start3A = arith.constant 0 : i32
        %dma_start3A_119 = arith.constant 0 : i32
        %dma_start3A_120 = tpu.memref_slice %arg13[%dma_start3A, %dma_start3A_119] : memref<10240x128xf32, #tpu.memory_space<vmem_shared>> -> memref<10240x128xf32, #tpu.memory_space<vmem_shared>>
        tpu.enqueue_indirect_dma source(%arg7 : memref<128x128xf32, #tpu.memory_space<vmem>>) target(%dma_start3A_120 : memref<10240x128xf32, #tpu.memory_space<vmem_shared>>) offsets(%arg9 : memref<128xi32, #tpu.memory_space<vmem>>) semaphore(%run_scoped3A : memref<!tpu.dma_semaphore, #tpu.memory_space<semaphore_mem>>) {add = true}
        %dma_wait3A = arith.constant 0 : i32
        %dma_wait3A_121 = arith.constant 0 : i32
        %dma_wait3A_122 = tpu.memref_slice %arg13[%dma_wait3A, %dma_wait3A_121] : memref<10240x128xf32, #tpu.memory_space<vmem_shared>> -> memref<10240x128xf32, #tpu.memory_space<vmem_shared>>
        tpu.wait_indirect_dma semaphore(%run_scoped3A : memref<!tpu.dma_semaphore, #tpu.memory_space<semaphore_mem>>) src(%arg7 : memref<128x128xf32, #tpu.memory_space<vmem>>) dst(%dma_wait3A_122 : memref<10240x128xf32, #tpu.memory_space<vmem_shared>>)
        tpu.yield
      }) : () -> ()
    } else {
    }
    %barrier3A_107 = arith.constant 0 : index
    tpu.barrier barrier_id(%barrier3A_107)
    %mul3A_108 = arith.constant 640 : i32
    %mul3A_109 = arith.muli %arg1, %mul3A_108 : i32
    "tpu.region"() ({
      %run_scoped3A = tpu.sem_alloc : memref<!tpu.dma_semaphore, #tpu.memory_space<semaphore_mem>>
      %dma_start3A = arith.constant 0 : i32
      %dma_start3A_110 = tpu.memref_slice %arg6[%arg0, %mul3A_109, %dma_start3A] : memref<2x10240x128xf32, #tpu.memory_space<hbm>> -> memref<1x640x128xf32, #tpu.memory_space<hbm>>
      %dma_start3A_111 = tpu.memref_squeeze %dma_start3A_110 : memref<1x640x128xf32, #tpu.memory_space<hbm>> -> memref<640x128xf32, #tpu.memory_space<hbm>>
      %dma_start3A_112 = arith.constant 0 : i32
      %dma_start3A_113 = tpu.memref_slice %arg13[%mul3A_109, %dma_start3A_112] : memref<10240x128xf32, #tpu.memory_space<vmem_shared>> -> memref<640x128xf32, #tpu.memory_space<vmem_shared>>
      tpu.enqueue_dma source(%dma_start3A_113 : memref<640x128xf32, #tpu.memory_space<vmem_shared>>) target(%dma_start3A_111 : memref<640x128xf32, #tpu.memory_space<hbm>>) target_semaphore(%run_scoped3A : memref<!tpu.dma_semaphore, #tpu.memory_space<semaphore_mem>>)
      %dma_wait3A = arith.constant 0 : i32
      %dma_wait3A_114 = tpu.memref_slice %arg6[%arg0, %mul3A_109, %dma_wait3A] : memref<2x10240x128xf32, #tpu.memory_space<hbm>> -> memref<1x640x128xf32, #tpu.memory_space<hbm>>
      %dma_wait3A_115 = tpu.memref_squeeze %dma_wait3A_114 : memref<1x640x128xf32, #tpu.memory_space<hbm>> -> memref<640x128xf32, #tpu.memory_space<hbm>>
      %dma_wait3A_116 = arith.constant 0 : i32
      %dma_wait3A_117 = tpu.memref_slice %arg13[%mul3A_109, %dma_wait3A_116] : memref<10240x128xf32, #tpu.memory_space<vmem_shared>> -> memref<640x128xf32, #tpu.memory_space<vmem_shared>>
      tpu.wait_dma2 semaphore(%run_scoped3A : memref<!tpu.dma_semaphore, #tpu.memory_space<semaphore_mem>>) src(%dma_wait3A_117 : memref<640x128xf32, #tpu.memory_space<vmem_shared>>) dst(%dma_wait3A_115 : memref<640x128xf32, #tpu.memory_space<hbm>>)
      tpu.yield
    }) : () -> ()
    return
  }
}

module attributes {stable_mosaic.version = 14 : i64} {
  func.func @_mlp_body(%arg0: i32, %arg1: memref<3200x128xf32, #tpu.memory_space<vmem>>, %arg2: memref<3200x128xf32, #tpu.memory_space<vmem>>, %arg3: memref<128x1536xbf16, #tpu.memory_space<vmem>>, %arg4: memref<128x1536xbf16, #tpu.memory_space<vmem>>, %arg5: memref<1x1536xf32, #tpu.memory_space<vmem>>, %arg6: memref<768x512xbf16, #tpu.memory_space<vmem>>, %arg7: memref<1x512xf32, #tpu.memory_space<vmem>>, %arg8: memref<512x128xbf16, #tpu.memory_space<vmem>>, %arg9: memref<1x128xf32, #tpu.memory_space<vmem>>, %arg10: memref<128x1xbf16, #tpu.memory_space<vmem>>, %arg11: memref<1x1xf32, #tpu.memory_space<vmem>>, %arg12: memref<768x512xbf16, #tpu.memory_space<vmem>>, %arg13: memref<1x512xf32, #tpu.memory_space<vmem>>, %arg14: memref<512x256xbf16, #tpu.memory_space<vmem>>, %arg15: memref<1x256xf32, #tpu.memory_space<vmem>>, %arg16: memref<256x128xbf16, #tpu.memory_space<vmem>>, %arg17: memref<1x128xf32, #tpu.memory_space<vmem>>, %arg18: memref<1x25x128xf32, #tpu.memory_space<vmem>>, %arg19: memref<3200x1xf32, #tpu.memory_space<vmem>>, %arg20: memref<3200x128xbf16, #tpu.memory_space<vmem>>) attributes {dimension_semantics = [#tpu.dimension_semantics<arbitrary>], iteration_bounds = array<i64: 50>, scalar_prefetch = 0 : i64, scratch_operands = 0 : i64, tpu.core_type = #tpu.core_type<tc>, window_params = [{transform_indices = @transform_0, window_bounds = array<i64: 3200, 128>}, {transform_indices = @transform_1, window_bounds = array<i64: 3200, 128>}, {pipeline_mode = #tpu.pipeline_mode<synchronous>, transform_indices = @transform_2, window_bounds = array<i64: 128, 1536>}, {pipeline_mode = #tpu.pipeline_mode<synchronous>, transform_indices = @transform_3, window_bounds = array<i64: 128, 1536>}, {pipeline_mode = #tpu.pipeline_mode<synchronous>, transform_indices = @transform_4, window_bounds = array<i64: 1, 1536>}, {pipeline_mode = #tpu.pipeline_mode<synchronous>, transform_indices = @transform_5, window_bounds = array<i64: 768, 512>}, {pipeline_mode = #tpu.pipeline_mode<synchronous>, transform_indices = @transform_6, window_bounds = array<i64: 1, 512>}, {pipeline_mode = #tpu.pipeline_mode<synchronous>, transform_indices = @transform_7, window_bounds = array<i64: 512, 128>}, {pipeline_mode = #tpu.pipeline_mode<synchronous>, transform_indices = @transform_8, window_bounds = array<i64: 1, 128>}, {pipeline_mode = #tpu.pipeline_mode<synchronous>, transform_indices = @transform_9, window_bounds = array<i64: 128, 1>}, {pipeline_mode = #tpu.pipeline_mode<synchronous>, transform_indices = @transform_10, window_bounds = array<i64: 1, 1>}, {pipeline_mode = #tpu.pipeline_mode<synchronous>, transform_indices = @transform_11, window_bounds = array<i64: 768, 512>}, {pipeline_mode = #tpu.pipeline_mode<synchronous>, transform_indices = @transform_12, window_bounds = array<i64: 1, 512>}, {pipeline_mode = #tpu.pipeline_mode<synchronous>, transform_indices = @transform_13, window_bounds = array<i64: 512, 256>}, {pipeline_mode = #tpu.pipeline_mode<synchronous>, transform_indices = @transform_14, window_bounds = array<i64: 1, 256>}, {pipeline_mode = #tpu.pipeline_mode<synchronous>, transform_indices = @transform_15, window_bounds = array<i64: 256, 128>}, {pipeline_mode = #tpu.pipeline_mode<synchronous>, transform_indices = @transform_16, window_bounds = array<i64: 1, 128>}, {transform_indices = @transform_17, window_bounds = array<i64: 1, 25, 128>}, {transform_indices = @transform_18, window_bounds = array<i64: 3200, 1>}, {transform_indices = @transform_19, window_bounds = array<i64: 3200, 128>}]} {
    %get3A = arith.constant 0 : index
    %get3A_0 = arith.constant 0 : index
    %get3A_1 = vector.load %arg1[%get3A, %get3A_0] : memref<3200x128xf32, #tpu.memory_space<vmem>>, vector<3200x128xf32>
    %convert_element_type3A = arith.truncf %get3A_1 : vector<3200x128xf32> to vector<3200x128xbf16>
    %get3A_2 = arith.constant 0 : index
    %get3A_3 = arith.constant 0 : index
    %get3A_4 = vector.load %arg2[%get3A_2, %get3A_3] : memref<3200x128xf32, #tpu.memory_space<vmem>>, vector<3200x128xf32>
    %convert_element_type3A_5 = arith.truncf %get3A_4 : vector<3200x128xf32> to vector<3200x128xbf16>
    %get3A_6 = arith.constant 0 : index
    %get3A_7 = arith.constant 0 : index
    %get3A_8 = vector.load %arg3[%get3A_6, %get3A_7] : memref<128x1536xbf16, #tpu.memory_space<vmem>>, vector<128x1536xbf16>
    %dot_general3A = arith.constant dense<0.000000e+00> : vector<3200x1536xf32>
    %dot_general3A_9 = tpu.matmul %convert_element_type3A, %get3A_8, %dot_general3A {dimension_numbers = #tpu.dot_dimension_numbers<[1], [0], [0], [1], [0, 0, 1, 1], [], []>, transpose_lhs_hint = false} : vector<3200x128xbf16>, vector<128x1536xbf16>, vector<3200x1536xf32> -> vector<3200x1536xf32>
    %get3A_10 = arith.constant 0 : index
    %get3A_11 = arith.constant 0 : index
    %get3A_12 = vector.load %arg4[%get3A_10, %get3A_11] : memref<128x1536xbf16, #tpu.memory_space<vmem>>, vector<128x1536xbf16>
    %dot_general3A_13 = arith.constant dense<0.000000e+00> : vector<3200x1536xf32>
    %dot_general3A_14 = tpu.matmul %convert_element_type3A_5, %get3A_12, %dot_general3A_13 {dimension_numbers = #tpu.dot_dimension_numbers<[1], [0], [0], [1], [0, 0, 1, 1], [], []>, transpose_lhs_hint = false} : vector<3200x128xbf16>, vector<128x1536xbf16>, vector<3200x1536xf32> -> vector<3200x1536xf32>
    %add3A = arith.addf %dot_general3A_9, %dot_general3A_14 : vector<3200x1536xf32>
    %get3A_15 = arith.constant 0 : index
    %get3A_16 = arith.constant 0 : index
    %get3A_17 = vector.load %arg5[%get3A_15, %get3A_16] : memref<1x1536xf32, #tpu.memory_space<vmem>>, vector<1x1536xf32>
    %add3A_18 = vector.broadcast %get3A_17 : vector<1x1536xf32> to vector<3200x1536xf32>
    %add3A_19 = arith.addf %add3A, %add3A_18 : vector<3200x1536xf32>
    %max3A = arith.constant 0.000000e+00 : f32
    %max3A_20 = vector.broadcast %max3A : f32 to vector<3200x1536xf32>
    %max3A_21 = arith.maximumf %add3A_19, %max3A_20 : vector<3200x1536xf32>
    %convert_element_type3A_22 = arith.truncf %max3A_21 : vector<3200x1536xf32> to vector<3200x1536xbf16>
    %slice3A = vector.extract_strided_slice %convert_element_type3A_22 {offsets = [0, 0], sizes = [3200, 768], strides = [1, 1]} : vector<3200x1536xbf16> to vector<3200x768xbf16>
    %get3A_23 = arith.constant 0 : index
    %get3A_24 = arith.constant 0 : index
    %get3A_25 = vector.load %arg6[%get3A_23, %get3A_24] : memref<768x512xbf16, #tpu.memory_space<vmem>>, vector<768x512xbf16>
    %dot_general3A_26 = arith.constant dense<0.000000e+00> : vector<3200x512xf32>
    %dot_general3A_27 = tpu.matmul %slice3A, %get3A_25, %dot_general3A_26 {dimension_numbers = #tpu.dot_dimension_numbers<[1], [0], [0], [1], [0, 0, 1, 1], [], []>, transpose_lhs_hint = false} : vector<3200x768xbf16>, vector<768x512xbf16>, vector<3200x512xf32> -> vector<3200x512xf32>
    %get3A_28 = arith.constant 0 : index
    %get3A_29 = arith.constant 0 : index
    %get3A_30 = vector.load %arg7[%get3A_28, %get3A_29] : memref<1x512xf32, #tpu.memory_space<vmem>>, vector<1x512xf32>
    %add3A_31 = vector.broadcast %get3A_30 : vector<1x512xf32> to vector<3200x512xf32>
    %add3A_32 = arith.addf %dot_general3A_27, %add3A_31 : vector<3200x512xf32>
    %max3A_33 = arith.constant 0.000000e+00 : f32
    %max3A_34 = vector.broadcast %max3A_33 : f32 to vector<3200x512xf32>
    %max3A_35 = arith.maximumf %add3A_32, %max3A_34 : vector<3200x512xf32>
    %convert_element_type3A_36 = arith.truncf %max3A_35 : vector<3200x512xf32> to vector<3200x512xbf16>
    %get3A_37 = arith.constant 0 : index
    %get3A_38 = arith.constant 0 : index
    %get3A_39 = vector.load %arg8[%get3A_37, %get3A_38] : memref<512x128xbf16, #tpu.memory_space<vmem>>, vector<512x128xbf16>
    %dot_general3A_40 = arith.constant dense<0.000000e+00> : vector<3200x128xf32>
    %dot_general3A_41 = tpu.matmul %convert_element_type3A_36, %get3A_39, %dot_general3A_40 {dimension_numbers = #tpu.dot_dimension_numbers<[1], [0], [0], [1], [0, 0, 1, 1], [], []>, transpose_lhs_hint = false} : vector<3200x512xbf16>, vector<512x128xbf16>, vector<3200x128xf32> -> vector<3200x128xf32>
    %get3A_42 = arith.constant 0 : index
    %get3A_43 = arith.constant 0 : index
    %get3A_44 = vector.load %arg9[%get3A_42, %get3A_43] : memref<1x128xf32, #tpu.memory_space<vmem>>, vector<1x128xf32>
    %add3A_45 = vector.broadcast %get3A_44 : vector<1x128xf32> to vector<3200x128xf32>
    %add3A_46 = arith.addf %dot_general3A_41, %add3A_45 : vector<3200x128xf32>
    %max3A_47 = arith.constant 0.000000e+00 : f32
    %max3A_48 = vector.broadcast %max3A_47 : f32 to vector<3200x128xf32>
    %max3A_49 = arith.maximumf %add3A_46, %max3A_48 : vector<3200x128xf32>
    %convert_element_type3A_50 = arith.truncf %max3A_49 : vector<3200x128xf32> to vector<3200x128xbf16>
    %get3A_51 = arith.constant 0 : index
    %get3A_52 = arith.constant 0 : index
    %get3A_53 = vector.load %arg10[%get3A_51, %get3A_52] : memref<128x1xbf16, #tpu.memory_space<vmem>>, vector<128x1xbf16>
    %dot_general3A_54 = arith.constant dense<0.000000e+00> : vector<3200x1xf32>
    %dot_general3A_55 = tpu.matmul %convert_element_type3A_50, %get3A_53, %dot_general3A_54 {dimension_numbers = #tpu.dot_dimension_numbers<[1], [0], [0], [1], [0, 0, 1, 1], [], []>, transpose_lhs_hint = false} : vector<3200x128xbf16>, vector<128x1xbf16>, vector<3200x1xf32> -> vector<3200x1xf32>
    %get3A_56 = arith.constant 0 : index
    %get3A_57 = arith.constant 0 : index
    %get3A_58 = vector.load %arg11[%get3A_56, %get3A_57] : memref<1x1xf32, #tpu.memory_space<vmem>>, vector<1x1xf32>
    %add3A_59 = vector.broadcast %get3A_58 : vector<1x1xf32> to vector<3200x1xf32>
    %add3A_60 = arith.addf %dot_general3A_55, %add3A_59 : vector<3200x1xf32>
    %reshape3A = vector.shape_cast %add3A_60 : vector<3200x1xf32> to vector<1x25x128xf32>
    %swap3A = arith.constant 0 : index
    %swap3A_61 = arith.constant 0 : index
    %swap3A_62 = arith.constant 0 : index
    %swap3A_63 = vector.load %arg18[%swap3A, %swap3A_61, %swap3A_62] : memref<1x25x128xf32, #tpu.memory_space<vmem>>, vector<1x25x128xf32>
    tpu.vector_store %arg18[%swap3A, %swap3A_61, %swap3A_62], %reshape3A {strides = array<i32>} : memref<1x25x128xf32, #tpu.memory_space<vmem>>, vector<1x25x128xf32>,
    %swap3A_64 = arith.constant 0 : index
    %swap3A_65 = arith.constant 0 : index
    %swap3A_66 = vector.load %arg19[%swap3A_64, %swap3A_65] : memref<3200x1xf32, #tpu.memory_space<vmem>>, vector<3200x1xf32>
    tpu.vector_store %arg19[%swap3A_64, %swap3A_65], %add3A_60 {strides = array<i32>} : memref<3200x1xf32, #tpu.memory_space<vmem>>, vector<3200x1xf32>,
    %slice3A_67 = vector.extract_strided_slice %convert_element_type3A_22 {offsets = [0, 768], sizes = [3200, 768], strides = [1, 1]} : vector<3200x1536xbf16> to vector<3200x768xbf16>
    %get3A_68 = arith.constant 0 : index
    %get3A_69 = arith.constant 0 : index
    %get3A_70 = vector.load %arg12[%get3A_68, %get3A_69] : memref<768x512xbf16, #tpu.memory_space<vmem>>, vector<768x512xbf16>
    %dot_general3A_71 = arith.constant dense<0.000000e+00> : vector<3200x512xf32>
    %dot_general3A_72 = tpu.matmul %slice3A_67, %get3A_70, %dot_general3A_71 {dimension_numbers = #tpu.dot_dimension_numbers<[1], [0], [0], [1], [0, 0, 1, 1], [], []>, transpose_lhs_hint = false} : vector<3200x768xbf16>, vector<768x512xbf16>, vector<3200x512xf32> -> vector<3200x512xf32>
    %get3A_73 = arith.constant 0 : index
    %get3A_74 = arith.constant 0 : index
    %get3A_75 = vector.load %arg13[%get3A_73, %get3A_74] : memref<1x512xf32, #tpu.memory_space<vmem>>, vector<1x512xf32>
    %add3A_76 = vector.broadcast %get3A_75 : vector<1x512xf32> to vector<3200x512xf32>
    %add3A_77 = arith.addf %dot_general3A_72, %add3A_76 : vector<3200x512xf32>
    %max3A_78 = arith.constant 0.000000e+00 : f32
    %max3A_79 = vector.broadcast %max3A_78 : f32 to vector<3200x512xf32>
    %max3A_80 = arith.maximumf %add3A_77, %max3A_79 : vector<3200x512xf32>
    %convert_element_type3A_81 = arith.truncf %max3A_80 : vector<3200x512xf32> to vector<3200x512xbf16>
    %get3A_82 = arith.constant 0 : index
    %get3A_83 = arith.constant 0 : index
    %get3A_84 = vector.load %arg14[%get3A_82, %get3A_83] : memref<512x256xbf16, #tpu.memory_space<vmem>>, vector<512x256xbf16>
    %dot_general3A_85 = arith.constant dense<0.000000e+00> : vector<3200x256xf32>
    %dot_general3A_86 = tpu.matmul %convert_element_type3A_81, %get3A_84, %dot_general3A_85 {dimension_numbers = #tpu.dot_dimension_numbers<[1], [0], [0], [1], [0, 0, 1, 1], [], []>, transpose_lhs_hint = false} : vector<3200x512xbf16>, vector<512x256xbf16>, vector<3200x256xf32> -> vector<3200x256xf32>
    %get3A_87 = arith.constant 0 : index
    %get3A_88 = arith.constant 0 : index
    %get3A_89 = vector.load %arg15[%get3A_87, %get3A_88] : memref<1x256xf32, #tpu.memory_space<vmem>>, vector<1x256xf32>
    %add3A_90 = vector.broadcast %get3A_89 : vector<1x256xf32> to vector<3200x256xf32>
    %add3A_91 = arith.addf %dot_general3A_86, %add3A_90 : vector<3200x256xf32>
    %max3A_92 = arith.constant 0.000000e+00 : f32
    %max3A_93 = vector.broadcast %max3A_92 : f32 to vector<3200x256xf32>
    %max3A_94 = arith.maximumf %add3A_91, %max3A_93 : vector<3200x256xf32>
    %convert_element_type3A_95 = arith.truncf %max3A_94 : vector<3200x256xf32> to vector<3200x256xbf16>
    %get3A_96 = arith.constant 0 : index
    %get3A_97 = arith.constant 0 : index
    %get3A_98 = vector.load %arg16[%get3A_96, %get3A_97] : memref<256x128xbf16, #tpu.memory_space<vmem>>, vector<256x128xbf16>
    %dot_general3A_99 = arith.constant dense<0.000000e+00> : vector<3200x128xf32>
    %dot_general3A_100 = tpu.matmul %convert_element_type3A_95, %get3A_98, %dot_general3A_99 {dimension_numbers = #tpu.dot_dimension_numbers<[1], [0], [0], [1], [0, 0, 1, 1], [], []>, transpose_lhs_hint = false} : vector<3200x256xbf16>, vector<256x128xbf16>, vector<3200x128xf32> -> vector<3200x128xf32>
    %get3A_101 = arith.constant 0 : index
    %get3A_102 = arith.constant 0 : index
    %get3A_103 = vector.load %arg17[%get3A_101, %get3A_102] : memref<1x128xf32, #tpu.memory_space<vmem>>, vector<1x128xf32>
    %add3A_104 = vector.broadcast %get3A_103 : vector<1x128xf32> to vector<3200x128xf32>
    %add3A_105 = arith.addf %dot_general3A_100, %add3A_104 : vector<3200x128xf32>
    %convert_element_type3A_106 = arith.truncf %add3A_105 : vector<3200x128xf32> to vector<3200x128xbf16>
    %swap3A_107 = arith.constant 0 : index
    %swap3A_108 = arith.constant 0 : index
    %swap3A_109 = vector.load %arg20[%swap3A_107, %swap3A_108] : memref<3200x128xbf16, #tpu.memory_space<vmem>>, vector<3200x128xbf16>
    tpu.vector_store %arg20[%swap3A_107, %swap3A_108], %convert_element_type3A_106 {strides = array<i32>} : memref<3200x128xbf16, #tpu.memory_space<vmem>>, vector<3200x128xbf16>,
    return
  }
  func.func @transform_0(%arg0: i32) -> (i32, i32) {
    %c0_i32 = arith.constant 0 : i32
    %c0_i32_0 = arith.constant 0 : i32
    return %arg0, %c0_i32 : i32, i32
  }
  func.func @transform_1(%arg0: i32) -> (i32, i32) {
    %c0_i32 = arith.constant 0 : i32
    %c0_i32_0 = arith.constant 0 : i32
    return %arg0, %c0_i32 : i32, i32
  }
  func.func @transform_2(%arg0: i32) -> (i32, i32) {
    %c0_i32 = arith.constant 0 : i32
    %c0_i32_0 = arith.constant 0 : i32
    %c0_i32_1 = arith.constant 0 : i32
    return %c0_i32, %c0_i32_0 : i32, i32
  }
  func.func @transform_3(%arg0: i32) -> (i32, i32) {
    %c0_i32 = arith.constant 0 : i32
    %c0_i32_0 = arith.constant 0 : i32
    %c0_i32_1 = arith.constant 0 : i32
    return %c0_i32, %c0_i32_0 : i32, i32
  }
  func.func @transform_4(%arg0: i32) -> (i32, i32) {
    %c0_i32 = arith.constant 0 : i32
    %c0_i32_0 = arith.constant 0 : i32
    %c0_i32_1 = arith.constant 0 : i32
    return %c0_i32, %c0_i32_0 : i32, i32
  }
  func.func @transform_5(%arg0: i32) -> (i32, i32) {
    %c0_i32 = arith.constant 0 : i32
    %c0_i32_0 = arith.constant 0 : i32
    %c0_i32_1 = arith.constant 0 : i32
    return %c0_i32, %c0_i32_0 : i32, i32
  }
  func.func @transform_6(%arg0: i32) -> (i32, i32) {
    %c0_i32 = arith.constant 0 : i32
    %c0_i32_0 = arith.constant 0 : i32
    %c0_i32_1 = arith.constant 0 : i32
    return %c0_i32, %c0_i32_0 : i32, i32
  }
  func.func @transform_7(%arg0: i32) -> (i32, i32) {
    %c0_i32 = arith.constant 0 : i32
    %c0_i32_0 = arith.constant 0 : i32
    %c0_i32_1 = arith.constant 0 : i32
    return %c0_i32, %c0_i32_0 : i32, i32
  }
  func.func @transform_8(%arg0: i32) -> (i32, i32) {
    %c0_i32 = arith.constant 0 : i32
    %c0_i32_0 = arith.constant 0 : i32
    %c0_i32_1 = arith.constant 0 : i32
    return %c0_i32, %c0_i32_0 : i32, i32
  }
  func.func @transform_9(%arg0: i32) -> (i32, i32) {
    %c0_i32 = arith.constant 0 : i32
    %c0_i32_0 = arith.constant 0 : i32
    %c0_i32_1 = arith.constant 0 : i32
    return %c0_i32, %c0_i32_0 : i32, i32
  }
  func.func @transform_10(%arg0: i32) -> (i32, i32) {
    %c0_i32 = arith.constant 0 : i32
    %c0_i32_0 = arith.constant 0 : i32
    %c0_i32_1 = arith.constant 0 : i32
    return %c0_i32, %c0_i32_0 : i32, i32
  }
  func.func @transform_11(%arg0: i32) -> (i32, i32) {
    %c0_i32 = arith.constant 0 : i32
    %c0_i32_0 = arith.constant 0 : i32
    %c0_i32_1 = arith.constant 0 : i32
    return %c0_i32, %c0_i32_0 : i32, i32
  }
  func.func @transform_12(%arg0: i32) -> (i32, i32) {
    %c0_i32 = arith.constant 0 : i32
    %c0_i32_0 = arith.constant 0 : i32
    %c0_i32_1 = arith.constant 0 : i32
    return %c0_i32, %c0_i32_0 : i32, i32
  }
  func.func @transform_13(%arg0: i32) -> (i32, i32) {
    %c0_i32 = arith.constant 0 : i32
    %c0_i32_0 = arith.constant 0 : i32
    %c0_i32_1 = arith.constant 0 : i32
    return %c0_i32, %c0_i32_0 : i32, i32
  }
  func.func @transform_14(%arg0: i32) -> (i32, i32) {
    %c0_i32 = arith.constant 0 : i32
    %c0_i32_0 = arith.constant 0 : i32
    %c0_i32_1 = arith.constant 0 : i32
    return %c0_i32, %c0_i32_0 : i32, i32
  }
  func.func @transform_15(%arg0: i32) -> (i32, i32) {
    %c0_i32 = arith.constant 0 : i32
    %c0_i32_0 = arith.constant 0 : i32
    %c0_i32_1 = arith.constant 0 : i32
    return %c0_i32, %c0_i32_0 : i32, i32
  }
  func.func @transform_16(%arg0: i32) -> (i32, i32) {
    %c0_i32 = arith.constant 0 : i32
    %c0_i32_0 = arith.constant 0 : i32
    %c0_i32_1 = arith.constant 0 : i32
    return %c0_i32, %c0_i32_0 : i32, i32
  }
  func.func @transform_17(%arg0: i32) -> (i32, i32, i32) {
    %c0_i32 = arith.constant 0 : i32
    %c0_i32_0 = arith.constant 0 : i32
    %c0_i32_1 = arith.constant 0 : i32
    return %arg0, %c0_i32, %c0_i32_0 : i32, i32, i32
  }
  func.func @transform_18(%arg0: i32) -> (i32, i32) {
    %c0_i32 = arith.constant 0 : i32
    %c0_i32_0 = arith.constant 0 : i32
    return %arg0, %c0_i32 : i32, i32
  }
  func.func @transform_19(%arg0: i32) -> (i32, i32) {
    %c0_i32 = arith.constant 0 : i32
    %c0_i32_0 = arith.constant 0 : i32
    return %arg0, %c0_i32 : i32, i32
  }
}

module attributes {stable_mosaic.version = 14 : i64} {
  func.func @_scale_body(%arg0: i32, %arg1: memref<3200x1xf32, #tpu.memory_space<vmem>>, %arg2: memref<1x1x3200xf32, #tpu.memory_space<vmem>>, %arg3: memref<3200x128xbf16, #tpu.memory_space<vmem>>, %arg4: memref<3200x128xf32, #tpu.memory_space<vmem>>) attributes {dimension_semantics = [#tpu.dimension_semantics<arbitrary>], iteration_bounds = array<i64: 50>, scalar_prefetch = 0 : i64, scratch_operands = 0 : i64, tpu.core_type = #tpu.core_type<tc>, window_params = [{transform_indices = @transform_0, window_bounds = array<i64: 3200, 1>}, {transform_indices = @transform_1, window_bounds = array<i64: 1, 1, 3200>}, {transform_indices = @transform_2, window_bounds = array<i64: 3200, 128>}, {transform_indices = @transform_3, window_bounds = array<i64: 3200, 128>}]} {
    %get3A = arith.constant 0 : index
    %get3A_0 = arith.constant 0 : index
    %get3A_1 = arith.constant 0 : index
    %get3A_2 = vector.load %arg2[%get3A, %get3A_0, %get3A_1] : memref<1x1x3200xf32, #tpu.memory_space<vmem>>, vector<1x1x3200xf32>
    %reshape3A = vector.shape_cast %get3A_2 : vector<1x1x3200xf32> to vector<3200x1xf32>
    %get3A_3 = arith.constant 0 : index
    %get3A_4 = arith.constant 0 : index
    %get3A_5 = vector.load %arg1[%get3A_3, %get3A_4] : memref<3200x1xf32, #tpu.memory_space<vmem>>, vector<3200x1xf32>
    %exp3A = math.exp %get3A_5 : vector<3200x1xf32>
    %mul3A = arith.mulf %reshape3A, %exp3A : vector<3200x1xf32>
    %get3A_6 = arith.constant 0 : index
    %get3A_7 = arith.constant 0 : index
    %get3A_8 = vector.load %arg3[%get3A_6, %get3A_7] : memref<3200x128xbf16, #tpu.memory_space<vmem>>, vector<3200x128xbf16>
    %convert_element_type3A = arith.extf %get3A_8 : vector<3200x128xbf16> to vector<3200x128xf32>
    %mul3A_9 = vector.broadcast %mul3A : vector<3200x1xf32> to vector<3200x128xf32>
    %mul3A_10 = arith.mulf %mul3A_9, %convert_element_type3A : vector<3200x128xf32>
    %swap3A = arith.constant 0 : index
    %swap3A_11 = arith.constant 0 : index
    %swap3A_12 = vector.load %arg4[%swap3A, %swap3A_11] : memref<3200x128xf32, #tpu.memory_space<vmem>>, vector<3200x128xf32>
    tpu.vector_store %arg4[%swap3A, %swap3A_11], %mul3A_10 {strides = array<i32>} : memref<3200x128xf32, #tpu.memory_space<vmem>>, vector<3200x128xf32>,
    return
  }
  func.func @transform_0(%arg0: i32) -> (i32, i32) {
    %c0_i32 = arith.constant 0 : i32
    %c0_i32_0 = arith.constant 0 : i32
    return %arg0, %c0_i32 : i32, i32
  }
  func.func @transform_1(%arg0: i32) -> (i32, i32, i32) {
    %c0_i32 = arith.constant 0 : i32
    %c0_i32_0 = arith.constant 0 : i32
    %c0_i32_1 = arith.constant 0 : i32
    return %arg0, %c0_i32, %c0_i32_0 : i32, i32, i32
  }
  func.func @transform_2(%arg0: i32) -> (i32, i32) {
    %c0_i32 = arith.constant 0 : i32
    %c0_i32_0 = arith.constant 0 : i32
    return %arg0, %c0_i32 : i32, i32
  }
  func.func @transform_3(%arg0: i32) -> (i32, i32) {
    %c0_i32 = arith.constant 0 : i32
    %c0_i32_0 = arith.constant 0 : i32
    return %arg0, %c0_i32 : i32, i32
  }
}

module attributes {stable_mosaic.version = 14 : i64} {
  func.func @_final_body(%arg0: memref<2x10240x128xf32, #tpu.memory_space<vmem>>, %arg1: memref<32x10000xf32, #tpu.memory_space<vmem>>, %arg2: memref<32x10000xf32, #tpu.memory_space<vmem>>, %arg3: memref<10000x128xf32, #tpu.memory_space<vmem>>, %arg4: memref<10000x128xf32, #tpu.memory_space<vmem>>) attributes {dimension_semantics = [], scalar_prefetch = 0 : i64, scratch_operands = 0 : i64, tpu.core_type = #tpu.core_type<tc>} {
    %broadcast_in_dim3A = arith.constant 1.000000e+00 : f32
    %broadcast_in_dim3A_0 = vector.broadcast %broadcast_in_dim3A : f32 to vector<32x1xf32>
    %get3A = arith.constant 0 : index
    %get3A_1 = arith.constant 0 : index
    %get3A_2 = vector.load %arg1[%get3A, %get3A_1] : memref<32x10000xf32, #tpu.memory_space<vmem>>, vector<32x10000xf32>
    %get3A_3 = arith.constant 0 : index
    %get3A_4 = arith.constant 0 : index
    %get3A_5 = vector.load %arg2[%get3A_3, %get3A_4] : memref<32x10000xf32, #tpu.memory_space<vmem>>, vector<32x10000xf32>
    %add3A = arith.addf %get3A_2, %get3A_5 : vector<32x10000xf32>
    %dot_general3A = arith.constant dense<0.000000e+00> : vector<10000x1xf32>
    %dot_general3A_6 = tpu.matmul %add3A, %broadcast_in_dim3A_0, %dot_general3A {dimension_numbers = #tpu.dot_dimension_numbers<[0], [0], [1], [1], [0, 1, 1, 1], [], []>, transpose_lhs_hint = false} : vector<32x10000xf32>, vector<32x1xf32>, vector<10000x1xf32> -> vector<10000x1xf32>
    %get3A_7 = arith.constant 0 : index
    %get3A_8 = arith.constant 0 : index
    %get3A_9 = arith.constant 0 : index
    %get3A_10 = vector.load %arg0[%get3A_7, %get3A_8, %get3A_9] : memref<2x10240x128xf32, #tpu.memory_space<vmem>>, vector<1x10000x128xf32>
    %get3A_11 = vector.shape_cast %get3A_10 : vector<1x10000x128xf32> to vector<10000x128xf32>
    %get3A_12 = arith.constant 1 : index
    %get3A_13 = arith.constant 0 : index
    %get3A_14 = arith.constant 0 : index
    %get3A_15 = vector.load %arg0[%get3A_12, %get3A_13, %get3A_14] : memref<2x10240x128xf32, #tpu.memory_space<vmem>>, vector<1x10000x128xf32>
    %get3A_16 = vector.shape_cast %get3A_15 : vector<1x10000x128xf32> to vector<10000x128xf32>
    %add3A_17 = arith.addf %get3A_11, %get3A_16 : vector<10000x128xf32>
    %add3A_18 = arith.constant 9.99999982E-14 : f32
    %add3A_19 = vector.broadcast %add3A_18 : f32 to vector<10000x1xf32>
    %add3A_20 = arith.addf %dot_general3A_6, %add3A_19 : vector<10000x1xf32>
    %div3A = vector.broadcast %add3A_20 : vector<10000x1xf32> to vector<10000x128xf32>
    %div3A_21 = arith.divf %add3A_17, %div3A : vector<10000x128xf32>
    %get3A_22 = arith.constant 0 : index
    %get3A_23 = arith.constant 0 : index
    %get3A_24 = vector.load %arg3[%get3A_22, %get3A_23] : memref<10000x128xf32, #tpu.memory_space<vmem>>, vector<10000x128xf32>
    %add3A_25 = arith.addf %div3A_21, %get3A_24 : vector<10000x128xf32>
    %swap3A = arith.constant 0 : index
    %swap3A_26 = arith.constant 0 : index
    %swap3A_27 = vector.load %arg4[%swap3A, %swap3A_26] : memref<10000x128xf32, #tpu.memory_space<vmem>>, vector<10000x128xf32>
    tpu.vector_store %arg4[%swap3A, %swap3A_26], %add3A_25 {strides = array<i32>} : memref<10000x128xf32, #tpu.memory_space<vmem>>, vector<10000x128xf32>,
    return
  }
}

</mosaic_0001>

<sc_bundles>
// kernel: kernel.13.cloned.1.call-start
scs
__scs_entry_jumppad:
0x0: {  	(pc) =	sbr.rel $0x88, $3  }
0x1: {  	(tag) =	ssettag $0x0;
	lr =	simm.s32 $0x1  }
0x2: {  	[smem:$0x3F8D] =	sst lr;
	_ =	strace $0xD0000000  }
0x3: {  	_ = 	snop  }
0x4: {  	_ = 	snop  }
0x5: {  	_ = 	snop  }
0x6: {  	_ = 	snop  }
0x7: {  	_ = 	snop  }
__scs_overlays_trampoline_lowered:
0x8: {  	[smem:$0x3F9C] =	sst s0  }
0x9: {  	[smem:$0x3F9D] =	sst s1  }
0xa: {  	[smem:$0x3F9E] =	sst s2  }
0xb: {  	[smem:$0x3F9F] =	sst s3  }
0xc: {  	[smem:$0x3FA0] =	sst s4  }
0xd: {  	[smem:$0x3FA1] =	sst s5  }
0xe: {  	[smem:$0x3FA2] =	sst s6  }
0xf: {  	[smem:$0x3FA3] =	sst s7  }
0x10: {  	[smem:$0x3FA4] =	sst s8  }
0x11: {  	[smem:$0x3FA5] =	sst s9;
	s0 =	simm.s32 @!p0 $0x0  }
0x12: {  	s1 =	sld [smem:$0x3F8B];
	s0 =	simm.s32 @p0 $0x1  }
0x13: {  	[smem:$0x3FA6] =	sst s0;
	s0 =	simm.s32 @!p1 $0x0  }
0x14: {  	s2 =	sld [smem:$0x3F8A];
	s0 =	simm.s32 @p1 $0x1  }
0x15: {  	[smem:$0x3FA7] =	sst s0;
	s0 =	simm.s32 @!p2 $0x0  }
0x16: {  	s3 =	sld [smem:$0x3FDB];
	s0 =	simm.s32 @p2 $0x1  }
0x17: {  	s4 =	simm.s32 $0x1BF5;
	[smem:$0x3FA9] =	sst s0  }
0x18: {  	s0 =	sld [smem:$0x3F8C];
	_ =	swait.ge [sflag:s4], $0x0  }
0x19: {  	s7 =	sld [smem:$0x3F8D]  }
0x1a: {  	s8 =	sadd.s32 $0xFFFFE003, lr  }
0x1b: {  	s9 =	sadd.s32 $0xFFFFFEF7, lr;
	s5 =	simm.s32 $0xFFFFFFFF;
	p2 =	slt.u32 s8, $0xFFFFF086  }
0x1c: {  	p1 =	slt.u32 s9, $0xF7A;
	s5 =	simm.s32 @!p2 $0x0  }
0x1d: {  	s5 =	simm.s32 @p1 $0x1;
	p0 =	seq.s32 s7, s2  }
0x1e: {  	s7 =	smul.u32 @!p0 $0xF7A, s2;
	p2 =	seq.s32 @!p0 s5, $0x0  }
0x1f: {  	s9 =	smul.u32 $0xF7A, s1;
	s8 =	simm.s32 @!p0 $0x1BF5;
	p2 =	por !p2, p0  }
0x20: {  	[sflag:s8] =	ssyncset.s32 @!p0 $0xFFFFF086;
	s6 =	sadd.s32 @!p0 s3, s7;
	s7 =	simm.s32 @!p0 $0x108  }
0x21: {  	s3 =	sadd.s32 s3, s9;
	s6 =	sadd.s32 @!p0 $0x88, s6;
	s7 =	simm.s32 @p2 $0x1082  }
0x22: {  	[simem:s7], [sflag:s8] =	dma.local @!p0 [hbm:s6], $0xF7A  }
0x23: {  	s9 =	sor.u32 $0xD0000000, s2;
	s6 =	simm.s32 $0x108;
	_ =	swait.ge @!p0 [sflag:s8], $0x0  }
0x24: {  	s3 =	sadd.s32 $0x88, s3;
	s6 =	simm.s32 @!p1 $0x1082;
	[sflag:s4] =	ssyncset.s32 $0xFFFFF086  }
0x25: {  	[simem:s6], [sflag:s4] =	dma.local [hbm:s3], $0xF7A  }
0x26: {  	[smem:$0x3F8D] =	sst s1;
	(tag) =	ssettag s2;
	_ =	strace s9  }
0x27: {  	s1 =	sld [smem:$0x3F9D]  }
0x28: {  	s2 =	sld [smem:$0x3F9E]  }
0x29: {  	s4 =	sld [smem:$0x3FA0]  }
0x2a: {  	p0 =	seq.s32 s5, $0x0;
	s5 =	sld [smem:$0x3FA1]  }
0x2b: {  	s6 =	sld [smem:$0x3FA2]  }
0x2c: {  	s7 =	sld [smem:$0x3FA3]  }
0x2d: {  	s3 =	simm.s32 $0x108;
	s8 =	sld [smem:$0x3FA4]  }
0x2e: {  	s3 =	simm.s32 @!p0 $0x1082;
	s9 =	sld [smem:$0x3FA5]  }
0x2f: {  	lr =	sadd.s32 s0, s3;
	s0 =	sld [smem:$0x3F9C]  }
0x30: {  	s3 =	sld [smem:$0x3F9F]  }
0x31: {  	[smem:$0x3FA8] =	sst s10  }
0x32: {  	s10 =	sld [smem:$0x3FA6];
	_ =	sdelay $0x3  }
0x33: {  	p0 =	seq.s32 s10, $0x1;
	s10 =	sld [smem:$0x3FA8];
	_ =	sdelay $0x3  }
0x34: {  	[smem:$0x3FA8] =	sst s10  }
0x35: {  	s10 =	sld [smem:$0x3FA7];
	_ =	sdelay $0x3  }
0x36: {  	p1 =	seq.s32 s10, $0x1;
	s10 =	sld [smem:$0x3FA8];
	_ =	sdelay $0x3  }
0x37: {  	[smem:$0x3FA8] =	sst s10  }
0x38: {  	s10 =	sld [smem:$0x3FA9]  }
0x39: {  	_ = 	snop;
	(pc) =	sbr.ind lr, $3  }
0x3a: {  	_ = 	snop  }
0x3b: {  	_ = 	snop  }
0x3c: {  	p2 =	seq.s32 s10, $0x1;
	s10 =	sld [smem:$0x3FA8]  }
0x3d: {  	_ =	shalt  }
0x3e: {  	_ =	shalt  }
0x3f: {  	_ =	shalt  }
0x40: {  	_ =	shalt  }
0x41: {  	_ =	shalt  }
0x42: {  	_ =	shalt  }
0x43: {  	_ =	shalt  }
0x44: {  	_ =	shalt  }
0x45: {  	_ =	shalt  }
0x46: {  	_ =	shalt  }
0x47: {  	_ =	shalt  }
0x48: {  	_ =	shalt  }
0x49: {  	_ =	shalt  }
0x4a: {  	_ =	shalt  }
0x4b: {  	_ =	shalt  }
0x4c: {  	_ =	shalt  }
0x4d: {  	_ =	shalt  }
0x4e: {  	_ =	shalt  }
0x4f: {  	_ =	shalt  }
0x50: {  	_ =	shalt  }
0x51: {  	_ =	shalt  }
0x52: {  	_ =	shalt  }
0x53: {  	_ =	shalt  }
0x54: {  	_ =	shalt  }
0x55: {  	_ =	shalt  }
0x56: {  	_ =	shalt  }
0x57: {  	_ =	shalt  }
0x58: {  	_ =	shalt  }
0x59: {  	_ =	shalt  }
0x5a: {  	_ =	shalt  }
0x5b: {  	_ =	shalt  }
0x5c: {  	_ =	shalt  }
0x5d: {  	_ =	shalt  }
0x5e: {  	_ =	shalt  }
0x5f: {  	_ =	shalt  }
0x60: {  	_ =	shalt  }
0x61: {  	_ =	shalt  }
0x62: {  	_ =	shalt  }
0x63: {  	_ =	shalt  }
0x64: {  	_ =	shalt  }
0x65: {  	_ =	shalt  }
0x66: {  	_ =	shalt  }
0x67: {  	_ =	shalt  }
0x68: {  	_ =	shalt  }
0x69: {  	_ =	shalt  }
0x6a: {  	_ =	shalt  }
0x6b: {  	_ =	shalt  }
0x6c: {  	_ =	shalt  }
0x6d: {  	_ =	shalt  }
0x6e: {  	_ =	shalt  }
0x6f: {  	_ =	shalt  }
0x70: {  	_ =	shalt  }
0x71: {  	_ =	shalt  }
0x72: {  	_ =	shalt  }
0x73: {  	_ =	shalt  }
0x74: {  	_ =	shalt  }
0x75: {  	_ =	shalt  }
0x76: {  	_ =	shalt  }
0x77: {  	_ =	shalt  }
0x78: {  	_ =	shalt  }
0x79: {  	_ =	shalt  }
0x7a: {  	_ =	shalt  }
0x7b: {  	_ =	shalt  }
0x7c: {  	_ =	shalt  }
0x7d: {  	_ =	shalt  }
0x7e: {  	_ =	shalt  }
0x7f: {  	_ =	shalt  }
0x80: {  	_ =	shalt  }
0x81: {  	_ =	shalt  }
0x82: {  	_ =	shalt  }
0x83: {  	_ =	shalt  }
0x84: {  	_ =	shalt  }
0x85: {  	_ =	shalt  }
0x86: {  	_ =	shalt  }
0x87: {  	_ =	shalt  }
.Lfunc_end0:
.L_simem_size_0:
called_computation_lowered:
.L_overlay_start_0:
0x88: {  	s2 =	sld [smem:$0x3FD9]  }
0x89: {  	s3 =	sld [smem:$0x3FFE];
	_ =	sdelay $0x1  }
0x8a: {  	s1 =	srdreg.scid  }
0x8b: {  	s0 =	sand.u32 $0x1, s1  }
0x8c: {  	s17 =	sshll.u32 s0, $0xA;
	s2 =	sadd.s32 s3, s2  }
0x8d: {  	s2 =	sadd.s32 s2, s17  }
0x8e: {  	[smem:$0x3FB4] =	sst s2  }
0x8f: {  	_ = 	snop  }
0x90: {  	s2 =	sld [smem:$0x3FC8];
	(tm) =	ssettm $0x1  }
0x91: {  	s18 =	sld [smem:$0x3FFB];
	_ =	sdelay $0x3  }
0x92: {  	_ =	strace s18  }
0x93: {  	s3 =	sld [smem:$0x3FFC];
	_ =	sdelay $0x3  }
0x94: {  	_ =	strace s3  }
0x95: {  	s3 =	sld [smem:$0x3FFD];
	_ =	sdelay $0x3  }
0x96: {  	_ =	strace s3  }
0x97: {  	_ =	strace $0x8FFFFFFF  }
0x98: {  	s19 =	sld [smem:$0x3FDB];
	_ =	sdelay $0x1  }
0x99: {  	s4 =	simm.s32 $_scs_section_size  }
0x9a: {  	s5 =	simm.s32 $_size__tile_overlayer_lowered;
	s6 =	simm.s32 $_tile_overlayer_lowered  }
0x9b: {  	s22 =	simm.s32 $0x1BFF;
	s21 =	sshll.u32 s6, $0x1;
	s3 =	sadd.s32 s4, s19  }
0x9c: {  	s7 =	simm.s32 $0x0;
	s20 =	sshll.u32 s5, $0x1;
	s5 =	sadd.s32 s21, s3  }
0x9d: {  	[timem:s7], [sflag:s22] =	dma.local [hbm:s5], s20  }
0x9e: {  	_ =	swait.ge [sflag:s22], s20  }
0x9f: {  	s4 =	ssub.s32 $0x0, s20;
	[sflag:s22] =	ssyncset.done $0x0  }
0xa0: {  	[sflag:s22] =	ssyncadd.s32 s4;
	_ =	sdelay $0x1  }
0xa1: {  	s23 =	simm.s32 $0x1B8B  }
0xa2: {  	_ =	swait.ge [sflag:s23], $0x1  }
0xa3: {  	[sflag:s23] =	ssyncset.done $0x0  }
0xa4: {  	s25 =	simm.s32 $0x1B8E;
	s24 =	sld [smem:$0x3FFE];
	[sflag:s23] =	ssyncadd.s32 $0xFFFFFFFF  }
0xa5: {  	s26 =	simm.s32 $execute0_lowered;
	[smem:$0x3FD2] =	sst s25  }
0xa6: {  	s5 =	sshll.u32 s26, $0x1;
	_ =	strace $0x80000046;
	[dreg:$0x1] =	wrdreg $0xFFFFFFFF  }
0xa7: {  	s28 =	simm.s32 $_size_execute0_lowered;
	s3 =	sadd.s32 s3, s5;
	[dreg:$0x0] =	wrdreg $0x0  }
0xa8: {  	s5 =	sshll.u32 s28, $0x1;
	[dreg:$0x2] =	wrdreg s3  }
0xa9: {  	[dreg:$0x3] =	wrdreg s5  }
0xaa: {  	[dreg:$0x4] =	wrdreg $0xC0  }
0xab: {  	_ =	task [dreg:s7], $0x5FFFF  }
0xac: {  	[dreg:$0x1] =	wrdreg $0xFFFFFFFF  }
0xad: {  	[dreg:$0x0] =	wrdreg $0x60  }
0xae: {  	[dreg:$0x2] =	wrdreg s2  }
0xaf: {  	[dreg:$0x3] =	wrdreg s24  }
0xb0: {  	[dreg:$0x4] =	wrdreg $0xA  }
0xb1: {  	_ =	task.clear_ibuf [dreg:s7], $0x5FFFF;
	_ =	strace $0x90000046  }
0xb2: {  	s29 =	simm.s32 $0xA;
	_ =	strace $0x80000048  }
0xb3: {  	_ =	swait.ge [sflag:s29], $0x1  }
0xb4: {  	[sflag:s29] =	ssyncadd.s32 $0xFFFFFFFF  }
0xb5: {  	_ =	strace $0x90000048  }
0xb6: {  	_ =	sfence  }
0xb7: {  	s30 =	sld [smem:$0x0];
	_ =	sdelay $0x2  }
0xb8: {  	s31 =	sshll.u32 s1, $0xD;
	s1 =	sshrl.u32 s1, $0x2  }
0xb9: {  	s3 =	sand.u32 $0x4000, s31;
	s1 =	sadd.s32 s1, s30  }
0xba: {  	s0 =	sor.u32 s3, s0;
	s1 =	sshll.u32 s1, $0x11  }
0xbb: {  	s0 =	sor.u32 s1, s0  }
0xbc: {  	s0 =	sadd.s32 $0x8F2B, s0  }
0xbd: {  	[sflag:s0] =	ssyncadd.remote.s32 $0x1  }
0xbe: {  	_ =	sfence.sel $0xFFFF  }
0xbf: {  	[dreg:$0x0] =	wrdreg $0xFFFFFFFF;
	(pc) =	sbr.abs _section_cstart, $3  }
0xc0: {  	[dreg:$0x1] =	wrdreg $0xFFFFFFFF  }
0xc1: {  	_ =	task.clear_ibuf [dreg:s7], $0x2FFFF;
	_ =	strace $0x9FFFFFFF  }
0xc2: {  	(tm) =	ssettm $0x7FFFFFFF  }
0xc3: {  	_ =	shalt  }
tec
execute0_lowered:
.L_overlay_start_1:
0x0: {  	(tag) =	ssettag $0x1  }
0x1: {  	s1 =	rddreg [dreg:$0x0]  }
0x2: {  	s4 =	rddreg [dreg:$0x1]  }
0x3: {  	s0 =	rddreg [dreg:$0x2]  }
0x4: {  	s5 =	srdreg.scid;
	s3 =	simm.s32 $0x0;
	s2 =	stileid.u32  }
0x5: {  	s11 =	simm.s32 $0x80;
	s12 =	simm.s32 $0x100;
	s13 =	simm.s32 $0x4100  }
0x6: {  	s14 =	simm.s32 $0x1;
	s15 =	simm.s32 $0x2;
	s16 =	simm.s32 $0x0  }
0x7: {  	s6 =	sand.u32 $0x1, s5;
	[smem:$0x7FF] =	sst s3;
	s25 =	sshll.u32 s2, $0x8  }
0x8: {  	s26 =	sshll.u32 s2, $0xC;
	p0 =	seq.s32 s2, $0x0;
	s7 =	sshll.u32 s6, $0x7  }
0x9: {  	_ =	strace $0x80000047;
	s8 =	ssub.s32 $0x2, s6;
	s10 =	sadd.s32 s26, s4  }
0xa: {  	s30 =	sshll.u32 s6, $0xB;
	s5 =	sor.u32 s7, s25;
	s28 =	sshrl.u32 s8, $0x1  }
0xb: {  	s31 =	sadd.s32 s30, s10;
	s10 =	simm.s32 $0x3;
	s5 =	sshrl.u32 s5, $0x3  }
0xc: {  	s29 =	ssub.s32 s8, s28;
	s9 =	sadd.s32 s5, s4;
	s4 =	simm.s32 $0x28  }
0xd: {  	s8 =	sadd.s32 $0x280600, s31;
	s5 =	smax.u32 s29, $0x1;
	s4 =	simm.s32 @!p0 $0x27  }
0xe: {  	s6 =	sadd.s32 $0x5600, s9;
	s7 =	sadd.s32 $0xA600, s9;
	s9 =	sadd.s32 $0xF600, s31  }
.LBB2_1:
0xf: {  	[tilespmem:s3], [sflag:$0x3] =	stream.linear.gather [hbm4b:s7+s3], $0x80, $0x38;
	[tilespmem:$0x8100] =	vst v63  }
0x10: {  	_ =	swait.ge [sflag:s10], $0x80  }
0x11: {  	[sflag:s10] =	ssyncset.done $0x0  }
0x12: {  	[sflag:s10] =	ssyncadd.s32 $0xFFFFFF80  }
0x13: {  	[tilespmem:s11], [sflag:$0x3] =	stream.linear.gather [hbm4b:s6+s3], $0x80, $0x38;
	[tilespmem:$0x8100] =	vst v63  }
0x14: {  	_ =	swait.ge [sflag:s10], $0x80  }
0x15: {  	[sflag:s10] =	ssyncset.done $0x0  }
0x16: {  	[sflag:s10] =	ssyncadd.s32 $0xFFFFFF80  }
0x17: {  	[tilespmem:s12], [sflag:$0x1] =	stream.indirect.gather [hbm4b:s1+s11], $0x80, s3, s11, $0xb8;
	[tilespmem:$0x8100] =	vst v63  }
0x18: {  	_ = 	snop  }
0x19: {  	[tilespmem:s13], [sflag:$0x2] =	stream.indirect.gather [hbm4b:s1+s11], $0x80, s11, s11, $0xb8;
	[tilespmem:$0x8100] =	vst v63  }
0x1a: {  	_ =	swait.ge [sflag:s14], $0x4000  }
0x1b: {  	[sflag:s14] =	ssyncset.done $0x0  }
0x1c: {  	[sflag:s14] =	ssyncadd.s32 $0xFFFFC000  }
0x1d: {  	_ =	swait.ge [sflag:s15], $0x4000  }
0x1e: {  	[sflag:s15] =	ssyncset.done $0x0  }
0x1f: {  	[sflag:s15] =	ssyncadd.s32 $0xFFFFC000  }
0x20: {  	[hbm4b:s9+s3] =	stream.linear.scatter [tilespmem:s12], [sflag:$0x3], $0x4000, $0x38;
	[tilespmem:$0x8100] =	vst v63  }
0x21: {  	p0 =	sne.s32 s4, $0x1;
	_ =	swait.ge [sflag:s10], $0x4000  }
.Ltmp0:
0x22: {  	[sflag:s10] =	ssyncset.done $0x0;
	(pc) =	sbr.rel @!p0 .LBB2_3-.Ltmp0, $4  }
0x23: {  	s17 =	sadd.s32 $0xFFFFFFFF, s4;
	[sflag:s10] =	ssyncadd.s32 $0xFFFFC000  }
0x24: {  	[hbm4b:s8+s3] =	stream.linear.scatter [tilespmem:s13], [sflag:$0x3], $0x4000, $0x38;
	[tilespmem:$0x8100] =	vst v63  }
0x25: {  	s18 =	sadd.s32 $0x10000, s8;
	s19 =	sadd.s32 $0x10000, s9;
	_ =	swait.ge [sflag:s10], $0x4000  }
0x26: {  	s20 =	smov.u32 s6;
	s21 =	smov.u32 s7;
	[sflag:s10] =	ssyncset.done $0x0  }
.LBB2_2:
0x27: {  	[sflag:s10] =	ssyncadd.s32 $0xFFFFC000;
	s20 =	sadd.s32 $0x200, s20;
	s21 =	sadd.s32 $0x200, s21  }
0x28: {  	[tilespmem:s3], [sflag:$0x3] =	stream.linear.gather [hbm4b:s21+s3], $0x80, $0x38;
	[tilespmem:$0x8100] =	vst v63  }
0x29: {  	p0 =	sne.s32 s17, $0x1;
	s17 =	sadd.s32 $0xFFFFFFFF, s17;
	_ =	swait.ge [sflag:s10], $0x80  }
0x2a: {  	[sflag:s10] =	ssyncset.done $0x0  }
0x2b: {  	[sflag:s10] =	ssyncadd.s32 $0xFFFFFF80  }
0x2c: {  	[tilespmem:s11], [sflag:$0x3] =	stream.linear.gather [hbm4b:s20+s3], $0x80, $0x38;
	[tilespmem:$0x8100] =	vst v63  }
0x2d: {  	_ =	swait.ge [sflag:s10], $0x80  }
0x2e: {  	[sflag:s10] =	ssyncset.done $0x0  }
0x2f: {  	[sflag:s10] =	ssyncadd.s32 $0xFFFFFF80  }
0x30: {  	[tilespmem:s12], [sflag:$0x1] =	stream.indirect.gather [hbm4b:s1+s11], $0x80, s3, s11, $0xb8;
	[tilespmem:$0x8100] =	vst v63  }
0x31: {  	_ = 	snop  }
0x32: {  	[tilespmem:s13], [sflag:$0x2] =	stream.indirect.gather [hbm4b:s1+s11], $0x80, s11, s11, $0xb8;
	[tilespmem:$0x8100] =	vst v63  }
0x33: {  	_ =	swait.ge [sflag:s14], $0x4000  }
0x34: {  	[sflag:s14] =	ssyncset.done $0x0  }
0x35: {  	[sflag:s14] =	ssyncadd.s32 $0xFFFFC000  }
0x36: {  	_ =	swait.ge [sflag:s15], $0x4000  }
0x37: {  	[sflag:s15] =	ssyncset.done $0x0  }
0x38: {  	[sflag:s15] =	ssyncadd.s32 $0xFFFFC000  }
0x39: {  	[hbm4b:s19+s3] =	stream.linear.scatter [tilespmem:s12], [sflag:$0x3], $0x4000, $0x38;
	[tilespmem:$0x8100] =	vst v63  }
0x3a: {  	_ =	swait.ge [sflag:s10], $0x4000  }
.Ltmp1:
0x3b: {  	[sflag:s10] =	ssyncset.done $0x0;
	(pc) =	sbr.rel @p0 .LBB2_2-.Ltmp1, $4  }
0x3c: {  	[sflag:s10] =	ssyncadd.s32 $0xFFFFC000  }
0x3d: {  	[hbm4b:s18+s3] =	stream.linear.scatter [tilespmem:s13], [sflag:$0x3], $0x4000, $0x38;
	[tilespmem:$0x8100] =	vst v63  }
0x3e: {  	_ =	swait.ge [sflag:s10], $0x4000  }
0x3f: {  	s19 =	sadd.s32 $0x10000, s19;
	s18 =	sadd.s32 $0x10000, s18;
	[sflag:s10] =	ssyncset.done $0x0  }
.LBB2_3:
0x40: {  	s16 =	sadd.s32 $0x1, s16  }
0x41: {  	p0 =	sne.s32 s16, s5  }
.Ltmp2:
0x42: {  	_ = 	snop;
	(pc) =	sbr.rel @p0 .LBB2_1-.Ltmp2, $2  }
0x43: {  	_ =	sdelay $0x2  }
0x44: {  	[sflag:s10] =	ssyncadd.s32 $0xFFFFC000  }
0x45: {  	_ =	sfence.sel $0x180000  }
0x46: {  	[bflag:$0x0] =	sbarrier.arrive $0xFFFF  }
0x47: {  	p0 =	sne.s32 s2, $0x0;
	_ =	strace $0x90000047  }
0x48: {  	s0 =	sadd.s32 @!p0 $0x100000, s0;
	[bflag:$0x2] =	sbarrier.arrive $0xFFFF  }
0x49: {  	[sflag:s0] =	ssyncadd.tile.s32 @!p0 $0x1;
	_ =	shalt  }
.Lfunc_end2:
_tile_overlayer_lowered:
.L_overlay_start_2:
0x4a: {  	(tag) =	ssettag $0x2  }
0x4b: {  	s0 =	rddreg [dreg:$0x0];
	s2 =	stileid.u32  }
0x4c: {  	s1 =	rddreg [dreg:$0x1];
	p0 =	sne.s32 s2, $0x0  }
0x4d: {  	s3 =	rddreg [dreg:$0x2];
	[bflag:$0x3] =	sbarrier.arrive $0xFFFF;
	s2 =	simm.s32 @!p0 $0x1C03  }
0x4e: {  	[timem:s3], [sflag:s2] =	dma.local @!p0 [hbm:s0], s1  }
0x4f: {  	s0 =	simm.s32 @!p0 $0x3  }
0x50: {  	_ =	swait.ge @!p0 [sflag:s0], s1  }
0x51: {  	s1 =	ssub.s32 @!p0 $0x0, s1;
	[sflag:s0] =	ssyncset.done @!p0 $0x0  }
0x52: {  	[sflag:s0] =	ssyncadd.s32 @!p0 s1  }
0x53: {  	[bflag:$0x3] =	sbarrier.arrive $0xFFFF  }
0x54: {  	_ =	shalt  }

// kernel: kernel.16.cloned.1.call-start
scs
__scs_entry_jumppad:
0x0: {  	(pc) =	sbr.rel $0x88, $3  }
0x1: {  	(tag) =	ssettag $0x0;
	lr =	simm.s32 $0x1  }
0x2: {  	[smem:$0x3F8D] =	sst lr;
	_ =	strace $0xD0000000  }
0x3: {  	_ = 	snop  }
0x4: {  	_ = 	snop  }
0x5: {  	_ = 	snop  }
0x6: {  	_ = 	snop  }
0x7: {  	_ = 	snop  }
__scs_overlays_trampoline_lowered:
0x8: {  	[smem:$0x3F9C] =	sst s0  }
0x9: {  	[smem:$0x3F9D] =	sst s1  }
0xa: {  	[smem:$0x3F9E] =	sst s2  }
0xb: {  	[smem:$0x3F9F] =	sst s3  }
0xc: {  	[smem:$0x3FA0] =	sst s4  }
0xd: {  	[smem:$0x3FA1] =	sst s5  }
0xe: {  	[smem:$0x3FA2] =	sst s6  }
0xf: {  	[smem:$0x3FA3] =	sst s7  }
0x10: {  	[smem:$0x3FA4] =	sst s8  }
0x11: {  	[smem:$0x3FA5] =	sst s9;
	s0 =	simm.s32 @!p0 $0x0  }
0x12: {  	s1 =	sld [smem:$0x3F8B];
	s0 =	simm.s32 @p0 $0x1  }
0x13: {  	[smem:$0x3FA6] =	sst s0;
	s0 =	simm.s32 @!p1 $0x0  }
0x14: {  	s2 =	sld [smem:$0x3F8A];
	s0 =	simm.s32 @p1 $0x1  }
0x15: {  	[smem:$0x3FA7] =	sst s0;
	s0 =	simm.s32 @!p2 $0x0  }
0x16: {  	s3 =	sld [smem:$0x3FDB];
	s0 =	simm.s32 @p2 $0x1  }
0x17: {  	s4 =	simm.s32 $0x1BF5;
	[smem:$0x3FA9] =	sst s0  }
0x18: {  	s0 =	sld [smem:$0x3F8C];
	_ =	swait.ge [sflag:s4], $0x0  }
0x19: {  	s7 =	sld [smem:$0x3F8D]  }
0x1a: {  	s8 =	sadd.s32 $0xFFFFE003, lr  }
0x1b: {  	s9 =	sadd.s32 $0xFFFFFEF7, lr;
	s5 =	simm.s32 $0xFFFFFFFF;
	p2 =	slt.u32 s8, $0xFFFFF086  }
0x1c: {  	p1 =	slt.u32 s9, $0xF7A;
	s5 =	simm.s32 @!p2 $0x0  }
0x1d: {  	s5 =	simm.s32 @p1 $0x1;
	p0 =	seq.s32 s7, s2  }
0x1e: {  	s7 =	smul.u32 @!p0 $0xF7A, s2;
	p2 =	seq.s32 @!p0 s5, $0x0  }
0x1f: {  	s9 =	smul.u32 $0xF7A, s1;
	s8 =	simm.s32 @!p0 $0x1BF5;
	p2 =	por !p2, p0  }
0x20: {  	[sflag:s8] =	ssyncset.s32 @!p0 $0xFFFFF086;
	s6 =	sadd.s32 @!p0 s3, s7;
	s7 =	simm.s32 @!p0 $0x108  }
0x21: {  	s3 =	sadd.s32 s3, s9;
	s6 =	sadd.s32 @!p0 $0x88, s6;
	s7 =	simm.s32 @p2 $0x1082  }
0x22: {  	[simem:s7], [sflag:s8] =	dma.local @!p0 [hbm:s6], $0xF7A  }
0x23: {  	s9 =	sor.u32 $0xD0000000, s2;
	s6 =	simm.s32 $0x108;
	_ =	swait.ge @!p0 [sflag:s8], $0x0  }
0x24: {  	s3 =	sadd.s32 $0x88, s3;
	s6 =	simm.s32 @!p1 $0x1082;
	[sflag:s4] =	ssyncset.s32 $0xFFFFF086  }
0x25: {  	[simem:s6], [sflag:s4] =	dma.local [hbm:s3], $0xF7A  }
0x26: {  	[smem:$0x3F8D] =	sst s1;
	(tag) =	ssettag s2;
	_ =	strace s9  }
0x27: {  	s1 =	sld [smem:$0x3F9D]  }
0x28: {  	s2 =	sld [smem:$0x3F9E]  }
0x29: {  	s4 =	sld [smem:$0x3FA0]  }
0x2a: {  	p0 =	seq.s32 s5, $0x0;
	s5 =	sld [smem:$0x3FA1]  }
0x2b: {  	s6 =	sld [smem:$0x3FA2]  }
0x2c: {  	s7 =	sld [smem:$0x3FA3]  }
0x2d: {  	s3 =	simm.s32 $0x108;
	s8 =	sld [smem:$0x3FA4]  }
0x2e: {  	s3 =	simm.s32 @!p0 $0x1082;
	s9 =	sld [smem:$0x3FA5]  }
0x2f: {  	lr =	sadd.s32 s0, s3;
	s0 =	sld [smem:$0x3F9C]  }
0x30: {  	s3 =	sld [smem:$0x3F9F]  }
0x31: {  	[smem:$0x3FA8] =	sst s10  }
0x32: {  	s10 =	sld [smem:$0x3FA6];
	_ =	sdelay $0x3  }
0x33: {  	p0 =	seq.s32 s10, $0x1;
	s10 =	sld [smem:$0x3FA8];
	_ =	sdelay $0x3  }
0x34: {  	[smem:$0x3FA8] =	sst s10  }
0x35: {  	s10 =	sld [smem:$0x3FA7];
	_ =	sdelay $0x3  }
0x36: {  	p1 =	seq.s32 s10, $0x1;
	s10 =	sld [smem:$0x3FA8];
	_ =	sdelay $0x3  }
0x37: {  	[smem:$0x3FA8] =	sst s10  }
0x38: {  	s10 =	sld [smem:$0x3FA9]  }
0x39: {  	_ = 	snop;
	(pc) =	sbr.ind lr, $3  }
0x3a: {  	_ = 	snop  }
0x3b: {  	_ = 	snop  }
0x3c: {  	p2 =	seq.s32 s10, $0x1;
	s10 =	sld [smem:$0x3FA8]  }
0x3d: {  	_ =	shalt  }
0x3e: {  	_ =	shalt  }
0x3f: {  	_ =	shalt  }
0x40: {  	_ =	shalt  }
0x41: {  	_ =	shalt  }
0x42: {  	_ =	shalt  }
0x43: {  	_ =	shalt  }
0x44: {  	_ =	shalt  }
0x45: {  	_ =	shalt  }
0x46: {  	_ =	shalt  }
0x47: {  	_ =	shalt  }
0x48: {  	_ =	shalt  }
0x49: {  	_ =	shalt  }
0x4a: {  	_ =	shalt  }
0x4b: {  	_ =	shalt  }
0x4c: {  	_ =	shalt  }
0x4d: {  	_ =	shalt  }
0x4e: {  	_ =	shalt  }
0x4f: {  	_ =	shalt  }
0x50: {  	_ =	shalt  }
0x51: {  	_ =	shalt  }
0x52: {  	_ =	shalt  }
0x53: {  	_ =	shalt  }
0x54: {  	_ =	shalt  }
0x55: {  	_ =	shalt  }
0x56: {  	_ =	shalt  }
0x57: {  	_ =	shalt  }
0x58: {  	_ =	shalt  }
0x59: {  	_ =	shalt  }
0x5a: {  	_ =	shalt  }
0x5b: {  	_ =	shalt  }
0x5c: {  	_ =	shalt  }
0x5d: {  	_ =	shalt  }
0x5e: {  	_ =	shalt  }
0x5f: {  	_ =	shalt  }
0x60: {  	_ =	shalt  }
0x61: {  	_ =	shalt  }
0x62: {  	_ =	shalt  }
0x63: {  	_ =	shalt  }
0x64: {  	_ =	shalt  }
0x65: {  	_ =	shalt  }
0x66: {  	_ =	shalt  }
0x67: {  	_ =	shalt  }
0x68: {  	_ =	shalt  }
0x69: {  	_ =	shalt  }
0x6a: {  	_ =	shalt  }
0x6b: {  	_ =	shalt  }
0x6c: {  	_ =	shalt  }
0x6d: {  	_ =	shalt  }
0x6e: {  	_ =	shalt  }
0x6f: {  	_ =	shalt  }
0x70: {  	_ =	shalt  }
0x71: {  	_ =	shalt  }
0x72: {  	_ =	shalt  }
0x73: {  	_ =	shalt  }
0x74: {  	_ =	shalt  }
0x75: {  	_ =	shalt  }
0x76: {  	_ =	shalt  }
0x77: {  	_ =	shalt  }
0x78: {  	_ =	shalt  }
0x79: {  	_ =	shalt  }
0x7a: {  	_ =	shalt  }
0x7b: {  	_ =	shalt  }
0x7c: {  	_ =	shalt  }
0x7d: {  	_ =	shalt  }
0x7e: {  	_ =	shalt  }
0x7f: {  	_ =	shalt  }
0x80: {  	_ =	shalt  }
0x81: {  	_ =	shalt  }
0x82: {  	_ =	shalt  }
0x83: {  	_ =	shalt  }
0x84: {  	_ =	shalt  }
0x85: {  	_ =	shalt  }
0x86: {  	_ =	shalt  }
0x87: {  	_ =	shalt  }
.Lfunc_end0:
.L_simem_size_0:
called_computation.1_lowered:
.L_overlay_start_0:
0x88: {  	s2 =	sld [smem:$0x3FD9]  }
0x89: {  	s3 =	sld [smem:$0x3FFE];
	_ =	sdelay $0x1  }
0x8a: {  	s1 =	srdreg.scid  }
0x8b: {  	s0 =	sand.u32 $0x1, s1  }
0x8c: {  	s17 =	sshll.u32 s0, $0xA;
	s2 =	sadd.s32 s3, s2  }
0x8d: {  	s2 =	sadd.s32 s2, s17  }
0x8e: {  	[smem:$0x3FB4] =	sst s2  }
0x8f: {  	_ = 	snop  }
0x90: {  	s18 =	sld [smem:$0x3FC8];
	(tm) =	ssettm $0x1  }
0x91: {  	s19 =	sld [smem:$0x3FFB];
	_ =	sdelay $0x3  }
0x92: {  	_ =	strace s19  }
0x93: {  	s2 =	sld [smem:$0x3FFC];
	_ =	sdelay $0x3  }
0x94: {  	_ =	strace s2  }
0x95: {  	s2 =	sld [smem:$0x3FFD];
	_ =	sdelay $0x3  }
0x96: {  	_ =	strace s2  }
0x97: {  	_ =	strace $0x8FFFFFFF  }
0x98: {  	s20 =	sld [smem:$0x3FDB];
	_ =	sdelay $0x1  }
0x99: {  	s4 =	simm.s32 $_scs_section_size  }
0x9a: {  	s5 =	simm.s32 $_size__tile_overlayer_lowered;
	s6 =	simm.s32 $_tile_overlayer_lowered  }
0x9b: {  	s7 =	simm.s32 $0x1BFF;
	s21 =	sshll.u32 s6, $0x1;
	s4 =	sadd.s32 s4, s20  }
0x9c: {  	s22 =	simm.s32 $0x0;
	s5 =	sshll.u32 s5, $0x1;
	s6 =	sadd.s32 s21, s4  }
0x9d: {  	[timem:s22], [sflag:s7] =	dma.local [hbm:s6], s5  }
0x9e: {  	_ =	swait.ge [sflag:s7], s5  }
0x9f: {  	s5 =	ssub.s32 $0x0, s5;
	[sflag:s7] =	ssyncset.done $0x0  }
0xa0: {  	[sflag:s7] =	ssyncadd.s32 s5;
	_ =	sdelay $0x1  }
0xa1: {  	s23 =	simm.s32 $0x1B8B  }
0xa2: {  	_ =	swait.ge [sflag:s23], $0x1  }
0xa3: {  	[sflag:s23] =	ssyncset.done $0x0  }
0xa4: {  	[sflag:s23] =	ssyncadd.s32 $0xFFFFFFFF  }
0xa5: {  	s5 =	sld [smem:$0x0]  }
0xa6: {  	s6 =	sand.u32 $0xFFFFFFFE, s1  }
0xa7: {  	p0 =	sne.s32 s1, s6  }
0xa8: {  	s6 =	sshll.u32 @p0 s6, $0xE  }
0xa9: {  	s6 =	sadd.s32 @p0 $0x11B8D, s6;
	s7 =	sshll.u32 @p0 s5, $0x11  }
0xaa: {  	s6 =	sor.u32 @p0 s7, s6  }
0xab: {  	[sflag:s6] =	ssyncadd.remote.s32 @p0 $0x1;
	_ =	sdelay $0x1  }
0xac: {  	s6 =	simm.s32 @p0 $0x1B8D  }
0xad: {  	_ =	swait.eq @p0 [sflag:s6], $0x1  }
0xae: {  	[sflag:s6] =	ssyncadd.s32 @p0 $0xFFFFFFFF  }
0xaf: {  	s7 =	sshll.u32 @!p0 s1, $0xE  }
0xb0: {  	s7 =	sor.u32 @!p0 $0x4000, s7;
	s6 =	simm.s32 @!p0 $0x1B8D  }
0xb1: {  	s5 =	sshll.u32 @!p0 s5, $0x11;
	s7 =	sadd.s32 @!p0 $0x11B8D, s7;
	_ =	swait.eq @!p0 [sflag:s6], $0x1  }
0xb2: {  	s5 =	sor.u32 @!p0 s5, s7;
	[sflag:s6] =	ssyncadd.s32 @!p0 $0xFFFFFFFF  }
0xb3: {  	s25 =	simm.s32 $0x1B8E;
	s24 =	sld [smem:$0x3FFE];
	[sflag:s5] =	ssyncadd.remote.s32 @!p0 $0x1  }
0xb4: {  	s26 =	simm.s32 $execute0_lowered;
	[smem:$0x3FD2] =	sst s25  }
0xb5: {  	s6 =	sshll.u32 s26, $0x1;
	_ =	strace $0x80000049;
	[dreg:$0x1] =	wrdreg $0xFFFFFFFF  }
0xb6: {  	s28 =	simm.s32 $_size_execute0_lowered;
	s4 =	sadd.s32 s4, s6;
	[dreg:$0x0] =	wrdreg $0x0  }
0xb7: {  	s6 =	sshll.u32 s28, $0x1;
	[dreg:$0x2] =	wrdreg s4  }
0xb8: {  	[dreg:$0x3] =	wrdreg s6  }
0xb9: {  	[dreg:$0x4] =	wrdreg $0xC0  }
0xba: {  	_ =	task [dreg:s22], $0x5FFFF  }
0xbb: {  	[dreg:$0x1] =	wrdreg $0xFFFFFFFF  }
0xbc: {  	[dreg:$0x0] =	wrdreg $0x60  }
0xbd: {  	[dreg:$0x2] =	wrdreg s18  }
0xbe: {  	[dreg:$0x3] =	wrdreg s24  }
0xbf: {  	[dreg:$0x4] =	wrdreg $0xB  }
0xc0: {  	_ =	task.clear_ibuf [dreg:s22], $0x5FFFF;
	_ =	strace $0x90000049  }
0xc1: {  	s29 =	simm.s32 $0xB;
	_ =	strace $0x8000004B  }
0xc2: {  	_ =	swait.ge [sflag:s29], $0x1  }
0xc3: {  	[sflag:s29] =	ssyncadd.s32 $0xFFFFFFFF  }
0xc4: {  	_ =	strace $0x9000004B  }
0xc5: {  	_ =	sfence  }
0xc6: {  	s30 =	sld [smem:$0x0];
	_ =	sdelay $0x2  }
0xc7: {  	s31 =	sshll.u32 s1, $0xD;
	s1 =	sshrl.u32 s1, $0x2  }
0xc8: {  	s4 =	sand.u32 $0x4000, s31;
	s1 =	sadd.s32 s1, s30  }
0xc9: {  	s0 =	sor.u32 s4, s0;
	s1 =	sshll.u32 s1, $0x11  }
0xca: {  	s0 =	sor.u32 s1, s0  }
0xcb: {  	s0 =	sadd.s32 $0x8F2B, s0  }
0xcc: {  	[sflag:s0] =	ssyncadd.remote.s32 $0x1  }
0xcd: {  	_ =	sfence.sel $0xFFFF  }
0xce: {  	[dreg:$0x0] =	wrdreg $0xFFFFFFFF;
	(pc) =	sbr.abs _section_cstart, $3  }
0xcf: {  	[dreg:$0x1] =	wrdreg $0xFFFFFFFF  }
0xd0: {  	_ =	task.clear_ibuf [dreg:s22], $0x2FFFF;
	_ =	strace $0x9FFFFFFF  }
0xd1: {  	(tm) =	ssettm $0x7FFFFFFF  }
tec
execute0_lowered:
.L_overlay_start_1:
0x0: {  	(tag) =	ssettag $0x1  }
0x1: {  	s1 =	rddreg [dreg:$0x0]  }
0x2: {  	s4 =	rddreg [dreg:$0x1]  }
0x3: {  	s0 =	rddreg [dreg:$0x2]  }
0x4: {  	s5 =	srdreg.scid;
	s3 =	simm.s32 $0x0;
	s2 =	stileid.u32  }
0x5: {  	s11 =	simm.s32 $0x80;
	s12 =	simm.s32 $0x100;
	s13 =	simm.s32 $0x4100  }
0x6: {  	s14 =	simm.s32 $0x1;
	s15 =	simm.s32 $0x2;
	s16 =	simm.s32 $0x0  }
0x7: {  	s6 =	sand.u32 $0x1, s5;
	[smem:$0x7FF] =	sst s3;
	s25 =	sshll.u32 s2, $0x8  }
0x8: {  	s26 =	sshll.u32 s2, $0xC;
	p0 =	seq.s32 s2, $0x0;
	s7 =	sshll.u32 s6, $0x7  }
0x9: {  	_ =	strace $0x8000004A;
	s8 =	ssub.s32 $0x2, s6;
	s10 =	sadd.s32 s26, s4  }
0xa: {  	s30 =	sshll.u32 s6, $0xB;
	s5 =	sor.u32 s7, s25;
	s28 =	sshrl.u32 s8, $0x1  }
0xb: {  	s31 =	sadd.s32 s30, s10;
	s5 =	sshrl.u32 s5, $0x3;
	s29 =	ssub.s32 s8, s28  }
0xc: {  	s8 =	sadd.s32 $0x76C600, s31;
	s9 =	sadd.s32 s5, s4;
	s4 =	simm.s32 $0x28  }
0xd: {  	s10 =	simm.s32 $0x3;
	s4 =	simm.s32 @!p0 $0x27;
	s6 =	sadd.s32 $0x4F6600, s9  }
0xe: {  	s5 =	smax.u32 s29, $0x1;
	s7 =	sadd.s32 $0x4F1600, s9;
	s9 =	sadd.s32 $0x4FB600, s31  }
.LBB2_1:
0xf: {  	[tilespmem:s3], [sflag:$0x3] =	stream.linear.gather [hbm4b:s7+s3], $0x80, $0x38;
	[tilespmem:$0x8100] =	vst v63  }
0x10: {  	_ =	swait.ge [sflag:s10], $0x80  }
0x11: {  	[sflag:s10] =	ssyncset.done $0x0  }
0x12: {  	[sflag:s10] =	ssyncadd.s32 $0xFFFFFF80  }
0x13: {  	[tilespmem:s11], [sflag:$0x3] =	stream.linear.gather [hbm4b:s6+s3], $0x80, $0x38;
	[tilespmem:$0x8100] =	vst v63  }
0x14: {  	_ =	swait.ge [sflag:s10], $0x80  }
0x15: {  	[sflag:s10] =	ssyncset.done $0x0  }
0x16: {  	[sflag:s10] =	ssyncadd.s32 $0xFFFFFF80  }
0x17: {  	[tilespmem:s12], [sflag:$0x1] =	stream.indirect.gather [hbm4b:s1+s11], $0x80, s3, s11, $0xb8;
	[tilespmem:$0x8100] =	vst v63  }
0x18: {  	_ = 	snop  }
0x19: {  	[tilespmem:s13], [sflag:$0x2] =	stream.indirect.gather [hbm4b:s1+s11], $0x80, s11, s11, $0xb8;
	[tilespmem:$0x8100] =	vst v63  }
0x1a: {  	_ =	swait.ge [sflag:s14], $0x4000  }
0x1b: {  	[sflag:s14] =	ssyncset.done $0x0  }
0x1c: {  	[sflag:s14] =	ssyncadd.s32 $0xFFFFC000  }
0x1d: {  	_ =	swait.ge [sflag:s15], $0x4000  }
0x1e: {  	[sflag:s15] =	ssyncset.done $0x0  }
0x1f: {  	[sflag:s15] =	ssyncadd.s32 $0xFFFFC000  }
0x20: {  	[hbm4b:s9+s3] =	stream.linear.scatter [tilespmem:s12], [sflag:$0x3], $0x4000, $0x38;
	[tilespmem:$0x8100] =	vst v63  }
0x21: {  	p0 =	sne.s32 s4, $0x1;
	_ =	swait.ge [sflag:s10], $0x4000  }
.Ltmp0:
0x22: {  	[sflag:s10] =	ssyncset.done $0x0;
	(pc) =	sbr.rel @!p0 .LBB2_3-.Ltmp0, $4  }
0x23: {  	s17 =	sadd.s32 $0xFFFFFFFF, s4;
	[sflag:s10] =	ssyncadd.s32 $0xFFFFC000  }
0x24: {  	[hbm4b:s8+s3] =	stream.linear.scatter [tilespmem:s13], [sflag:$0x3], $0x4000, $0x38;
	[tilespmem:$0x8100] =	vst v63  }
0x25: {  	s18 =	sadd.s32 $0x10000, s8;
	s19 =	sadd.s32 $0x10000, s9;
	_ =	swait.ge [sflag:s10], $0x4000  }
0x26: {  	s20 =	smov.u32 s6;
	s21 =	smov.u32 s7;
	[sflag:s10] =	ssyncset.done $0x0  }
.LBB2_2:
0x27: {  	[sflag:s10] =	ssyncadd.s32 $0xFFFFC000;
	s20 =	sadd.s32 $0x200, s20;
	s21 =	sadd.s32 $0x200, s21  }
0x28: {  	[tilespmem:s3], [sflag:$0x3] =	stream.linear.gather [hbm4b:s21+s3], $0x80, $0x38;
	[tilespmem:$0x8100] =	vst v63  }
0x29: {  	p0 =	sne.s32 s17, $0x1;
	s17 =	sadd.s32 $0xFFFFFFFF, s17;
	_ =	swait.ge [sflag:s10], $0x80  }
0x2a: {  	[sflag:s10] =	ssyncset.done $0x0  }
0x2b: {  	[sflag:s10] =	ssyncadd.s32 $0xFFFFFF80  }
0x2c: {  	[tilespmem:s11], [sflag:$0x3] =	stream.linear.gather [hbm4b:s20+s3], $0x80, $0x38;
	[tilespmem:$0x8100] =	vst v63  }
0x2d: {  	_ =	swait.ge [sflag:s10], $0x80  }
0x2e: {  	[sflag:s10] =	ssyncset.done $0x0  }
0x2f: {  	[sflag:s10] =	ssyncadd.s32 $0xFFFFFF80  }
0x30: {  	[tilespmem:s12], [sflag:$0x1] =	stream.indirect.gather [hbm4b:s1+s11], $0x80, s3, s11, $0xb8;
	[tilespmem:$0x8100] =	vst v63  }
0x31: {  	_ = 	snop  }
0x32: {  	[tilespmem:s13], [sflag:$0x2] =	stream.indirect.gather [hbm4b:s1+s11], $0x80, s11, s11, $0xb8;
	[tilespmem:$0x8100] =	vst v63  }
0x33: {  	_ =	swait.ge [sflag:s14], $0x4000  }
0x34: {  	[sflag:s14] =	ssyncset.done $0x0  }
0x35: {  	[sflag:s14] =	ssyncadd.s32 $0xFFFFC000  }
0x36: {  	_ =	swait.ge [sflag:s15], $0x4000  }
0x37: {  	[sflag:s15] =	ssyncset.done $0x0  }
0x38: {  	[sflag:s15] =	ssyncadd.s32 $0xFFFFC000  }
0x39: {  	[hbm4b:s19+s3] =	stream.linear.scatter [tilespmem:s12], [sflag:$0x3], $0x4000, $0x38;
	[tilespmem:$0x8100] =	vst v63  }
0x3a: {  	_ =	swait.ge [sflag:s10], $0x4000  }
.Ltmp1:
0x3b: {  	[sflag:s10] =	ssyncset.done $0x0;
	(pc) =	sbr.rel @p0 .LBB2_2-.Ltmp1, $4  }
0x3c: {  	[sflag:s10] =	ssyncadd.s32 $0xFFFFC000  }
0x3d: {  	[hbm4b:s18+s3] =	stream.linear.scatter [tilespmem:s13], [sflag:$0x3], $0x4000, $0x38;
	[tilespmem:$0x8100] =	vst v63  }
0x3e: {  	_ =	swait.ge [sflag:s10], $0x4000  }
0x3f: {  	s19 =	sadd.s32 $0x10000, s19;
	s18 =	sadd.s32 $0x10000, s18;
	[sflag:s10] =	ssyncset.done $0x0  }
.LBB2_3:
0x40: {  	s16 =	sadd.s32 $0x1, s16  }
0x41: {  	p0 =	sne.s32 s16, s5  }
.Ltmp2:
0x42: {  	_ = 	snop;
	(pc) =	sbr.rel @p0 .LBB2_1-.Ltmp2, $2  }
0x43: {  	_ =	sdelay $0x2  }
0x44: {  	[sflag:s10] =	ssyncadd.s32 $0xFFFFC000  }
0x45: {  	_ =	sfence.sel $0x180000  }
0x46: {  	[bflag:$0x0] =	sbarrier.arrive $0xFFFF  }
0x47: {  	p0 =	sne.s32 s2, $0x0;
	_ =	strace $0x9000004A  }
0x48: {  	s0 =	sadd.s32 @!p0 $0x100000, s0;
	[bflag:$0x2] =	sbarrier.arrive $0xFFFF  }
0x49: {  	[sflag:s0] =	ssyncadd.tile.s32 @!p0 $0x1;
	_ =	shalt  }
.Lfunc_end2:
_tile_overlayer_lowered:
.L_overlay_start_2:
0x4a: {  	(tag) =	ssettag $0x2  }
0x4b: {  	s0 =	rddreg [dreg:$0x0];
	s2 =	stileid.u32  }
0x4c: {  	s1 =	rddreg [dreg:$0x1];
	p0 =	sne.s32 s2, $0x0  }
0x4d: {  	s3 =	rddreg [dreg:$0x2];
	[bflag:$0x3] =	sbarrier.arrive $0xFFFF;
	s2 =	simm.s32 @!p0 $0x1C03  }
0x4e: {  	[timem:s3], [sflag:s2] =	dma.local @!p0 [hbm:s0], s1  }
0x4f: {  	s0 =	simm.s32 @!p0 $0x3  }
0x50: {  	_ =	swait.ge @!p0 [sflag:s0], s1  }
0x51: {  	s1 =	ssub.s32 @!p0 $0x0, s1;
	[sflag:s0] =	ssyncset.done @!p0 $0x0  }
0x52: {  	[sflag:s0] =	ssyncadd.s32 @!p0 s1  }
0x53: {  	[bflag:$0x3] =	sbarrier.arrive $0xFFFF  }
0x54: {  	_ =	shalt  }

// kernel: kernel.19.cloned.1.call-start
scs
__scs_entry_jumppad:
0x0: {  	(pc) =	sbr.rel $0x88, $3  }
0x1: {  	(tag) =	ssettag $0x0;
	lr =	simm.s32 $0x1  }
0x2: {  	[smem:$0x3F8D] =	sst lr;
	_ =	strace $0xD0000000  }
0x3: {  	_ = 	snop  }
0x4: {  	_ = 	snop  }
0x5: {  	_ = 	snop  }
0x6: {  	_ = 	snop  }
0x7: {  	_ = 	snop  }
__scs_overlays_trampoline_lowered:
0x8: {  	[smem:$0x3F9C] =	sst s0  }
0x9: {  	[smem:$0x3F9D] =	sst s1  }
0xa: {  	[smem:$0x3F9E] =	sst s2  }
0xb: {  	[smem:$0x3F9F] =	sst s3  }
0xc: {  	[smem:$0x3FA0] =	sst s4  }
0xd: {  	[smem:$0x3FA1] =	sst s5  }
0xe: {  	[smem:$0x3FA2] =	sst s6  }
0xf: {  	[smem:$0x3FA3] =	sst s7  }
0x10: {  	[smem:$0x3FA4] =	sst s8  }
0x11: {  	[smem:$0x3FA5] =	sst s9;
	s0 =	simm.s32 @!p0 $0x0  }
0x12: {  	s1 =	sld [smem:$0x3F8B];
	s0 =	simm.s32 @p0 $0x1  }
0x13: {  	[smem:$0x3FA6] =	sst s0;
	s0 =	simm.s32 @!p1 $0x0  }
0x14: {  	s2 =	sld [smem:$0x3F8A];
	s0 =	simm.s32 @p1 $0x1  }
0x15: {  	[smem:$0x3FA7] =	sst s0;
	s0 =	simm.s32 @!p2 $0x0  }
0x16: {  	s3 =	sld [smem:$0x3FDB];
	s0 =	simm.s32 @p2 $0x1  }
0x17: {  	s4 =	simm.s32 $0x1BF5;
	[smem:$0x3FA9] =	sst s0  }
0x18: {  	s0 =	sld [smem:$0x3F8C];
	_ =	swait.ge [sflag:s4], $0x0  }
0x19: {  	s7 =	sld [smem:$0x3F8D]  }
0x1a: {  	s8 =	sadd.s32 $0xFFFFE003, lr  }
0x1b: {  	s9 =	sadd.s32 $0xFFFFFEF7, lr;
	s5 =	simm.s32 $0xFFFFFFFF;
	p2 =	slt.u32 s8, $0xFFFFF086  }
0x1c: {  	p1 =	slt.u32 s9, $0xF7A;
	s5 =	simm.s32 @!p2 $0x0  }
0x1d: {  	s5 =	simm.s32 @p1 $0x1;
	p0 =	seq.s32 s7, s2  }
0x1e: {  	s7 =	smul.u32 @!p0 $0xF7A, s2;
	p2 =	seq.s32 @!p0 s5, $0x0  }
0x1f: {  	s9 =	smul.u32 $0xF7A, s1;
	s8 =	simm.s32 @!p0 $0x1BF5;
	p2 =	por !p2, p0  }
0x20: {  	[sflag:s8] =	ssyncset.s32 @!p0 $0xFFFFF086;
	s6 =	sadd.s32 @!p0 s3, s7;
	s7 =	simm.s32 @!p0 $0x108  }
0x21: {  	s3 =	sadd.s32 s3, s9;
	s6 =	sadd.s32 @!p0 $0x88, s6;
	s7 =	simm.s32 @p2 $0x1082  }
0x22: {  	[simem:s7], [sflag:s8] =	dma.local @!p0 [hbm:s6], $0xF7A  }
0x23: {  	s9 =	sor.u32 $0xD0000000, s2;
	s6 =	simm.s32 $0x108;
	_ =	swait.ge @!p0 [sflag:s8], $0x0  }
0x24: {  	s3 =	sadd.s32 $0x88, s3;
	s6 =	simm.s32 @!p1 $0x1082;
	[sflag:s4] =	ssyncset.s32 $0xFFFFF086  }
0x25: {  	[simem:s6], [sflag:s4] =	dma.local [hbm:s3], $0xF7A  }
0x26: {  	[smem:$0x3F8D] =	sst s1;
	(tag) =	ssettag s2;
	_ =	strace s9  }
0x27: {  	s1 =	sld [smem:$0x3F9D]  }
0x28: {  	s2 =	sld [smem:$0x3F9E]  }
0x29: {  	s4 =	sld [smem:$0x3FA0]  }
0x2a: {  	p0 =	seq.s32 s5, $0x0;
	s5 =	sld [smem:$0x3FA1]  }
0x2b: {  	s6 =	sld [smem:$0x3FA2]  }
0x2c: {  	s7 =	sld [smem:$0x3FA3]  }
0x2d: {  	s3 =	simm.s32 $0x108;
	s8 =	sld [smem:$0x3FA4]  }
0x2e: {  	s3 =	simm.s32 @!p0 $0x1082;
	s9 =	sld [smem:$0x3FA5]  }
0x2f: {  	lr =	sadd.s32 s0, s3;
	s0 =	sld [smem:$0x3F9C]  }
0x30: {  	s3 =	sld [smem:$0x3F9F]  }
0x31: {  	[smem:$0x3FA8] =	sst s10  }
0x32: {  	s10 =	sld [smem:$0x3FA6];
	_ =	sdelay $0x3  }
0x33: {  	p0 =	seq.s32 s10, $0x1;
	s10 =	sld [smem:$0x3FA8];
	_ =	sdelay $0x3  }
0x34: {  	[smem:$0x3FA8] =	sst s10  }
0x35: {  	s10 =	sld [smem:$0x3FA7];
	_ =	sdelay $0x3  }
0x36: {  	p1 =	seq.s32 s10, $0x1;
	s10 =	sld [smem:$0x3FA8];
	_ =	sdelay $0x3  }
0x37: {  	[smem:$0x3FA8] =	sst s10  }
0x38: {  	s10 =	sld [smem:$0x3FA9]  }
0x39: {  	_ = 	snop;
	(pc) =	sbr.ind lr, $3  }
0x3a: {  	_ = 	snop  }
0x3b: {  	_ = 	snop  }
0x3c: {  	p2 =	seq.s32 s10, $0x1;
	s10 =	sld [smem:$0x3FA8]  }
0x3d: {  	_ =	shalt  }
0x3e: {  	_ =	shalt  }
0x3f: {  	_ =	shalt  }
0x40: {  	_ =	shalt  }
0x41: {  	_ =	shalt  }
0x42: {  	_ =	shalt  }
0x43: {  	_ =	shalt  }
0x44: {  	_ =	shalt  }
0x45: {  	_ =	shalt  }
0x46: {  	_ =	shalt  }
0x47: {  	_ =	shalt  }
0x48: {  	_ =	shalt  }
0x49: {  	_ =	shalt  }
0x4a: {  	_ =	shalt  }
0x4b: {  	_ =	shalt  }
0x4c: {  	_ =	shalt  }
0x4d: {  	_ =	shalt  }
0x4e: {  	_ =	shalt  }
0x4f: {  	_ =	shalt  }
0x50: {  	_ =	shalt  }
0x51: {  	_ =	shalt  }
0x52: {  	_ =	shalt  }
0x53: {  	_ =	shalt  }
0x54: {  	_ =	shalt  }
0x55: {  	_ =	shalt  }
0x56: {  	_ =	shalt  }
0x57: {  	_ =	shalt  }
0x58: {  	_ =	shalt  }
0x59: {  	_ =	shalt  }
0x5a: {  	_ =	shalt  }
0x5b: {  	_ =	shalt  }
0x5c: {  	_ =	shalt  }
0x5d: {  	_ =	shalt  }
0x5e: {  	_ =	shalt  }
0x5f: {  	_ =	shalt  }
0x60: {  	_ =	shalt  }
0x61: {  	_ =	shalt  }
0x62: {  	_ =	shalt  }
0x63: {  	_ =	shalt  }
0x64: {  	_ =	shalt  }
0x65: {  	_ =	shalt  }
0x66: {  	_ =	shalt  }
0x67: {  	_ =	shalt  }
0x68: {  	_ =	shalt  }
0x69: {  	_ =	shalt  }
0x6a: {  	_ =	shalt  }
0x6b: {  	_ =	shalt  }
0x6c: {  	_ =	shalt  }
0x6d: {  	_ =	shalt  }
0x6e: {  	_ =	shalt  }
0x6f: {  	_ =	shalt  }
0x70: {  	_ =	shalt  }
0x71: {  	_ =	shalt  }
0x72: {  	_ =	shalt  }
0x73: {  	_ =	shalt  }
0x74: {  	_ =	shalt  }
0x75: {  	_ =	shalt  }
0x76: {  	_ =	shalt  }
0x77: {  	_ =	shalt  }
0x78: {  	_ =	shalt  }
0x79: {  	_ =	shalt  }
0x7a: {  	_ =	shalt  }
0x7b: {  	_ =	shalt  }
0x7c: {  	_ =	shalt  }
0x7d: {  	_ =	shalt  }
0x7e: {  	_ =	shalt  }
0x7f: {  	_ =	shalt  }
0x80: {  	_ =	shalt  }
0x81: {  	_ =	shalt  }
0x82: {  	_ =	shalt  }
0x83: {  	_ =	shalt  }
0x84: {  	_ =	shalt  }
0x85: {  	_ =	shalt  }
0x86: {  	_ =	shalt  }
0x87: {  	_ =	shalt  }
.Lfunc_end0:
.L_simem_size_0:
called_computation.2_lowered:
.L_overlay_start_0:
0x88: {  	s2 =	sld [smem:$0x3FD9]  }
0x89: {  	s3 =	sld [smem:$0x3FFE];
	_ =	sdelay $0x1  }
0x8a: {  	s1 =	srdreg.scid  }
0x8b: {  	s0 =	sand.u32 $0x1, s1  }
0x8c: {  	s17 =	sshll.u32 s0, $0xA;
	s2 =	sadd.s32 s3, s2  }
0x8d: {  	s2 =	sadd.s32 s2, s17  }
0x8e: {  	[smem:$0x3FB4] =	sst s2  }
0x8f: {  	_ = 	snop  }
0x90: {  	s18 =	sld [smem:$0x3FC6];
	(tm) =	ssettm $0x1  }
0x91: {  	s19 =	sld [smem:$0x3FFB];
	_ =	sdelay $0x3  }
0x92: {  	_ =	strace s19  }
0x93: {  	s2 =	sld [smem:$0x3FFC];
	_ =	sdelay $0x3  }
0x94: {  	_ =	strace s2  }
0x95: {  	s2 =	sld [smem:$0x3FFD];
	_ =	sdelay $0x3  }
0x96: {  	_ =	strace s2  }
0x97: {  	_ =	strace $0x8FFFFFFF  }
0x98: {  	s20 =	sld [smem:$0x3FDB];
	_ =	sdelay $0x1  }
0x99: {  	s4 =	simm.s32 $_scs_section_size  }
0x9a: {  	s5 =	simm.s32 $_size__tile_overlayer_lowered;
	s6 =	simm.s32 $_tile_overlayer_lowered  }
0x9b: {  	s7 =	simm.s32 $0x1BFF;
	s21 =	sshll.u32 s6, $0x1;
	s4 =	sadd.s32 s4, s20  }
0x9c: {  	s22 =	simm.s32 $0x0;
	s5 =	sshll.u32 s5, $0x1;
	s6 =	sadd.s32 s21, s4  }
0x9d: {  	[timem:s22], [sflag:s7] =	dma.local [hbm:s6], s5  }
0x9e: {  	_ =	swait.ge [sflag:s7], s5  }
0x9f: {  	s5 =	ssub.s32 $0x0, s5;
	[sflag:s7] =	ssyncset.done $0x0  }
0xa0: {  	[sflag:s7] =	ssyncadd.s32 s5;
	_ =	sdelay $0x1  }
0xa1: {  	s23 =	simm.s32 $0x1B8B  }
0xa2: {  	_ =	swait.ge [sflag:s23], $0x1  }
0xa3: {  	[sflag:s23] =	ssyncset.done $0x0  }
0xa4: {  	[sflag:s23] =	ssyncadd.s32 $0xFFFFFFFF  }
0xa5: {  	s5 =	sld [smem:$0x0]  }
0xa6: {  	s6 =	sand.u32 $0xFFFFFFFE, s1  }
0xa7: {  	p0 =	sne.s32 s1, s6  }
0xa8: {  	s6 =	sshll.u32 @p0 s6, $0xE  }
0xa9: {  	s6 =	sadd.s32 @p0 $0x11B8D, s6;
	s7 =	sshll.u32 @p0 s5, $0x11  }
0xaa: {  	s6 =	sor.u32 @p0 s7, s6  }
0xab: {  	[sflag:s6] =	ssyncadd.remote.s32 @p0 $0x1;
	_ =	sdelay $0x1  }
0xac: {  	s6 =	simm.s32 @p0 $0x1B8D  }
0xad: {  	_ =	swait.eq @p0 [sflag:s6], $0x1  }
0xae: {  	[sflag:s6] =	ssyncadd.s32 @p0 $0xFFFFFFFF  }
0xaf: {  	s7 =	sshll.u32 @!p0 s1, $0xE  }
0xb0: {  	s7 =	sor.u32 @!p0 $0x4000, s7;
	s6 =	simm.s32 @!p0 $0x1B8D  }
0xb1: {  	s5 =	sshll.u32 @!p0 s5, $0x11;
	s7 =	sadd.s32 @!p0 $0x11B8D, s7;
	_ =	swait.eq @!p0 [sflag:s6], $0x1  }
0xb2: {  	s5 =	sor.u32 @!p0 s5, s7;
	[sflag:s6] =	ssyncadd.s32 @!p0 $0xFFFFFFFF  }
0xb3: {  	s25 =	simm.s32 $0x1B8E;
	s24 =	sld [smem:$0x3FFE];
	[sflag:s5] =	ssyncadd.remote.s32 @!p0 $0x1  }
0xb4: {  	s26 =	simm.s32 $execute0_lowered;
	[smem:$0x3FD2] =	sst s25  }
0xb5: {  	s6 =	sshll.u32 s26, $0x1;
	_ =	strace $0x8000004C;
	[dreg:$0x1] =	wrdreg $0xFFFFFFFF  }
0xb6: {  	s28 =	simm.s32 $_size_execute0_lowered;
	s4 =	sadd.s32 s4, s6;
	[dreg:$0x0] =	wrdreg $0x0  }
0xb7: {  	s6 =	sshll.u32 s28, $0x1;
	[dreg:$0x2] =	wrdreg s4  }
0xb8: {  	[dreg:$0x3] =	wrdreg s6  }
0xb9: {  	[dreg:$0x4] =	wrdreg $0xC0  }
0xba: {  	_ =	task [dreg:s22], $0x5FFFF  }
0xbb: {  	[dreg:$0x1] =	wrdreg $0xFFFFFFFF  }
0xbc: {  	[dreg:$0x0] =	wrdreg $0x60  }
0xbd: {  	[dreg:$0x2] =	wrdreg s18  }
0xbe: {  	[dreg:$0x3] =	wrdreg s24  }
0xbf: {  	[dreg:$0x4] =	wrdreg $0x9  }
0xc0: {  	_ =	task.clear_ibuf [dreg:s22], $0x5FFFF;
	_ =	strace $0x9000004C  }
0xc1: {  	s29 =	simm.s32 $0x9;
	_ =	strace $0x8000004E  }
0xc2: {  	_ =	swait.ge [sflag:s29], $0x1  }
0xc3: {  	[sflag:s29] =	ssyncadd.s32 $0xFFFFFFFF  }
0xc4: {  	_ =	strace $0x9000004E  }
0xc5: {  	_ =	sfence  }
0xc6: {  	s30 =	sld [smem:$0x0];
	_ =	sdelay $0x2  }
0xc7: {  	s31 =	sshll.u32 s1, $0xD;
	s1 =	sshrl.u32 s1, $0x2  }
0xc8: {  	s4 =	sand.u32 $0x4000, s31;
	s1 =	sadd.s32 s1, s30  }
0xc9: {  	s0 =	sor.u32 s4, s0;
	s1 =	sshll.u32 s1, $0x11  }
0xca: {  	s0 =	sor.u32 s1, s0  }
0xcb: {  	s0 =	sadd.s32 $0x8F2B, s0  }
0xcc: {  	[sflag:s0] =	ssyncadd.remote.s32 $0x1  }
0xcd: {  	_ =	sfence.sel $0xFFFF  }
0xce: {  	[dreg:$0x0] =	wrdreg $0xFFFFFFFF;
	(pc) =	sbr.abs _section_cstart, $3  }
0xcf: {  	[dreg:$0x1] =	wrdreg $0xFFFFFFFF  }
0xd0: {  	_ =	task.clear_ibuf [dreg:s22], $0x2FFFF;
	_ =	strace $0x9FFFFFFF  }
0xd1: {  	(tm) =	ssettm $0x7FFFFFFF  }
tec
execute0_lowered:
.L_overlay_start_1:
0x0: {  	(tag) =	ssettag $0x1  }
0x1: {  	s6 =	rddreg [dreg:$0x0]  }
0x2: {  	s4 =	rddreg [dreg:$0x1]  }
0x3: {  	s0 =	rddreg [dreg:$0x2];
	s1 =	simm.s32 $0x0  }
0x4: {  	s2 =	srdreg.scid;
	s11 =	simm.s32 $0x0;
	[smem:$0x7FF] =	sst s1  }
0x5: {  	s5 =	sand.u32 $0x1, s2;
	s2 =	stileid.u32;
	s3 =	sadd.s32 $0x9DD600, s4  }
0x6: {  	_ =	strace $0x8000004D;
	s7 =	ssub.s32 $0x2, s5;
	s8 =	sshll.u32 s2, $0x5  }
0x7: {  	p0 =	slt.u32 s2, $0x2;
	s29 =	sshll.u32 s2, $0x8;
	s10 =	sshll.u32 s5, $0x7  }
0x8: {  	s9 =	sshrl.u32 s7, $0x1;
	s8 =	sadd.s32 s8, s4;
	s4 =	simm.s32 $0x4F  }
0x9: {  	s30 =	sshll.u32 s5, $0x4;
	s7 =	ssub.s32 s7, s9;
	s4 =	simm.s32 @!p0 $0x4E  }
0xa: {  	s9 =	sor.u32 s10, s29;
	s8 =	sadd.s32 s30, s8;
	s10 =	simm.s32 $0x80  }
0xb: {  	s5 =	smax.u32 s7, $0x1;
	s31 =	sshrl.u32 s9, $0x3;
	s7 =	sadd.s32 $0x9DDC00, s8  }
0xc: {  	s8 =	simm.s32 $0x100;
	s9 =	simm.s32 $0x1;
	s6 =	sadd.s32 s31, s6  }
.LBB2_1:
0xd: {  	[tilespmem:s8], [sflag:$0x1] =	stream.linear.gather [hbm4b:s3+s1], $0x2780, $0x38;
	[tilespmem:$0x2880] =	vst v63  }
0xe: {  	_ =	swait.ge [sflag:s9], $0x2780  }
0xf: {  	[sflag:s9] =	ssyncset.done $0x0  }
0x10: {  	[sflag:s9] =	ssyncadd.s32 $0xFFFFD880  }
0x11: {  	[tilespmem:s1], [sflag:$0x1] =	stream.linear.gather [hbm4b:s6+s1], $0x80, $0x38;
	[tilespmem:$0x2880] =	vst v63  }
0x12: {  	_ =	swait.ge [sflag:s9], $0x80  }
0x13: {  	[sflag:s9] =	ssyncset.done $0x0  }
0x14: {  	[sflag:s9] =	ssyncadd.s32 $0xFFFFFF80  }
0x15: {  	v0 =	vld [tilespmem:$0x0];
	_ =	sdelay $0x5  }
0x16: {  	v1 =	vld [tilespmem:$0x10];
	_ =	sdelay $0x1  }
0x17: {  	v0 =	vld.idx.msk [tilespmem:v0+s8+$0x0], $0xffff;
	_ =	sdelay $0x3  }
0x18: {  	v2 =	vld [tilespmem:$0x20]  }
0x19: {  	[tilespmem:$0x80] =	vst v0  }
0x1a: {  	v0 =	vld.idx.msk [tilespmem:v1+s8+$0x0], $0xffff;
	_ =	sdelay $0x3  }
0x1b: {  	v59 =	vld [tilespmem:$0x30]  }
0x1c: {  	[tilespmem:$0x90] =	vst v0  }
0x1d: {  	v0 =	vld.idx.msk [tilespmem:v2+s8+$0x0], $0xffff;
	_ =	sdelay $0x3  }
0x1e: {  	v60 =	vld [tilespmem:$0x40]  }
0x1f: {  	[tilespmem:$0xA0] =	vst v0  }
0x20: {  	v0 =	vld.idx.msk [tilespmem:v59+s8+$0x0], $0xffff;
	_ =	sdelay $0x3  }
0x21: {  	v61 =	vld [tilespmem:$0x50]  }
0x22: {  	[tilespmem:$0xB0] =	vst v0  }
0x23: {  	v0 =	vld.idx.msk [tilespmem:v60+s8+$0x0], $0xffff;
	_ =	sdelay $0x3  }
0x24: {  	v62 =	vld [tilespmem:$0x60]  }
0x25: {  	[tilespmem:$0xC0] =	vst v0  }
0x26: {  	v0 =	vld.idx.msk [tilespmem:v61+s8+$0x0], $0xffff;
	_ =	sdelay $0x3  }
0x27: {  	v63 =	vld [tilespmem:$0x70]  }
0x28: {  	[tilespmem:$0xD0] =	vst v0  }
0x29: {  	v0 =	vld.idx.msk [tilespmem:v62+s8+$0x0], $0xffff;
	_ =	sdelay $0x4  }
0x2a: {  	[tilespmem:$0xE0] =	vst v0  }
0x2b: {  	v0 =	vld.idx.msk [tilespmem:v63+s8+$0x0], $0xffff;
	_ =	sdelay $0x2  }
0x2c: {  	p0 =	sne.s32 s4, $0x1  }
.Ltmp0:
0x2d: {  	_ = 	snop;
	(pc) =	sbr.rel @!p0 .LBB2_3-.Ltmp0, $4  }
0x2e: {  	[tilespmem:$0xF0] =	vst v0  }
0x2f: {  	[hbm4b:s7+s1] =	stream.linear.scatter [tilespmem:s10], [sflag:$0x1], $0x80, $0x38;
	[tilespmem:$0x2880] =	vst v63  }
0x30: {  	s12 =	sadd.s32 $0xFFFFFFFF, s4;
	_ =	swait.ge [sflag:s9], $0x80  }
0x31: {  	s13 =	smov.u32 s6;
	s14 =	smov.u32 s7;
	[sflag:s9] =	ssyncset.done $0x0  }
.LBB2_2:
0x32: {  	[sflag:s9] =	ssyncadd.s32 $0xFFFFFF80;
	s13 =	sadd.s32 $0x200, s13;
	s14 =	sadd.s32 $0x200, s14  }
0x33: {  	[tilespmem:s1], [sflag:$0x1] =	stream.linear.gather [hbm4b:s13+s1], $0x80, $0x38;
	[tilespmem:$0x2880] =	vst v63  }
0x34: {  	p0 =	sne.s32 s12, $0x1;
	s12 =	sadd.s32 $0xFFFFFFFF, s12;
	_ =	swait.ge [sflag:s9], $0x80  }
0x35: {  	[sflag:s9] =	ssyncset.done $0x0  }
0x36: {  	[sflag:s9] =	ssyncadd.s32 $0xFFFFFF80  }
0x37: {  	v0 =	vld [tilespmem:$0x0];
	_ =	sdelay $0x6  }
0x38: {  	v1 =	vld [tilespmem:$0x10]  }
0x39: {  	v0 =	vld.idx.msk [tilespmem:v0+s8+$0x0], $0xffff;
	_ =	sdelay $0x5  }
0x3a: {  	[tilespmem:$0x80] =	vst v0;
	v0 =	vld [tilespmem:$0x20]  }
0x3b: {  	v1 =	vld.idx.msk [tilespmem:v1+s8+$0x0], $0xffff;
	_ =	sdelay $0x5  }
0x3c: {  	[tilespmem:$0x90] =	vst v1;
	v1 =	vld [tilespmem:$0x30]  }
0x3d: {  	v0 =	vld.idx.msk [tilespmem:v0+s8+$0x0], $0xffff;
	_ =	sdelay $0x5  }
0x3e: {  	[tilespmem:$0xA0] =	vst v0;
	v0 =	vld [tilespmem:$0x40]  }
0x3f: {  	v1 =	vld.idx.msk [tilespmem:v1+s8+$0x0], $0xffff;
	_ =	sdelay $0x5  }
0x40: {  	[tilespmem:$0xB0] =	vst v1;
	v1 =	vld [tilespmem:$0x50]  }
0x41: {  	v0 =	vld.idx.msk [tilespmem:v0+s8+$0x0], $0xffff;
	_ =	sdelay $0x5  }
0x42: {  	[tilespmem:$0xC0] =	vst v0;
	v0 =	vld [tilespmem:$0x60]  }
0x43: {  	v1 =	vld.idx.msk [tilespmem:v1+s8+$0x0], $0xffff;
	_ =	sdelay $0x5  }
0x44: {  	[tilespmem:$0xD0] =	vst v1;
	v1 =	vld [tilespmem:$0x70]  }
0x45: {  	v0 =	vld.idx.msk [tilespmem:v0+s8+$0x0], $0xffff;
	_ =	sdelay $0x5  }
0x46: {  	[tilespmem:$0xE0] =	vst v0  }
0x47: {  	v0 =	vld.idx.msk [tilespmem:v1+s8+$0x0], $0xffff;
	_ =	sdelay $0x4  }
.Ltmp1:
0x48: {  	(pc) =	sbr.rel @p0 .LBB2_2-.Ltmp1, $4  }
0x49: {  	[tilespmem:$0xF0] =	vst v0  }
0x4a: {  	[hbm4b:s14+s1] =	stream.linear.scatter [tilespmem:s10], [sflag:$0x1], $0x80, $0x38;
	[tilespmem:$0x2880] =	vst v63  }
0x4b: {  	_ =	swait.ge [sflag:s9], $0x80  }
0x4c: {  	[sflag:s9] =	ssyncset.done $0x0  }
.LBB2_3:
0x4d: {  	s11 =	sadd.s32 $0x1, s11  }
0x4e: {  	p0 =	sne.s32 s11, s5  }
.Ltmp2:
0x4f: {  	_ = 	snop;
	(pc) =	sbr.rel @p0 .LBB2_1-.Ltmp2, $2  }
0x50: {  	_ =	sdelay $0x2  }
0x51: {  	[sflag:s9] =	ssyncadd.s32 $0xFFFFFF80  }
0x52: {  	_ =	sfence.sel $0x180000  }
0x53: {  	[bflag:$0x0] =	sbarrier.arrive $0xFFFF  }
0x54: {  	p0 =	sne.s32 s2, $0x0;
	_ =	strace $0x9000004D  }
0x55: {  	s0 =	sadd.s32 @!p0 $0x100000, s0;
	[bflag:$0x2] =	sbarrier.arrive $0xFFFF  }
0x56: {  	[sflag:s0] =	ssyncadd.tile.s32 @!p0 $0x1;
	_ =	shalt  }
.Lfunc_end2:
_tile_overlayer_lowered:
.L_overlay_start_2:
0x57: {  	(tag) =	ssettag $0x2  }
0x58: {  	s0 =	rddreg [dreg:$0x0];
	s2 =	stileid.u32  }
0x59: {  	s1 =	rddreg [dreg:$0x1];
	p0 =	sne.s32 s2, $0x0  }
0x5a: {  	s3 =	rddreg [dreg:$0x2];
	[bflag:$0x3] =	sbarrier.arrive $0xFFFF;
	s2 =	simm.s32 @!p0 $0x1C01  }
0x5b: {  	[timem:s3], [sflag:s2] =	dma.local @!p0 [hbm:s0], s1  }
0x5c: {  	s0 =	simm.s32 @!p0 $0x1  }
0x5d: {  	_ =	swait.ge @!p0 [sflag:s0], s1  }
0x5e: {  	s1 =	ssub.s32 @!p0 $0x0, s1;
	[sflag:s0] =	ssyncset.done @!p0 $0x0  }
0x5f: {  	[sflag:s0] =	ssyncadd.s32 @!p0 s1  }
0x60: {  	[bflag:$0x3] =	sbarrier.arrive $0xFFFF  }
0x61: {  	_ =	shalt  }

// kernel: kernel.22.cloned.1.call-start
scs
__scs_entry_jumppad:
0x0: {  	(pc) =	sbr.rel $0x88, $3  }
0x1: {  	(tag) =	ssettag $0x0;
	lr =	simm.s32 $0x1  }
0x2: {  	[smem:$0x3F8D] =	sst lr;
	_ =	strace $0xD0000000  }
0x3: {  	_ = 	snop  }
0x4: {  	_ = 	snop  }
0x5: {  	_ = 	snop  }
0x6: {  	_ = 	snop  }
0x7: {  	_ = 	snop  }
__scs_overlays_trampoline_lowered:
0x8: {  	[smem:$0x3F9C] =	sst s0  }
0x9: {  	[smem:$0x3F9D] =	sst s1  }
0xa: {  	[smem:$0x3F9E] =	sst s2  }
0xb: {  	[smem:$0x3F9F] =	sst s3  }
0xc: {  	[smem:$0x3FA0] =	sst s4  }
0xd: {  	[smem:$0x3FA1] =	sst s5  }
0xe: {  	[smem:$0x3FA2] =	sst s6  }
0xf: {  	[smem:$0x3FA3] =	sst s7  }
0x10: {  	[smem:$0x3FA4] =	sst s8  }
0x11: {  	[smem:$0x3FA5] =	sst s9;
	s0 =	simm.s32 @!p0 $0x0  }
0x12: {  	s1 =	sld [smem:$0x3F8B];
	s0 =	simm.s32 @p0 $0x1  }
0x13: {  	[smem:$0x3FA6] =	sst s0;
	s0 =	simm.s32 @!p1 $0x0  }
0x14: {  	s2 =	sld [smem:$0x3F8A];
	s0 =	simm.s32 @p1 $0x1  }
0x15: {  	[smem:$0x3FA7] =	sst s0;
	s0 =	simm.s32 @!p2 $0x0  }
0x16: {  	s3 =	sld [smem:$0x3FDB];
	s0 =	simm.s32 @p2 $0x1  }
0x17: {  	s4 =	simm.s32 $0x1BF5;
	[smem:$0x3FA9] =	sst s0  }
0x18: {  	s0 =	sld [smem:$0x3F8C];
	_ =	swait.ge [sflag:s4], $0x0  }
0x19: {  	s7 =	sld [smem:$0x3F8D]  }
0x1a: {  	s8 =	sadd.s32 $0xFFFFE003, lr  }
0x1b: {  	s9 =	sadd.s32 $0xFFFFFEF7, lr;
	s5 =	simm.s32 $0xFFFFFFFF;
	p2 =	slt.u32 s8, $0xFFFFF086  }
0x1c: {  	p1 =	slt.u32 s9, $0xF7A;
	s5 =	simm.s32 @!p2 $0x0  }
0x1d: {  	s5 =	simm.s32 @p1 $0x1;
	p0 =	seq.s32 s7, s2  }
0x1e: {  	s7 =	smul.u32 @!p0 $0xF7A, s2;
	p2 =	seq.s32 @!p0 s5, $0x0  }
0x1f: {  	s9 =	smul.u32 $0xF7A, s1;
	s8 =	simm.s32 @!p0 $0x1BF5;
	p2 =	por !p2, p0  }
0x20: {  	[sflag:s8] =	ssyncset.s32 @!p0 $0xFFFFF086;
	s6 =	sadd.s32 @!p0 s3, s7;
	s7 =	simm.s32 @!p0 $0x108  }
0x21: {  	s3 =	sadd.s32 s3, s9;
	s6 =	sadd.s32 @!p0 $0x88, s6;
	s7 =	simm.s32 @p2 $0x1082  }
0x22: {  	[simem:s7], [sflag:s8] =	dma.local @!p0 [hbm:s6], $0xF7A  }
0x23: {  	s9 =	sor.u32 $0xD0000000, s2;
	s6 =	simm.s32 $0x108;
	_ =	swait.ge @!p0 [sflag:s8], $0x0  }
0x24: {  	s3 =	sadd.s32 $0x88, s3;
	s6 =	simm.s32 @!p1 $0x1082;
	[sflag:s4] =	ssyncset.s32 $0xFFFFF086  }
0x25: {  	[simem:s6], [sflag:s4] =	dma.local [hbm:s3], $0xF7A  }
0x26: {  	[smem:$0x3F8D] =	sst s1;
	(tag) =	ssettag s2;
	_ =	strace s9  }
0x27: {  	s1 =	sld [smem:$0x3F9D]  }
0x28: {  	s2 =	sld [smem:$0x3F9E]  }
0x29: {  	s4 =	sld [smem:$0x3FA0]  }
0x2a: {  	p0 =	seq.s32 s5, $0x0;
	s5 =	sld [smem:$0x3FA1]  }
0x2b: {  	s6 =	sld [smem:$0x3FA2]  }
0x2c: {  	s7 =	sld [smem:$0x3FA3]  }
0x2d: {  	s3 =	simm.s32 $0x108;
	s8 =	sld [smem:$0x3FA4]  }
0x2e: {  	s3 =	simm.s32 @!p0 $0x1082;
	s9 =	sld [smem:$0x3FA5]  }
0x2f: {  	lr =	sadd.s32 s0, s3;
	s0 =	sld [smem:$0x3F9C]  }
0x30: {  	s3 =	sld [smem:$0x3F9F]  }
0x31: {  	[smem:$0x3FA8] =	sst s10  }
0x32: {  	s10 =	sld [smem:$0x3FA6];
	_ =	sdelay $0x3  }
0x33: {  	p0 =	seq.s32 s10, $0x1;
	s10 =	sld [smem:$0x3FA8];
	_ =	sdelay $0x3  }
0x34: {  	[smem:$0x3FA8] =	sst s10  }
0x35: {  	s10 =	sld [smem:$0x3FA7];
	_ =	sdelay $0x3  }
0x36: {  	p1 =	seq.s32 s10, $0x1;
	s10 =	sld [smem:$0x3FA8];
	_ =	sdelay $0x3  }
0x37: {  	[smem:$0x3FA8] =	sst s10  }
0x38: {  	s10 =	sld [smem:$0x3FA9]  }
0x39: {  	_ = 	snop;
	(pc) =	sbr.ind lr, $3  }
0x3a: {  	_ = 	snop  }
0x3b: {  	_ = 	snop  }
0x3c: {  	p2 =	seq.s32 s10, $0x1;
	s10 =	sld [smem:$0x3FA8]  }
0x3d: {  	_ =	shalt  }
0x3e: {  	_ =	shalt  }
0x3f: {  	_ =	shalt  }
0x40: {  	_ =	shalt  }
0x41: {  	_ =	shalt  }
0x42: {  	_ =	shalt  }
0x43: {  	_ =	shalt  }
0x44: {  	_ =	shalt  }
0x45: {  	_ =	shalt  }
0x46: {  	_ =	shalt  }
0x47: {  	_ =	shalt  }
0x48: {  	_ =	shalt  }
0x49: {  	_ =	shalt  }
0x4a: {  	_ =	shalt  }
0x4b: {  	_ =	shalt  }
0x4c: {  	_ =	shalt  }
0x4d: {  	_ =	shalt  }
0x4e: {  	_ =	shalt  }
0x4f: {  	_ =	shalt  }
0x50: {  	_ =	shalt  }
0x51: {  	_ =	shalt  }
0x52: {  	_ =	shalt  }
0x53: {  	_ =	shalt  }
0x54: {  	_ =	shalt  }
0x55: {  	_ =	shalt  }
0x56: {  	_ =	shalt  }
0x57: {  	_ =	shalt  }
0x58: {  	_ =	shalt  }
0x59: {  	_ =	shalt  }
0x5a: {  	_ =	shalt  }
0x5b: {  	_ =	shalt  }
0x5c: {  	_ =	shalt  }
0x5d: {  	_ =	shalt  }
0x5e: {  	_ =	shalt  }
0x5f: {  	_ =	shalt  }
0x60: {  	_ =	shalt  }
0x61: {  	_ =	shalt  }
0x62: {  	_ =	shalt  }
0x63: {  	_ =	shalt  }
0x64: {  	_ =	shalt  }
0x65: {  	_ =	shalt  }
0x66: {  	_ =	shalt  }
0x67: {  	_ =	shalt  }
0x68: {  	_ =	shalt  }
0x69: {  	_ =	shalt  }
0x6a: {  	_ =	shalt  }
0x6b: {  	_ =	shalt  }
0x6c: {  	_ =	shalt  }
0x6d: {  	_ =	shalt  }
0x6e: {  	_ =	shalt  }
0x6f: {  	_ =	shalt  }
0x70: {  	_ =	shalt  }
0x71: {  	_ =	shalt  }
0x72: {  	_ =	shalt  }
0x73: {  	_ =	shalt  }
0x74: {  	_ =	shalt  }
0x75: {  	_ =	shalt  }
0x76: {  	_ =	shalt  }
0x77: {  	_ =	shalt  }
0x78: {  	_ =	shalt  }
0x79: {  	_ =	shalt  }
0x7a: {  	_ =	shalt  }
0x7b: {  	_ =	shalt  }
0x7c: {  	_ =	shalt  }
0x7d: {  	_ =	shalt  }
0x7e: {  	_ =	shalt  }
0x7f: {  	_ =	shalt  }
0x80: {  	_ =	shalt  }
0x81: {  	_ =	shalt  }
0x82: {  	_ =	shalt  }
0x83: {  	_ =	shalt  }
0x84: {  	_ =	shalt  }
0x85: {  	_ =	shalt  }
0x86: {  	_ =	shalt  }
0x87: {  	_ =	shalt  }
.Lfunc_end0:
.L_simem_size_0:
called_computation.3_lowered:
.L_overlay_start_0:
0x88: {  	s2 =	sld [smem:$0x3FD9]  }
0x89: {  	s3 =	sld [smem:$0x3FFE];
	_ =	sdelay $0x1  }
0x8a: {  	s1 =	srdreg.scid  }
0x8b: {  	s0 =	sand.u32 $0x1, s1  }
0x8c: {  	s17 =	sshll.u32 s0, $0xA;
	s2 =	sadd.s32 s3, s2  }
0x8d: {  	s2 =	sadd.s32 s2, s17  }
0x8e: {  	[smem:$0x3FB4] =	sst s2  }
0x8f: {  	_ = 	snop  }
0x90: {  	(tm) =	ssettm $0x1  }
0x91: {  	s18 =	sld [smem:$0x3FFB];
	_ =	sdelay $0x3  }
0x92: {  	_ =	strace s18  }
0x93: {  	s2 =	sld [smem:$0x3FFC];
	_ =	sdelay $0x3  }
0x94: {  	_ =	strace s2  }
0x95: {  	s2 =	sld [smem:$0x3FFD];
	_ =	sdelay $0x3  }
0x96: {  	_ =	strace s2  }
0x97: {  	_ =	strace $0x8FFFFFFF  }
0x98: {  	s19 =	sld [smem:$0x3FDB];
	_ =	sdelay $0x1  }
0x99: {  	s20 =	simm.s32 $_scs_section_size  }
0x9a: {  	s4 =	simm.s32 $_size__tile_overlayer_lowered;
	s5 =	simm.s32 $_tile_overlayer_lowered  }
0x9b: {  	s6 =	simm.s32 $0x1BFF;
	s21 =	sshll.u32 s5, $0x1;
	s3 =	sadd.s32 s20, s19  }
0x9c: {  	s22 =	simm.s32 $0x0;
	s4 =	sshll.u32 s4, $0x1;
	s5 =	sadd.s32 s21, s3  }
0x9d: {  	[timem:s22], [sflag:s6] =	dma.local [hbm:s5], s4  }
0x9e: {  	_ =	swait.ge [sflag:s6], s4  }
0x9f: {  	s4 =	ssub.s32 $0x0, s4;
	[sflag:s6] =	ssyncset.done $0x0  }
0xa0: {  	[sflag:s6] =	ssyncadd.s32 s4;
	_ =	sdelay $0x1  }
0xa1: {  	s23 =	simm.s32 $0x1B8B  }
0xa2: {  	_ =	swait.ge [sflag:s23], $0x1  }
0xa3: {  	[sflag:s23] =	ssyncset.done $0x0  }
0xa4: {  	[sflag:s23] =	ssyncadd.s32 $0xFFFFFFFF  }
0xa5: {  	s4 =	sld [smem:$0x0]  }
0xa6: {  	s5 =	sand.u32 $0xFFFFFFFE, s1  }
0xa7: {  	p0 =	sne.s32 s1, s5  }
0xa8: {  	s5 =	sshll.u32 @p0 s5, $0xE  }
0xa9: {  	s5 =	sadd.s32 @p0 $0x11B8D, s5;
	s6 =	sshll.u32 @p0 s4, $0x11  }
0xaa: {  	s5 =	sor.u32 @p0 s6, s5  }
0xab: {  	[sflag:s5] =	ssyncadd.remote.s32 @p0 $0x1;
	_ =	sdelay $0x1  }
0xac: {  	s5 =	simm.s32 @p0 $0x1B8D  }
0xad: {  	_ =	swait.eq @p0 [sflag:s5], $0x1  }
0xae: {  	[sflag:s5] =	ssyncadd.s32 @p0 $0xFFFFFFFF  }
0xaf: {  	s6 =	sshll.u32 @!p0 s1, $0xE  }
0xb0: {  	s6 =	sor.u32 @!p0 $0x4000, s6;
	s5 =	simm.s32 @!p0 $0x1B8D  }
0xb1: {  	s4 =	sshll.u32 @!p0 s4, $0x11;
	s6 =	sadd.s32 @!p0 $0x11B8D, s6;
	_ =	swait.eq @!p0 [sflag:s5], $0x1  }
0xb2: {  	s4 =	sor.u32 @!p0 s4, s6;
	[sflag:s5] =	ssyncadd.s32 @!p0 $0xFFFFFFFF  }
0xb3: {  	s25 =	simm.s32 $0x1B8E;
	s24 =	sld [smem:$0x3FFE];
	[sflag:s4] =	ssyncadd.remote.s32 @!p0 $0x1  }
0xb4: {  	s26 =	simm.s32 $execute0_lowered;
	[smem:$0x3FD2] =	sst s25  }
0xb5: {  	s5 =	sshll.u32 s26, $0x1;
	_ =	strace $0x8000004F;
	[dreg:$0x1] =	wrdreg $0xFFFFFFFF  }
0xb6: {  	s28 =	simm.s32 $_size_execute0_lowered;
	s3 =	sadd.s32 s3, s5;
	[dreg:$0x0] =	wrdreg $0x0  }
0xb7: {  	s5 =	sshll.u32 s28, $0x1;
	[dreg:$0x2] =	wrdreg s3  }
0xb8: {  	[dreg:$0x3] =	wrdreg s5  }
0xb9: {  	[dreg:$0x4] =	wrdreg $0xC0  }
0xba: {  	_ =	task [dreg:s22], $0x5FFFF  }
0xbb: {  	[dreg:$0x1] =	wrdreg $0xFFFFFFFF  }
0xbc: {  	[dreg:$0x0] =	wrdreg $0x60  }
0xbd: {  	[dreg:$0x2] =	wrdreg s24  }
0xbe: {  	[dreg:$0x3] =	wrdreg $0xA  }
0xbf: {  	_ =	task.clear_ibuf [dreg:s22], $0x4FFFF;
	_ =	strace $0x9000004F  }
0xc0: {  	s29 =	simm.s32 $0xA;
	_ =	strace $0x80000051  }
0xc1: {  	_ =	swait.ge [sflag:s29], $0x1  }
0xc2: {  	[sflag:s29] =	ssyncadd.s32 $0xFFFFFFFF  }
0xc3: {  	_ =	strace $0x90000051  }
0xc4: {  	_ =	sfence  }
0xc5: {  	s30 =	sld [smem:$0x0];
	_ =	sdelay $0x2  }
0xc6: {  	s31 =	sshll.u32 s1, $0xD;
	s1 =	sshrl.u32 s1, $0x2  }
0xc7: {  	s4 =	sand.u32 $0x4000, s31;
	s1 =	sadd.s32 s1, s30  }
0xc8: {  	s0 =	sor.u32 s4, s0;
	s1 =	sshll.u32 s1, $0x11  }
0xc9: {  	s0 =	sor.u32 s1, s0  }
0xca: {  	s0 =	sadd.s32 $0x8F2B, s0  }
0xcb: {  	[sflag:s0] =	ssyncadd.remote.s32 $0x1  }
0xcc: {  	_ =	sfence.sel $0xFFFF  }
0xcd: {  	[dreg:$0x0] =	wrdreg $0xFFFFFFFF;
	(pc) =	sbr.abs _section_cstart, $3  }
0xce: {  	[dreg:$0x1] =	wrdreg $0xFFFFFFFF  }
0xcf: {  	_ =	task.clear_ibuf [dreg:s22], $0x2FFFF;
	_ =	strace $0x9FFFFFFF  }
0xd0: {  	(tm) =	ssettm $0x7FFFFFFF  }
0xd1: {  	_ =	shalt  }
tec
execute0_lowered:
.L_overlay_start_1:
0x0: {  	(tag) =	ssettag $0x1  }
0x1: {  	s5 =	rddreg [dreg:$0x0]  }
0x2: {  	s0 =	rddreg [dreg:$0x1];
	s3 =	srdreg.scid  }
0x3: {  	s2 =	simm.s32 $0x0;
	s1 =	stileid.u32;
	s10 =	simm.s32 $0x180  }
0x4: {  	s11 =	simm.s32 $0x1;
	s12 =	simm.s32 $0x80;
	s13 =	simm.s32 $0x100  }
0x5: {  	s14 =	simm.s32 $0x2900;
	s15 =	simm.s32 $0x400;
	s16 =	simm.s32 $0x0  }
0x6: {  	s4 =	sand.u32 $0x1, s3;
	s28 =	sshll.u32 s1, $0x8;
	s7 =	sshrl.u32 s1, $0x2  }
0x7: {  	[smem:$0x7FF] =	sst s2;
	p0 =	seq.s32 s1, $0x0;
	s6 =	sshll.u32 s4, $0x7  }
0x8: {  	s3 =	sand.u32 $0x300, s28;
	s7 =	smul.u32 $0x13C00, s7;
	_ =	strace $0x80000050  }
0x9: {  	s29 =	ssub.s32 $0x2, s4;
	s4 =	simm.s32 $0x28;
	s8 =	sor.u32 s6, s28  }
0xa: {  	s3 =	sor.u32 s6, s3;
	s30 =	sshrl.u32 s29, $0x1;
	s4 =	simm.s32 @!p0 $0x27  }
0xb: {  	s8 =	sshrl.u32 s8, $0x3;
	s6 =	sor.u32 s7, s3;
	s3 =	sadd.s32 $0x9DD600, s5  }
0xc: {  	s31 =	ssub.s32 s29, s30;
	s9 =	sadd.s32 s8, s5;
	s6 =	sshrl.u32 s6, $0x3  }
0xd: {  	s5 =	sadd.s32 s6, s5;
	s6 =	smax.u32 s31, $0x1;
	s7 =	sadd.s32 $0x5600, s9  }
0xe: {  	v0 =	vimm.f32 $0.0e+00;
	s8 =	sadd.s32 $0xA600, s9;
	s9 =	sadd.s32 $0xF600, s9;
	s5 =	sadd.s32 $0x14600, s5  }
.LBB2_1:
0xf: {  	[tilespmem:s10], [sflag:$0x1] =	stream.linear.gather [hbm4b:s3+s2], $0x2780, $0x38;
	[tilespmem:$0x5100] =	vst v63  }
0x10: {  	_ =	swait.ge [sflag:s11], $0x2780  }
0x11: {  	[sflag:s11] =	ssyncset.done $0x0  }
0x12: {  	[sflag:s11] =	ssyncadd.s32 $0xFFFFD880  }
0x13: {  	s17 =	simm.s32 $0x40;
	s18 =	simm.s32 $0x0;
	[tilespmem:$0x5080] =	vst v0  }
.LBB2_2:
0x14: {  	p0 =	sne.s32 s17, $0x9C00;
	[tilespmem:s18+$0x2900] =	vst v0;
	s18 =	smov.u32 s17;
	s17 =	sadd.s32 $0x40, s17  }
.Ltmp0:
0x15: {  	(pc) =	sbr.rel @p0 .LBB2_2-.Ltmp0, $2  }
0x16: {  	_ =	sdelay $0x2  }
0x17: {  	s18 =	sshra.s32 s18, $0x2  }
0x18: {  	[tilespmem:s18+$0x2900] =	vst v0  }
0x19: {  	[tilespmem:s2], [sflag:$0x1] =	stream.linear.gather [hbm4b:s9+s2], $0x80, $0x38;
	[tilespmem:$0x5100] =	vst v63  }
0x1a: {  	_ =	swait.ge [sflag:s11], $0x80  }
0x1b: {  	[sflag:s11] =	ssyncset.done $0x0  }
0x1c: {  	[sflag:s11] =	ssyncadd.s32 $0xFFFFFF80  }
0x1d: {  	[tilespmem:s12], [sflag:$0x1] =	stream.linear.gather [hbm4b:s8+s2], $0x80, $0x38;
	[tilespmem:$0x5100] =	vst v63  }
0x1e: {  	_ =	swait.ge [sflag:s11], $0x80  }
0x1f: {  	[sflag:s11] =	ssyncset.done $0x0  }
0x20: {  	[sflag:s11] =	ssyncadd.s32 $0xFFFFFF80  }
0x21: {  	[tilespmem:s13], [sflag:$0x1] =	stream.linear.gather [hbm4b:s7+s2], $0x80, $0x38;
	[tilespmem:$0x5100] =	vst v63  }
0x22: {  	_ =	swait.ge [sflag:s11], $0x80  }
0x23: {  	[sflag:s11] =	ssyncset.done $0x0  }
0x24: {  	[sflag:s11] =	ssyncadd.s32 $0xFFFFFF80  }
0x25: {  	v1 =	vld [tilespmem:$0x0];
	_ =	sdelay $0x3  }
0x26: {  	v2 =	vld [tilespmem:$0x100]  }
0x27: {  	v1 =	vmul.f32 $1.442695020e+00, v1;
	_ =	sdelay $0x1  }
0x28: {  	(erf) = vpow2.f32 v1;
	_ =	sdelay $0x3  }
0x29: {  	v1 =	vld [tilespmem:$0x80]  }
0x2a: {  	v2 =	vld.idx.msk [tilespmem:v2+s10+$0x0], $0xffff;
	_ =	sdelay $0x3  }
0x2b: {  	v3 =	vpop (erf)  }
0x2c: {  	v2 =	vmul.f32 v3, v2;
	_ =	sdelay $0x1  }
0x2d: {  	[tilespmem:v1+s14+$0x0] =	vst.idx.add.f32.msk $0xffff, v2  }
0x2e: {  	v1 =	vld [tilespmem:$0x10];
	_ =	sdelay $0x3  }
0x2f: {  	v2 =	vld [tilespmem:$0x110]  }
0x30: {  	v1 =	vmul.f32 $1.442695020e+00, v1;
	_ =	sdelay $0x1  }
0x31: {  	(erf) = vpow2.f32 v1;
	_ =	sdelay $0x3  }
0x32: {  	v1 =	vld [tilespmem:$0x90]  }
0x33: {  	v2 =	vld.idx.msk [tilespmem:v2+s10+$0x0], $0xffff;
	_ =	sdelay $0x3  }
0x34: {  	v3 =	vpop (erf)  }
0x35: {  	v2 =	vmul.f32 v3, v2;
	_ =	sdelay $0x1  }
0x36: {  	[tilespmem:v1+s14+$0x0] =	vst.idx.add.f32.msk $0xffff, v2  }
0x37: {  	v1 =	vld [tilespmem:$0x20];
	_ =	sdelay $0x3  }
0x38: {  	v2 =	vld [tilespmem:$0x120]  }
0x39: {  	v1 =	vmul.f32 $1.442695020e+00, v1;
	_ =	sdelay $0x1  }
0x3a: {  	(erf) = vpow2.f32 v1;
	_ =	sdelay $0x3  }
0x3b: {  	v1 =	vld [tilespmem:$0xA0]  }
0x3c: {  	v2 =	vld.idx.msk [tilespmem:v2+s10+$0x0], $0xffff;
	_ =	sdelay $0x3  }
0x3d: {  	v3 =	vpop (erf)  }
0x3e: {  	v2 =	vmul.f32 v3, v2;
	_ =	sdelay $0x1  }
0x3f: {  	[tilespmem:v1+s14+$0x0] =	vst.idx.add.f32.msk $0xffff, v2  }
0x40: {  	v1 =	vld [tilespmem:$0x30];
	_ =	sdelay $0x3  }
0x41: {  	v2 =	vld [tilespmem:$0x130]  }
0x42: {  	v1 =	vmul.f32 $1.442695020e+00, v1;
	_ =	sdelay $0x1  }
0x43: {  	(erf) = vpow2.f32 v1;
	_ =	sdelay $0x3  }
0x44: {  	v1 =	vld [tilespmem:$0xB0]  }
0x45: {  	v2 =	vld.idx.msk [tilespmem:v2+s10+$0x0], $0xffff;
	_ =	sdelay $0x3  }
0x46: {  	v3 =	vpop (erf)  }
0x47: {  	v2 =	vmul.f32 v3, v2;
	_ =	sdelay $0x1  }
0x48: {  	[tilespmem:v1+s14+$0x0] =	vst.idx.add.f32.msk $0xffff, v2  }
0x49: {  	v1 =	vld [tilespmem:$0x40];
	_ =	sdelay $0x3  }
0x4a: {  	v2 =	vld [tilespmem:$0x140]  }
0x4b: {  	v1 =	vmul.f32 $1.442695020e+00, v1;
	_ =	sdelay $0x1  }
0x4c: {  	(erf) = vpow2.f32 v1;
	_ =	sdelay $0x3  }
0x4d: {  	v1 =	vld [tilespmem:$0xC0]  }
0x4e: {  	v2 =	vld.idx.msk [tilespmem:v2+s10+$0x0], $0xffff;
	_ =	sdelay $0x3  }
0x4f: {  	v3 =	vpop (erf)  }
0x50: {  	v2 =	vmul.f32 v3, v2;
	_ =	sdelay $0x1  }
0x51: {  	[tilespmem:v1+s14+$0x0] =	vst.idx.add.f32.msk $0xffff, v2  }
0x52: {  	v1 =	vld [tilespmem:$0x50];
	_ =	sdelay $0x3  }
0x53: {  	v2 =	vld [tilespmem:$0x150]  }
0x54: {  	v1 =	vmul.f32 $1.442695020e+00, v1;
	_ =	sdelay $0x1  }
0x55: {  	(erf) = vpow2.f32 v1;
	_ =	sdelay $0x3  }
0x56: {  	v1 =	vld [tilespmem:$0xD0]  }
0x57: {  	v2 =	vld.idx.msk [tilespmem:v2+s10+$0x0], $0xffff;
	_ =	sdelay $0x3  }
0x58: {  	v3 =	vpop (erf)  }
0x59: {  	v2 =	vmul.f32 v3, v2;
	_ =	sdelay $0x1  }
0x5a: {  	[tilespmem:v1+s14+$0x0] =	vst.idx.add.f32.msk $0xffff, v2  }
0x5b: {  	v1 =	vld [tilespmem:$0x60];
	_ =	sdelay $0x3  }
0x5c: {  	v2 =	vld [tilespmem:$0x160]  }
0x5d: {  	v1 =	vmul.f32 $1.442695020e+00, v1;
	_ =	sdelay $0x1  }
0x5e: {  	(erf) = vpow2.f32 v1;
	_ =	sdelay $0x3  }
0x5f: {  	v1 =	vld [tilespmem:$0xE0]  }
0x60: {  	v2 =	vld.idx.msk [tilespmem:v2+s10+$0x0], $0xffff;
	_ =	sdelay $0x3  }
0x61: {  	v3 =	vpop (erf)  }
0x62: {  	v2 =	vmul.f32 v3, v2;
	_ =	sdelay $0x1  }
0x63: {  	[tilespmem:v1+s14+$0x0] =	vst.idx.add.f32.msk $0xffff, v2  }
0x64: {  	v1 =	vld [tilespmem:$0x70];
	_ =	sdelay $0x3  }
0x65: {  	v2 =	vld [tilespmem:$0x170]  }
0x66: {  	v1 =	vmul.f32 $1.442695020e+00, v1;
	_ =	sdelay $0x1  }
0x67: {  	(erf) = vpow2.f32 v1;
	_ =	sdelay $0x3  }
0x68: {  	v1 =	vld [tilespmem:$0xF0]  }
0x69: {  	p0 =	sne.s32 s4, $0x1;
	v2 =	vld.idx.msk [tilespmem:v2+s10+$0x0], $0xffff  }
.Ltmp1:
0x6a: {  	_ = 	snop;
	(pc) =	sbr.rel @!p0 .LBB2_5-.Ltmp1, $3  }
0x6b: {  	_ =	sdelay $0x1  }
0x6c: {  	s17 =	sadd.s32 $0xFFFFFFFF, s4;
	v3 =	vpop (erf)  }
0x6d: {  	s18 =	smov.u32 s7;
	s19 =	smov.u32 s8;
	s20 =	smov.u32 s9;
	v2 =	vmul.f32 v3, v2  }
.LBB2_4:
0x6e: {  	_ = 	snop  }
0x6f: {  	s18 =	sadd.s32 $0x200, s18;
	s19 =	sadd.s32 $0x200, s19;
	s20 =	sadd.s32 $0x200, s20;
	[tilespmem:v1+s14+$0x0] =	vst.idx.add.f32.msk $0xffff, v2  }
0x70: {  	[tilespmem:s2], [sflag:$0x1] =	stream.linear.gather [hbm4b:s20+s2], $0x80, $0x38;
	[tilespmem:$0x5100] =	vst v63  }
0x71: {  	p0 =	sne.s32 s17, $0x1;
	s17 =	sadd.s32 $0xFFFFFFFF, s17;
	_ =	swait.ge [sflag:s11], $0x80  }
0x72: {  	[sflag:s11] =	ssyncset.done $0x0  }
0x73: {  	[sflag:s11] =	ssyncadd.s32 $0xFFFFFF80  }
0x74: {  	[tilespmem:s12], [sflag:$0x1] =	stream.linear.gather [hbm4b:s19+s2], $0x80, $0x38;
	[tilespmem:$0x5100] =	vst v63  }
0x75: {  	_ =	swait.ge [sflag:s11], $0x80  }
0x76: {  	[sflag:s11] =	ssyncset.done $0x0  }
0x77: {  	[sflag:s11] =	ssyncadd.s32 $0xFFFFFF80  }
0x78: {  	[tilespmem:s13], [sflag:$0x1] =	stream.linear.gather [hbm4b:s18+s2], $0x80, $0x38;
	[tilespmem:$0x5100] =	vst v63  }
0x79: {  	_ =	swait.ge [sflag:s11], $0x80  }
0x7a: {  	[sflag:s11] =	ssyncset.done $0x0  }
0x7b: {  	[sflag:s11] =	ssyncadd.s32 $0xFFFFFF80  }
0x7c: {  	v1 =	vld [tilespmem:$0x0];
	_ =	sdelay $0x2  }
0x7d: {  	v2 =	vld [tilespmem:$0x100];
	_ =	sdelay $0x1  }
0x7e: {  	v1 =	vmul.f32 $1.442695020e+00, v1;
	_ =	sdelay $0x1  }
0x7f: {  	(erf) = vpow2.f32 v1;
	_ =	sdelay $0x2  }
0x80: {  	v1 =	vld [tilespmem:$0x80]  }
0x81: {  	v2 =	vld.idx.msk [tilespmem:v2+s10+$0x0], $0xffff;
	_ =	sdelay $0x4  }
0x82: {  	v3 =	vpop (erf)  }
0x83: {  	v2 =	vmul.f32 v3, v2;
	_ =	sdelay $0x1  }
0x84: {  	[tilespmem:v1+s14+$0x0] =	vst.idx.add.f32.msk $0xffff, v2  }
0x85: {  	v1 =	vld [tilespmem:$0x10];
	_ =	sdelay $0x2  }
0x86: {  	v2 =	vld [tilespmem:$0x110];
	_ =	sdelay $0x1  }
0x87: {  	v1 =	vmul.f32 $1.442695020e+00, v1;
	_ =	sdelay $0x1  }
0x88: {  	(erf) = vpow2.f32 v1;
	_ =	sdelay $0x2  }
0x89: {  	v1 =	vld [tilespmem:$0x90]  }
0x8a: {  	v2 =	vld.idx.msk [tilespmem:v2+s10+$0x0], $0xffff;
	_ =	sdelay $0x4  }
0x8b: {  	v3 =	vpop (erf)  }
0x8c: {  	v2 =	vmul.f32 v3, v2;
	_ =	sdelay $0x1  }
0x8d: {  	[tilespmem:v1+s14+$0x0] =	vst.idx.add.f32.msk $0xffff, v2  }
0x8e: {  	v1 =	vld [tilespmem:$0x20];
	_ =	sdelay $0x2  }
0x8f: {  	v2 =	vld [tilespmem:$0x120];
	_ =	sdelay $0x1  }
0x90: {  	v1 =	vmul.f32 $1.442695020e+00, v1;
	_ =	sdelay $0x1  }
0x91: {  	(erf) = vpow2.f32 v1;
	_ =	sdelay $0x2  }
0x92: {  	v1 =	vld [tilespmem:$0xA0]  }
0x93: {  	v2 =	vld.idx.msk [tilespmem:v2+s10+$0x0], $0xffff;
	_ =	sdelay $0x4  }
0x94: {  	v3 =	vpop (erf)  }
0x95: {  	v2 =	vmul.f32 v3, v2;
	_ =	sdelay $0x1  }
0x96: {  	[tilespmem:v1+s14+$0x0] =	vst.idx.add.f32.msk $0xffff, v2  }
0x97: {  	v1 =	vld [tilespmem:$0x30]  }
0x98: {  	v2 =	vld [tilespmem:$0x130];
	_ =	sdelay $0x3  }
0x99: {  	v1 =	vmul.f32 $1.442695020e+00, v1;
	_ =	sdelay $0x1  }
0x9a: {  	(erf) = vpow2.f32 v1;
	_ =	sdelay $0x1  }
0x9b: {  	v1 =	vld.idx.msk [tilespmem:v2+s10+$0x0], $0xffff;
	_ =	sdelay $0x1  }
0x9c: {  	v2 =	vld [tilespmem:$0xB0];
	_ =	sdelay $0x4  }
0x9d: {  	v3 =	vpop (erf)  }
0x9e: {  	v1 =	vmul.f32 v3, v1;
	_ =	sdelay $0x1  }
0x9f: {  	[tilespmem:v2+s14+$0x0] =	vst.idx.add.f32.msk $0xffff, v1  }
0xa0: {  	v1 =	vld [tilespmem:$0x40]  }
0xa1: {  	v2 =	vld [tilespmem:$0x140]  }
0xa2: {  	v3 =	vld [tilespmem:$0xC0];
	_ =	sdelay $0x2  }
0xa3: {  	v1 =	vmul.f32 $1.442695020e+00, v1;
	_ =	sdelay $0x1  }
0xa4: {  	(erf) = vpow2.f32 v1;
	_ =	sdelay $0x1  }
0xa5: {  	v1 =	vld.idx.msk [tilespmem:v2+s10+$0x0], $0xffff;
	_ =	sdelay $0x6  }
0xa6: {  	v2 =	vpop (erf)  }
0xa7: {  	v1 =	vmul.f32 v2, v1;
	_ =	sdelay $0x1  }
0xa8: {  	[tilespmem:v3+s14+$0x0] =	vst.idx.add.f32.msk $0xffff, v1  }
0xa9: {  	v1 =	vld [tilespmem:$0x50]  }
0xaa: {  	v2 =	vld [tilespmem:$0x150]  }
0xab: {  	v3 =	vld [tilespmem:$0xD0];
	_ =	sdelay $0x2  }
0xac: {  	v1 =	vmul.f32 $1.442695020e+00, v1;
	_ =	sdelay $0x1  }
0xad: {  	(erf) = vpow2.f32 v1;
	_ =	sdelay $0x1  }
0xae: {  	v1 =	vld.idx.msk [tilespmem:v2+s10+$0x0], $0xffff;
	_ =	sdelay $0x6  }
0xaf: {  	v2 =	vpop (erf)  }
0xb0: {  	v1 =	vmul.f32 v2, v1;
	_ =	sdelay $0x1  }
0xb1: {  	[tilespmem:v3+s14+$0x0] =	vst.idx.add.f32.msk $0xffff, v1  }
0xb2: {  	v1 =	vld [tilespmem:$0x60]  }
0xb3: {  	v2 =	vld [tilespmem:$0x160]  }
0xb4: {  	v3 =	vld [tilespmem:$0xE0];
	_ =	sdelay $0x2  }
0xb5: {  	v1 =	vmul.f32 $1.442695020e+00, v1;
	_ =	sdelay $0x1  }
0xb6: {  	(erf) = vpow2.f32 v1;
	_ =	sdelay $0x1  }
0xb7: {  	v1 =	vld.idx.msk [tilespmem:v2+s10+$0x0], $0xffff;
	_ =	sdelay $0x6  }
0xb8: {  	v2 =	vpop (erf)  }
0xb9: {  	v1 =	vmul.f32 v2, v1;
	_ =	sdelay $0x1  }
0xba: {  	[tilespmem:v3+s14+$0x0] =	vst.idx.add.f32.msk $0xffff, v1  }
0xbb: {  	v2 =	vld [tilespmem:$0x70]  }
0xbc: {  	v3 =	vld [tilespmem:$0x170]  }
0xbd: {  	v1 =	vld [tilespmem:$0xF0];
	_ =	sdelay $0x2  }
0xbe: {  	v2 =	vmul.f32 $1.442695020e+00, v2;
	_ =	sdelay $0x1  }
0xbf: {  	(erf) = vpow2.f32 v2;
	_ =	sdelay $0x1  }
0xc0: {  	v2 =	vld.idx.msk [tilespmem:v3+s10+$0x0], $0xffff;
	_ =	sdelay $0x3  }
.Ltmp2:
0xc1: {  	(pc) =	sbr.rel @p0 .LBB2_4-.Ltmp2, $3  }
0xc2: {  	_ =	sdelay $0x1  }
0xc3: {  	v3 =	vpop (erf)  }
0xc4: {  	v2 =	vmul.f32 v3, v2  }
.LBB2_5:
0xc5: {  	_ =	sdelay $0x1  }
0xc6: {  	s16 =	sadd.s32 $0x1, s16  }
0xc7: {  	p0 =	sne.s32 s16, s6  }
.Ltmp3:
0xc8: {  	[tilespmem:v1+s14+$0x0] =	vst.idx.add.f32.msk $0xffff, v2;
	(pc) =	sbr.rel @p0 .LBB2_1-.Ltmp3, $4  }
0xc9: {  	[hbm4b:s5+s12] =	stream.strided.scatter [tilespmem:s14], [sflag:$0x1], $0x2780, s15, s12, $0x38;
	[tilespmem:$0x5100] =	vst v63  }
0xca: {  	_ =	swait.ge [sflag:s11], $0x2780  }
0xcb: {  	[sflag:s11] =	ssyncset.done $0x0  }
0xcc: {  	[sflag:s11] =	ssyncadd.s32 $0xFFFFD880  }
0xcd: {  	_ =	sfence.sel $0x180000  }
0xce: {  	[bflag:$0x0] =	sbarrier.arrive $0xFFFF  }
0xcf: {  	p0 =	sne.s32 s1, $0x0;
	_ =	strace $0x90000050  }
0xd0: {  	s0 =	sadd.s32 @!p0 $0x100000, s0;
	[bflag:$0x2] =	sbarrier.arrive $0xFFFF  }
0xd1: {  	[sflag:s0] =	ssyncadd.tile.s32 @!p0 $0x1;
	_ =	shalt  }
.Lfunc_end2:
_tile_overlayer_lowered:
.L_overlay_start_2:
0xd2: {  	(tag) =	ssettag $0x2  }
0xd3: {  	s0 =	rddreg [dreg:$0x0];
	s2 =	stileid.u32  }
0xd4: {  	s1 =	rddreg [dreg:$0x1];
	p0 =	sne.s32 s2, $0x0  }
0xd5: {  	s3 =	rddreg [dreg:$0x2];
	[bflag:$0x3] =	sbarrier.arrive $0xFFFF;
	s2 =	simm.s32 @!p0 $0x1C01  }
0xd6: {  	[timem:s3], [sflag:s2] =	dma.local @!p0 [hbm:s0], s1  }
0xd7: {  	s0 =	simm.s32 @!p0 $0x1  }
0xd8: {  	_ =	swait.ge @!p0 [sflag:s0], s1  }
0xd9: {  	s1 =	ssub.s32 @!p0 $0x0, s1;
	[sflag:s0] =	ssyncset.done @!p0 $0x0  }
0xda: {  	[sflag:s0] =	ssyncadd.s32 @!p0 s1  }
0xdb: {  	[bflag:$0x3] =	sbarrier.arrive $0xFFFF  }
0xdc: {  	_ =	shalt  }

// kernel: kernel.25.cloned.1.call-start
scs
__scs_entry_jumppad:
0x0: {  	(pc) =	sbr.rel $0x88, $3  }
0x1: {  	(tag) =	ssettag $0x0;
	lr =	simm.s32 $0x1  }
0x2: {  	[smem:$0x3F8D] =	sst lr;
	_ =	strace $0xD0000000  }
0x3: {  	_ = 	snop  }
0x4: {  	_ = 	snop  }
0x5: {  	_ = 	snop  }
0x6: {  	_ = 	snop  }
0x7: {  	_ = 	snop  }
__scs_overlays_trampoline_lowered:
0x8: {  	[smem:$0x3F9C] =	sst s0  }
0x9: {  	[smem:$0x3F9D] =	sst s1  }
0xa: {  	[smem:$0x3F9E] =	sst s2  }
0xb: {  	[smem:$0x3F9F] =	sst s3  }
0xc: {  	[smem:$0x3FA0] =	sst s4  }
0xd: {  	[smem:$0x3FA1] =	sst s5  }
0xe: {  	[smem:$0x3FA2] =	sst s6  }
0xf: {  	[smem:$0x3FA3] =	sst s7  }
0x10: {  	[smem:$0x3FA4] =	sst s8  }
0x11: {  	[smem:$0x3FA5] =	sst s9;
	s0 =	simm.s32 @!p0 $0x0  }
0x12: {  	s1 =	sld [smem:$0x3F8B];
	s0 =	simm.s32 @p0 $0x1  }
0x13: {  	[smem:$0x3FA6] =	sst s0;
	s0 =	simm.s32 @!p1 $0x0  }
0x14: {  	s2 =	sld [smem:$0x3F8A];
	s0 =	simm.s32 @p1 $0x1  }
0x15: {  	[smem:$0x3FA7] =	sst s0;
	s0 =	simm.s32 @!p2 $0x0  }
0x16: {  	s3 =	sld [smem:$0x3FDB];
	s0 =	simm.s32 @p2 $0x1  }
0x17: {  	s4 =	simm.s32 $0x1BF5;
	[smem:$0x3FA9] =	sst s0  }
0x18: {  	s0 =	sld [smem:$0x3F8C];
	_ =	swait.ge [sflag:s4], $0x0  }
0x19: {  	s7 =	sld [smem:$0x3F8D]  }
0x1a: {  	s8 =	sadd.s32 $0xFFFFE003, lr  }
0x1b: {  	s9 =	sadd.s32 $0xFFFFFEF7, lr;
	s5 =	simm.s32 $0xFFFFFFFF;
	p2 =	slt.u32 s8, $0xFFFFF086  }
0x1c: {  	p1 =	slt.u32 s9, $0xF7A;
	s5 =	simm.s32 @!p2 $0x0  }
0x1d: {  	s5 =	simm.s32 @p1 $0x1;
	p0 =	seq.s32 s7, s2  }
0x1e: {  	s7 =	smul.u32 @!p0 $0xF7A, s2;
	p2 =	seq.s32 @!p0 s5, $0x0  }
0x1f: {  	s9 =	smul.u32 $0xF7A, s1;
	s8 =	simm.s32 @!p0 $0x1BF5;
	p2 =	por !p2, p0  }
0x20: {  	[sflag:s8] =	ssyncset.s32 @!p0 $0xFFFFF086;
	s6 =	sadd.s32 @!p0 s3, s7;
	s7 =	simm.s32 @!p0 $0x108  }
0x21: {  	s3 =	sadd.s32 s3, s9;
	s6 =	sadd.s32 @!p0 $0x88, s6;
	s7 =	simm.s32 @p2 $0x1082  }
0x22: {  	[simem:s7], [sflag:s8] =	dma.local @!p0 [hbm:s6], $0xF7A  }
0x23: {  	s9 =	sor.u32 $0xD0000000, s2;
	s6 =	simm.s32 $0x108;
	_ =	swait.ge @!p0 [sflag:s8], $0x0  }
0x24: {  	s3 =	sadd.s32 $0x88, s3;
	s6 =	simm.s32 @!p1 $0x1082;
	[sflag:s4] =	ssyncset.s32 $0xFFFFF086  }
0x25: {  	[simem:s6], [sflag:s4] =	dma.local [hbm:s3], $0xF7A  }
0x26: {  	[smem:$0x3F8D] =	sst s1;
	(tag) =	ssettag s2;
	_ =	strace s9  }
0x27: {  	s1 =	sld [smem:$0x3F9D]  }
0x28: {  	s2 =	sld [smem:$0x3F9E]  }
0x29: {  	s4 =	sld [smem:$0x3FA0]  }
0x2a: {  	p0 =	seq.s32 s5, $0x0;
	s5 =	sld [smem:$0x3FA1]  }
0x2b: {  	s6 =	sld [smem:$0x3FA2]  }
0x2c: {  	s7 =	sld [smem:$0x3FA3]  }
0x2d: {  	s3 =	simm.s32 $0x108;
	s8 =	sld [smem:$0x3FA4]  }
0x2e: {  	s3 =	simm.s32 @!p0 $0x1082;
	s9 =	sld [smem:$0x3FA5]  }
0x2f: {  	lr =	sadd.s32 s0, s3;
	s0 =	sld [smem:$0x3F9C]  }
0x30: {  	s3 =	sld [smem:$0x3F9F]  }
0x31: {  	[smem:$0x3FA8] =	sst s10  }
0x32: {  	s10 =	sld [smem:$0x3FA6];
	_ =	sdelay $0x3  }
0x33: {  	p0 =	seq.s32 s10, $0x1;
	s10 =	sld [smem:$0x3FA8];
	_ =	sdelay $0x3  }
0x34: {  	[smem:$0x3FA8] =	sst s10  }
0x35: {  	s10 =	sld [smem:$0x3FA7];
	_ =	sdelay $0x3  }
0x36: {  	p1 =	seq.s32 s10, $0x1;
	s10 =	sld [smem:$0x3FA8];
	_ =	sdelay $0x3  }
0x37: {  	[smem:$0x3FA8] =	sst s10  }
0x38: {  	s10 =	sld [smem:$0x3FA9]  }
0x39: {  	_ = 	snop;
	(pc) =	sbr.ind lr, $3  }
0x3a: {  	_ = 	snop  }
0x3b: {  	_ = 	snop  }
0x3c: {  	p2 =	seq.s32 s10, $0x1;
	s10 =	sld [smem:$0x3FA8]  }
0x3d: {  	_ =	shalt  }
0x3e: {  	_ =	shalt  }
0x3f: {  	_ =	shalt  }
0x40: {  	_ =	shalt  }
0x41: {  	_ =	shalt  }
0x42: {  	_ =	shalt  }
0x43: {  	_ =	shalt  }
0x44: {  	_ =	shalt  }
0x45: {  	_ =	shalt  }
0x46: {  	_ =	shalt  }
0x47: {  	_ =	shalt  }
0x48: {  	_ =	shalt  }
0x49: {  	_ =	shalt  }
0x4a: {  	_ =	shalt  }
0x4b: {  	_ =	shalt  }
0x4c: {  	_ =	shalt  }
0x4d: {  	_ =	shalt  }
0x4e: {  	_ =	shalt  }
0x4f: {  	_ =	shalt  }
0x50: {  	_ =	shalt  }
0x51: {  	_ =	shalt  }
0x52: {  	_ =	shalt  }
0x53: {  	_ =	shalt  }
0x54: {  	_ =	shalt  }
0x55: {  	_ =	shalt  }
0x56: {  	_ =	shalt  }
0x57: {  	_ =	shalt  }
0x58: {  	_ =	shalt  }
0x59: {  	_ =	shalt  }
0x5a: {  	_ =	shalt  }
0x5b: {  	_ =	shalt  }
0x5c: {  	_ =	shalt  }
0x5d: {  	_ =	shalt  }
0x5e: {  	_ =	shalt  }
0x5f: {  	_ =	shalt  }
0x60: {  	_ =	shalt  }
0x61: {  	_ =	shalt  }
0x62: {  	_ =	shalt  }
0x63: {  	_ =	shalt  }
0x64: {  	_ =	shalt  }
0x65: {  	_ =	shalt  }
0x66: {  	_ =	shalt  }
0x67: {  	_ =	shalt  }
0x68: {  	_ =	shalt  }
0x69: {  	_ =	shalt  }
0x6a: {  	_ =	shalt  }
0x6b: {  	_ =	shalt  }
0x6c: {  	_ =	shalt  }
0x6d: {  	_ =	shalt  }
0x6e: {  	_ =	shalt  }
0x6f: {  	_ =	shalt  }
0x70: {  	_ =	shalt  }
0x71: {  	_ =	shalt  }
0x72: {  	_ =	shalt  }
0x73: {  	_ =	shalt  }
0x74: {  	_ =	shalt  }
0x75: {  	_ =	shalt  }
0x76: {  	_ =	shalt  }
0x77: {  	_ =	shalt  }
0x78: {  	_ =	shalt  }
0x79: {  	_ =	shalt  }
0x7a: {  	_ =	shalt  }
0x7b: {  	_ =	shalt  }
0x7c: {  	_ =	shalt  }
0x7d: {  	_ =	shalt  }
0x7e: {  	_ =	shalt  }
0x7f: {  	_ =	shalt  }
0x80: {  	_ =	shalt  }
0x81: {  	_ =	shalt  }
0x82: {  	_ =	shalt  }
0x83: {  	_ =	shalt  }
0x84: {  	_ =	shalt  }
0x85: {  	_ =	shalt  }
0x86: {  	_ =	shalt  }
0x87: {  	_ =	shalt  }
.Lfunc_end0:
.L_simem_size_0:
called_computation.4_lowered:
.L_overlay_start_0:
0x88: {  	s2 =	sld [smem:$0x3FD9]  }
0x89: {  	s3 =	sld [smem:$0x3FFE];
	_ =	sdelay $0x1  }
0x8a: {  	s1 =	srdreg.scid  }
0x8b: {  	s0 =	sand.u32 $0x1, s1  }
0x8c: {  	s17 =	sshll.u32 s0, $0xA;
	s2 =	sadd.s32 s3, s2  }
0x8d: {  	s2 =	sadd.s32 s2, s17  }
0x8e: {  	[smem:$0x3FB4] =	sst s2  }
0x8f: {  	_ = 	snop  }
0x90: {  	s18 =	sld [smem:$0x3FD0];
	(tm) =	ssettm $0x1  }
0x91: {  	s19 =	sld [smem:$0x3FFB];
	_ =	sdelay $0x3  }
0x92: {  	_ =	strace s19  }
0x93: {  	s2 =	sld [smem:$0x3FFC];
	_ =	sdelay $0x3  }
0x94: {  	_ =	strace s2  }
0x95: {  	s2 =	sld [smem:$0x3FFD];
	_ =	sdelay $0x3  }
0x96: {  	_ =	strace s2  }
0x97: {  	_ =	strace $0x8FFFFFFF  }
0x98: {  	s20 =	sld [smem:$0x3FDB];
	_ =	sdelay $0x1  }
0x99: {  	s4 =	simm.s32 $_scs_section_size  }
0x9a: {  	s5 =	simm.s32 $_size__tile_overlayer_lowered;
	s6 =	simm.s32 $_tile_overlayer_lowered  }
0x9b: {  	s7 =	simm.s32 $0x1BFF;
	s21 =	sshll.u32 s6, $0x1;
	s4 =	sadd.s32 s4, s20  }
0x9c: {  	s22 =	simm.s32 $0x0;
	s5 =	sshll.u32 s5, $0x1;
	s6 =	sadd.s32 s21, s4  }
0x9d: {  	[timem:s22], [sflag:s7] =	dma.local [hbm:s6], s5  }
0x9e: {  	_ =	swait.ge [sflag:s7], s5  }
0x9f: {  	s5 =	ssub.s32 $0x0, s5;
	[sflag:s7] =	ssyncset.done $0x0  }
0xa0: {  	[sflag:s7] =	ssyncadd.s32 s5;
	_ =	sdelay $0x1  }
0xa1: {  	s23 =	simm.s32 $0x1B8B  }
0xa2: {  	_ =	swait.ge [sflag:s23], $0x1  }
0xa3: {  	[sflag:s23] =	ssyncset.done $0x0  }
0xa4: {  	[sflag:s23] =	ssyncadd.s32 $0xFFFFFFFF  }
0xa5: {  	s5 =	sld [smem:$0x0]  }
0xa6: {  	s6 =	sand.u32 $0xFFFFFFFE, s1  }
0xa7: {  	p0 =	sne.s32 s1, s6  }
0xa8: {  	s6 =	sshll.u32 @p0 s6, $0xE  }
0xa9: {  	s6 =	sadd.s32 @p0 $0x11B8D, s6;
	s7 =	sshll.u32 @p0 s5, $0x11  }
0xaa: {  	s6 =	sor.u32 @p0 s7, s6  }
0xab: {  	[sflag:s6] =	ssyncadd.remote.s32 @p0 $0x1;
	_ =	sdelay $0x1  }
0xac: {  	s6 =	simm.s32 @p0 $0x1B8D  }
0xad: {  	_ =	swait.eq @p0 [sflag:s6], $0x1  }
0xae: {  	[sflag:s6] =	ssyncadd.s32 @p0 $0xFFFFFFFF  }
0xaf: {  	s7 =	sshll.u32 @!p0 s1, $0xE  }
0xb0: {  	s7 =	sor.u32 @!p0 $0x4000, s7;
	s6 =	simm.s32 @!p0 $0x1B8D  }
0xb1: {  	s5 =	sshll.u32 @!p0 s5, $0x11;
	s7 =	sadd.s32 @!p0 $0x11B8D, s7;
	_ =	swait.eq @!p0 [sflag:s6], $0x1  }
0xb2: {  	s5 =	sor.u32 @!p0 s5, s7;
	[sflag:s6] =	ssyncadd.s32 @!p0 $0xFFFFFFFF  }
0xb3: {  	s25 =	simm.s32 $0x1B8E;
	s24 =	sld [smem:$0x3FFE];
	[sflag:s5] =	ssyncadd.remote.s32 @!p0 $0x1  }
0xb4: {  	s26 =	simm.s32 $execute0_lowered;
	[smem:$0x3FD2] =	sst s25  }
0xb5: {  	s6 =	sshll.u32 s26, $0x1;
	_ =	strace $0x80000052;
	[dreg:$0x1] =	wrdreg $0xFFFFFFFF  }
0xb6: {  	s28 =	simm.s32 $_size_execute0_lowered;
	s4 =	sadd.s32 s4, s6;
	[dreg:$0x0] =	wrdreg $0x0  }
0xb7: {  	s6 =	sshll.u32 s28, $0x1;
	[dreg:$0x2] =	wrdreg s4  }
0xb8: {  	[dreg:$0x3] =	wrdreg s6  }
0xb9: {  	[dreg:$0x4] =	wrdreg $0xC0  }
0xba: {  	_ =	task [dreg:s22], $0x5FFFF  }
0xbb: {  	[dreg:$0x1] =	wrdreg $0xFFFFFFFF  }
0xbc: {  	[dreg:$0x0] =	wrdreg $0x60  }
0xbd: {  	[dreg:$0x2] =	wrdreg s24  }
0xbe: {  	[dreg:$0x3] =	wrdreg s18  }
0xbf: {  	[dreg:$0x4] =	wrdreg $0xB  }
0xc0: {  	_ =	task.clear_ibuf [dreg:s22], $0x5FFFF;
	_ =	strace $0x90000052  }
0xc1: {  	s29 =	simm.s32 $0xB;
	_ =	strace $0x80000054  }
0xc2: {  	_ =	swait.ge [sflag:s29], $0x1  }
0xc3: {  	[sflag:s29] =	ssyncadd.s32 $0xFFFFFFFF  }
0xc4: {  	_ =	strace $0x90000054  }
0xc5: {  	_ =	sfence  }
0xc6: {  	s30 =	sld [smem:$0x0];
	_ =	sdelay $0x2  }
0xc7: {  	s31 =	sshll.u32 s1, $0xD;
	s1 =	sshrl.u32 s1, $0x2  }
0xc8: {  	s4 =	sand.u32 $0x4000, s31;
	s1 =	sadd.s32 s1, s30  }
0xc9: {  	s0 =	sor.u32 s4, s0;
	s1 =	sshll.u32 s1, $0x11  }
0xca: {  	s0 =	sor.u32 s1, s0  }
0xcb: {  	s0 =	sadd.s32 $0x8F2B, s0  }
0xcc: {  	[sflag:s0] =	ssyncadd.remote.s32 $0x1  }
0xcd: {  	_ =	sfence.sel $0xFFFF  }
0xce: {  	[dreg:$0x0] =	wrdreg $0xFFFFFFFF;
	(pc) =	sbr.abs _section_cstart, $3  }
0xcf: {  	[dreg:$0x1] =	wrdreg $0xFFFFFFFF  }
0xd0: {  	_ =	task.clear_ibuf [dreg:s22], $0x2FFFF;
	_ =	strace $0x9FFFFFFF  }
0xd1: {  	(tm) =	ssettm $0x7FFFFFFF  }
tec
execute0_lowered:
.L_overlay_start_1:
0x0: {  	(tag) =	ssettag $0x1  }
0x1: {  	s1 =	srdreg.scid  }
0x2: {  	s3 =	rddreg [dreg:$0x0];
	s0 =	stileid.u32  }
0x3: {  	s5 =	rddreg [dreg:$0x1];
	s2 =	simm.s32 $0x0;
	s11 =	simm.s32 $0x1  }
0x4: {  	s12 =	simm.s32 $0x80;
	s13 =	simm.s32 $0x100;
	s14 =	simm.s32 $0x2900  }
0x5: {  	s15 =	simm.s32 $0x400;
	s4 =	sand.u32 $0x1, s1;
	s1 =	rddreg [dreg:$0x2]  }
0x6: {  	s16 =	simm.s32 $0x0;
	s6 =	sshll.u32 s0, $0x8;
	[smem:$0x7FF] =	sst s2  }
0x7: {  	s28 =	sshrl.u32 s0, $0x2;
	p0 =	seq.s32 s0, $0x0;
	s7 =	sshll.u32 s4, $0x7  }
0x8: {  	_ =	strace $0x80000053;
	s10 =	ssub.s32 $0x2, s4;
	s29 =	sand.u32 $0x300, s6  }
0x9: {  	s30 =	smul.u32 $0x13C00, s28;
	s4 =	simm.s32 $0x28;
	s8 =	sor.u32 s7, s6  }
0xa: {  	s31 =	sshrl.u32 s10, $0x1;
	s7 =	sor.u32 s7, s29;
	s8 =	sshrl.u32 s8, $0x3  }
0xb: {  	s4 =	simm.s32 @!p0 $0x27;
	s6 =	sor.u32 s30, s7;
	s9 =	sadd.s32 s8, s3  }
0xc: {  	s3 =	sadd.s32 $0x9DD600, s3;
	s8 =	ssub.s32 s10, s31;
	s6 =	sshrl.u32 s6, $0x3  }
0xd: {  	s10 =	simm.s32 $0x180;
	s5 =	sadd.s32 s5, s6;
	s6 =	sadd.s32 $0x4F6600, s9  }
0xe: {  	v0 =	vimm.f32 $0.0e+00;
	s7 =	sadd.s32 $0x4F1600, s9;
	s8 =	smax.u32 s8, $0x1;
	s9 =	sadd.s32 $0x3C7C00, s9  }
.LBB2_1:
0xf: {  	[tilespmem:s10], [sflag:$0x1] =	stream.linear.gather [hbm4b:s3+s2], $0x2780, $0x38;
	[tilespmem:$0x5100] =	vst v63  }
0x10: {  	_ =	swait.ge [sflag:s11], $0x2780  }
0x11: {  	[sflag:s11] =	ssyncset.done $0x0  }
0x12: {  	[sflag:s11] =	ssyncadd.s32 $0xFFFFD880  }
0x13: {  	s17 =	simm.s32 $0x40;
	s18 =	simm.s32 $0x0;
	[tilespmem:$0x5080] =	vst v0  }
.LBB2_2:
0x14: {  	p0 =	sne.s32 s17, $0x9C00;
	[tilespmem:s18+$0x2900] =	vst v0;
	s18 =	smov.u32 s17;
	s17 =	sadd.s32 $0x40, s17  }
.Ltmp0:
0x15: {  	(pc) =	sbr.rel @p0 .LBB2_2-.Ltmp0, $2  }
0x16: {  	_ =	sdelay $0x2  }
0x17: {  	s18 =	sshra.s32 s18, $0x2  }
0x18: {  	[tilespmem:s18+$0x2900] =	vst v0  }
0x19: {  	[tilespmem:s2], [sflag:$0x1] =	stream.linear.gather [hbm4b:s9+s2], $0x80, $0x38;
	[tilespmem:$0x5100] =	vst v63  }
0x1a: {  	_ =	swait.ge [sflag:s11], $0x80  }
0x1b: {  	[sflag:s11] =	ssyncset.done $0x0  }
0x1c: {  	[sflag:s11] =	ssyncadd.s32 $0xFFFFFF80  }
0x1d: {  	[tilespmem:s12], [sflag:$0x1] =	stream.linear.gather [hbm4b:s7+s2], $0x80, $0x38;
	[tilespmem:$0x5100] =	vst v63  }
0x1e: {  	_ =	swait.ge [sflag:s11], $0x80  }
0x1f: {  	[sflag:s11] =	ssyncset.done $0x0  }
0x20: {  	[sflag:s11] =	ssyncadd.s32 $0xFFFFFF80  }
0x21: {  	[tilespmem:s13], [sflag:$0x1] =	stream.linear.gather [hbm4b:s6+s2], $0x80, $0x38;
	[tilespmem:$0x5100] =	vst v63  }
0x22: {  	_ =	swait.ge [sflag:s11], $0x80  }
0x23: {  	[sflag:s11] =	ssyncset.done $0x0  }
0x24: {  	[sflag:s11] =	ssyncadd.s32 $0xFFFFFF80  }
0x25: {  	v1 =	vld [tilespmem:$0x0];
	_ =	sdelay $0x3  }
0x26: {  	v2 =	vld [tilespmem:$0x100]  }
0x27: {  	v1 =	vmul.f32 $1.442695020e+00, v1;
	_ =	sdelay $0x1  }
0x28: {  	(erf) = vpow2.f32 v1;
	_ =	sdelay $0x3  }
0x29: {  	v1 =	vld [tilespmem:$0x80]  }
0x2a: {  	v2 =	vld.idx.msk [tilespmem:v2+s10+$0x0], $0xffff;
	_ =	sdelay $0x3  }
0x2b: {  	v3 =	vpop (erf)  }
0x2c: {  	v2 =	vmul.f32 v3, v2;
	_ =	sdelay $0x1  }
0x2d: {  	[tilespmem:v1+s14+$0x0] =	vst.idx.add.f32.msk $0xffff, v2  }
0x2e: {  	v1 =	vld [tilespmem:$0x10];
	_ =	sdelay $0x3  }
0x2f: {  	v2 =	vld [tilespmem:$0x110]  }
0x30: {  	v1 =	vmul.f32 $1.442695020e+00, v1;
	_ =	sdelay $0x1  }
0x31: {  	(erf) = vpow2.f32 v1;
	_ =	sdelay $0x3  }
0x32: {  	v1 =	vld [tilespmem:$0x90]  }
0x33: {  	v2 =	vld.idx.msk [tilespmem:v2+s10+$0x0], $0xffff;
	_ =	sdelay $0x3  }
0x34: {  	v3 =	vpop (erf)  }
0x35: {  	v2 =	vmul.f32 v3, v2;
	_ =	sdelay $0x1  }
0x36: {  	[tilespmem:v1+s14+$0x0] =	vst.idx.add.f32.msk $0xffff, v2  }
0x37: {  	v1 =	vld [tilespmem:$0x20];
	_ =	sdelay $0x3  }
0x38: {  	v2 =	vld [tilespmem:$0x120]  }
0x39: {  	v1 =	vmul.f32 $1.442695020e+00, v1;
	_ =	sdelay $0x1  }
0x3a: {  	(erf) = vpow2.f32 v1;
	_ =	sdelay $0x3  }
0x3b: {  	v1 =	vld [tilespmem:$0xA0]  }
0x3c: {  	v2 =	vld.idx.msk [tilespmem:v2+s10+$0x0], $0xffff;
	_ =	sdelay $0x3  }
0x3d: {  	v3 =	vpop (erf)  }
0x3e: {  	v2 =	vmul.f32 v3, v2;
	_ =	sdelay $0x1  }
0x3f: {  	[tilespmem:v1+s14+$0x0] =	vst.idx.add.f32.msk $0xffff, v2  }
0x40: {  	v1 =	vld [tilespmem:$0x30];
	_ =	sdelay $0x3  }
0x41: {  	v2 =	vld [tilespmem:$0x130]  }
0x42: {  	v1 =	vmul.f32 $1.442695020e+00, v1;
	_ =	sdelay $0x1  }
0x43: {  	(erf) = vpow2.f32 v1;
	_ =	sdelay $0x3  }
0x44: {  	v1 =	vld [tilespmem:$0xB0]  }
0x45: {  	v2 =	vld.idx.msk [tilespmem:v2+s10+$0x0], $0xffff;
	_ =	sdelay $0x3  }
0x46: {  	v3 =	vpop (erf)  }
0x47: {  	v2 =	vmul.f32 v3, v2;
	_ =	sdelay $0x1  }
0x48: {  	[tilespmem:v1+s14+$0x0] =	vst.idx.add.f32.msk $0xffff, v2  }
0x49: {  	v1 =	vld [tilespmem:$0x40];
	_ =	sdelay $0x3  }
0x4a: {  	v2 =	vld [tilespmem:$0x140]  }
0x4b: {  	v1 =	vmul.f32 $1.442695020e+00, v1;
	_ =	sdelay $0x1  }
0x4c: {  	(erf) = vpow2.f32 v1;
	_ =	sdelay $0x3  }
0x4d: {  	v1 =	vld [tilespmem:$0xC0]  }
0x4e: {  	v2 =	vld.idx.msk [tilespmem:v2+s10+$0x0], $0xffff;
	_ =	sdelay $0x3  }
0x4f: {  	v3 =	vpop (erf)  }
0x50: {  	v2 =	vmul.f32 v3, v2;
	_ =	sdelay $0x1  }
0x51: {  	[tilespmem:v1+s14+$0x0] =	vst.idx.add.f32.msk $0xffff, v2  }
0x52: {  	v1 =	vld [tilespmem:$0x50];
	_ =	sdelay $0x3  }
0x53: {  	v2 =	vld [tilespmem:$0x150]  }
0x54: {  	v1 =	vmul.f32 $1.442695020e+00, v1;
	_ =	sdelay $0x1  }
0x55: {  	(erf) = vpow2.f32 v1;
	_ =	sdelay $0x3  }
0x56: {  	v1 =	vld [tilespmem:$0xD0]  }
0x57: {  	v2 =	vld.idx.msk [tilespmem:v2+s10+$0x0], $0xffff;
	_ =	sdelay $0x3  }
0x58: {  	v3 =	vpop (erf)  }
0x59: {  	v2 =	vmul.f32 v3, v2;
	_ =	sdelay $0x1  }
0x5a: {  	[tilespmem:v1+s14+$0x0] =	vst.idx.add.f32.msk $0xffff, v2  }
0x5b: {  	v1 =	vld [tilespmem:$0x60];
	_ =	sdelay $0x3  }
0x5c: {  	v2 =	vld [tilespmem:$0x160]  }
0x5d: {  	v1 =	vmul.f32 $1.442695020e+00, v1;
	_ =	sdelay $0x1  }
0x5e: {  	(erf) = vpow2.f32 v1;
	_ =	sdelay $0x3  }
0x5f: {  	v1 =	vld [tilespmem:$0xE0]  }
0x60: {  	v2 =	vld.idx.msk [tilespmem:v2+s10+$0x0], $0xffff;
	_ =	sdelay $0x3  }
0x61: {  	v3 =	vpop (erf)  }
0x62: {  	v2 =	vmul.f32 v3, v2;
	_ =	sdelay $0x1  }
0x63: {  	[tilespmem:v1+s14+$0x0] =	vst.idx.add.f32.msk $0xffff, v2  }
0x64: {  	v1 =	vld [tilespmem:$0x70];
	_ =	sdelay $0x3  }
0x65: {  	v2 =	vld [tilespmem:$0x170]  }
0x66: {  	v1 =	vmul.f32 $1.442695020e+00, v1;
	_ =	sdelay $0x1  }
0x67: {  	(erf) = vpow2.f32 v1;
	_ =	sdelay $0x3  }
0x68: {  	v1 =	vld [tilespmem:$0xF0]  }
0x69: {  	p0 =	sne.s32 s4, $0x1;
	v2 =	vld.idx.msk [tilespmem:v2+s10+$0x0], $0xffff  }
.Ltmp1:
0x6a: {  	_ = 	snop;
	(pc) =	sbr.rel @!p0 .LBB2_5-.Ltmp1, $3  }
0x6b: {  	_ =	sdelay $0x1  }
0x6c: {  	s17 =	sadd.s32 $0xFFFFFFFF, s4;
	v3 =	vpop (erf)  }
0x6d: {  	s18 =	smov.u32 s6;
	s19 =	smov.u32 s7;
	s20 =	smov.u32 s9;
	v2 =	vmul.f32 v3, v2  }
.LBB2_4:
0x6e: {  	_ = 	snop  }
0x6f: {  	s18 =	sadd.s32 $0x200, s18;
	s19 =	sadd.s32 $0x200, s19;
	s20 =	sadd.s32 $0x200, s20;
	[tilespmem:v1+s14+$0x0] =	vst.idx.add.f32.msk $0xffff, v2  }
0x70: {  	[tilespmem:s2], [sflag:$0x1] =	stream.linear.gather [hbm4b:s20+s2], $0x80, $0x38;
	[tilespmem:$0x5100] =	vst v63  }
0x71: {  	p0 =	sne.s32 s17, $0x1;
	s17 =	sadd.s32 $0xFFFFFFFF, s17;
	_ =	swait.ge [sflag:s11], $0x80  }
0x72: {  	[sflag:s11] =	ssyncset.done $0x0  }
0x73: {  	[sflag:s11] =	ssyncadd.s32 $0xFFFFFF80  }
0x74: {  	[tilespmem:s12], [sflag:$0x1] =	stream.linear.gather [hbm4b:s19+s2], $0x80, $0x38;
	[tilespmem:$0x5100] =	vst v63  }
0x75: {  	_ =	swait.ge [sflag:s11], $0x80  }
0x76: {  	[sflag:s11] =	ssyncset.done $0x0  }
0x77: {  	[sflag:s11] =	ssyncadd.s32 $0xFFFFFF80  }
0x78: {  	[tilespmem:s13], [sflag:$0x1] =	stream.linear.gather [hbm4b:s18+s2], $0x80, $0x38;
	[tilespmem:$0x5100] =	vst v63  }
0x79: {  	_ =	swait.ge [sflag:s11], $0x80  }
0x7a: {  	[sflag:s11] =	ssyncset.done $0x0  }
0x7b: {  	[sflag:s11] =	ssyncadd.s32 $0xFFFFFF80  }
0x7c: {  	v1 =	vld [tilespmem:$0x0];
	_ =	sdelay $0x2  }
0x7d: {  	v2 =	vld [tilespmem:$0x100];
	_ =	sdelay $0x1  }
0x7e: {  	v1 =	vmul.f32 $1.442695020e+00, v1;
	_ =	sdelay $0x1  }
0x7f: {  	(erf) = vpow2.f32 v1;
	_ =	sdelay $0x2  }
0x80: {  	v1 =	vld [tilespmem:$0x80]  }
0x81: {  	v2 =	vld.idx.msk [tilespmem:v2+s10+$0x0], $0xffff;
	_ =	sdelay $0x4  }
0x82: {  	v3 =	vpop (erf)  }
0x83: {  	v2 =	vmul.f32 v3, v2;
	_ =	sdelay $0x1  }
0x84: {  	[tilespmem:v1+s14+$0x0] =	vst.idx.add.f32.msk $0xffff, v2  }
0x85: {  	v1 =	vld [tilespmem:$0x10];
	_ =	sdelay $0x2  }
0x86: {  	v2 =	vld [tilespmem:$0x110];
	_ =	sdelay $0x1  }
0x87: {  	v1 =	vmul.f32 $1.442695020e+00, v1;
	_ =	sdelay $0x1  }
0x88: {  	(erf) = vpow2.f32 v1;
	_ =	sdelay $0x2  }
0x89: {  	v1 =	vld [tilespmem:$0x90]  }
0x8a: {  	v2 =	vld.idx.msk [tilespmem:v2+s10+$0x0], $0xffff;
	_ =	sdelay $0x4  }
0x8b: {  	v3 =	vpop (erf)  }
0x8c: {  	v2 =	vmul.f32 v3, v2;
	_ =	sdelay $0x1  }
0x8d: {  	[tilespmem:v1+s14+$0x0] =	vst.idx.add.f32.msk $0xffff, v2  }
0x8e: {  	v1 =	vld [tilespmem:$0x20];
	_ =	sdelay $0x2  }
0x8f: {  	v2 =	vld [tilespmem:$0x120];
	_ =	sdelay $0x1  }
0x90: {  	v1 =	vmul.f32 $1.442695020e+00, v1;
	_ =	sdelay $0x1  }
0x91: {  	(erf) = vpow2.f32 v1;
	_ =	sdelay $0x2  }
0x92: {  	v1 =	vld [tilespmem:$0xA0]  }
0x93: {  	v2 =	vld.idx.msk [tilespmem:v2+s10+$0x0], $0xffff;
	_ =	sdelay $0x4  }
0x94: {  	v3 =	vpop (erf)  }
0x95: {  	v2 =	vmul.f32 v3, v2;
	_ =	sdelay $0x1  }
0x96: {  	[tilespmem:v1+s14+$0x0] =	vst.idx.add.f32.msk $0xffff, v2  }
0x97: {  	v1 =	vld [tilespmem:$0x30]  }
0x98: {  	v2 =	vld [tilespmem:$0x130];
	_ =	sdelay $0x3  }
0x99: {  	v1 =	vmul.f32 $1.442695020e+00, v1;
	_ =	sdelay $0x1  }
0x9a: {  	(erf) = vpow2.f32 v1;
	_ =	sdelay $0x1  }
0x9b: {  	v1 =	vld.idx.msk [tilespmem:v2+s10+$0x0], $0xffff;
	_ =	sdelay $0x1  }
0x9c: {  	v2 =	vld [tilespmem:$0xB0];
	_ =	sdelay $0x4  }
0x9d: {  	v3 =	vpop (erf)  }
0x9e: {  	v1 =	vmul.f32 v3, v1;
	_ =	sdelay $0x1  }
0x9f: {  	[tilespmem:v2+s14+$0x0] =	vst.idx.add.f32.msk $0xffff, v1  }
0xa0: {  	v1 =	vld [tilespmem:$0x40]  }
0xa1: {  	v2 =	vld [tilespmem:$0x140]  }
0xa2: {  	v3 =	vld [tilespmem:$0xC0];
	_ =	sdelay $0x2  }
0xa3: {  	v1 =	vmul.f32 $1.442695020e+00, v1;
	_ =	sdelay $0x1  }
0xa4: {  	(erf) = vpow2.f32 v1;
	_ =	sdelay $0x1  }
0xa5: {  	v1 =	vld.idx.msk [tilespmem:v2+s10+$0x0], $0xffff;
	_ =	sdelay $0x6  }
0xa6: {  	v2 =	vpop (erf)  }
0xa7: {  	v1 =	vmul.f32 v2, v1;
	_ =	sdelay $0x1  }
0xa8: {  	[tilespmem:v3+s14+$0x0] =	vst.idx.add.f32.msk $0xffff, v1  }
0xa9: {  	v1 =	vld [tilespmem:$0x50]  }
0xaa: {  	v2 =	vld [tilespmem:$0x150]  }
0xab: {  	v3 =	vld [tilespmem:$0xD0];
	_ =	sdelay $0x2  }
0xac: {  	v1 =	vmul.f32 $1.442695020e+00, v1;
	_ =	sdelay $0x1  }
0xad: {  	(erf) = vpow2.f32 v1;
	_ =	sdelay $0x1  }
0xae: {  	v1 =	vld.idx.msk [tilespmem:v2+s10+$0x0], $0xffff;
	_ =	sdelay $0x6  }
0xaf: {  	v2 =	vpop (erf)  }
0xb0: {  	v1 =	vmul.f32 v2, v1;
	_ =	sdelay $0x1  }
0xb1: {  	[tilespmem:v3+s14+$0x0] =	vst.idx.add.f32.msk $0xffff, v1  }
0xb2: {  	v1 =	vld [tilespmem:$0x60]  }
0xb3: {  	v2 =	vld [tilespmem:$0x160]  }
0xb4: {  	v3 =	vld [tilespmem:$0xE0];
	_ =	sdelay $0x2  }
0xb5: {  	v1 =	vmul.f32 $1.442695020e+00, v1;
	_ =	sdelay $0x1  }
0xb6: {  	(erf) = vpow2.f32 v1;
	_ =	sdelay $0x1  }
0xb7: {  	v1 =	vld.idx.msk [tilespmem:v2+s10+$0x0], $0xffff;
	_ =	sdelay $0x6  }
0xb8: {  	v2 =	vpop (erf)  }
0xb9: {  	v1 =	vmul.f32 v2, v1;
	_ =	sdelay $0x1  }
0xba: {  	[tilespmem:v3+s14+$0x0] =	vst.idx.add.f32.msk $0xffff, v1  }
0xbb: {  	v2 =	vld [tilespmem:$0x70]  }
0xbc: {  	v3 =	vld [tilespmem:$0x170]  }
0xbd: {  	v1 =	vld [tilespmem:$0xF0];
	_ =	sdelay $0x2  }
0xbe: {  	v2 =	vmul.f32 $1.442695020e+00, v2;
	_ =	sdelay $0x1  }
0xbf: {  	(erf) = vpow2.f32 v2;
	_ =	sdelay $0x1  }
0xc0: {  	v2 =	vld.idx.msk [tilespmem:v3+s10+$0x0], $0xffff;
	_ =	sdelay $0x3  }
.Ltmp2:
0xc1: {  	(pc) =	sbr.rel @p0 .LBB2_4-.Ltmp2, $3  }
0xc2: {  	_ =	sdelay $0x1  }
0xc3: {  	v3 =	vpop (erf)  }
0xc4: {  	v2 =	vmul.f32 v3, v2  }
.LBB2_5:
0xc5: {  	_ =	sdelay $0x1  }
0xc6: {  	s16 =	sadd.s32 $0x1, s16  }
0xc7: {  	p0 =	sne.s32 s16, s8  }
.Ltmp3:
0xc8: {  	[tilespmem:v1+s14+$0x0] =	vst.idx.add.f32.msk $0xffff, v2;
	(pc) =	sbr.rel @p0 .LBB2_1-.Ltmp3, $4  }
0xc9: {  	[hbm4b:s5+s12] =	stream.strided.scatter [tilespmem:s14], [sflag:$0x1], $0x2780, s15, s12, $0x38;
	[tilespmem:$0x5100] =	vst v63  }
0xca: {  	_ =	swait.ge [sflag:s11], $0x2780  }
0xcb: {  	[sflag:s11] =	ssyncset.done $0x0  }
0xcc: {  	[sflag:s11] =	ssyncadd.s32 $0xFFFFD880  }
0xcd: {  	_ =	sfence.sel $0x180000  }
0xce: {  	[bflag:$0x0] =	sbarrier.arrive $0xFFFF  }
0xcf: {  	p0 =	sne.s32 s0, $0x0;
	_ =	strace $0x90000053  }
0xd0: {  	s0 =	sadd.s32 @!p0 $0x100000, s1;
	[bflag:$0x2] =	sbarrier.arrive $0xFFFF  }
0xd1: {  	[sflag:s0] =	ssyncadd.tile.s32 @!p0 $0x1;
	_ =	shalt  }
.Lfunc_end2:
_tile_overlayer_lowered:
.L_overlay_start_2:
0xd2: {  	(tag) =	ssettag $0x2  }
0xd3: {  	s0 =	rddreg [dreg:$0x0];
	s2 =	stileid.u32  }
0xd4: {  	s1 =	rddreg [dreg:$0x1];
	p0 =	sne.s32 s2, $0x0  }
0xd5: {  	s3 =	rddreg [dreg:$0x2];
	[bflag:$0x3] =	sbarrier.arrive $0xFFFF;
	s2 =	simm.s32 @!p0 $0x1C01  }
0xd6: {  	[timem:s3], [sflag:s2] =	dma.local @!p0 [hbm:s0], s1  }
0xd7: {  	s0 =	simm.s32 @!p0 $0x1  }
0xd8: {  	_ =	swait.ge @!p0 [sflag:s0], s1  }
0xd9: {  	s1 =	ssub.s32 @!p0 $0x0, s1;
	[sflag:s0] =	ssyncset.done @!p0 $0x0  }
0xda: {  	[sflag:s0] =	ssyncadd.s32 @!p0 s1  }
0xdb: {  	[bflag:$0x3] =	sbarrier.arrive $0xFFFF  }
0xdc: {  	_ =	shalt  }

// kernel: kernel.28.cloned.1.call-start
scs
__scs_entry_jumppad:
0x0: {  	(pc) =	sbr.rel $0x88, $3  }
0x1: {  	(tag) =	ssettag $0x0;
	lr =	simm.s32 $0x1  }
0x2: {  	[smem:$0x3F8D] =	sst lr;
	_ =	strace $0xD0000000  }
0x3: {  	_ = 	snop  }
0x4: {  	_ = 	snop  }
0x5: {  	_ = 	snop  }
0x6: {  	_ = 	snop  }
0x7: {  	_ = 	snop  }
__scs_overlays_trampoline_lowered:
0x8: {  	[smem:$0x3F9C] =	sst s0  }
0x9: {  	[smem:$0x3F9D] =	sst s1  }
0xa: {  	[smem:$0x3F9E] =	sst s2  }
0xb: {  	[smem:$0x3F9F] =	sst s3  }
0xc: {  	[smem:$0x3FA0] =	sst s4  }
0xd: {  	[smem:$0x3FA1] =	sst s5  }
0xe: {  	[smem:$0x3FA2] =	sst s6  }
0xf: {  	[smem:$0x3FA3] =	sst s7  }
0x10: {  	[smem:$0x3FA4] =	sst s8  }
0x11: {  	[smem:$0x3FA5] =	sst s9;
	s0 =	simm.s32 @!p0 $0x0  }
0x12: {  	s1 =	sld [smem:$0x3F8B];
	s0 =	simm.s32 @p0 $0x1  }
0x13: {  	[smem:$0x3FA6] =	sst s0;
	s0 =	simm.s32 @!p1 $0x0  }
0x14: {  	s2 =	sld [smem:$0x3F8A];
	s0 =	simm.s32 @p1 $0x1  }
0x15: {  	[smem:$0x3FA7] =	sst s0;
	s0 =	simm.s32 @!p2 $0x0  }
0x16: {  	s3 =	sld [smem:$0x3FDB];
	s0 =	simm.s32 @p2 $0x1  }
0x17: {  	s4 =	simm.s32 $0x1BF5;
	[smem:$0x3FA9] =	sst s0  }
0x18: {  	s0 =	sld [smem:$0x3F8C];
	_ =	swait.ge [sflag:s4], $0x0  }
0x19: {  	s7 =	sld [smem:$0x3F8D]  }
0x1a: {  	s8 =	sadd.s32 $0xFFFFE003, lr  }
0x1b: {  	s9 =	sadd.s32 $0xFFFFFEF7, lr;
	s5 =	simm.s32 $0xFFFFFFFF;
	p2 =	slt.u32 s8, $0xFFFFF086  }
0x1c: {  	p1 =	slt.u32 s9, $0xF7A;
	s5 =	simm.s32 @!p2 $0x0  }
0x1d: {  	s5 =	simm.s32 @p1 $0x1;
	p0 =	seq.s32 s7, s2  }
0x1e: {  	s7 =	smul.u32 @!p0 $0xF7A, s2;
	p2 =	seq.s32 @!p0 s5, $0x0  }
0x1f: {  	s9 =	smul.u32 $0xF7A, s1;
	s8 =	simm.s32 @!p0 $0x1BF5;
	p2 =	por !p2, p0  }
0x20: {  	[sflag:s8] =	ssyncset.s32 @!p0 $0xFFFFF086;
	s6 =	sadd.s32 @!p0 s3, s7;
	s7 =	simm.s32 @!p0 $0x108  }
0x21: {  	s3 =	sadd.s32 s3, s9;
	s6 =	sadd.s32 @!p0 $0x88, s6;
	s7 =	simm.s32 @p2 $0x1082  }
0x22: {  	[simem:s7], [sflag:s8] =	dma.local @!p0 [hbm:s6], $0xF7A  }
0x23: {  	s9 =	sor.u32 $0xD0000000, s2;
	s6 =	simm.s32 $0x108;
	_ =	swait.ge @!p0 [sflag:s8], $0x0  }
0x24: {  	s3 =	sadd.s32 $0x88, s3;
	s6 =	simm.s32 @!p1 $0x1082;
	[sflag:s4] =	ssyncset.s32 $0xFFFFF086  }
0x25: {  	[simem:s6], [sflag:s4] =	dma.local [hbm:s3], $0xF7A  }
0x26: {  	[smem:$0x3F8D] =	sst s1;
	(tag) =	ssettag s2;
	_ =	strace s9  }
0x27: {  	s1 =	sld [smem:$0x3F9D]  }
0x28: {  	s2 =	sld [smem:$0x3F9E]  }
0x29: {  	s4 =	sld [smem:$0x3FA0]  }
0x2a: {  	p0 =	seq.s32 s5, $0x0;
	s5 =	sld [smem:$0x3FA1]  }
0x2b: {  	s6 =	sld [smem:$0x3FA2]  }
0x2c: {  	s7 =	sld [smem:$0x3FA3]  }
0x2d: {  	s3 =	simm.s32 $0x108;
	s8 =	sld [smem:$0x3FA4]  }
0x2e: {  	s3 =	simm.s32 @!p0 $0x1082;
	s9 =	sld [smem:$0x3FA5]  }
0x2f: {  	lr =	sadd.s32 s0, s3;
	s0 =	sld [smem:$0x3F9C]  }
0x30: {  	s3 =	sld [smem:$0x3F9F]  }
0x31: {  	[smem:$0x3FA8] =	sst s10  }
0x32: {  	s10 =	sld [smem:$0x3FA6];
	_ =	sdelay $0x3  }
0x33: {  	p0 =	seq.s32 s10, $0x1;
	s10 =	sld [smem:$0x3FA8];
	_ =	sdelay $0x3  }
0x34: {  	[smem:$0x3FA8] =	sst s10  }
0x35: {  	s10 =	sld [smem:$0x3FA7];
	_ =	sdelay $0x3  }
0x36: {  	p1 =	seq.s32 s10, $0x1;
	s10 =	sld [smem:$0x3FA8];
	_ =	sdelay $0x3  }
0x37: {  	[smem:$0x3FA8] =	sst s10  }
0x38: {  	s10 =	sld [smem:$0x3FA9]  }
0x39: {  	_ = 	snop;
	(pc) =	sbr.ind lr, $3  }
0x3a: {  	_ = 	snop  }
0x3b: {  	_ = 	snop  }
0x3c: {  	p2 =	seq.s32 s10, $0x1;
	s10 =	sld [smem:$0x3FA8]  }
0x3d: {  	_ =	shalt  }
0x3e: {  	_ =	shalt  }
0x3f: {  	_ =	shalt  }
0x40: {  	_ =	shalt  }
0x41: {  	_ =	shalt  }
0x42: {  	_ =	shalt  }
0x43: {  	_ =	shalt  }
0x44: {  	_ =	shalt  }
0x45: {  	_ =	shalt  }
0x46: {  	_ =	shalt  }
0x47: {  	_ =	shalt  }
0x48: {  	_ =	shalt  }
0x49: {  	_ =	shalt  }
0x4a: {  	_ =	shalt  }
0x4b: {  	_ =	shalt  }
0x4c: {  	_ =	shalt  }
0x4d: {  	_ =	shalt  }
0x4e: {  	_ =	shalt  }
0x4f: {  	_ =	shalt  }
0x50: {  	_ =	shalt  }
0x51: {  	_ =	shalt  }
0x52: {  	_ =	shalt  }
0x53: {  	_ =	shalt  }
0x54: {  	_ =	shalt  }
0x55: {  	_ =	shalt  }
0x56: {  	_ =	shalt  }
0x57: {  	_ =	shalt  }
0x58: {  	_ =	shalt  }
0x59: {  	_ =	shalt  }
0x5a: {  	_ =	shalt  }
0x5b: {  	_ =	shalt  }
0x5c: {  	_ =	shalt  }
0x5d: {  	_ =	shalt  }
0x5e: {  	_ =	shalt  }
0x5f: {  	_ =	shalt  }
0x60: {  	_ =	shalt  }
0x61: {  	_ =	shalt  }
0x62: {  	_ =	shalt  }
0x63: {  	_ =	shalt  }
0x64: {  	_ =	shalt  }
0x65: {  	_ =	shalt  }
0x66: {  	_ =	shalt  }
0x67: {  	_ =	shalt  }
0x68: {  	_ =	shalt  }
0x69: {  	_ =	shalt  }
0x6a: {  	_ =	shalt  }
0x6b: {  	_ =	shalt  }
0x6c: {  	_ =	shalt  }
0x6d: {  	_ =	shalt  }
0x6e: {  	_ =	shalt  }
0x6f: {  	_ =	shalt  }
0x70: {  	_ =	shalt  }
0x71: {  	_ =	shalt  }
0x72: {  	_ =	shalt  }
0x73: {  	_ =	shalt  }
0x74: {  	_ =	shalt  }
0x75: {  	_ =	shalt  }
0x76: {  	_ =	shalt  }
0x77: {  	_ =	shalt  }
0x78: {  	_ =	shalt  }
0x79: {  	_ =	shalt  }
0x7a: {  	_ =	shalt  }
0x7b: {  	_ =	shalt  }
0x7c: {  	_ =	shalt  }
0x7d: {  	_ =	shalt  }
0x7e: {  	_ =	shalt  }
0x7f: {  	_ =	shalt  }
0x80: {  	_ =	shalt  }
0x81: {  	_ =	shalt  }
0x82: {  	_ =	shalt  }
0x83: {  	_ =	shalt  }
0x84: {  	_ =	shalt  }
0x85: {  	_ =	shalt  }
0x86: {  	_ =	shalt  }
0x87: {  	_ =	shalt  }
.Lfunc_end0:
.L_simem_size_0:
called_computation.5_lowered:
.L_overlay_start_0:
0x88: {  	s2 =	sld [smem:$0x3FD9]  }
0x89: {  	s3 =	sld [smem:$0x3FFE];
	_ =	sdelay $0x1  }
0x8a: {  	s1 =	srdreg.scid  }
0x8b: {  	s0 =	sand.u32 $0x1, s1  }
0x8c: {  	s17 =	sshll.u32 s0, $0xA;
	s2 =	sadd.s32 s3, s2  }
0x8d: {  	s2 =	sadd.s32 s2, s17  }
0x8e: {  	[smem:$0x3FB4] =	sst s2  }
0x8f: {  	_ = 	snop  }
0x90: {  	s18 =	sld [smem:$0x3FC7];
	(tm) =	ssettm $0x1  }
0x91: {  	s19 =	sld [smem:$0x3FFB];
	_ =	sdelay $0x3  }
0x92: {  	_ =	strace s19  }
0x93: {  	s2 =	sld [smem:$0x3FFC];
	_ =	sdelay $0x3  }
0x94: {  	_ =	strace s2  }
0x95: {  	s2 =	sld [smem:$0x3FFD];
	_ =	sdelay $0x3  }
0x96: {  	_ =	strace s2  }
0x97: {  	_ =	strace $0x8FFFFFFF  }
0x98: {  	s20 =	sld [smem:$0x3FDB];
	_ =	sdelay $0x1  }
0x99: {  	s4 =	simm.s32 $_scs_section_size  }
0x9a: {  	s5 =	simm.s32 $_size__tile_overlayer_lowered;
	s6 =	simm.s32 $_tile_overlayer_lowered  }
0x9b: {  	s7 =	simm.s32 $0x1BFF;
	s21 =	sshll.u32 s6, $0x1;
	s4 =	sadd.s32 s4, s20  }
0x9c: {  	s22 =	simm.s32 $0x0;
	s5 =	sshll.u32 s5, $0x1;
	s6 =	sadd.s32 s21, s4  }
0x9d: {  	[timem:s22], [sflag:s7] =	dma.local [hbm:s6], s5  }
0x9e: {  	_ =	swait.ge [sflag:s7], s5  }
0x9f: {  	s5 =	ssub.s32 $0x0, s5;
	[sflag:s7] =	ssyncset.done $0x0  }
0xa0: {  	[sflag:s7] =	ssyncadd.s32 s5;
	_ =	sdelay $0x1  }
0xa1: {  	s23 =	simm.s32 $0x1B8B  }
0xa2: {  	_ =	swait.ge [sflag:s23], $0x1  }
0xa3: {  	[sflag:s23] =	ssyncset.done $0x0  }
0xa4: {  	[sflag:s23] =	ssyncadd.s32 $0xFFFFFFFF  }
0xa5: {  	s5 =	sld [smem:$0x0]  }
0xa6: {  	s6 =	sand.u32 $0xFFFFFFFE, s1  }
0xa7: {  	p0 =	sne.s32 s1, s6  }
0xa8: {  	s6 =	sshll.u32 @p0 s6, $0xE  }
0xa9: {  	s6 =	sadd.s32 @p0 $0x11B8D, s6;
	s7 =	sshll.u32 @p0 s5, $0x11  }
0xaa: {  	s6 =	sor.u32 @p0 s7, s6  }
0xab: {  	[sflag:s6] =	ssyncadd.remote.s32 @p0 $0x1;
	_ =	sdelay $0x1  }
0xac: {  	s6 =	simm.s32 @p0 $0x1B8D  }
0xad: {  	_ =	swait.eq @p0 [sflag:s6], $0x1  }
0xae: {  	[sflag:s6] =	ssyncadd.s32 @p0 $0xFFFFFFFF  }
0xaf: {  	s7 =	sshll.u32 @!p0 s1, $0xE  }
0xb0: {  	s7 =	sor.u32 @!p0 $0x4000, s7;
	s6 =	simm.s32 @!p0 $0x1B8D  }
0xb1: {  	s5 =	sshll.u32 @!p0 s5, $0x11;
	s7 =	sadd.s32 @!p0 $0x11B8D, s7;
	_ =	swait.eq @!p0 [sflag:s6], $0x1  }
0xb2: {  	s5 =	sor.u32 @!p0 s5, s7;
	[sflag:s6] =	ssyncadd.s32 @!p0 $0xFFFFFFFF  }
0xb3: {  	s25 =	simm.s32 $0x1B8E;
	s24 =	sld [smem:$0x3FFE];
	[sflag:s5] =	ssyncadd.remote.s32 @!p0 $0x1  }
0xb4: {  	s26 =	simm.s32 $execute0_lowered;
	[smem:$0x3FD2] =	sst s25  }
0xb5: {  	s6 =	sshll.u32 s26, $0x1;
	_ =	strace $0x80000055;
	[dreg:$0x1] =	wrdreg $0xFFFFFFFF  }
0xb6: {  	s28 =	simm.s32 $_size_execute0_lowered;
	s4 =	sadd.s32 s4, s6;
	[dreg:$0x0] =	wrdreg $0x0  }
0xb7: {  	s6 =	sshll.u32 s28, $0x1;
	[dreg:$0x2] =	wrdreg s4  }
0xb8: {  	[dreg:$0x3] =	wrdreg s6  }
0xb9: {  	[dreg:$0x4] =	wrdreg $0xC0  }
0xba: {  	_ =	task [dreg:s22], $0x5FFFF  }
0xbb: {  	[dreg:$0x1] =	wrdreg $0xFFFFFFFF  }
0xbc: {  	[dreg:$0x0] =	wrdreg $0x60  }
0xbd: {  	[dreg:$0x2] =	wrdreg s24  }
0xbe: {  	[dreg:$0x3] =	wrdreg s18  }
0xbf: {  	[dreg:$0x4] =	wrdreg $0x81000  }
0xc0: {  	[dreg:$0x5] =	wrdreg $0x9  }
0xc1: {  	_ =	task.clear_ibuf [dreg:s22], $0x6FFFF;
	_ =	strace $0x90000055  }
0xc2: {  	s29 =	simm.s32 $0x9;
	_ =	strace $0x80000057  }
0xc3: {  	_ =	swait.ge [sflag:s29], $0x1  }
0xc4: {  	[sflag:s29] =	ssyncadd.s32 $0xFFFFFFFF  }
0xc5: {  	_ =	strace $0x90000057  }
0xc6: {  	_ =	sfence  }
0xc7: {  	s30 =	sld [smem:$0x0];
	_ =	sdelay $0x2  }
0xc8: {  	s31 =	sshll.u32 s1, $0xD;
	s1 =	sshrl.u32 s1, $0x2  }
0xc9: {  	s4 =	sand.u32 $0x4000, s31;
	s1 =	sadd.s32 s1, s30  }
0xca: {  	s0 =	sor.u32 s4, s0;
	s1 =	sshll.u32 s1, $0x11  }
0xcb: {  	s0 =	sor.u32 s1, s0  }
0xcc: {  	s0 =	sadd.s32 $0x8F2B, s0  }
0xcd: {  	[sflag:s0] =	ssyncadd.remote.s32 $0x1  }
0xce: {  	_ =	sfence.sel $0xFFFF  }
0xcf: {  	[dreg:$0x0] =	wrdreg $0xFFFFFFFF;
	(pc) =	sbr.abs _section_cstart, $3  }
0xd0: {  	[dreg:$0x1] =	wrdreg $0xFFFFFFFF  }
0xd1: {  	_ =	task.clear_ibuf [dreg:s22], $0x2FFFF;
	_ =	strace $0x9FFFFFFF  }
0xd2: {  	(tm) =	ssettm $0x7FFFFFFF  }
0xd3: {  	_ =	shalt  }
tec
execute0_lowered:
.L_overlay_start_1:
0x0: {  	(tag) =	ssettag $0x1  }
0x1: {  	s2 =	rddreg [dreg:$0x0]  }
0x2: {  	s0 =	rddreg [dreg:$0x1]  }
0x3: {  	s1 =	rddreg [dreg:$0x2];
	s3 =	srdreg.scid  }
0x4: {  	s14 =	stileid.u32;
	s11 =	simm.s32 $0x28;
	s28 =	simm.s32 $0x80  }
0x5: {  	s29 =	simm.s32 $0x2;
	s30 =	simm.s32 $0x0;
	s6 =	smul.u32 $0x14000, s14  }
0x6: {  	s4 =	sand.u32 $0x1, s3;
	s8 =	sadd.s32 $0x4FB600, s2;
	s9 =	sadd.s32 $0x76C600, s2  }
0x7: {  	s3 =	simm.s32 $0x0;
	s7 =	sadd.s32 $0x3CCC00, s2;
	s17 =	smul.u32 $0x50000, s14  }
0x8: {  	s10 =	sshll.u32 s14, $0x1;
	p0 =	seq.s32 s14, $0x0;
	s20 =	sshll.u32 s14, $0x6  }
0x9: {  	s25 =	sshll.u32 s14, $0x8;
	s31 =	sshll.u32 s14, $0xC;
	s5 =	smul.u32 $0x140000, s4  }
0xa: {  	[smem:$0x7FF] =	sst s3;
	s16 =	ssub.s32 $0x2, s4;
	s10 =	sor.u32 s4, s10  }
0xb: {  	s11 =	simm.s32 @!p0 $0x27;
	s26 =	sshll.u32 s4, $0x7;
	s15 =	sor.u32 $0x1000, s25  }
0xc: {  	s4 =	sshll.u32 s4, $0xB;
	_ =	strace $0x80000056;
	[dreg:$0x4] =	wrdreg s7  }
0xd: {  	s18 =	sshrl.u32 s16, $0x1;
	s19 =	sshrl.u32 s17, $0x2;
	s7 =	simm.s32 $0x4E0  }
0xe: {  	s5 =	sadd.s32 s6, s5;
	s6 =	sadd.s32 s19, s1;
	s7 =	simm.s32 @!p0 $0x4C0  }
0xf: {  	s19 =	sor.u32 s4, s31;
	s5 =	sshrl.u32 s5, $0x3;
	[dreg:$0x5] =	wrdreg s6  }
0x10: {  	s6 =	sor.u32 $0x1C03, s20;
	s12 =	sor.u32 s7, s10;
	s7 =	sshrl.u32 s11, $0x1  }
0x11: {  	s10 =	sshll.u32 s10, $0x4;
	s2 =	sadd.s32 s5, s2;
	s5 =	ssub.s32 s16, s18  }
0x12: {  	s13 =	sshll.u32 s12, $0x4;
	s18 =	sand.u32 $0x1, s11;
	s10 =	sand.u32 $0x70, s10  }
0x13: {  	s12 =	sshll.u32 s12, $0xB;
	s16 =	sand.u32 $0x1C00, s15;
	s21 =	sand.u32 $0x4F80, s13  }
0x14: {  	s10 =	sadd.s32 s0, s10;
	s13 =	sadd.s32 s13, s0;
	s22 =	sadd.s32 s8, s12  }
0x15: {  	s24 =	sadd.s32 s9, s12;
	s2 =	sadd.s32 $0x3CF400, s2;
	[dreg:$0x7] =	wrdreg s22  }
0x16: {  	p0 =	seq.s32 s18, $0x0;
	s10 =	sadd.s32 s21, s10;
	[dreg:$0x9] =	wrdreg s24  }
0x17: {  	s23 =	sadd.s32 $0x4E20, s13;
	[dreg:$0xa] =	wrdreg s2;
	s13 =	smax.u32 s5, $0x1  }
0x18: {  	s2 =	sor.u32 $0x10000, s19;
	s22 =	sadd.s32 s31, s8;
	[dreg:$0x6] =	wrdreg s10  }
0x19: {  	s31 =	sadd.s32 s31, s9;
	[dreg:$0x8] =	wrdreg s23;
	s10 =	sor.u32 s26, s25  }
0x1a: {  	s14 =	sadd.s32 s2, s8;
	s12 =	sadd.s32 s2, s9;
	s17 =	sand.u32 $0x380, s10  }
0x1b: {  	s21 =	sshrl.u32 s10, $0x3;
	s23 =	sadd.s32 $0x28100, s10;
	s25 =	sadd.s32 $0x27100, s10  }
0x1c: {  	s11 =	sor.u32 s17, s16;
	s16 =	sadd.s32 s21, s0;
	s17 =	sadd.s32 s4, s22  }
0x1d: {  	s24 =	sshrl.u32 s23, $0x3;
	s26 =	sshrl.u32 s25, $0x3;
	s21 =	sadd.s32 s4, s31  }
0x1e: {  	s22 =	simm.s32 $0x3;
	s23 =	simm.s32 $0x8000;
	s25 =	simm.s32 $0x4000  }
0x1f: {  	s20 =	sshrl.u32 s11, $0x3;
	s11 =	sadd.s32 s24, s0;
	s24 =	simm.s32 $0x8080  }
0x20: {  	s15 =	sadd.s32 s20, s0;
	s20 =	sadd.s32 s26, s0;
	s26 =	simm.s32 $0x1  }
.LBB2_1:
0x21: {  	s0 =	rddreg [dreg:$0x5]  }
0x22: {  	s19 =	rddreg [dreg:$0x4];
	s31 =	sshrl.u32 s0, $0x3  }
0x23: {  	[spmem:s31], [sflag:s6] =	dma.local [hbm:s19], $0x2800  }
0x24: {  	_ =	swait.ge [sflag:s22], $0x2800  }
0x25: {  	[sflag:s22] =	ssyncset.done $0x0  }
0x26: {  	[sflag:s22] =	ssyncadd.s32 $0xFFFFD800  }
0x27: {  	[bflag:$0x0] =	sbarrier.arrive $0xFFFF  }
0x28: {  	[tilespmem:s23], [sflag:$0x3] =	stream.linear.gather [hbm4b:s16+s3], $0x80, $0x38;
	[tilespmem:$0x1C100] =	vst v63  }
0x29: {  	_ =	swait.ge [sflag:s22], $0x80  }
0x2a: {  	[sflag:s22] =	ssyncset.done $0x0  }
0x2b: {  	[sflag:s22] =	ssyncadd.s32 $0xFFFFFF80  }
0x2c: {  	[tilespmem:s3], [sflag:$0x1] =	stream.linear.gather [hbm4b:s17+s3], $0x4000, $0x38;
	[tilespmem:$0x1C100] =	vst v63  }
0x2d: {  	_ = 	snop  }
0x2e: {  	[tilespmem:s24], [sflag:$0x3] =	stream.linear.gather [hbm4b:s15+s3], $0x80, $0x38;
	[tilespmem:$0x1C100] =	vst v63  }
0x2f: {  	_ =	swait.ge [sflag:s22], $0x80  }
0x30: {  	[sflag:s22] =	ssyncset.done $0x0  }
0x31: {  	[sflag:s22] =	ssyncadd.s32 $0xFFFFFF80  }
0x32: {  	[tilespmem:s25], [sflag:$0x2] =	stream.linear.gather [hbm4b:s14+s3], $0x4000, $0x38;
	[tilespmem:$0x1C100] =	vst v63  }
0x33: {  	_ =	swait.ge [sflag:s26], $0x4000  }
0x34: {  	[sflag:s26] =	ssyncset.done $0x0  }
0x35: {  	[sflag:s26] =	ssyncadd.s32 $0xFFFFC000  }
0x36: {  	[spmem:s1] =	stream.indirect.scatter.add.f32 [tilespmem:s3], [sflag:$0x3], $0x80, s23, s28, $0xb8;
	[tilespmem:$0x1C100] =	vst v63  }
0x37: {  	_ =	swait.ge [sflag:s22], $0x4000  }
0x38: {  	[sflag:s22] =	ssyncset.done $0x0  }
0x39: {  	[sflag:s22] =	ssyncadd.s32 $0xFFFFC000  }
0x3a: {  	p1 =	sne.s32 s7, $0x1;
	_ =	swait.ge [sflag:s29], $0x4000  }
.Ltmp0:
0x3b: {  	[sflag:s29] =	ssyncset.done $0x0;
	(pc) =	sbr.rel @!p1 .LBB2_3-.Ltmp0, $4  }
0x3c: {  	s2 =	sadd.s32 $0x400, s16;
	[sflag:s29] =	ssyncadd.s32 $0xFFFFC000  }
0x3d: {  	[spmem:s1] =	stream.indirect.scatter.add.f32 [tilespmem:s25], [sflag:$0x3], $0x80, s24, s28, $0xb8;
	[tilespmem:$0x1C100] =	vst v63  }
0x3e: {  	s4 =	sadd.s32 $0x20000, s17;
	s5 =	smov.u32 s14;
	_ =	swait.ge [sflag:s22], $0x4000  }
0x3f: {  	s8 =	smov.u32 s15;
	s0 =	sadd.s32 $0xFFFFFFFF, s7;
	[sflag:s22] =	ssyncset.done $0x0  }
.LBB2_2:
0x40: {  	[sflag:s22] =	ssyncadd.s32 $0xFFFFC000;
	s5 =	sadd.s32 $0x20000, s5;
	s8 =	sadd.s32 $0x400, s8  }
0x41: {  	[tilespmem:s23], [sflag:$0x3] =	stream.linear.gather [hbm4b:s2+s3], $0x80, $0x38;
	[tilespmem:$0x1C100] =	vst v63  }
0x42: {  	p2 =	sne.s32 s0, $0x1;
	s0 =	sadd.s32 $0xFFFFFFFF, s0;
	_ =	swait.ge [sflag:s22], $0x80  }
0x43: {  	[sflag:s22] =	ssyncset.done $0x0  }
0x44: {  	[sflag:s22] =	ssyncadd.s32 $0xFFFFFF80  }
0x45: {  	[tilespmem:s3], [sflag:$0x1] =	stream.linear.gather [hbm4b:s4+s3], $0x4000, $0x38;
	[tilespmem:$0x1C100] =	vst v63  }
0x46: {  	_ = 	snop  }
0x47: {  	[tilespmem:s24], [sflag:$0x3] =	stream.linear.gather [hbm4b:s8+s3], $0x80, $0x38;
	[tilespmem:$0x1C100] =	vst v63  }
0x48: {  	_ =	swait.ge [sflag:s22], $0x80  }
0x49: {  	[sflag:s22] =	ssyncset.done $0x0  }
0x4a: {  	[sflag:s22] =	ssyncadd.s32 $0xFFFFFF80  }
0x4b: {  	[tilespmem:s25], [sflag:$0x2] =	stream.linear.gather [hbm4b:s5+s3], $0x4000, $0x38;
	[tilespmem:$0x1C100] =	vst v63  }
0x4c: {  	_ =	swait.ge [sflag:s26], $0x4000  }
0x4d: {  	[sflag:s26] =	ssyncset.done $0x0  }
0x4e: {  	[sflag:s26] =	ssyncadd.s32 $0xFFFFC000  }
0x4f: {  	[spmem:s1] =	stream.indirect.scatter.add.f32 [tilespmem:s3], [sflag:$0x3], $0x80, s23, s28, $0xb8;
	[tilespmem:$0x1C100] =	vst v63  }
0x50: {  	_ =	swait.ge [sflag:s22], $0x4000  }
0x51: {  	[sflag:s22] =	ssyncset.done $0x0  }
0x52: {  	[sflag:s22] =	ssyncadd.s32 $0xFFFFC000  }
0x53: {  	_ =	swait.ge [sflag:s29], $0x4000  }
.Ltmp1:
0x54: {  	[sflag:s29] =	ssyncset.done $0x0;
	(pc) =	sbr.rel @p2 .LBB2_2-.Ltmp1, $4  }
0x55: {  	[sflag:s29] =	ssyncadd.s32 $0xFFFFC000  }
0x56: {  	[spmem:s1] =	stream.indirect.scatter.add.f32 [tilespmem:s25], [sflag:$0x3], $0x80, s24, s28, $0xb8;
	[tilespmem:$0x1C100] =	vst v63  }
0x57: {  	_ =	swait.ge [sflag:s22], $0x4000  }
0x58: {  	s2 =	sadd.s32 $0x400, s2;
	s4 =	sadd.s32 $0x20000, s4;
	[sflag:s22] =	ssyncset.done $0x0  }
.LBB2_3:
0x59: {  	[sflag:s22] =	ssyncadd.s32 $0xFFFFC000  }
0x5a: {  	s0 =	simm.s32 @!p0 $0x0;
	s4 =	simm.s32 @!p0 $0x8000;
	s2 =	rddreg [dreg:$0x6]  }
0x5b: {  	[tilespmem:s4], [sflag:$0x3] =	stream.linear.gather @!p0 [hbm4b:s2+s0], $0x80, $0x38;
	[tilespmem:$0x1C100] =	vst v63  }
0x5c: {  	s2 =	simm.s32 @!p0 $0x3  }
0x5d: {  	_ =	swait.ge @!p0 [sflag:s2], $0x80  }
0x5e: {  	[sflag:s2] =	ssyncset.done @!p0 $0x0  }
0x5f: {  	s5 =	rddreg [dreg:$0x7];
	[sflag:s2] =	ssyncadd.s32 @!p0 $0xFFFFFF80  }
0x60: {  	[tilespmem:s0], [sflag:$0x3] =	stream.linear.gather @!p0 [hbm4b:s5+s0], $0x4000, $0x38;
	[tilespmem:$0x1C100] =	vst v63  }
0x61: {  	_ =	swait.ge @!p0 [sflag:s2], $0x4000  }
0x62: {  	[sflag:s2] =	ssyncset.done @!p0 $0x0  }
0x63: {  	s5 =	simm.s32 @!p0 $0x80;
	[sflag:s2] =	ssyncadd.s32 @!p0 $0xFFFFC000  }
0x64: {  	[spmem:s1] =	stream.indirect.scatter.add.f32 @!p0 [tilespmem:s0], [sflag:$0x3], $0x80, s4, s5, $0xb8;
	[tilespmem:$0x1C100] =	vst v63  }
0x65: {  	_ =	swait.ge @!p0 [sflag:s2], $0x4000  }
0x66: {  	[sflag:s2] =	ssyncset.done @!p0 $0x0  }
0x67: {  	[sflag:s2] =	ssyncadd.s32 @!p0 $0xFFFFC000  }
0x68: {  	[tilespmem:s23], [sflag:$0x3] =	stream.linear.gather [hbm4b:s20+s3], $0x80, $0x38;
	[tilespmem:$0x1C100] =	vst v63  }
0x69: {  	_ =	swait.ge [sflag:s22], $0x80  }
0x6a: {  	[sflag:s22] =	ssyncset.done $0x0  }
0x6b: {  	[sflag:s22] =	ssyncadd.s32 $0xFFFFFF80  }
0x6c: {  	[tilespmem:s3], [sflag:$0x1] =	stream.linear.gather [hbm4b:s21+s3], $0x4000, $0x38;
	[tilespmem:$0x1C100] =	vst v63  }
0x6d: {  	_ = 	snop  }
0x6e: {  	[tilespmem:s24], [sflag:$0x3] =	stream.linear.gather [hbm4b:s11+s3], $0x80, $0x38;
	[tilespmem:$0x1C100] =	vst v63  }
0x6f: {  	_ =	swait.ge [sflag:s22], $0x80  }
0x70: {  	[sflag:s22] =	ssyncset.done $0x0  }
0x71: {  	[sflag:s22] =	ssyncadd.s32 $0xFFFFFF80  }
0x72: {  	[tilespmem:s25], [sflag:$0x2] =	stream.linear.gather [hbm4b:s12+s3], $0x4000, $0x38;
	[tilespmem:$0x1C100] =	vst v63  }
0x73: {  	_ =	swait.ge [sflag:s26], $0x4000  }
0x74: {  	[sflag:s26] =	ssyncset.done $0x0  }
0x75: {  	[sflag:s26] =	ssyncadd.s32 $0xFFFFC000  }
0x76: {  	[spmem:s1] =	stream.indirect.scatter.add.f32 [tilespmem:s3], [sflag:$0x3], $0x80, s23, s28, $0xb8;
	[tilespmem:$0x1C100] =	vst v63  }
0x77: {  	_ =	swait.ge [sflag:s22], $0x4000  }
0x78: {  	[sflag:s22] =	ssyncset.done $0x0  }
0x79: {  	[sflag:s22] =	ssyncadd.s32 $0xFFFFC000  }
0x7a: {  	_ =	swait.ge [sflag:s29], $0x4000  }
.Ltmp2:
0x7b: {  	[sflag:s29] =	ssyncset.done $0x0;
	(pc) =	sbr.rel @!p1 .LBB2_5-.Ltmp2, $4  }
0x7c: {  	s8 =	sadd.s32 $0xFFFFFFFF, s7;
	[sflag:s29] =	ssyncadd.s32 $0xFFFFC000  }
0x7d: {  	[spmem:s1] =	stream.indirect.scatter.add.f32 [tilespmem:s25], [sflag:$0x3], $0x80, s24, s28, $0xb8;
	[tilespmem:$0x1C100] =	vst v63  }
0x7e: {  	s9 =	sadd.s32 $0x400, s20;
	s10 =	sadd.s32 $0x20000, s21;
	_ =	swait.ge [sflag:s22], $0x4000  }
0x7f: {  	s18 =	smov.u32 s11;
	s19 =	smov.u32 s12;
	[sflag:s22] =	ssyncset.done $0x0  }
.LBB2_4:
0x80: {  	[sflag:s22] =	ssyncadd.s32 $0xFFFFC000;
	s18 =	sadd.s32 $0x400, s18;
	s19 =	sadd.s32 $0x20000, s19  }
0x81: {  	[tilespmem:s23], [sflag:$0x3] =	stream.linear.gather [hbm4b:s9+s3], $0x80, $0x38;
	[tilespmem:$0x1C100] =	vst v63  }
0x82: {  	p1 =	sne.s32 s8, $0x1;
	s8 =	sadd.s32 $0xFFFFFFFF, s8;
	_ =	swait.ge [sflag:s22], $0x80  }
0x83: {  	[sflag:s22] =	ssyncset.done $0x0  }
0x84: {  	[sflag:s22] =	ssyncadd.s32 $0xFFFFFF80  }
0x85: {  	[tilespmem:s3], [sflag:$0x1] =	stream.linear.gather [hbm4b:s10+s3], $0x4000, $0x38;
	[tilespmem:$0x1C100] =	vst v63  }
0x86: {  	_ = 	snop  }
0x87: {  	[tilespmem:s24], [sflag:$0x3] =	stream.linear.gather [hbm4b:s18+s3], $0x80, $0x38;
	[tilespmem:$0x1C100] =	vst v63  }
0x88: {  	_ =	swait.ge [sflag:s22], $0x80  }
0x89: {  	[sflag:s22] =	ssyncset.done $0x0  }
0x8a: {  	[sflag:s22] =	ssyncadd.s32 $0xFFFFFF80  }
0x8b: {  	[tilespmem:s25], [sflag:$0x2] =	stream.linear.gather [hbm4b:s19+s3], $0x4000, $0x38;
	[tilespmem:$0x1C100] =	vst v63  }
0x8c: {  	_ =	swait.ge [sflag:s26], $0x4000  }
0x8d: {  	[sflag:s26] =	ssyncset.done $0x0  }
0x8e: {  	[sflag:s26] =	ssyncadd.s32 $0xFFFFC000  }
0x8f: {  	[spmem:s1] =	stream.indirect.scatter.add.f32 [tilespmem:s3], [sflag:$0x3], $0x80, s23, s28, $0xb8;
	[tilespmem:$0x1C100] =	vst v63  }
0x90: {  	_ =	swait.ge [sflag:s22], $0x4000  }
0x91: {  	[sflag:s22] =	ssyncset.done $0x0  }
0x92: {  	[sflag:s22] =	ssyncadd.s32 $0xFFFFC000  }
0x93: {  	_ =	swait.ge [sflag:s29], $0x4000  }
.Ltmp3:
0x94: {  	[sflag:s29] =	ssyncset.done $0x0;
	(pc) =	sbr.rel @p1 .LBB2_4-.Ltmp3, $4  }
0x95: {  	[sflag:s29] =	ssyncadd.s32 $0xFFFFC000  }
0x96: {  	[spmem:s1] =	stream.indirect.scatter.add.f32 [tilespmem:s25], [sflag:$0x3], $0x80, s24, s28, $0xb8;
	[tilespmem:$0x1C100] =	vst v63  }
0x97: {  	_ =	swait.ge [sflag:s22], $0x4000  }
0x98: {  	s9 =	sadd.s32 $0x400, s9;
	s10 =	sadd.s32 $0x20000, s10;
	[sflag:s22] =	ssyncset.done $0x0  }
.LBB2_5:
0x99: {  	[sflag:s22] =	ssyncadd.s32 $0xFFFFC000;
	s8 =	rddreg [dreg:$0x8]  }
0x9a: {  	[tilespmem:s4], [sflag:$0x3] =	stream.linear.gather @!p0 [hbm4b:s8+s0], $0x80, $0x38;
	[tilespmem:$0x1C100] =	vst v63  }
0x9b: {  	_ =	swait.ge @!p0 [sflag:s2], $0x80  }
0x9c: {  	[sflag:s2] =	ssyncset.done @!p0 $0x0  }
0x9d: {  	s8 =	rddreg [dreg:$0x9];
	[sflag:s2] =	ssyncadd.s32 @!p0 $0xFFFFFF80  }
0x9e: {  	[tilespmem:s0], [sflag:$0x3] =	stream.linear.gather @!p0 [hbm4b:s8+s0], $0x4000, $0x38;
	[tilespmem:$0x1C100] =	vst v63  }
0x9f: {  	_ =	swait.ge @!p0 [sflag:s2], $0x4000  }
0xa0: {  	[sflag:s2] =	ssyncset.done @!p0 $0x0  }
0xa1: {  	[sflag:s2] =	ssyncadd.s32 @!p0 $0xFFFFC000  }
0xa2: {  	[spmem:s1] =	stream.indirect.scatter.add.f32 @!p0 [tilespmem:s0], [sflag:$0x3], $0x80, s4, s5, $0xb8;
	[tilespmem:$0x1C100] =	vst v63  }
0xa3: {  	_ =	swait.ge @!p0 [sflag:s2], $0x4000  }
0xa4: {  	[sflag:s2] =	ssyncset.done @!p0 $0x0  }
0xa5: {  	s30 =	sadd.s32 $0x1, s30;
	[sflag:s2] =	ssyncadd.s32 @!p0 $0xFFFFC000  }
0xa6: {  	p1 =	sne.s32 s30, s13;
	[bflag:$0x0] =	sbarrier.arrive $0xFFFF  }
.Ltmp4:
0xa7: {  	s19 =	rddreg [dreg:$0xa];
	(pc) =	sbr.rel @p1 .LBB2_1-.Ltmp4, $4  }
0xa8: {  	[hbm:s19], [sflag:s6] =	dma.local [spmem:s31], $0x2800  }
0xa9: {  	_ =	swait.ge [sflag:s22], $0x2800  }
0xaa: {  	[sflag:s22] =	ssyncset.done $0x0  }
0xab: {  	[sflag:s22] =	ssyncadd.s32 $0xFFFFD800  }
0xac: {  	_ =	sfence.sel $0x180000  }
0xad: {  	[bflag:$0x0] =	sbarrier.arrive $0xFFFF  }
0xae: {  	_ =	strace $0x90000056  }
0xaf: {  	s0 =	stileid.u32;
	[bflag:$0x2] =	sbarrier.arrive $0xFFFF  }
0xb0: {  	p0 =	sne.s32 s0, $0x0;
	s0 =	rddreg [dreg:$0x3]  }
0xb1: {  	s0 =	sadd.s32 @!p0 $0x100000, s0  }
0xb2: {  	[sflag:s0] =	ssyncadd.tile.s32 @!p0 $0x1;
	_ =	shalt  }
.Lfunc_end2:
_tile_overlayer_lowered:
.L_overlay_start_2:
0xb3: {  	(tag) =	ssettag $0x2  }
0xb4: {  	s0 =	rddreg [dreg:$0x0];
	s2 =	stileid.u32  }
0xb5: {  	s1 =	rddreg [dreg:$0x1];
	p0 =	sne.s32 s2, $0x0  }
0xb6: {  	s3 =	rddreg [dreg:$0x2];
	[bflag:$0x3] =	sbarrier.arrive $0xFFFF;
	s2 =	simm.s32 @!p0 $0x1C03  }
0xb7: {  	[timem:s3], [sflag:s2] =	dma.local @!p0 [hbm:s0], s1  }
0xb8: {  	s0 =	simm.s32 @!p0 $0x3  }
0xb9: {  	_ =	swait.ge @!p0 [sflag:s0], s1  }
0xba: {  	s1 =	ssub.s32 @!p0 $0x0, s1;
	[sflag:s0] =	ssyncset.done @!p0 $0x0  }
0xbb: {  	[sflag:s0] =	ssyncadd.s32 @!p0 s1  }
0xbc: {  	[bflag:$0x3] =	sbarrier.arrive $0xFFFF  }
0xbd: {  	_ =	shalt  }

</sc_bundles>
